<compile_context>
chip_gen: v7x
topology: tpu7x:2x2x1
jax: 0.10.2.dev20260603
libtpu: 0.0.44.dev20260713+nightly
codegen_flags: <defaults>
</compile_context>

<pallas_src>
import functools

import jax
import jax.numpy as jnp
from jax import lax
from jax.experimental import pallas as pl
from jax.experimental.pallas import tpu as pltpu
from jax.experimental.pallas import tpu_sc as plsc

_NC = 2
_NS = 16
_L = 16

_B0 = 60
_S = 8
_R = 128


def _pool_tc_body(x_ref, o_ref, *, inv_n):
    o_ref[...] = jnp.sum(x_ref[...], axis=1, keepdims=True) * inv_n


def _sc_pool_body(x_hbm, out_hbm, buf0, buf1, buf2, stage, sem0, sem1, sem2, *,
                  b0, bsc, n, c, s_parts, r_chunk):
    cid = lax.axis_index("c")
    sid = lax.axis_index("s")
    per_core = bsc // _NC
    tasks_per_core = per_core * s_parts
    tpw = tasks_per_core // _NS
    rows_per_task = n // s_parts
    nchunks = rows_per_task // r_chunk
    bufs = (buf0, buf1, buf2)
    sems = (sem0, sem1, sem2)
    nlane = c // _L

    for t in range(tpw):
        task = sid * tpw + t
        slot = task // s_parts
        part = task % s_parts
        gbatch = b0 + cid * per_core + slot
        r0 = part * rows_per_task

        def _start(k):
            return pltpu.async_copy(
                x_hbm.at[gbatch, pl.ds(r0 + k * r_chunk, r_chunk), :],
                bufs[k % 3], sems[k % 3])

        unroll = 8

        def _mk_body(bref):
            def body(g, a):
                for dr in range(unroll):
                    a = tuple(a[l] + bref[g * unroll + dr, pl.ds(l * _L, _L)]
                              for l in range(nlane))
                return a
            return body

        acc = tuple(jnp.zeros((_L,), jnp.float32) for _ in range(nlane))
        cps = [None] * (nchunks + 1)
        cps[0] = _start(0)
        cps[1] = _start(1)
        for k in range(nchunks):
            if k + 2 < nchunks:
                cps[k + 2] = _start(k + 2)
            cps[k].wait()
            acc = lax.fori_loop(0, r_chunk // unroll,
                                _mk_body(bufs[k % 3]), acc)

        for l in range(nlane):
            stage[pl.ds(l * _L, _L)] = acc[l]
        gtask = cid * tasks_per_core + task
        pltpu.sync_copy(stage, out_hbm.at[gtask])


def _sim_body(ptc_ref, psc_ref, agg_ref, *, b, b0, s_parts, inv_n):
    bsc = b - b0
    p_tc = ptc_ref[...].reshape(b0, -1)
    part = psc_ref[...]
    g = bsc * s_parts
    per_core = bsc // _NC
    tasks_per_core = per_core * s_parts
    bi = lax.broadcasted_iota(jnp.int32, (bsc, g), 0)
    ti = lax.broadcasted_iota(jnp.int32, (bsc, g), 1)
    owner = (ti // tasks_per_core) * per_core + (ti % tasks_per_core) // s_parts
    m = jnp.where(owner == bi, 1.0, 0.0).astype(jnp.float32)
    p_sc = jnp.dot(m, part, preferred_element_type=jnp.float32) * inv_n
    p = jnp.concatenate([p_tc, p_sc], axis=0)

    s2 = jnp.sum(p * p, axis=1, keepdims=True)
    norm = jnp.sqrt(s2)
    xn = p / jnp.maximum(norm, 1e-12)
    s = jnp.dot(xn, xn.T, preferred_element_type=jnp.float32)
    rows = lax.broadcasted_iota(jnp.int32, (b, b), 0)
    cols = lax.broadcasted_iota(jnp.int32, (b, b), 1)
    s = jnp.where(rows == cols, 0.0, s)
    maxv = jnp.max(s, axis=1, keepdims=True)
    cand = jnp.where(s == maxv, cols, b)
    amin = jnp.min(cand, axis=1, keepdims=True)
    attn = jnp.where(cols == amin, maxv, 0.0)
    agg_ref[...] = jnp.dot(attn, p, preferred_element_type=jnp.float32)


def _add_body(x_ref, agg_ref, o_ref):
    o_ref[...] = x_ref[...] + agg_ref[...]


def kernel(x):
    b, n, c = x.shape
    b0 = _B0
    bsc = b - b0

    mesh = plsc.VectorSubcoreMesh(
        core_axis_name="c", subcore_axis_name="s",
        num_cores=_NC, num_subcores=_NS)
    part_sc = pl.kernel(
        functools.partial(_sc_pool_body, b0=b0, bsc=bsc, n=n, c=c,
                          s_parts=_S, r_chunk=_R),
        out_type=jax.ShapeDtypeStruct((bsc * _S, c), jnp.float32),
        mesh=mesh,
        scratch_types=[
            pltpu.VMEM((_R, c), jnp.float32),
            pltpu.VMEM((_R, c), jnp.float32),
            pltpu.VMEM((_R, c), jnp.float32),
            pltpu.VMEM((c,), jnp.float32),
            pltpu.SemaphoreType.DMA,
            pltpu.SemaphoreType.DMA,
            pltpu.SemaphoreType.DMA,
        ],
    )(x)

    pb = 2
    pool_tc = pl.pallas_call(
        functools.partial(_pool_tc_body, inv_n=1.0 / n),
        grid=(b0 // pb,),
        in_specs=[pl.BlockSpec((pb, n, c), lambda i: (i, 0, 0))],
        out_specs=pl.BlockSpec((pb, 1, c), lambda i: (i, 0, 0)),
        out_shape=jax.ShapeDtypeStruct((b0, 1, c), jnp.float32),
    )(x)

    agg = pl.pallas_call(
        functools.partial(_sim_body, b=b, b0=b0, s_parts=_S, inv_n=1.0 / n),
        out_shape=jax.ShapeDtypeStruct((b, c), jnp.float32),
    )(pool_tc, part_sc)

    bb = 2
    out = pl.pallas_call(
        _add_body,
        grid=(b // bb,),
        in_specs=[
            pl.BlockSpec((bb, n, c), lambda i: (i, 0, 0)),
            pl.BlockSpec((bb, 1, c), lambda i: (i, 0, 0)),
        ],
        out_specs=pl.BlockSpec((bb, n, c), lambda i: (i, 0, 0)),
        out_shape=jax.ShapeDtypeStruct((b, n, c), jnp.float32),
    )(x, agg.reshape(b, 1, c))
    return out

# --- scband reference (transcript-rebuilt; emitter-appended) ---
"""Pipeline reference for scband-inter-att-42417097015415 (READ-ONLY COPY).

The authoritative reference and input builder live on the scoring server;
editing this copy changes nothing except your own understanding.
"""

import jax, jax.numpy as jnp
import numpy as np


def setup_inputs(seed: int = 0) -> dict:
    key = jax.random.key(seed)
    x = jax.random.normal(key, (64, 4096, 256), dtype=jnp.float32)
    return {"x": x}


def reference(x):
    # x: [b, N, c] -> permute to [b, c, N]
    xp = jnp.transpose(x, (0, 2, 1))
    b, c, N = xp.shape
    # mean-pool over spatial dim
    x_pool = xp.mean(axis=2)  # [b, c]
    # cosine similarity across batch elements (F.normalize with eps=1e-12)
    norm = jnp.linalg.norm(x_pool, ord=2, axis=-1, keepdims=True)
    xn = x_pool / jnp.maximum(norm, 1e-12)
    attn_scores = jnp.matmul(xn, xn.T)  # [b, b]
    # mask diagonal with 0
    eye = jnp.eye(b, dtype=bool)
    attn_scores = jnp.where(eye, 0.0, attn_scores)
    # top-1 masking: keep only the max per row
    max_values = jnp.max(attn_scores, axis=-1, keepdims=True)  # [b, 1]
    max_indices = jnp.argmax(attn_scores, axis=-1)  # [b]
    attn = jnp.zeros_like(attn_scores)
    attn = attn.at[jnp.arange(b), max_indices].set(max_values[:, 0])
    # dropout p=0.0 -> identity
    agg = jnp.matmul(attn, x_pool)  # [b, c]
    agg_out = jnp.broadcast_to(agg[:, :, None], (b, c, N))
    out = xp + agg_out
    return jnp.transpose(out, (0, 2, 1))

if __name__ == "__main__":
    import jax
    _d = setup_inputs()
    print(jax.jit(kernel)(*tuple(_d.values())))

</pallas_src>

<mosaic_0001>
#map = affine_map<(d0, d1) -> (0, 0, 0)>
#map1 = affine_map<(d0, d1) -> (0, 0)>
module attributes {stable_mosaic.version = 14 : i64} {
  func.func @_sc_pool_body(%arg0: i32, %arg1: i32, %arg2: memref<64x4096x256xf32, #tpu.memory_space<hbm>>, %arg3: memref<32x256xf32, #tpu.memory_space<hbm>>, %arg4: memref<128x256xf32, #tpu.memory_space<vmem>>, %arg5: memref<128x256xf32, #tpu.memory_space<vmem>>, %arg6: memref<128x256xf32, #tpu.memory_space<vmem>>, %arg7: memref<256xf32, #tpu.memory_space<vmem>>, %arg8: memref<!tpu.dma_semaphore, #tpu.memory_space<semaphore_mem>>, %arg9: memref<!tpu.dma_semaphore, #tpu.memory_space<semaphore_mem>>, %arg10: memref<!tpu.dma_semaphore, #tpu.memory_space<semaphore_mem>>) attributes {dimension_semantics = [#tpu.dimension_semantics<core_parallel>, #tpu.dimension_semantics<subcore_parallel>], iteration_bounds = array<i64: 2, 16>, scalar_prefetch = 0 : i64, scratch_operands = 7 : i64, tpu.core_type = #tpu.core_type<sc_vector_subcore>, window_params = [{transform_indices = #map}, {transform_indices = #map1}]} {
    %mul3A = arith.constant 1 : i32
    %mul3A_0 = arith.muli %arg1, %mul3A : i32
    %add3A = arith.constant 0 : i32
    %add3A_1 = arith.addi %mul3A_0, %add3A : i32
    %jit3A = arith.constant 8 : i32
    %div3A = arith.divsi %add3A_1, %jit3A : i32
    %sign3A = arith.constant 0 : i32
    %sign3A_2 = arith.cmpi sgt, %add3A_1, %sign3A : i32
    %sign3A_3 = arith.extui %sign3A_2 : i1 to i32
    %sign3A_4 = arith.constant 0 : i32
    %sign3A_5 = arith.cmpi slt, %add3A_1, %sign3A_4 : i32
    %sign3A_6 = arith.extui %sign3A_5 : i1 to i32
    %sign3A_7 = arith.subi %sign3A_3, %sign3A_6 : i32
    %sign3A_8 = arith.constant 0 : i32
    %sign3A_9 = arith.cmpi sgt, %jit3A, %sign3A_8 : i32
    %sign3A_10 = arith.extui %sign3A_9 : i1 to i32
    %sign3A_11 = arith.constant 0 : i32
    %sign3A_12 = arith.cmpi slt, %jit3A, %sign3A_11 : i32
    %sign3A_13 = arith.extui %sign3A_12 : i1 to i32
    %sign3A_14 = arith.subi %sign3A_10, %sign3A_13 : i32
    %ne3A = arith.cmpi ne, %sign3A_7, %sign3A_14 : i32
    %rem3A = arith.remsi %add3A_1, %jit3A : i32
    %ne3A_15 = arith.constant 0 : i32
    %ne3A_16 = arith.cmpi ne, %rem3A, %ne3A_15 : i32
    %and3A = arith.andi %ne3A, %ne3A_16 : i1
    %sub3A = arith.constant 1 : i32
    %sub3A_17 = arith.subi %div3A, %sub3A : i32
    %select_n3A = arith.select %and3A, %sub3A_17, %div3A : i32
    %jit3A_18 = arith.constant 8 : i32
    %eq3A = arith.constant 0 : i32
    %eq3A_19 = arith.cmpi eq, %jit3A_18, %eq3A : i32
    %jit3A_20 = arith.constant 1 : i32
    %select_n3A_21 = arith.select %eq3A_19, %jit3A_20, %jit3A_18 : i32
    %rem3A_22 = arith.remsi %add3A_1, %select_n3A_21 : i32
    %ne3A_23 = arith.constant 0 : i32
    %ne3A_24 = arith.cmpi ne, %rem3A_22, %ne3A_23 : i32
    %lt3A = arith.constant 0 : i32
    %lt3A_25 = arith.cmpi slt, %rem3A_22, %lt3A : i32
    %lt3A_26 = arith.constant 0 : i32
    %lt3A_27 = arith.cmpi slt, %select_n3A_21, %lt3A_26 : i32
    %ne3A_28 = arith.xori %lt3A_25, %lt3A_27 : i1
    %and3A_29 = arith.andi %ne3A_28, %ne3A_24 : i1
    %add3A_30 = arith.addi %rem3A_22, %select_n3A_21 : i32
    %select_n3A_31 = arith.select %and3A_29, %add3A_30, %rem3A_22 : i32
    %mul3A_32 = arith.constant 2 : i32
    %mul3A_33 = arith.muli %arg0, %mul3A_32 : i32
    %add3A_34 = arith.constant 60 : i32
    %add3A_35 = arith.addi %add3A_34, %mul3A_33 : i32
    %add3A_36 = arith.addi %add3A_35, %select_n3A : i32
    %mul3A_37 = arith.constant 512 : i32
    %mul3A_38 = arith.muli %select_n3A_31, %mul3A_37 : i32
    %broadcast_in_dim3A = arith.constant 0.000000e+00 : f32
    %broadcast_in_dim3A_39 = vector.broadcast %broadcast_in_dim3A : f32 to vector<16xf32>
    %broadcast_in_dim3A_40 = arith.constant 0.000000e+00 : f32
    %broadcast_in_dim3A_41 = vector.broadcast %broadcast_in_dim3A_40 : f32 to vector<16xf32>
    %broadcast_in_dim3A_42 = arith.constant 0.000000e+00 : f32
    %broadcast_in_dim3A_43 = vector.broadcast %broadcast_in_dim3A_42 : f32 to vector<16xf32>
    %broadcast_in_dim3A_44 = arith.constant 0.000000e+00 : f32
    %broadcast_in_dim3A_45 = vector.broadcast %broadcast_in_dim3A_44 : f32 to vector<16xf32>
    %broadcast_in_dim3A_46 = arith.constant 0.000000e+00 : f32
    %broadcast_in_dim3A_47 = vector.broadcast %broadcast_in_dim3A_46 : f32 to vector<16xf32>
    %broadcast_in_dim3A_48 = arith.constant 0.000000e+00 : f32
    %broadcast_in_dim3A_49 = vector.broadcast %broadcast_in_dim3A_48 : f32 to vector<16xf32>
    %broadcast_in_dim3A_50 = arith.constant 0.000000e+00 : f32
    %broadcast_in_dim3A_51 = vector.broadcast %broadcast_in_dim3A_50 : f32 to vector<16xf32>
    %broadcast_in_dim3A_52 = arith.constant 0.000000e+00 : f32
    %broadcast_in_dim3A_53 = vector.broadcast %broadcast_in_dim3A_52 : f32 to vector<16xf32>
    %broadcast_in_dim3A_54 = arith.constant 0.000000e+00 : f32
    %broadcast_in_dim3A_55 = vector.broadcast %broadcast_in_dim3A_54 : f32 to vector<16xf32>
    %broadcast_in_dim3A_56 = arith.constant 0.000000e+00 : f32
    %broadcast_in_dim3A_57 = vector.broadcast %broadcast_in_dim3A_56 : f32 to vector<16xf32>
    %broadcast_in_dim3A_58 = arith.constant 0.000000e+00 : f32
    %broadcast_in_dim3A_59 = vector.broadcast %broadcast_in_dim3A_58 : f32 to vector<16xf32>
    %broadcast_in_dim3A_60 = arith.constant 0.000000e+00 : f32
    %broadcast_in_dim3A_61 = vector.broadcast %broadcast_in_dim3A_60 : f32 to vector<16xf32>
    %broadcast_in_dim3A_62 = arith.constant 0.000000e+00 : f32
    %broadcast_in_dim3A_63 = vector.broadcast %broadcast_in_dim3A_62 : f32 to vector<16xf32>
    %broadcast_in_dim3A_64 = arith.constant 0.000000e+00 : f32
    %broadcast_in_dim3A_65 = vector.broadcast %broadcast_in_dim3A_64 : f32 to vector<16xf32>
    %broadcast_in_dim3A_66 = arith.constant 0.000000e+00 : f32
    %broadcast_in_dim3A_67 = vector.broadcast %broadcast_in_dim3A_66 : f32 to vector<16xf32>
    %broadcast_in_dim3A_68 = arith.constant 0.000000e+00 : f32
    %broadcast_in_dim3A_69 = vector.broadcast %broadcast_in_dim3A_68 : f32 to vector<16xf32>
    %add3A_70 = arith.constant 0 : i32
    %add3A_71 = arith.addi %mul3A_38, %add3A_70 : i32
    %dma_start3A = arith.constant 0 : i32
    %dma_start3A_72 = tpu.memref_slice %arg2[%add3A_36, %add3A_71, %dma_start3A] : memref<64x4096x256xf32, #tpu.memory_space<hbm>> -> memref<1x128x256xf32, #tpu.memory_space<hbm>>
    %dma_start3A_73 = tpu.memref_squeeze %dma_start3A_72 : memref<1x128x256xf32, #tpu.memory_space<hbm>> -> memref<128x256xf32, #tpu.memory_space<hbm>>
    %dma_start3A_74 = arith.constant 0 : i32
    %dma_start3A_75 = tpu.memref_slice %arg2[%add3A_36, %add3A_71, %dma_start3A_74] : memref<64x4096x256xf32, #tpu.memory_space<hbm>> -> memref<1x128x256xf32, #tpu.memory_space<hbm>>
    %dma_start3A_76 = tpu.memref_squeeze %dma_start3A_75 : memref<1x128x256xf32, #tpu.memory_space<hbm>> -> memref<128x256xf32, #tpu.memory_space<hbm>>
    tpu.enqueue_dma source(%dma_start3A_76 : memref<128x256xf32, #tpu.memory_space<hbm>>) target(%arg4 : memref<128x256xf32, #tpu.memory_space<vmem>>) target_semaphore(%arg8 : memref<!tpu.dma_semaphore, #tpu.memory_space<semaphore_mem>>)
    %add3A_77 = arith.constant 128 : i32
    %add3A_78 = arith.addi %mul3A_38, %add3A_77 : i32
    %dma_start3A_79 = arith.constant 0 : i32
    %dma_start3A_80 = tpu.memref_slice %arg2[%add3A_36, %add3A_78, %dma_start3A_79] : memref<64x4096x256xf32, #tpu.memory_space<hbm>> -> memref<1x128x256xf32, #tpu.memory_space<hbm>>
    %dma_start3A_81 = tpu.memref_squeeze %dma_start3A_80 : memref<1x128x256xf32, #tpu.memory_space<hbm>> -> memref<128x256xf32, #tpu.memory_space<hbm>>
    %dma_start3A_82 = arith.constant 0 : i32
    %dma_start3A_83 = tpu.memref_slice %arg2[%add3A_36, %add3A_78, %dma_start3A_82] : memref<64x4096x256xf32, #tpu.memory_space<hbm>> -> memref<1x128x256xf32, #tpu.memory_space<hbm>>
    %dma_start3A_84 = tpu.memref_squeeze %dma_start3A_83 : memref<1x128x256xf32, #tpu.memory_space<hbm>> -> memref<128x256xf32, #tpu.memory_space<hbm>>
    tpu.enqueue_dma source(%dma_start3A_84 : memref<128x256xf32, #tpu.memory_space<hbm>>) target(%arg5 : memref<128x256xf32, #tpu.memory_space<vmem>>) target_semaphore(%arg9 : memref<!tpu.dma_semaphore, #tpu.memory_space<semaphore_mem>>)
    %add3A_85 = arith.constant 256 : i32
    %add3A_86 = arith.addi %mul3A_38, %add3A_85 : i32
    %dma_start3A_87 = arith.constant 0 : i32
    %dma_start3A_88 = tpu.memref_slice %arg2[%add3A_36, %add3A_86, %dma_start3A_87] : memref<64x4096x256xf32, #tpu.memory_space<hbm>> -> memref<1x128x256xf32, #tpu.memory_space<hbm>>
    %dma_start3A_89 = tpu.memref_squeeze %dma_start3A_88 : memref<1x128x256xf32, #tpu.memory_space<hbm>> -> memref<128x256xf32, #tpu.memory_space<hbm>>
    %dma_start3A_90 = arith.constant 0 : i32
    %dma_start3A_91 = tpu.memref_slice %arg2[%add3A_36, %add3A_86, %dma_start3A_90] : memref<64x4096x256xf32, #tpu.memory_space<hbm>> -> memref<1x128x256xf32, #tpu.memory_space<hbm>>
    %dma_start3A_92 = tpu.memref_squeeze %dma_start3A_91 : memref<1x128x256xf32, #tpu.memory_space<hbm>> -> memref<128x256xf32, #tpu.memory_space<hbm>>
    tpu.enqueue_dma source(%dma_start3A_92 : memref<128x256xf32, #tpu.memory_space<hbm>>) target(%arg6 : memref<128x256xf32, #tpu.memory_space<vmem>>) target_semaphore(%arg10 : memref<!tpu.dma_semaphore, #tpu.memory_space<semaphore_mem>>)
    %dma_wait3A = arith.constant 0 : i32
    %dma_wait3A_93 = tpu.memref_slice %arg2[%add3A_36, %add3A_71, %dma_wait3A] : memref<64x4096x256xf32, #tpu.memory_space<hbm>> -> memref<1x128x256xf32, #tpu.memory_space<hbm>>
    %dma_wait3A_94 = tpu.memref_squeeze %dma_wait3A_93 : memref<1x128x256xf32, #tpu.memory_space<hbm>> -> memref<128x256xf32, #tpu.memory_space<hbm>>
    %dma_wait3A_95 = arith.constant 0 : i32
    %dma_wait3A_96 = tpu.memref_slice %arg2[%add3A_36, %add3A_71, %dma_wait3A_95] : memref<64x4096x256xf32, #tpu.memory_space<hbm>> -> memref<1x128x256xf32, #tpu.memory_space<hbm>>
    %dma_wait3A_97 = tpu.memref_squeeze %dma_wait3A_96 : memref<1x128x256xf32, #tpu.memory_space<hbm>> -> memref<128x256xf32, #tpu.memory_space<hbm>>
    tpu.wait_dma2 semaphore(%arg8 : memref<!tpu.dma_semaphore, #tpu.memory_space<semaphore_mem>>) src(%dma_wait3A_97 : memref<128x256xf32, #tpu.memory_space<hbm>>) dst(%arg4 : memref<128x256xf32, #tpu.memory_space<vmem>>)
    %scan3A = arith.constant 0 : i32
    %scan3A_98 = arith.constant 16 : i32
    %scan3A_99 = arith.addi %scan3A, %scan3A_98 : i32
    %scan3A_100 = arith.constant 1 : i32
    %scan3A_101:16 = scf.for %scan3A_213 = %scan3A to %scan3A_99 step %scan3A_100 iter_args(%scan3A_214 = %broadcast_in_dim3A_39, %scan3A_215 = %broadcast_in_dim3A_41, %scan3A_216 = %broadcast_in_dim3A_43, %scan3A_217 = %broadcast_in_dim3A_45, %scan3A_218 = %broadcast_in_dim3A_47, %scan3A_219 = %broadcast_in_dim3A_49, %scan3A_220 = %broadcast_in_dim3A_51, %scan3A_221 = %broadcast_in_dim3A_53, %scan3A_222 = %broadcast_in_dim3A_55, %scan3A_223 = %broadcast_in_dim3A_57, %scan3A_224 = %broadcast_in_dim3A_59, %scan3A_225 = %broadcast_in_dim3A_61, %scan3A_226 = %broadcast_in_dim3A_63, %scan3A_227 = %broadcast_in_dim3A_65, %scan3A_228 = %broadcast_in_dim3A_67, %scan3A_229 = %broadcast_in_dim3A_69) -> (vector<16xf32>, vector<16xf32>, vector<16xf32>, vector<16xf32>, vector<16xf32>, vector<16xf32>, vector<16xf32>, vector<16xf32>, vector<16xf32>, vector<16xf32>, vector<16xf32>, vector<16xf32>, vector<16xf32>, vector<16xf32>, vector<16xf32>, vector<16xf32>)  : i32 {
      %mul3A_230 = arith.constant 8 : i32
      %mul3A_231 = arith.muli %scan3A_213, %mul3A_230 : i32
      %add3A_232 = arith.constant 0 : i32
      %add3A_233 = arith.addi %mul3A_231, %add3A_232 : i32
      %get3A = arith.index_cast %add3A_233 : i32 to index
      %get3A_234 = arith.constant 0 : index
      %get3A_235 = tpu.vector_load %arg4[%get3A, %get3A_234] {strides = array<i32>} : memref<128x256xf32, #tpu.memory_space<vmem>>, vector<1x16xf32>,
      %get3A_236 = vector.shape_cast %get3A_235 : vector<1x16xf32> to vector<16xf32>
      %add3A_237 = arith.addf %scan3A_214, %get3A_236 : vector<16xf32>
      %mul3A_238 = arith.constant 8 : i32
      %mul3A_239 = arith.muli %scan3A_213, %mul3A_238 : i32
      %add3A_240 = arith.constant 0 : i32
      %add3A_241 = arith.addi %mul3A_239, %add3A_240 : i32
      %get3A_242 = arith.index_cast %add3A_241 : i32 to index
      %get3A_243 = arith.constant 16 : index
      %get3A_244 = tpu.vector_load %arg4[%get3A_242, %get3A_243] {strides = array<i32>} : memref<128x256xf32, #tpu.memory_space<vmem>>, vector<1x16xf32>,
      %get3A_245 = vector.shape_cast %get3A_244 : vector<1x16xf32> to vector<16xf32>
      %add3A_246 = arith.addf %scan3A_215, %get3A_245 : vector<16xf32>
      %mul3A_247 = arith.constant 8 : i32
      %mul3A_248 = arith.muli %scan3A_213, %mul3A_247 : i32
      %add3A_249 = arith.constant 0 : i32
      %add3A_250 = arith.addi %mul3A_248, %add3A_249 : i32
      %get3A_251 = arith.index_cast %add3A_250 : i32 to index
      %get3A_252 = arith.constant 32 : index
      %get3A_253 = tpu.vector_load %arg4[%get3A_251, %get3A_252] {strides = array<i32>} : memref<128x256xf32, #tpu.memory_space<vmem>>, vector<1x16xf32>,
      %get3A_254 = vector.shape_cast %get3A_253 : vector<1x16xf32> to vector<16xf32>
      %add3A_255 = arith.addf %scan3A_216, %get3A_254 : vector<16xf32>
      %mul3A_256 = arith.constant 8 : i32
      %mul3A_257 = arith.muli %scan3A_213, %mul3A_256 : i32
      %add3A_258 = arith.constant 0 : i32
      %add3A_259 = arith.addi %mul3A_257, %add3A_258 : i32
      %get3A_260 = arith.index_cast %add3A_259 : i32 to index
      %get3A_261 = arith.constant 48 : index
      %get3A_262 = tpu.vector_load %arg4[%get3A_260, %get3A_261] {strides = array<i32>} : memref<128x256xf32, #tpu.memory_space<vmem>>, vector<1x16xf32>,
      %get3A_263 = vector.shape_cast %get3A_262 : vector<1x16xf32> to vector<16xf32>
      %add3A_264 = arith.addf %scan3A_217, %get3A_263 : vector<16xf32>
      %mul3A_265 = arith.constant 8 : i32
      %mul3A_266 = arith.muli %scan3A_213, %mul3A_265 : i32
      %add3A_267 = arith.constant 0 : i32
      %add3A_268 = arith.addi %mul3A_266, %add3A_267 : i32
      %get3A_269 = arith.index_cast %add3A_268 : i32 to index
      %get3A_270 = arith.constant 64 : index
      %get3A_271 = tpu.vector_load %arg4[%get3A_269, %get3A_270] {strides = array<i32>} : memref<128x256xf32, #tpu.memory_space<vmem>>, vector<1x16xf32>,
      %get3A_272 = vector.shape_cast %get3A_271 : vector<1x16xf32> to vector<16xf32>
      %add3A_273 = arith.addf %scan3A_218, %get3A_272 : vector<16xf32>
      %mul3A_274 = arith.constant 8 : i32
      %mul3A_275 = arith.muli %scan3A_213, %mul3A_274 : i32
      %add3A_276 = arith.constant 0 : i32
      %add3A_277 = arith.addi %mul3A_275, %add3A_276 : i32
      %get3A_278 = arith.index_cast %add3A_277 : i32 to index
      %get3A_279 = arith.constant 80 : index
      %get3A_280 = tpu.vector_load %arg4[%get3A_278, %get3A_279] {strides = array<i32>} : memref<128x256xf32, #tpu.memory_space<vmem>>, vector<1x16xf32>,
      %get3A_281 = vector.shape_cast %get3A_280 : vector<1x16xf32> to vector<16xf32>
      %add3A_282 = arith.addf %scan3A_219, %get3A_281 : vector<16xf32>
      %mul3A_283 = arith.constant 8 : i32
      %mul3A_284 = arith.muli %scan3A_213, %mul3A_283 : i32
      %add3A_285 = arith.constant 0 : i32
      %add3A_286 = arith.addi %mul3A_284, %add3A_285 : i32
      %get3A_287 = arith.index_cast %add3A_286 : i32 to index
      %get3A_288 = arith.constant 96 : index
      %get3A_289 = tpu.vector_load %arg4[%get3A_287, %get3A_288] {strides = array<i32>} : memref<128x256xf32, #tpu.memory_space<vmem>>, vector<1x16xf32>,
      %get3A_290 = vector.shape_cast %get3A_289 : vector<1x16xf32> to vector<16xf32>
      %add3A_291 = arith.addf %scan3A_220, %get3A_290 : vector<16xf32>
      %mul3A_292 = arith.constant 8 : i32
      %mul3A_293 = arith.muli %scan3A_213, %mul3A_292 : i32
      %add3A_294 = arith.constant 0 : i32
      %add3A_295 = arith.addi %mul3A_293, %add3A_294 : i32
      %get3A_296 = arith.index_cast %add3A_295 : i32 to index
      %get3A_297 = arith.constant 112 : index
      %get3A_298 = tpu.vector_load %arg4[%get3A_296, %get3A_297] {strides = array<i32>} : memref<128x256xf32, #tpu.memory_space<vmem>>, vector<1x16xf32>,
      %get3A_299 = vector.shape_cast %get3A_298 : vector<1x16xf32> to vector<16xf32>
      %add3A_300 = arith.addf %scan3A_221, %get3A_299 : vector<16xf32>
      %mul3A_301 = arith.constant 8 : i32
      %mul3A_302 = arith.muli %scan3A_213, %mul3A_301 : i32
      %add3A_303 = arith.constant 0 : i32
      %add3A_304 = arith.addi %mul3A_302, %add3A_303 : i32
      %get3A_305 = arith.index_cast %add3A_304 : i32 to index
      %get3A_306 = arith.constant 128 : index
      %get3A_307 = tpu.vector_load %arg4[%get3A_305, %get3A_306] {strides = array<i32>} : memref<128x256xf32, #tpu.memory_space<vmem>>, vector<1x16xf32>,
      %get3A_308 = vector.shape_cast %get3A_307 : vector<1x16xf32> to vector<16xf32>
      %add3A_309 = arith.addf %scan3A_222, %get3A_308 : vector<16xf32>
      %mul3A_310 = arith.constant 8 : i32
      %mul3A_311 = arith.muli %scan3A_213, %mul3A_310 : i32
      %add3A_312 = arith.constant 0 : i32
      %add3A_313 = arith.addi %mul3A_311, %add3A_312 : i32
      %get3A_314 = arith.index_cast %add3A_313 : i32 to index
      %get3A_315 = arith.constant 144 : index
      %get3A_316 = tpu.vector_load %arg4[%get3A_314, %get3A_315] {strides = array<i32>} : memref<128x256xf32, #tpu.memory_space<vmem>>, vector<1x16xf32>,
      %get3A_317 = vector.shape_cast %get3A_316 : vector<1x16xf32> to vector<16xf32>
      %add3A_318 = arith.addf %scan3A_223, %get3A_317 : vector<16xf32>
      %mul3A_319 = arith.constant 8 : i32
      %mul3A_320 = arith.muli %scan3A_213, %mul3A_319 : i32
      %add3A_321 = arith.constant 0 : i32
      %add3A_322 = arith.addi %mul3A_320, %add3A_321 : i32
      %get3A_323 = arith.index_cast %add3A_322 : i32 to index
      %get3A_324 = arith.constant 160 : index
      %get3A_325 = tpu.vector_load %arg4[%get3A_323, %get3A_324] {strides = array<i32>} : memref<128x256xf32, #tpu.memory_space<vmem>>, vector<1x16xf32>,
      %get3A_326 = vector.shape_cast %get3A_325 : vector<1x16xf32> to vector<16xf32>
      %add3A_327 = arith.addf %scan3A_224, %get3A_326 : vector<16xf32>
      %mul3A_328 = arith.constant 8 : i32
      %mul3A_329 = arith.muli %scan3A_213, %mul3A_328 : i32
      %add3A_330 = arith.constant 0 : i32
      %add3A_331 = arith.addi %mul3A_329, %add3A_330 : i32
      %get3A_332 = arith.index_cast %add3A_331 : i32 to index
      %get3A_333 = arith.constant 176 : index
      %get3A_334 = tpu.vector_load %arg4[%get3A_332, %get3A_333] {strides = array<i32>} : memref<128x256xf32, #tpu.memory_space<vmem>>, vector<1x16xf32>,
      %get3A_335 = vector.shape_cast %get3A_334 : vector<1x16xf32> to vector<16xf32>
      %add3A_336 = arith.addf %scan3A_225, %get3A_335 : vector<16xf32>
      %mul3A_337 = arith.constant 8 : i32
      %mul3A_338 = arith.muli %scan3A_213, %mul3A_337 : i32
      %add3A_339 = arith.constant 0 : i32
      %add3A_340 = arith.addi %mul3A_338, %add3A_339 : i32
      %get3A_341 = arith.index_cast %add3A_340 : i32 to index
      %get3A_342 = arith.constant 192 : index
      %get3A_343 = tpu.vector_load %arg4[%get3A_341, %get3A_342] {strides = array<i32>} : memref<128x256xf32, #tpu.memory_space<vmem>>, vector<1x16xf32>,
      %get3A_344 = vector.shape_cast %get3A_343 : vector<1x16xf32> to vector<16xf32>
      %add3A_345 = arith.addf %scan3A_226, %get3A_344 : vector<16xf32>
      %mul3A_346 = arith.constant 8 : i32
      %mul3A_347 = arith.muli %scan3A_213, %mul3A_346 : i32
      %add3A_348 = arith.constant 0 : i32
      %add3A_349 = arith.addi %mul3A_347, %add3A_348 : i32
      %get3A_350 = arith.index_cast %add3A_349 : i32 to index
      %get3A_351 = arith.constant 208 : index
      %get3A_352 = tpu.vector_load %arg4[%get3A_350, %get3A_351] {strides = array<i32>} : memref<128x256xf32, #tpu.memory_space<vmem>>, vector<1x16xf32>,
      %get3A_353 = vector.shape_cast %get3A_352 : vector<1x16xf32> to vector<16xf32>
      %add3A_354 = arith.addf %scan3A_227, %get3A_353 : vector<16xf32>
      %mul3A_355 = arith.constant 8 : i32
      %mul3A_356 = arith.muli %scan3A_213, %mul3A_355 : i32
      %add3A_357 = arith.constant 0 : i32
      %add3A_358 = arith.addi %mul3A_356, %add3A_357 : i32
      %get3A_359 = arith.index_cast %add3A_358 : i32 to index
      %get3A_360 = arith.constant 224 : index
      %get3A_361 = tpu.vector_load %arg4[%get3A_359, %get3A_360] {strides = array<i32>} : memref<128x256xf32, #tpu.memory_space<vmem>>, vector<1x16xf32>,
      %get3A_362 = vector.shape_cast %get3A_361 : vector<1x16xf32> to vector<16xf32>
      %add3A_363 = arith.addf %scan3A_228, %get3A_362 : vector<16xf32>
      %mul3A_364 = arith.constant 8 : i32
      %mul3A_365 = arith.muli %scan3A_213, %mul3A_364 : i32
      %add3A_366 = arith.constant 0 : i32
      %add3A_367 = arith.addi %mul3A_365, %add3A_366 : i32
      %get3A_368 = arith.index_cast %add3A_367 : i32 to index
      %get3A_369 = arith.constant 240 : index
      %get3A_370 = tpu.vector_load %arg4[%get3A_368, %get3A_369] {strides = array<i32>} : memref<128x256xf32, #tpu.memory_space<vmem>>, vector<1x16xf32>,
      %get3A_371 = vector.shape_cast %get3A_370 : vector<1x16xf32> to vector<16xf32>
      %add3A_372 = arith.addf %scan3A_229, %get3A_371 : vector<16xf32>
      %mul3A_373 = arith.constant 8 : i32
      %mul3A_374 = arith.muli %scan3A_213, %mul3A_373 : i32
      %add3A_375 = arith.constant 1 : i32
      %add3A_376 = arith.addi %mul3A_374, %add3A_375 : i32
      %get3A_377 = arith.index_cast %add3A_376 : i32 to index
      %get3A_378 = arith.constant 0 : index
      %get3A_379 = tpu.vector_load %arg4[%get3A_377, %get3A_378] {strides = array<i32>} : memref<128x256xf32, #tpu.memory_space<vmem>>, vector<1x16xf32>,
      %get3A_380 = vector.shape_cast %get3A_379 : vector<1x16xf32> to vector<16xf32>
      %add3A_381 = arith.addf %add3A_237, %get3A_380 : vector<16xf32>
      %mul3A_382 = arith.constant 8 : i32
      %mul3A_383 = arith.muli %scan3A_213, %mul3A_382 : i32
      %add3A_384 = arith.constant 1 : i32
      %add3A_385 = arith.addi %mul3A_383, %add3A_384 : i32
      %get3A_386 = arith.index_cast %add3A_385 : i32 to index
      %get3A_387 = arith.constant 16 : index
      %get3A_388 = tpu.vector_load %arg4[%get3A_386, %get3A_387] {strides = array<i32>} : memref<128x256xf32, #tpu.memory_space<vmem>>, vector<1x16xf32>,
      %get3A_389 = vector.shape_cast %get3A_388 : vector<1x16xf32> to vector<16xf32>
      %add3A_390 = arith.addf %add3A_246, %get3A_389 : vector<16xf32>
      %mul3A_391 = arith.constant 8 : i32
      %mul3A_392 = arith.muli %scan3A_213, %mul3A_391 : i32
      %add3A_393 = arith.constant 1 : i32
      %add3A_394 = arith.addi %mul3A_392, %add3A_393 : i32
      %get3A_395 = arith.index_cast %add3A_394 : i32 to index
      %get3A_396 = arith.constant 32 : index
      %get3A_397 = tpu.vector_load %arg4[%get3A_395, %get3A_396] {strides = array<i32>} : memref<128x256xf32, #tpu.memory_space<vmem>>, vector<1x16xf32>,
      %get3A_398 = vector.shape_cast %get3A_397 : vector<1x16xf32> to vector<16xf32>
      %add3A_399 = arith.addf %add3A_255, %get3A_398 : vector<16xf32>
      %mul3A_400 = arith.constant 8 : i32
      %mul3A_401 = arith.muli %scan3A_213, %mul3A_400 : i32
      %add3A_402 = arith.constant 1 : i32
      %add3A_403 = arith.addi %mul3A_401, %add3A_402 : i32
      %get3A_404 = arith.index_cast %add3A_403 : i32 to index
      %get3A_405 = arith.constant 48 : index
      %get3A_406 = tpu.vector_load %arg4[%get3A_404, %get3A_405] {strides = array<i32>} : memref<128x256xf32, #tpu.memory_space<vmem>>, vector<1x16xf32>,
      %get3A_407 = vector.shape_cast %get3A_406 : vector<1x16xf32> to vector<16xf32>
      %add3A_408 = arith.addf %add3A_264, %get3A_407 : vector<16xf32>
      %mul3A_409 = arith.constant 8 : i32
      %mul3A_410 = arith.muli %scan3A_213, %mul3A_409 : i32
      %add3A_411 = arith.constant 1 : i32
      %add3A_412 = arith.addi %mul3A_410, %add3A_411 : i32
      %get3A_413 = arith.index_cast %add3A_412 : i32 to index
      %get3A_414 = arith.constant 64 : index
      %get3A_415 = tpu.vector_load %arg4[%get3A_413, %get3A_414] {strides = array<i32>} : memref<128x256xf32, #tpu.memory_space<vmem>>, vector<1x16xf32>,
      %get3A_416 = vector.shape_cast %get3A_415 : vector<1x16xf32> to vector<16xf32>
      %add3A_417 = arith.addf %add3A_273, %get3A_416 : vector<16xf32>
      %mul3A_418 = arith.constant 8 : i32
      %mul3A_419 = arith.muli %scan3A_213, %mul3A_418 : i32
      %add3A_420 = arith.constant 1 : i32
      %add3A_421 = arith.addi %mul3A_419, %add3A_420 : i32
      %get3A_422 = arith.index_cast %add3A_421 : i32 to index
      %get3A_423 = arith.constant 80 : index
      %get3A_424 = tpu.vector_load %arg4[%get3A_422, %get3A_423] {strides = array<i32>} : memref<128x256xf32, #tpu.memory_space<vmem>>, vector<1x16xf32>,
      %get3A_425 = vector.shape_cast %get3A_424 : vector<1x16xf32> to vector<16xf32>
      %add3A_426 = arith.addf %add3A_282, %get3A_425 : vector<16xf32>
      %mul3A_427 = arith.constant 8 : i32
      %mul3A_428 = arith.muli %scan3A_213, %mul3A_427 : i32
      %add3A_429 = arith.constant 1 : i32
      %add3A_430 = arith.addi %mul3A_428, %add3A_429 : i32
      %get3A_431 = arith.index_cast %add3A_430 : i32 to index
      %get3A_432 = arith.constant 96 : index
      %get3A_433 = tpu.vector_load %arg4[%get3A_431, %get3A_432] {strides = array<i32>} : memref<128x256xf32, #tpu.memory_space<vmem>>, vector<1x16xf32>,
      %get3A_434 = vector.shape_cast %get3A_433 : vector<1x16xf32> to vector<16xf32>
      %add3A_435 = arith.addf %add3A_291, %get3A_434 : vector<16xf32>
      %mul3A_436 = arith.constant 8 : i32
      %mul3A_437 = arith.muli %scan3A_213, %mul3A_436 : i32
      %add3A_438 = arith.constant 1 : i32
      %add3A_439 = arith.addi %mul3A_437, %add3A_438 : i32
      %get3A_440 = arith.index_cast %add3A_439 : i32 to index
      %get3A_441 = arith.constant 112 : index
      %get3A_442 = tpu.vector_load %arg4[%get3A_440, %get3A_441] {strides = array<i32>} : memref<128x256xf32, #tpu.memory_space<vmem>>, vector<1x16xf32>,
      %get3A_443 = vector.shape_cast %get3A_442 : vector<1x16xf32> to vector<16xf32>
      %add3A_444 = arith.addf %add3A_300, %get3A_443 : vector<16xf32>
      %mul3A_445 = arith.constant 8 : i32
      %mul3A_446 = arith.muli %scan3A_213, %mul3A_445 : i32
      %add3A_447 = arith.constant 1 : i32
      %add3A_448 = arith.addi %mul3A_446, %add3A_447 : i32
      %get3A_449 = arith.index_cast %add3A_448 : i32 to index
      %get3A_450 = arith.constant 128 : index
      %get3A_451 = tpu.vector_load %arg4[%get3A_449, %get3A_450] {strides = array<i32>} : memref<128x256xf32, #tpu.memory_space<vmem>>, vector<1x16xf32>,
      %get3A_452 = vector.shape_cast %get3A_451 : vector<1x16xf32> to vector<16xf32>
      %add3A_453 = arith.addf %add3A_309, %get3A_452 : vector<16xf32>
      %mul3A_454 = arith.constant 8 : i32
      %mul3A_455 = arith.muli %scan3A_213, %mul3A_454 : i32
      %add3A_456 = arith.constant 1 : i32
      %add3A_457 = arith.addi %mul3A_455, %add3A_456 : i32
      %get3A_458 = arith.index_cast %add3A_457 : i32 to index
      %get3A_459 = arith.constant 144 : index
      %get3A_460 = tpu.vector_load %arg4[%get3A_458, %get3A_459] {strides = array<i32>} : memref<128x256xf32, #tpu.memory_space<vmem>>, vector<1x16xf32>,
      %get3A_461 = vector.shape_cast %get3A_460 : vector<1x16xf32> to vector<16xf32>
      %add3A_462 = arith.addf %add3A_318, %get3A_461 : vector<16xf32>
      %mul3A_463 = arith.constant 8 : i32
      %mul3A_464 = arith.muli %scan3A_213, %mul3A_463 : i32
      %add3A_465 = arith.constant 1 : i32
      %add3A_466 = arith.addi %mul3A_464, %add3A_465 : i32
      %get3A_467 = arith.index_cast %add3A_466 : i32 to index
      %get3A_468 = arith.constant 160 : index
      %get3A_469 = tpu.vector_load %arg4[%get3A_467, %get3A_468] {strides = array<i32>} : memref<128x256xf32, #tpu.memory_space<vmem>>, vector<1x16xf32>,
      %get3A_470 = vector.shape_cast %get3A_469 : vector<1x16xf32> to vector<16xf32>
      %add3A_471 = arith.addf %add3A_327, %get3A_470 : vector<16xf32>
      %mul3A_472 = arith.constant 8 : i32
      %mul3A_473 = arith.muli %scan3A_213, %mul3A_472 : i32
      %add3A_474 = arith.constant 1 : i32
      %add3A_475 = arith.addi %mul3A_473, %add3A_474 : i32
      %get3A_476 = arith.index_cast %add3A_475 : i32 to index
      %get3A_477 = arith.constant 176 : index
      %get3A_478 = tpu.vector_load %arg4[%get3A_476, %get3A_477] {strides = array<i32>} : memref<128x256xf32, #tpu.memory_space<vmem>>, vector<1x16xf32>,
      %get3A_479 = vector.shape_cast %get3A_478 : vector<1x16xf32> to vector<16xf32>
      %add3A_480 = arith.addf %add3A_336, %get3A_479 : vector<16xf32>
      %mul3A_481 = arith.constant 8 : i32
      %mul3A_482 = arith.muli %scan3A_213, %mul3A_481 : i32
      %add3A_483 = arith.constant 1 : i32
      %add3A_484 = arith.addi %mul3A_482, %add3A_483 : i32
      %get3A_485 = arith.index_cast %add3A_484 : i32 to index
      %get3A_486 = arith.constant 192 : index
      %get3A_487 = tpu.vector_load %arg4[%get3A_485, %get3A_486] {strides = array<i32>} : memref<128x256xf32, #tpu.memory_space<vmem>>, vector<1x16xf32>,
      %get3A_488 = vector.shape_cast %get3A_487 : vector<1x16xf32> to vector<16xf32>
      %add3A_489 = arith.addf %add3A_345, %get3A_488 : vector<16xf32>
      %mul3A_490 = arith.constant 8 : i32
      %mul3A_491 = arith.muli %scan3A_213, %mul3A_490 : i32
      %add3A_492 = arith.constant 1 : i32
      %add3A_493 = arith.addi %mul3A_491, %add3A_492 : i32
      %get3A_494 = arith.index_cast %add3A_493 : i32 to index
      %get3A_495 = arith.constant 208 : index
      %get3A_496 = tpu.vector_load %arg4[%get3A_494, %get3A_495] {strides = array<i32>} : memref<128x256xf32, #tpu.memory_space<vmem>>, vector<1x16xf32>,
      %get3A_497 = vector.shape_cast %get3A_496 : vector<1x16xf32> to vector<16xf32>
      %add3A_498 = arith.addf %add3A_354, %get3A_497 : vector<16xf32>
      %mul3A_499 = arith.constant 8 : i32
      %mul3A_500 = arith.muli %scan3A_213, %mul3A_499 : i32
      %add3A_501 = arith.constant 1 : i32
      %add3A_502 = arith.addi %mul3A_500, %add3A_501 : i32
      %get3A_503 = arith.index_cast %add3A_502 : i32 to index
      %get3A_504 = arith.constant 224 : index
      %get3A_505 = tpu.vector_load %arg4[%get3A_503, %get3A_504] {strides = array<i32>} : memref<128x256xf32, #tpu.memory_space<vmem>>, vector<1x16xf32>,
      %get3A_506 = vector.shape_cast %get3A_505 : vector<1x16xf32> to vector<16xf32>
      %add3A_507 = arith.addf %add3A_363, %get3A_506 : vector<16xf32>
      %mul3A_508 = arith.constant 8 : i32
      %mul3A_509 = arith.muli %scan3A_213, %mul3A_508 : i32
      %add3A_510 = arith.constant 1 : i32
      %add3A_511 = arith.addi %mul3A_509, %add3A_510 : i32
      %get3A_512 = arith.index_cast %add3A_511 : i32 to index
      %get3A_513 = arith.constant 240 : index
      %get3A_514 = tpu.vector_load %arg4[%get3A_512, %get3A_513] {strides = array<i32>} : memref<128x256xf32, #tpu.memory_space<vmem>>, vector<1x16xf32>,
      %get3A_515 = vector.shape_cast %get3A_514 : vector<1x16xf32> to vector<16xf32>
      %add3A_516 = arith.addf %add3A_372, %get3A_515 : vector<16xf32>
      %mul3A_517 = arith.constant 8 : i32
      %mul3A_518 = arith.muli %scan3A_213, %mul3A_517 : i32
      %add3A_519 = arith.constant 2 : i32
      %add3A_520 = arith.addi %mul3A_518, %add3A_519 : i32
      %get3A_521 = arith.index_cast %add3A_520 : i32 to index
      %get3A_522 = arith.constant 0 : index
      %get3A_523 = tpu.vector_load %arg4[%get3A_521, %get3A_522] {strides = array<i32>} : memref<128x256xf32, #tpu.memory_space<vmem>>, vector<1x16xf32>,
      %get3A_524 = vector.shape_cast %get3A_523 : vector<1x16xf32> to vector<16xf32>
      %add3A_525 = arith.addf %add3A_381, %get3A_524 : vector<16xf32>
      %mul3A_526 = arith.constant 8 : i32
      %mul3A_527 = arith.muli %scan3A_213, %mul3A_526 : i32
      %add3A_528 = arith.constant 2 : i32
      %add3A_529 = arith.addi %mul3A_527, %add3A_528 : i32
      %get3A_530 = arith.index_cast %add3A_529 : i32 to index
      %get3A_531 = arith.constant 16 : index
      %get3A_532 = tpu.vector_load %arg4[%get3A_530, %get3A_531] {strides = array<i32>} : memref<128x256xf32, #tpu.memory_space<vmem>>, vector<1x16xf32>,
      %get3A_533 = vector.shape_cast %get3A_532 : vector<1x16xf32> to vector<16xf32>
      %add3A_534 = arith.addf %add3A_390, %get3A_533 : vector<16xf32>
      %mul3A_535 = arith.constant 8 : i32
      %mul3A_536 = arith.muli %scan3A_213, %mul3A_535 : i32
      %add3A_537 = arith.constant 2 : i32
      %add3A_538 = arith.addi %mul3A_536, %add3A_537 : i32
      %get3A_539 = arith.index_cast %add3A_538 : i32 to index
      %get3A_540 = arith.constant 32 : index
      %get3A_541 = tpu.vector_load %arg4[%get3A_539, %get3A_540] {strides = array<i32>} : memref<128x256xf32, #tpu.memory_space<vmem>>, vector<1x16xf32>,
      %get3A_542 = vector.shape_cast %get3A_541 : vector<1x16xf32> to vector<16xf32>
      %add3A_543 = arith.addf %add3A_399, %get3A_542 : vector<16xf32>
      %mul3A_544 = arith.constant 8 : i32
      %mul3A_545 = arith.muli %scan3A_213, %mul3A_544 : i32
      %add3A_546 = arith.constant 2 : i32
      %add3A_547 = arith.addi %mul3A_545, %add3A_546 : i32
      %get3A_548 = arith.index_cast %add3A_547 : i32 to index
      %get3A_549 = arith.constant 48 : index
      %get3A_550 = tpu.vector_load %arg4[%get3A_548, %get3A_549] {strides = array<i32>} : memref<128x256xf32, #tpu.memory_space<vmem>>, vector<1x16xf32>,
      %get3A_551 = vector.shape_cast %get3A_550 : vector<1x16xf32> to vector<16xf32>
      %add3A_552 = arith.addf %add3A_408, %get3A_551 : vector<16xf32>
      %mul3A_553 = arith.constant 8 : i32
      %mul3A_554 = arith.muli %scan3A_213, %mul3A_553 : i32
      %add3A_555 = arith.constant 2 : i32
      %add3A_556 = arith.addi %mul3A_554, %add3A_555 : i32
      %get3A_557 = arith.index_cast %add3A_556 : i32 to index
      %get3A_558 = arith.constant 64 : index
      %get3A_559 = tpu.vector_load %arg4[%get3A_557, %get3A_558] {strides = array<i32>} : memref<128x256xf32, #tpu.memory_space<vmem>>, vector<1x16xf32>,
      %get3A_560 = vector.shape_cast %get3A_559 : vector<1x16xf32> to vector<16xf32>
      %add3A_561 = arith.addf %add3A_417, %get3A_560 : vector<16xf32>
      %mul3A_562 = arith.constant 8 : i32
      %mul3A_563 = arith.muli %scan3A_213, %mul3A_562 : i32
      %add3A_564 = arith.constant 2 : i32
      %add3A_565 = arith.addi %mul3A_563, %add3A_564 : i32
      %get3A_566 = arith.index_cast %add3A_565 : i32 to index
      %get3A_567 = arith.constant 80 : index
      %get3A_568 = tpu.vector_load %arg4[%get3A_566, %get3A_567] {strides = array<i32>} : memref<128x256xf32, #tpu.memory_space<vmem>>, vector<1x16xf32>,
      %get3A_569 = vector.shape_cast %get3A_568 : vector<1x16xf32> to vector<16xf32>
      %add3A_570 = arith.addf %add3A_426, %get3A_569 : vector<16xf32>
      %mul3A_571 = arith.constant 8 : i32
      %mul3A_572 = arith.muli %scan3A_213, %mul3A_571 : i32
      %add3A_573 = arith.constant 2 : i32
      %add3A_574 = arith.addi %mul3A_572, %add3A_573 : i32
      %get3A_575 = arith.index_cast %add3A_574 : i32 to index
      %get3A_576 = arith.constant 96 : index
      %get3A_577 = tpu.vector_load %arg4[%get3A_575, %get3A_576] {strides = array<i32>} : memref<128x256xf32, #tpu.memory_space<vmem>>, vector<1x16xf32>,
      %get3A_578 = vector.shape_cast %get3A_577 : vector<1x16xf32> to vector<16xf32>
      %add3A_579 = arith.addf %add3A_435, %get3A_578 : vector<16xf32>
      %mul3A_580 = arith.constant 8 : i32
      %mul3A_581 = arith.muli %scan3A_213, %mul3A_580 : i32
      %add3A_582 = arith.constant 2 : i32
      %add3A_583 = arith.addi %mul3A_581, %add3A_582 : i32
      %get3A_584 = arith.index_cast %add3A_583 : i32 to index
      %get3A_585 = arith.constant 112 : index
      %get3A_586 = tpu.vector_load %arg4[%get3A_584, %get3A_585] {strides = array<i32>} : memref<128x256xf32, #tpu.memory_space<vmem>>, vector<1x16xf32>,
      %get3A_587 = vector.shape_cast %get3A_586 : vector<1x16xf32> to vector<16xf32>
      %add3A_588 = arith.addf %add3A_444, %get3A_587 : vector<16xf32>
      %mul3A_589 = arith.constant 8 : i32
      %mul3A_590 = arith.muli %scan3A_213, %mul3A_589 : i32
      %add3A_591 = arith.constant 2 : i32
      %add3A_592 = arith.addi %mul3A_590, %add3A_591 : i32
      %get3A_593 = arith.index_cast %add3A_592 : i32 to index
      %get3A_594 = arith.constant 128 : index
      %get3A_595 = tpu.vector_load %arg4[%get3A_593, %get3A_594] {strides = array<i32>} : memref<128x256xf32, #tpu.memory_space<vmem>>, vector<1x16xf32>,
      %get3A_596 = vector.shape_cast %get3A_595 : vector<1x16xf32> to vector<16xf32>
      %add3A_597 = arith.addf %add3A_453, %get3A_596 : vector<16xf32>
      %mul3A_598 = arith.constant 8 : i32
      %mul3A_599 = arith.muli %scan3A_213, %mul3A_598 : i32
      %add3A_600 = arith.constant 2 : i32
      %add3A_601 = arith.addi %mul3A_599, %add3A_600 : i32
      %get3A_602 = arith.index_cast %add3A_601 : i32 to index
      %get3A_603 = arith.constant 144 : index
      %get3A_604 = tpu.vector_load %arg4[%get3A_602, %get3A_603] {strides = array<i32>} : memref<128x256xf32, #tpu.memory_space<vmem>>, vector<1x16xf32>,
      %get3A_605 = vector.shape_cast %get3A_604 : vector<1x16xf32> to vector<16xf32>
      %add3A_606 = arith.addf %add3A_462, %get3A_605 : vector<16xf32>
      %mul3A_607 = arith.constant 8 : i32
      %mul3A_608 = arith.muli %scan3A_213, %mul3A_607 : i32
      %add3A_609 = arith.constant 2 : i32
      %add3A_610 = arith.addi %mul3A_608, %add3A_609 : i32
      %get3A_611 = arith.index_cast %add3A_610 : i32 to index
      %get3A_612 = arith.constant 160 : index
      %get3A_613 = tpu.vector_load %arg4[%get3A_611, %get3A_612] {strides = array<i32>} : memref<128x256xf32, #tpu.memory_space<vmem>>, vector<1x16xf32>,
      %get3A_614 = vector.shape_cast %get3A_613 : vector<1x16xf32> to vector<16xf32>
      %add3A_615 = arith.addf %add3A_471, %get3A_614 : vector<16xf32>
      %mul3A_616 = arith.constant 8 : i32
      %mul3A_617 = arith.muli %scan3A_213, %mul3A_616 : i32
      %add3A_618 = arith.constant 2 : i32
      %add3A_619 = arith.addi %mul3A_617, %add3A_618 : i32
      %get3A_620 = arith.index_cast %add3A_619 : i32 to index
      %get3A_621 = arith.constant 176 : index
      %get3A_622 = tpu.vector_load %arg4[%get3A_620, %get3A_621] {strides = array<i32>} : memref<128x256xf32, #tpu.memory_space<vmem>>, vector<1x16xf32>,
      %get3A_623 = vector.shape_cast %get3A_622 : vector<1x16xf32> to vector<16xf32>
      %add3A_624 = arith.addf %add3A_480, %get3A_623 : vector<16xf32>
      %mul3A_625 = arith.constant 8 : i32
      %mul3A_626 = arith.muli %scan3A_213, %mul3A_625 : i32
      %add3A_627 = arith.constant 2 : i32
      %add3A_628 = arith.addi %mul3A_626, %add3A_627 : i32
      %get3A_629 = arith.index_cast %add3A_628 : i32 to index
      %get3A_630 = arith.constant 192 : index
      %get3A_631 = tpu.vector_load %arg4[%get3A_629, %get3A_630] {strides = array<i32>} : memref<128x256xf32, #tpu.memory_space<vmem>>, vector<1x16xf32>,
      %get3A_632 = vector.shape_cast %get3A_631 : vector<1x16xf32> to vector<16xf32>
      %add3A_633 = arith.addf %add3A_489, %get3A_632 : vector<16xf32>
      %mul3A_634 = arith.constant 8 : i32
      %mul3A_635 = arith.muli %scan3A_213, %mul3A_634 : i32
      %add3A_636 = arith.constant 2 : i32
      %add3A_637 = arith.addi %mul3A_635, %add3A_636 : i32
      %get3A_638 = arith.index_cast %add3A_637 : i32 to index
      %get3A_639 = arith.constant 208 : index
      %get3A_640 = tpu.vector_load %arg4[%get3A_638, %get3A_639] {strides = array<i32>} : memref<128x256xf32, #tpu.memory_space<vmem>>, vector<1x16xf32>,
      %get3A_641 = vector.shape_cast %get3A_640 : vector<1x16xf32> to vector<16xf32>
      %add3A_642 = arith.addf %add3A_498, %get3A_641 : vector<16xf32>
      %mul3A_643 = arith.constant 8 : i32
      %mul3A_644 = arith.muli %scan3A_213, %mul3A_643 : i32
      %add3A_645 = arith.constant 2 : i32
      %add3A_646 = arith.addi %mul3A_644, %add3A_645 : i32
      %get3A_647 = arith.index_cast %add3A_646 : i32 to index
      %get3A_648 = arith.constant 224 : index
      %get3A_649 = tpu.vector_load %arg4[%get3A_647, %get3A_648] {strides = array<i32>} : memref<128x256xf32, #tpu.memory_space<vmem>>, vector<1x16xf32>,
      %get3A_650 = vector.shape_cast %get3A_649 : vector<1x16xf32> to vector<16xf32>
      %add3A_651 = arith.addf %add3A_507, %get3A_650 : vector<16xf32>
      %mul3A_652 = arith.constant 8 : i32
      %mul3A_653 = arith.muli %scan3A_213, %mul3A_652 : i32
      %add3A_654 = arith.constant 2 : i32
      %add3A_655 = arith.addi %mul3A_653, %add3A_654 : i32
      %get3A_656 = arith.index_cast %add3A_655 : i32 to index
      %get3A_657 = arith.constant 240 : index
      %get3A_658 = tpu.vector_load %arg4[%get3A_656, %get3A_657] {strides = array<i32>} : memref<128x256xf32, #tpu.memory_space<vmem>>, vector<1x16xf32>,
      %get3A_659 = vector.shape_cast %get3A_658 : vector<1x16xf32> to vector<16xf32>
      %add3A_660 = arith.addf %add3A_516, %get3A_659 : vector<16xf32>
      %mul3A_661 = arith.constant 8 : i32
      %mul3A_662 = arith.muli %scan3A_213, %mul3A_661 : i32
      %add3A_663 = arith.constant 3 : i32
      %add3A_664 = arith.addi %mul3A_662, %add3A_663 : i32
      %get3A_665 = arith.index_cast %add3A_664 : i32 to index
      %get3A_666 = arith.constant 0 : index
      %get3A_667 = tpu.vector_load %arg4[%get3A_665, %get3A_666] {strides = array<i32>} : memref<128x256xf32, #tpu.memory_space<vmem>>, vector<1x16xf32>,
      %get3A_668 = vector.shape_cast %get3A_667 : vector<1x16xf32> to vector<16xf32>
      %add3A_669 = arith.addf %add3A_525, %get3A_668 : vector<16xf32>
      %mul3A_670 = arith.constant 8 : i32
      %mul3A_671 = arith.muli %scan3A_213, %mul3A_670 : i32
      %add3A_672 = arith.constant 3 : i32
      %add3A_673 = arith.addi %mul3A_671, %add3A_672 : i32
      %get3A_674 = arith.index_cast %add3A_673 : i32 to index
      %get3A_675 = arith.constant 16 : index
      %get3A_676 = tpu.vector_load %arg4[%get3A_674, %get3A_675] {strides = array<i32>} : memref<128x256xf32, #tpu.memory_space<vmem>>, vector<1x16xf32>,
      %get3A_677 = vector.shape_cast %get3A_676 : vector<1x16xf32> to vector<16xf32>
      %add3A_678 = arith.addf %add3A_534, %get3A_677 : vector<16xf32>
      %mul3A_679 = arith.constant 8 : i32
      %mul3A_680 = arith.muli %scan3A_213, %mul3A_679 : i32
      %add3A_681 = arith.constant 3 : i32
      %add3A_682 = arith.addi %mul3A_680, %add3A_681 : i32
      %get3A_683 = arith.index_cast %add3A_682 : i32 to index
      %get3A_684 = arith.constant 32 : index
      %get3A_685 = tpu.vector_load %arg4[%get3A_683, %get3A_684] {strides = array<i32>} : memref<128x256xf32, #tpu.memory_space<vmem>>, vector<1x16xf32>,
      %get3A_686 = vector.shape_cast %get3A_685 : vector<1x16xf32> to vector<16xf32>
      %add3A_687 = arith.addf %add3A_543, %get3A_686 : vector<16xf32>
      %mul3A_688 = arith.constant 8 : i32
      %mul3A_689 = arith.muli %scan3A_213, %mul3A_688 : i32
      %add3A_690 = arith.constant 3 : i32
      %add3A_691 = arith.addi %mul3A_689, %add3A_690 : i32
      %get3A_692 = arith.index_cast %add3A_691 : i32 to index
      %get3A_693 = arith.constant 48 : index
      %get3A_694 = tpu.vector_load %arg4[%get3A_692, %get3A_693] {strides = array<i32>} : memref<128x256xf32, #tpu.memory_space<vmem>>, vector<1x16xf32>,
      %get3A_695 = vector.shape_cast %get3A_694 : vector<1x16xf32> to vector<16xf32>
      %add3A_696 = arith.addf %add3A_552, %get3A_695 : vector<16xf32>
      %mul3A_697 = arith.constant 8 : i32
      %mul3A_698 = arith.muli %scan3A_213, %mul3A_697 : i32
      %add3A_699 = arith.constant 3 : i32
      %add3A_700 = arith.addi %mul3A_698, %add3A_699 : i32
      %get3A_701 = arith.index_cast %add3A_700 : i32 to index
      %get3A_702 = arith.constant 64 : index
      %get3A_703 = tpu.vector_load %arg4[%get3A_701, %get3A_702] {strides = array<i32>} : memref<128x256xf32, #tpu.memory_space<vmem>>, vector<1x16xf32>,
      %get3A_704 = vector.shape_cast %get3A_703 : vector<1x16xf32> to vector<16xf32>
      %add3A_705 = arith.addf %add3A_561, %get3A_704 : vector<16xf32>
      %mul3A_706 = arith.constant 8 : i32
      %mul3A_707 = arith.muli %scan3A_213, %mul3A_706 : i32
      %add3A_708 = arith.constant 3 : i32
      %add3A_709 = arith.addi %mul3A_707, %add3A_708 : i32
      %get3A_710 = arith.index_cast %add3A_709 : i32 to index
      %get3A_711 = arith.constant 80 : index
      %get3A_712 = tpu.vector_load %arg4[%get3A_710, %get3A_711] {strides = array<i32>} : memref<128x256xf32, #tpu.memory_space<vmem>>, vector<1x16xf32>,
      %get3A_713 = vector.shape_cast %get3A_712 : vector<1x16xf32> to vector<16xf32>
      %add3A_714 = arith.addf %add3A_570, %get3A_713 : vector<16xf32>
      %mul3A_715 = arith.constant 8 : i32
      %mul3A_716 = arith.muli %scan3A_213, %mul3A_715 : i32
      %add3A_717 = arith.constant 3 : i32
      %add3A_718 = arith.addi %mul3A_716, %add3A_717 : i32
      %get3A_719 = arith.index_cast %add3A_718 : i32 to index
      %get3A_720 = arith.constant 96 : index
      %get3A_721 = tpu.vector_load %arg4[%get3A_719, %get3A_720] {strides = array<i32>} : memref<128x256xf32, #tpu.memory_space<vmem>>, vector<1x16xf32>,
      %get3A_722 = vector.shape_cast %get3A_721 : vector<1x16xf32> to vector<16xf32>
      %add3A_723 = arith.addf %add3A_579, %get3A_722 : vector<16xf32>
      %mul3A_724 = arith.constant 8 : i32
      %mul3A_725 = arith.muli %scan3A_213, %mul3A_724 : i32
      %add3A_726 = arith.constant 3 : i32
      %add3A_727 = arith.addi %mul3A_725, %add3A_726 : i32
      %get3A_728 = arith.index_cast %add3A_727 : i32 to index
      %get3A_729 = arith.constant 112 : index
      %get3A_730 = tpu.vector_load %arg4[%get3A_728, %get3A_729] {strides = array<i32>} : memref<128x256xf32, #tpu.memory_space<vmem>>, vector<1x16xf32>,
      %get3A_731 = vector.shape_cast %get3A_730 : vector<1x16xf32> to vector<16xf32>
      %add3A_732 = arith.addf %add3A_588, %get3A_731 : vector<16xf32>
      %mul3A_733 = arith.constant 8 : i32
      %mul3A_734 = arith.muli %scan3A_213, %mul3A_733 : i32
      %add3A_735 = arith.constant 3 : i32
      %add3A_736 = arith.addi %mul3A_734, %add3A_735 : i32
      %get3A_737 = arith.index_cast %add3A_736 : i32 to index
      %get3A_738 = arith.constant 128 : index
      %get3A_739 = tpu.vector_load %arg4[%get3A_737, %get3A_738] {strides = array<i32>} : memref<128x256xf32, #tpu.memory_space<vmem>>, vector<1x16xf32>,
      %get3A_740 = vector.shape_cast %get3A_739 : vector<1x16xf32> to vector<16xf32>
      %add3A_741 = arith.addf %add3A_597, %get3A_740 : vector<16xf32>
      %mul3A_742 = arith.constant 8 : i32
      %mul3A_743 = arith.muli %scan3A_213, %mul3A_742 : i32
      %add3A_744 = arith.constant 3 : i32
      %add3A_745 = arith.addi %mul3A_743, %add3A_744 : i32
      %get3A_746 = arith.index_cast %add3A_745 : i32 to index
      %get3A_747 = arith.constant 144 : index
      %get3A_748 = tpu.vector_load %arg4[%get3A_746, %get3A_747] {strides = array<i32>} : memref<128x256xf32, #tpu.memory_space<vmem>>, vector<1x16xf32>,
      %get3A_749 = vector.shape_cast %get3A_748 : vector<1x16xf32> to vector<16xf32>
      %add3A_750 = arith.addf %add3A_606, %get3A_749 : vector<16xf32>
      %mul3A_751 = arith.constant 8 : i32
      %mul3A_752 = arith.muli %scan3A_213, %mul3A_751 : i32
      %add3A_753 = arith.constant 3 : i32
      %add3A_754 = arith.addi %mul3A_752, %add3A_753 : i32
      %get3A_755 = arith.index_cast %add3A_754 : i32 to index
      %get3A_756 = arith.constant 160 : index
      %get3A_757 = tpu.vector_load %arg4[%get3A_755, %get3A_756] {strides = array<i32>} : memref<128x256xf32, #tpu.memory_space<vmem>>, vector<1x16xf32>,
      %get3A_758 = vector.shape_cast %get3A_757 : vector<1x16xf32> to vector<16xf32>
      %add3A_759 = arith.addf %add3A_615, %get3A_758 : vector<16xf32>
      %mul3A_760 = arith.constant 8 : i32
      %mul3A_761 = arith.muli %scan3A_213, %mul3A_760 : i32
      %add3A_762 = arith.constant 3 : i32
      %add3A_763 = arith.addi %mul3A_761, %add3A_762 : i32
      %get3A_764 = arith.index_cast %add3A_763 : i32 to index
      %get3A_765 = arith.constant 176 : index
      %get3A_766 = tpu.vector_load %arg4[%get3A_764, %get3A_765] {strides = array<i32>} : memref<128x256xf32, #tpu.memory_space<vmem>>, vector<1x16xf32>,
      %get3A_767 = vector.shape_cast %get3A_766 : vector<1x16xf32> to vector<16xf32>
      %add3A_768 = arith.addf %add3A_624, %get3A_767 : vector<16xf32>
      %mul3A_769 = arith.constant 8 : i32
      %mul3A_770 = arith.muli %scan3A_213, %mul3A_769 : i32
      %add3A_771 = arith.constant 3 : i32
      %add3A_772 = arith.addi %mul3A_770, %add3A_771 : i32
      %get3A_773 = arith.index_cast %add3A_772 : i32 to index
      %get3A_774 = arith.constant 192 : index
      %get3A_775 = tpu.vector_load %arg4[%get3A_773, %get3A_774] {strides = array<i32>} : memref<128x256xf32, #tpu.memory_space<vmem>>, vector<1x16xf32>,
      %get3A_776 = vector.shape_cast %get3A_775 : vector<1x16xf32> to vector<16xf32>
      %add3A_777 = arith.addf %add3A_633, %get3A_776 : vector<16xf32>
      %mul3A_778 = arith.constant 8 : i32
      %mul3A_779 = arith.muli %scan3A_213, %mul3A_778 : i32
      %add3A_780 = arith.constant 3 : i32
      %add3A_781 = arith.addi %mul3A_779, %add3A_780 : i32
      %get3A_782 = arith.index_cast %add3A_781 : i32 to index
      %get3A_783 = arith.constant 208 : index
      %get3A_784 = tpu.vector_load %arg4[%get3A_782, %get3A_783] {strides = array<i32>} : memref<128x256xf32, #tpu.memory_space<vmem>>, vector<1x16xf32>,
      %get3A_785 = vector.shape_cast %get3A_784 : vector<1x16xf32> to vector<16xf32>
      %add3A_786 = arith.addf %add3A_642, %get3A_785 : vector<16xf32>
      %mul3A_787 = arith.constant 8 : i32
      %mul3A_788 = arith.muli %scan3A_213, %mul3A_787 : i32
      %add3A_789 = arith.constant 3 : i32
      %add3A_790 = arith.addi %mul3A_788, %add3A_789 : i32
      %get3A_791 = arith.index_cast %add3A_790 : i32 to index
      %get3A_792 = arith.constant 224 : index
      %get3A_793 = tpu.vector_load %arg4[%get3A_791, %get3A_792] {strides = array<i32>} : memref<128x256xf32, #tpu.memory_space<vmem>>, vector<1x16xf32>,
      %get3A_794 = vector.shape_cast %get3A_793 : vector<1x16xf32> to vector<16xf32>
      %add3A_795 = arith.addf %add3A_651, %get3A_794 : vector<16xf32>
      %mul3A_796 = arith.constant 8 : i32
      %mul3A_797 = arith.muli %scan3A_213, %mul3A_796 : i32
      %add3A_798 = arith.constant 3 : i32
      %add3A_799 = arith.addi %mul3A_797, %add3A_798 : i32
      %get3A_800 = arith.index_cast %add3A_799 : i32 to index
      %get3A_801 = arith.constant 240 : index
      %get3A_802 = tpu.vector_load %arg4[%get3A_800, %get3A_801] {strides = array<i32>} : memref<128x256xf32, #tpu.memory_space<vmem>>, vector<1x16xf32>,
      %get3A_803 = vector.shape_cast %get3A_802 : vector<1x16xf32> to vector<16xf32>
      %add3A_804 = arith.addf %add3A_660, %get3A_803 : vector<16xf32>
      %mul3A_805 = arith.constant 8 : i32
      %mul3A_806 = arith.muli %scan3A_213, %mul3A_805 : i32
      %add3A_807 = arith.constant 4 : i32
      %add3A_808 = arith.addi %mul3A_806, %add3A_807 : i32
      %get3A_809 = arith.index_cast %add3A_808 : i32 to index
      %get3A_810 = arith.constant 0 : index
      %get3A_811 = tpu.vector_load %arg4[%get3A_809, %get3A_810] {strides = array<i32>} : memref<128x256xf32, #tpu.memory_space<vmem>>, vector<1x16xf32>,
      %get3A_812 = vector.shape_cast %get3A_811 : vector<1x16xf32> to vector<16xf32>
      %add3A_813 = arith.addf %add3A_669, %get3A_812 : vector<16xf32>
      %mul3A_814 = arith.constant 8 : i32
      %mul3A_815 = arith.muli %scan3A_213, %mul3A_814 : i32
      %add3A_816 = arith.constant 4 : i32
      %add3A_817 = arith.addi %mul3A_815, %add3A_816 : i32
      %get3A_818 = arith.index_cast %add3A_817 : i32 to index
      %get3A_819 = arith.constant 16 : index
      %get3A_820 = tpu.vector_load %arg4[%get3A_818, %get3A_819] {strides = array<i32>} : memref<128x256xf32, #tpu.memory_space<vmem>>, vector<1x16xf32>,
      %get3A_821 = vector.shape_cast %get3A_820 : vector<1x16xf32> to vector<16xf32>
      %add3A_822 = arith.addf %add3A_678, %get3A_821 : vector<16xf32>
      %mul3A_823 = arith.constant 8 : i32
      %mul3A_824 = arith.muli %scan3A_213, %mul3A_823 : i32
      %add3A_825 = arith.constant 4 : i32
      %add3A_826 = arith.addi %mul3A_824, %add3A_825 : i32
      %get3A_827 = arith.index_cast %add3A_826 : i32 to index
      %get3A_828 = arith.constant 32 : index
      %get3A_829 = tpu.vector_load %arg4[%get3A_827, %get3A_828] {strides = array<i32>} : memref<128x256xf32, #tpu.memory_space<vmem>>, vector<1x16xf32>,
      %get3A_830 = vector.shape_cast %get3A_829 : vector<1x16xf32> to vector<16xf32>
      %add3A_831 = arith.addf %add3A_687, %get3A_830 : vector<16xf32>
      %mul3A_832 = arith.constant 8 : i32
      %mul3A_833 = arith.muli %scan3A_213, %mul3A_832 : i32
      %add3A_834 = arith.constant 4 : i32
      %add3A_835 = arith.addi %mul3A_833, %add3A_834 : i32
      %get3A_836 = arith.index_cast %add3A_835 : i32 to index
      %get3A_837 = arith.constant 48 : index
      %get3A_838 = tpu.vector_load %arg4[%get3A_836, %get3A_837] {strides = array<i32>} : memref<128x256xf32, #tpu.memory_space<vmem>>, vector<1x16xf32>,
      %get3A_839 = vector.shape_cast %get3A_838 : vector<1x16xf32> to vector<16xf32>
      %add3A_840 = arith.addf %add3A_696, %get3A_839 : vector<16xf32>
      %mul3A_841 = arith.constant 8 : i32
      %mul3A_842 = arith.muli %scan3A_213, %mul3A_841 : i32
      %add3A_843 = arith.constant 4 : i32
      %add3A_844 = arith.addi %mul3A_842, %add3A_843 : i32
      %get3A_845 = arith.index_cast %add3A_844 : i32 to index
      %get3A_846 = arith.constant 64 : index
      %get3A_847 = tpu.vector_load %arg4[%get3A_845, %get3A_846] {strides = array<i32>} : memref<128x256xf32, #tpu.memory_space<vmem>>, vector<1x16xf32>,
      %get3A_848 = vector.shape_cast %get3A_847 : vector<1x16xf32> to vector<16xf32>
      %add3A_849 = arith.addf %add3A_705, %get3A_848 : vector<16xf32>
      %mul3A_850 = arith.constant 8 : i32
      %mul3A_851 = arith.muli %scan3A_213, %mul3A_850 : i32
      %add3A_852 = arith.constant 4 : i32
      %add3A_853 = arith.addi %mul3A_851, %add3A_852 : i32
      %get3A_854 = arith.index_cast %add3A_853 : i32 to index
      %get3A_855 = arith.constant 80 : index
      %get3A_856 = tpu.vector_load %arg4[%get3A_854, %get3A_855] {strides = array<i32>} : memref<128x256xf32, #tpu.memory_space<vmem>>, vector<1x16xf32>,
      %get3A_857 = vector.shape_cast %get3A_856 : vector<1x16xf32> to vector<16xf32>
      %add3A_858 = arith.addf %add3A_714, %get3A_857 : vector<16xf32>
      %mul3A_859 = arith.constant 8 : i32
      %mul3A_860 = arith.muli %scan3A_213, %mul3A_859 : i32
      %add3A_861 = arith.constant 4 : i32
      %add3A_862 = arith.addi %mul3A_860, %add3A_861 : i32
      %get3A_863 = arith.index_cast %add3A_862 : i32 to index
      %get3A_864 = arith.constant 96 : index
      %get3A_865 = tpu.vector_load %arg4[%get3A_863, %get3A_864] {strides = array<i32>} : memref<128x256xf32, #tpu.memory_space<vmem>>, vector<1x16xf32>,
      %get3A_866 = vector.shape_cast %get3A_865 : vector<1x16xf32> to vector<16xf32>
      %add3A_867 = arith.addf %add3A_723, %get3A_866 : vector<16xf32>
      %mul3A_868 = arith.constant 8 : i32
      %mul3A_869 = arith.muli %scan3A_213, %mul3A_868 : i32
      %add3A_870 = arith.constant 4 : i32
      %add3A_871 = arith.addi %mul3A_869, %add3A_870 : i32
      %get3A_872 = arith.index_cast %add3A_871 : i32 to index
      %get3A_873 = arith.constant 112 : index
      %get3A_874 = tpu.vector_load %arg4[%get3A_872, %get3A_873] {strides = array<i32>} : memref<128x256xf32, #tpu.memory_space<vmem>>, vector<1x16xf32>,
      %get3A_875 = vector.shape_cast %get3A_874 : vector<1x16xf32> to vector<16xf32>
      %add3A_876 = arith.addf %add3A_732, %get3A_875 : vector<16xf32>
      %mul3A_877 = arith.constant 8 : i32
      %mul3A_878 = arith.muli %scan3A_213, %mul3A_877 : i32
      %add3A_879 = arith.constant 4 : i32
      %add3A_880 = arith.addi %mul3A_878, %add3A_879 : i32
      %get3A_881 = arith.index_cast %add3A_880 : i32 to index
      %get3A_882 = arith.constant 128 : index
      %get3A_883 = tpu.vector_load %arg4[%get3A_881, %get3A_882] {strides = array<i32>} : memref<128x256xf32, #tpu.memory_space<vmem>>, vector<1x16xf32>,
      %get3A_884 = vector.shape_cast %get3A_883 : vector<1x16xf32> to vector<16xf32>
      %add3A_885 = arith.addf %add3A_741, %get3A_884 : vector<16xf32>
      %mul3A_886 = arith.constant 8 : i32
      %mul3A_887 = arith.muli %scan3A_213, %mul3A_886 : i32
      %add3A_888 = arith.constant 4 : i32
      %add3A_889 = arith.addi %mul3A_887, %add3A_888 : i32
      %get3A_890 = arith.index_cast %add3A_889 : i32 to index
      %get3A_891 = arith.constant 144 : index
      %get3A_892 = tpu.vector_load %arg4[%get3A_890, %get3A_891] {strides = array<i32>} : memref<128x256xf32, #tpu.memory_space<vmem>>, vector<1x16xf32>,
      %get3A_893 = vector.shape_cast %get3A_892 : vector<1x16xf32> to vector<16xf32>
      %add3A_894 = arith.addf %add3A_750, %get3A_893 : vector<16xf32>
      %mul3A_895 = arith.constant 8 : i32
      %mul3A_896 = arith.muli %scan3A_213, %mul3A_895 : i32
      %add3A_897 = arith.constant 4 : i32
      %add3A_898 = arith.addi %mul3A_896, %add3A_897 : i32
      %get3A_899 = arith.index_cast %add3A_898 : i32 to index
      %get3A_900 = arith.constant 160 : index
      %get3A_901 = tpu.vector_load %arg4[%get3A_899, %get3A_900] {strides = array<i32>} : memref<128x256xf32, #tpu.memory_space<vmem>>, vector<1x16xf32>,
      %get3A_902 = vector.shape_cast %get3A_901 : vector<1x16xf32> to vector<16xf32>
      %add3A_903 = arith.addf %add3A_759, %get3A_902 : vector<16xf32>
      %mul3A_904 = arith.constant 8 : i32
      %mul3A_905 = arith.muli %scan3A_213, %mul3A_904 : i32
      %add3A_906 = arith.constant 4 : i32
      %add3A_907 = arith.addi %mul3A_905, %add3A_906 : i32
      %get3A_908 = arith.index_cast %add3A_907 : i32 to index
      %get3A_909 = arith.constant 176 : index
      %get3A_910 = tpu.vector_load %arg4[%get3A_908, %get3A_909] {strides = array<i32>} : memref<128x256xf32, #tpu.memory_space<vmem>>, vector<1x16xf32>,
      %get3A_911 = vector.shape_cast %get3A_910 : vector<1x16xf32> to vector<16xf32>
      %add3A_912 = arith.addf %add3A_768, %get3A_911 : vector<16xf32>
      %mul3A_913 = arith.constant 8 : i32
      %mul3A_914 = arith.muli %scan3A_213, %mul3A_913 : i32
      %add3A_915 = arith.constant 4 : i32
      %add3A_916 = arith.addi %mul3A_914, %add3A_915 : i32
      %get3A_917 = arith.index_cast %add3A_916 : i32 to index
      %get3A_918 = arith.constant 192 : index
      %get3A_919 = tpu.vector_load %arg4[%get3A_917, %get3A_918] {strides = array<i32>} : memref<128x256xf32, #tpu.memory_space<vmem>>, vector<1x16xf32>,
      %get3A_920 = vector.shape_cast %get3A_919 : vector<1x16xf32> to vector<16xf32>
      %add3A_921 = arith.addf %add3A_777, %get3A_920 : vector<16xf32>
      %mul3A_922 = arith.constant 8 : i32
      %mul3A_923 = arith.muli %scan3A_213, %mul3A_922 : i32
      %add3A_924 = arith.constant 4 : i32
      %add3A_925 = arith.addi %mul3A_923, %add3A_924 : i32
      %get3A_926 = arith.index_cast %add3A_925 : i32 to index
      %get3A_927 = arith.constant 208 : index
      %get3A_928 = tpu.vector_load %arg4[%get3A_926, %get3A_927] {strides = array<i32>} : memref<128x256xf32, #tpu.memory_space<vmem>>, vector<1x16xf32>,
      %get3A_929 = vector.shape_cast %get3A_928 : vector<1x16xf32> to vector<16xf32>
      %add3A_930 = arith.addf %add3A_786, %get3A_929 : vector<16xf32>
      %mul3A_931 = arith.constant 8 : i32
      %mul3A_932 = arith.muli %scan3A_213, %mul3A_931 : i32
      %add3A_933 = arith.constant 4 : i32
      %add3A_934 = arith.addi %mul3A_932, %add3A_933 : i32
      %get3A_935 = arith.index_cast %add3A_934 : i32 to index
      %get3A_936 = arith.constant 224 : index
      %get3A_937 = tpu.vector_load %arg4[%get3A_935, %get3A_936] {strides = array<i32>} : memref<128x256xf32, #tpu.memory_space<vmem>>, vector<1x16xf32>,
      %get3A_938 = vector.shape_cast %get3A_937 : vector<1x16xf32> to vector<16xf32>
      %add3A_939 = arith.addf %add3A_795, %get3A_938 : vector<16xf32>
      %mul3A_940 = arith.constant 8 : i32
      %mul3A_941 = arith.muli %scan3A_213, %mul3A_940 : i32
      %add3A_942 = arith.constant 4 : i32
      %add3A_943 = arith.addi %mul3A_941, %add3A_942 : i32
      %get3A_944 = arith.index_cast %add3A_943 : i32 to index
      %get3A_945 = arith.constant 240 : index
      %get3A_946 = tpu.vector_load %arg4[%get3A_944, %get3A_945] {strides = array<i32>} : memref<128x256xf32, #tpu.memory_space<vmem>>, vector<1x16xf32>,
      %get3A_947 = vector.shape_cast %get3A_946 : vector<1x16xf32> to vector<16xf32>
      %add3A_948 = arith.addf %add3A_804, %get3A_947 : vector<16xf32>
      %mul3A_949 = arith.constant 8 : i32
      %mul3A_950 = arith.muli %scan3A_213, %mul3A_949 : i32
      %add3A_951 = arith.constant 5 : i32
      %add3A_952 = arith.addi %mul3A_950, %add3A_951 : i32
      %get3A_953 = arith.index_cast %add3A_952 : i32 to index
      %get3A_954 = arith.constant 0 : index
      %get3A_955 = tpu.vector_load %arg4[%get3A_953, %get3A_954] {strides = array<i32>} : memref<128x256xf32, #tpu.memory_space<vmem>>, vector<1x16xf32>,
      %get3A_956 = vector.shape_cast %get3A_955 : vector<1x16xf32> to vector<16xf32>
      %add3A_957 = arith.addf %add3A_813, %get3A_956 : vector<16xf32>
      %mul3A_958 = arith.constant 8 : i32
      %mul3A_959 = arith.muli %scan3A_213, %mul3A_958 : i32
      %add3A_960 = arith.constant 5 : i32
      %add3A_961 = arith.addi %mul3A_959, %add3A_960 : i32
      %get3A_962 = arith.index_cast %add3A_961 : i32 to index
      %get3A_963 = arith.constant 16 : index
      %get3A_964 = tpu.vector_load %arg4[%get3A_962, %get3A_963] {strides = array<i32>} : memref<128x256xf32, #tpu.memory_space<vmem>>, vector<1x16xf32>,
      %get3A_965 = vector.shape_cast %get3A_964 : vector<1x16xf32> to vector<16xf32>
      %add3A_966 = arith.addf %add3A_822, %get3A_965 : vector<16xf32>
      %mul3A_967 = arith.constant 8 : i32
      %mul3A_968 = arith.muli %scan3A_213, %mul3A_967 : i32
      %add3A_969 = arith.constant 5 : i32
      %add3A_970 = arith.addi %mul3A_968, %add3A_969 : i32
      %get3A_971 = arith.index_cast %add3A_970 : i32 to index
      %get3A_972 = arith.constant 32 : index
      %get3A_973 = tpu.vector_load %arg4[%get3A_971, %get3A_972] {strides = array<i32>} : memref<128x256xf32, #tpu.memory_space<vmem>>, vector<1x16xf32>,
      %get3A_974 = vector.shape_cast %get3A_973 : vector<1x16xf32> to vector<16xf32>
      %add3A_975 = arith.addf %add3A_831, %get3A_974 : vector<16xf32>
      %mul3A_976 = arith.constant 8 : i32
      %mul3A_977 = arith.muli %scan3A_213, %mul3A_976 : i32
      %add3A_978 = arith.constant 5 : i32
      %add3A_979 = arith.addi %mul3A_977, %add3A_978 : i32
      %get3A_980 = arith.index_cast %add3A_979 : i32 to index
      %get3A_981 = arith.constant 48 : index
      %get3A_982 = tpu.vector_load %arg4[%get3A_980, %get3A_981] {strides = array<i32>} : memref<128x256xf32, #tpu.memory_space<vmem>>, vector<1x16xf32>,
      %get3A_983 = vector.shape_cast %get3A_982 : vector<1x16xf32> to vector<16xf32>
      %add3A_984 = arith.addf %add3A_840, %get3A_983 : vector<16xf32>
      %mul3A_985 = arith.constant 8 : i32
      %mul3A_986 = arith.muli %scan3A_213, %mul3A_985 : i32
      %add3A_987 = arith.constant 5 : i32
      %add3A_988 = arith.addi %mul3A_986, %add3A_987 : i32
      %get3A_989 = arith.index_cast %add3A_988 : i32 to index
      %get3A_990 = arith.constant 64 : index
      %get3A_991 = tpu.vector_load %arg4[%get3A_989, %get3A_990] {strides = array<i32>} : memref<128x256xf32, #tpu.memory_space<vmem>>, vector<1x16xf32>,
      %get3A_992 = vector.shape_cast %get3A_991 : vector<1x16xf32> to vector<16xf32>
      %add3A_993 = arith.addf %add3A_849, %get3A_992 : vector<16xf32>
      %mul3A_994 = arith.constant 8 : i32
      %mul3A_995 = arith.muli %scan3A_213, %mul3A_994 : i32
      %add3A_996 = arith.constant 5 : i32
      %add3A_997 = arith.addi %mul3A_995, %add3A_996 : i32
      %get3A_998 = arith.index_cast %add3A_997 : i32 to index
      %get3A_999 = arith.constant 80 : index
      %get3A_1000 = tpu.vector_load %arg4[%get3A_998, %get3A_999] {strides = array<i32>} : memref<128x256xf32, #tpu.memory_space<vmem>>, vector<1x16xf32>,
      %get3A_1001 = vector.shape_cast %get3A_1000 : vector<1x16xf32> to vector<16xf32>
      %add3A_1002 = arith.addf %add3A_858, %get3A_1001 : vector<16xf32>
      %mul3A_1003 = arith.constant 8 : i32
      %mul3A_1004 = arith.muli %scan3A_213, %mul3A_1003 : i32
      %add3A_1005 = arith.constant 5 : i32
      %add3A_1006 = arith.addi %mul3A_1004, %add3A_1005 : i32
      %get3A_1007 = arith.index_cast %add3A_1006 : i32 to index
      %get3A_1008 = arith.constant 96 : index
      %get3A_1009 = tpu.vector_load %arg4[%get3A_1007, %get3A_1008] {strides = array<i32>} : memref<128x256xf32, #tpu.memory_space<vmem>>, vector<1x16xf32>,
      %get3A_1010 = vector.shape_cast %get3A_1009 : vector<1x16xf32> to vector<16xf32>
      %add3A_1011 = arith.addf %add3A_867, %get3A_1010 : vector<16xf32>
      %mul3A_1012 = arith.constant 8 : i32
      %mul3A_1013 = arith.muli %scan3A_213, %mul3A_1012 : i32
      %add3A_1014 = arith.constant 5 : i32
      %add3A_1015 = arith.addi %mul3A_1013, %add3A_1014 : i32
      %get3A_1016 = arith.index_cast %add3A_1015 : i32 to index
      %get3A_1017 = arith.constant 112 : index
      %get3A_1018 = tpu.vector_load %arg4[%get3A_1016, %get3A_1017] {strides = array<i32>} : memref<128x256xf32, #tpu.memory_space<vmem>>, vector<1x16xf32>,
      %get3A_1019 = vector.shape_cast %get3A_1018 : vector<1x16xf32> to vector<16xf32>
      %add3A_1020 = arith.addf %add3A_876, %get3A_1019 : vector<16xf32>
      %mul3A_1021 = arith.constant 8 : i32
      %mul3A_1022 = arith.muli %scan3A_213, %mul3A_1021 : i32
      %add3A_1023 = arith.constant 5 : i32
      %add3A_1024 = arith.addi %mul3A_1022, %add3A_1023 : i32
      %get3A_1025 = arith.index_cast %add3A_1024 : i32 to index
      %get3A_1026 = arith.constant 128 : index
      %get3A_1027 = tpu.vector_load %arg4[%get3A_1025, %get3A_1026] {strides = array<i32>} : memref<128x256xf32, #tpu.memory_space<vmem>>, vector<1x16xf32>,
      %get3A_1028 = vector.shape_cast %get3A_1027 : vector<1x16xf32> to vector<16xf32>
      %add3A_1029 = arith.addf %add3A_885, %get3A_1028 : vector<16xf32>
      %mul3A_1030 = arith.constant 8 : i32
      %mul3A_1031 = arith.muli %scan3A_213, %mul3A_1030 : i32
      %add3A_1032 = arith.constant 5 : i32
      %add3A_1033 = arith.addi %mul3A_1031, %add3A_1032 : i32
      %get3A_1034 = arith.index_cast %add3A_1033 : i32 to index
      %get3A_1035 = arith.constant 144 : index
      %get3A_1036 = tpu.vector_load %arg4[%get3A_1034, %get3A_1035] {strides = array<i32>} : memref<128x256xf32, #tpu.memory_space<vmem>>, vector<1x16xf32>,
      %get3A_1037 = vector.shape_cast %get3A_1036 : vector<1x16xf32> to vector<16xf32>
      %add3A_1038 = arith.addf %add3A_894, %get3A_1037 : vector<16xf32>
      %mul3A_1039 = arith.constant 8 : i32
      %mul3A_1040 = arith.muli %scan3A_213, %mul3A_1039 : i32
      %add3A_1041 = arith.constant 5 : i32
      %add3A_1042 = arith.addi %mul3A_1040, %add3A_1041 : i32
      %get3A_1043 = arith.index_cast %add3A_1042 : i32 to index
      %get3A_1044 = arith.constant 160 : index
      %get3A_1045 = tpu.vector_load %arg4[%get3A_1043, %get3A_1044] {strides = array<i32>} : memref<128x256xf32, #tpu.memory_space<vmem>>, vector<1x16xf32>,
      %get3A_1046 = vector.shape_cast %get3A_1045 : vector<1x16xf32> to vector<16xf32>
      %add3A_1047 = arith.addf %add3A_903, %get3A_1046 : vector<16xf32>
      %mul3A_1048 = arith.constant 8 : i32
      %mul3A_1049 = arith.muli %scan3A_213, %mul3A_1048 : i32
      %add3A_1050 = arith.constant 5 : i32
      %add3A_1051 = arith.addi %mul3A_1049, %add3A_1050 : i32
      %get3A_1052 = arith.index_cast %add3A_1051 : i32 to index
      %get3A_1053 = arith.constant 176 : index
      %get3A_1054 = tpu.vector_load %arg4[%get3A_1052, %get3A_1053] {strides = array<i32>} : memref<128x256xf32, #tpu.memory_space<vmem>>, vector<1x16xf32>,
      %get3A_1055 = vector.shape_cast %get3A_1054 : vector<1x16xf32> to vector<16xf32>
      %add3A_1056 = arith.addf %add3A_912, %get3A_1055 : vector<16xf32>
      %mul3A_1057 = arith.constant 8 : i32
      %mul3A_1058 = arith.muli %scan3A_213, %mul3A_1057 : i32
      %add3A_1059 = arith.constant 5 : i32
      %add3A_1060 = arith.addi %mul3A_1058, %add3A_1059 : i32
      %get3A_1061 = arith.index_cast %add3A_1060 : i32 to index
      %get3A_1062 = arith.constant 192 : index
      %get3A_1063 = tpu.vector_load %arg4[%get3A_1061, %get3A_1062] {strides = array<i32>} : memref<128x256xf32, #tpu.memory_space<vmem>>, vector<1x16xf32>,
      %get3A_1064 = vector.shape_cast %get3A_1063 : vector<1x16xf32> to vector<16xf32>
      %add3A_1065 = arith.addf %add3A_921, %get3A_1064 : vector<16xf32>
      %mul3A_1066 = arith.constant 8 : i32
      %mul3A_1067 = arith.muli %scan3A_213, %mul3A_1066 : i32
      %add3A_1068 = arith.constant 5 : i32
      %add3A_1069 = arith.addi %mul3A_1067, %add3A_1068 : i32
      %get3A_1070 = arith.index_cast %add3A_1069 : i32 to index
      %get3A_1071 = arith.constant 208 : index
      %get3A_1072 = tpu.vector_load %arg4[%get3A_1070, %get3A_1071] {strides = array<i32>} : memref<128x256xf32, #tpu.memory_space<vmem>>, vector<1x16xf32>,
      %get3A_1073 = vector.shape_cast %get3A_1072 : vector<1x16xf32> to vector<16xf32>
      %add3A_1074 = arith.addf %add3A_930, %get3A_1073 : vector<16xf32>
      %mul3A_1075 = arith.constant 8 : i32
      %mul3A_1076 = arith.muli %scan3A_213, %mul3A_1075 : i32
      %add3A_1077 = arith.constant 5 : i32
      %add3A_1078 = arith.addi %mul3A_1076, %add3A_1077 : i32
      %get3A_1079 = arith.index_cast %add3A_1078 : i32 to index
      %get3A_1080 = arith.constant 224 : index
      %get3A_1081 = tpu.vector_load %arg4[%get3A_1079, %get3A_1080] {strides = array<i32>} : memref<128x256xf32, #tpu.memory_space<vmem>>, vector<1x16xf32>,
      %get3A_1082 = vector.shape_cast %get3A_1081 : vector<1x16xf32> to vector<16xf32>
      %add3A_1083 = arith.addf %add3A_939, %get3A_1082 : vector<16xf32>
      %mul3A_1084 = arith.constant 8 : i32
      %mul3A_1085 = arith.muli %scan3A_213, %mul3A_1084 : i32
      %add3A_1086 = arith.constant 5 : i32
      %add3A_1087 = arith.addi %mul3A_1085, %add3A_1086 : i32
      %get3A_1088 = arith.index_cast %add3A_1087 : i32 to index
      %get3A_1089 = arith.constant 240 : index
      %get3A_1090 = tpu.vector_load %arg4[%get3A_1088, %get3A_1089] {strides = array<i32>} : memref<128x256xf32, #tpu.memory_space<vmem>>, vector<1x16xf32>,
      %get3A_1091 = vector.shape_cast %get3A_1090 : vector<1x16xf32> to vector<16xf32>
      %add3A_1092 = arith.addf %add3A_948, %get3A_1091 : vector<16xf32>
      %mul3A_1093 = arith.constant 8 : i32
      %mul3A_1094 = arith.muli %scan3A_213, %mul3A_1093 : i32
      %add3A_1095 = arith.constant 6 : i32
      %add3A_1096 = arith.addi %mul3A_1094, %add3A_1095 : i32
      %get3A_1097 = arith.index_cast %add3A_1096 : i32 to index
      %get3A_1098 = arith.constant 0 : index
      %get3A_1099 = tpu.vector_load %arg4[%get3A_1097, %get3A_1098] {strides = array<i32>} : memref<128x256xf32, #tpu.memory_space<vmem>>, vector<1x16xf32>,
      %get3A_1100 = vector.shape_cast %get3A_1099 : vector<1x16xf32> to vector<16xf32>
      %add3A_1101 = arith.addf %add3A_957, %get3A_1100 : vector<16xf32>
      %mul3A_1102 = arith.constant 8 : i32
      %mul3A_1103 = arith.muli %scan3A_213, %mul3A_1102 : i32
      %add3A_1104 = arith.constant 6 : i32
      %add3A_1105 = arith.addi %mul3A_1103, %add3A_1104 : i32
      %get3A_1106 = arith.index_cast %add3A_1105 : i32 to index
      %get3A_1107 = arith.constant 16 : index
      %get3A_1108 = tpu.vector_load %arg4[%get3A_1106, %get3A_1107] {strides = array<i32>} : memref<128x256xf32, #tpu.memory_space<vmem>>, vector<1x16xf32>,
      %get3A_1109 = vector.shape_cast %get3A_1108 : vector<1x16xf32> to vector<16xf32>
      %add3A_1110 = arith.addf %add3A_966, %get3A_1109 : vector<16xf32>
      %mul3A_1111 = arith.constant 8 : i32
      %mul3A_1112 = arith.muli %scan3A_213, %mul3A_1111 : i32
      %add3A_1113 = arith.constant 6 : i32
      %add3A_1114 = arith.addi %mul3A_1112, %add3A_1113 : i32
      %get3A_1115 = arith.index_cast %add3A_1114 : i32 to index
      %get3A_1116 = arith.constant 32 : index
      %get3A_1117 = tpu.vector_load %arg4[%get3A_1115, %get3A_1116] {strides = array<i32>} : memref<128x256xf32, #tpu.memory_space<vmem>>, vector<1x16xf32>,
      %get3A_1118 = vector.shape_cast %get3A_1117 : vector<1x16xf32> to vector<16xf32>
      %add3A_1119 = arith.addf %add3A_975, %get3A_1118 : vector<16xf32>
      %mul3A_1120 = arith.constant 8 : i32
      %mul3A_1121 = arith.muli %scan3A_213, %mul3A_1120 : i32
      %add3A_1122 = arith.constant 6 : i32
      %add3A_1123 = arith.addi %mul3A_1121, %add3A_1122 : i32
      %get3A_1124 = arith.index_cast %add3A_1123 : i32 to index
      %get3A_1125 = arith.constant 48 : index
      %get3A_1126 = tpu.vector_load %arg4[%get3A_1124, %get3A_1125] {strides = array<i32>} : memref<128x256xf32, #tpu.memory_space<vmem>>, vector<1x16xf32>,
      %get3A_1127 = vector.shape_cast %get3A_1126 : vector<1x16xf32> to vector<16xf32>
      %add3A_1128 = arith.addf %add3A_984, %get3A_1127 : vector<16xf32>
      %mul3A_1129 = arith.constant 8 : i32
      %mul3A_1130 = arith.muli %scan3A_213, %mul3A_1129 : i32
      %add3A_1131 = arith.constant 6 : i32
      %add3A_1132 = arith.addi %mul3A_1130, %add3A_1131 : i32
      %get3A_1133 = arith.index_cast %add3A_1132 : i32 to index
      %get3A_1134 = arith.constant 64 : index
      %get3A_1135 = tpu.vector_load %arg4[%get3A_1133, %get3A_1134] {strides = array<i32>} : memref<128x256xf32, #tpu.memory_space<vmem>>, vector<1x16xf32>,
      %get3A_1136 = vector.shape_cast %get3A_1135 : vector<1x16xf32> to vector<16xf32>
      %add3A_1137 = arith.addf %add3A_993, %get3A_1136 : vector<16xf32>
      %mul3A_1138 = arith.constant 8 : i32
      %mul3A_1139 = arith.muli %scan3A_213, %mul3A_1138 : i32
      %add3A_1140 = arith.constant 6 : i32
      %add3A_1141 = arith.addi %mul3A_1139, %add3A_1140 : i32
      %get3A_1142 = arith.index_cast %add3A_1141 : i32 to index
      %get3A_1143 = arith.constant 80 : index
      %get3A_1144 = tpu.vector_load %arg4[%get3A_1142, %get3A_1143] {strides = array<i32>} : memref<128x256xf32, #tpu.memory_space<vmem>>, vector<1x16xf32>,
      %get3A_1145 = vector.shape_cast %get3A_1144 : vector<1x16xf32> to vector<16xf32>
      %add3A_1146 = arith.addf %add3A_1002, %get3A_1145 : vector<16xf32>
      %mul3A_1147 = arith.constant 8 : i32
      %mul3A_1148 = arith.muli %scan3A_213, %mul3A_1147 : i32
      %add3A_1149 = arith.constant 6 : i32
      %add3A_1150 = arith.addi %mul3A_1148, %add3A_1149 : i32
      %get3A_1151 = arith.index_cast %add3A_1150 : i32 to index
      %get3A_1152 = arith.constant 96 : index
      %get3A_1153 = tpu.vector_load %arg4[%get3A_1151, %get3A_1152] {strides = array<i32>} : memref<128x256xf32, #tpu.memory_space<vmem>>, vector<1x16xf32>,
      %get3A_1154 = vector.shape_cast %get3A_1153 : vector<1x16xf32> to vector<16xf32>
      %add3A_1155 = arith.addf %add3A_1011, %get3A_1154 : vector<16xf32>
      %mul3A_1156 = arith.constant 8 : i32
      %mul3A_1157 = arith.muli %scan3A_213, %mul3A_1156 : i32
      %add3A_1158 = arith.constant 6 : i32
      %add3A_1159 = arith.addi %mul3A_1157, %add3A_1158 : i32
      %get3A_1160 = arith.index_cast %add3A_1159 : i32 to index
      %get3A_1161 = arith.constant 112 : index
      %get3A_1162 = tpu.vector_load %arg4[%get3A_1160, %get3A_1161] {strides = array<i32>} : memref<128x256xf32, #tpu.memory_space<vmem>>, vector<1x16xf32>,
      %get3A_1163 = vector.shape_cast %get3A_1162 : vector<1x16xf32> to vector<16xf32>
      %add3A_1164 = arith.addf %add3A_1020, %get3A_1163 : vector<16xf32>
      %mul3A_1165 = arith.constant 8 : i32
      %mul3A_1166 = arith.muli %scan3A_213, %mul3A_1165 : i32
      %add3A_1167 = arith.constant 6 : i32
      %add3A_1168 = arith.addi %mul3A_1166, %add3A_1167 : i32
      %get3A_1169 = arith.index_cast %add3A_1168 : i32 to index
      %get3A_1170 = arith.constant 128 : index
      %get3A_1171 = tpu.vector_load %arg4[%get3A_1169, %get3A_1170] {strides = array<i32>} : memref<128x256xf32, #tpu.memory_space<vmem>>, vector<1x16xf32>,
      %get3A_1172 = vector.shape_cast %get3A_1171 : vector<1x16xf32> to vector<16xf32>
      %add3A_1173 = arith.addf %add3A_1029, %get3A_1172 : vector<16xf32>
      %mul3A_1174 = arith.constant 8 : i32
      %mul3A_1175 = arith.muli %scan3A_213, %mul3A_1174 : i32
      %add3A_1176 = arith.constant 6 : i32
      %add3A_1177 = arith.addi %mul3A_1175, %add3A_1176 : i32
      %get3A_1178 = arith.index_cast %add3A_1177 : i32 to index
      %get3A_1179 = arith.constant 144 : index
      %get3A_1180 = tpu.vector_load %arg4[%get3A_1178, %get3A_1179] {strides = array<i32>} : memref<128x256xf32, #tpu.memory_space<vmem>>, vector<1x16xf32>,
      %get3A_1181 = vector.shape_cast %get3A_1180 : vector<1x16xf32> to vector<16xf32>
      %add3A_1182 = arith.addf %add3A_1038, %get3A_1181 : vector<16xf32>
      %mul3A_1183 = arith.constant 8 : i32
      %mul3A_1184 = arith.muli %scan3A_213, %mul3A_1183 : i32
      %add3A_1185 = arith.constant 6 : i32
      %add3A_1186 = arith.addi %mul3A_1184, %add3A_1185 : i32
      %get3A_1187 = arith.index_cast %add3A_1186 : i32 to index
      %get3A_1188 = arith.constant 160 : index
      %get3A_1189 = tpu.vector_load %arg4[%get3A_1187, %get3A_1188] {strides = array<i32>} : memref<128x256xf32, #tpu.memory_space<vmem>>, vector<1x16xf32>,
      %get3A_1190 = vector.shape_cast %get3A_1189 : vector<1x16xf32> to vector<16xf32>
      %add3A_1191 = arith.addf %add3A_1047, %get3A_1190 : vector<16xf32>
      %mul3A_1192 = arith.constant 8 : i32
      %mul3A_1193 = arith.muli %scan3A_213, %mul3A_1192 : i32
      %add3A_1194 = arith.constant 6 : i32
      %add3A_1195 = arith.addi %mul3A_1193, %add3A_1194 : i32
      %get3A_1196 = arith.index_cast %add3A_1195 : i32 to index
      %get3A_1197 = arith.constant 176 : index
      %get3A_1198 = tpu.vector_load %arg4[%get3A_1196, %get3A_1197] {strides = array<i32>} : memref<128x256xf32, #tpu.memory_space<vmem>>, vector<1x16xf32>,
      %get3A_1199 = vector.shape_cast %get3A_1198 : vector<1x16xf32> to vector<16xf32>
      %add3A_1200 = arith.addf %add3A_1056, %get3A_1199 : vector<16xf32>
      %mul3A_1201 = arith.constant 8 : i32
      %mul3A_1202 = arith.muli %scan3A_213, %mul3A_1201 : i32
      %add3A_1203 = arith.constant 6 : i32
      %add3A_1204 = arith.addi %mul3A_1202, %add3A_1203 : i32
      %get3A_1205 = arith.index_cast %add3A_1204 : i32 to index
      %get3A_1206 = arith.constant 192 : index
      %get3A_1207 = tpu.vector_load %arg4[%get3A_1205, %get3A_1206] {strides = array<i32>} : memref<128x256xf32, #tpu.memory_space<vmem>>, vector<1x16xf32>,
      %get3A_1208 = vector.shape_cast %get3A_1207 : vector<1x16xf32> to vector<16xf32>
      %add3A_1209 = arith.addf %add3A_1065, %get3A_1208 : vector<16xf32>
      %mul3A_1210 = arith.constant 8 : i32
      %mul3A_1211 = arith.muli %scan3A_213, %mul3A_1210 : i32
      %add3A_1212 = arith.constant 6 : i32
      %add3A_1213 = arith.addi %mul3A_1211, %add3A_1212 : i32
      %get3A_1214 = arith.index_cast %add3A_1213 : i32 to index
      %get3A_1215 = arith.constant 208 : index
      %get3A_1216 = tpu.vector_load %arg4[%get3A_1214, %get3A_1215] {strides = array<i32>} : memref<128x256xf32, #tpu.memory_space<vmem>>, vector<1x16xf32>,
      %get3A_1217 = vector.shape_cast %get3A_1216 : vector<1x16xf32> to vector<16xf32>
      %add3A_1218 = arith.addf %add3A_1074, %get3A_1217 : vector<16xf32>
      %mul3A_1219 = arith.constant 8 : i32
      %mul3A_1220 = arith.muli %scan3A_213, %mul3A_1219 : i32
      %add3A_1221 = arith.constant 6 : i32
      %add3A_1222 = arith.addi %mul3A_1220, %add3A_1221 : i32
      %get3A_1223 = arith.index_cast %add3A_1222 : i32 to index
      %get3A_1224 = arith.constant 224 : index
      %get3A_1225 = tpu.vector_load %arg4[%get3A_1223, %get3A_1224] {strides = array<i32>} : memref<128x256xf32, #tpu.memory_space<vmem>>, vector<1x16xf32>,
      %get3A_1226 = vector.shape_cast %get3A_1225 : vector<1x16xf32> to vector<16xf32>
      %add3A_1227 = arith.addf %add3A_1083, %get3A_1226 : vector<16xf32>
      %mul3A_1228 = arith.constant 8 : i32
      %mul3A_1229 = arith.muli %scan3A_213, %mul3A_1228 : i32
      %add3A_1230 = arith.constant 6 : i32
      %add3A_1231 = arith.addi %mul3A_1229, %add3A_1230 : i32
      %get3A_1232 = arith.index_cast %add3A_1231 : i32 to index
      %get3A_1233 = arith.constant 240 : index
      %get3A_1234 = tpu.vector_load %arg4[%get3A_1232, %get3A_1233] {strides = array<i32>} : memref<128x256xf32, #tpu.memory_space<vmem>>, vector<1x16xf32>,
      %get3A_1235 = vector.shape_cast %get3A_1234 : vector<1x16xf32> to vector<16xf32>
      %add3A_1236 = arith.addf %add3A_1092, %get3A_1235 : vector<16xf32>
      %mul3A_1237 = arith.constant 8 : i32
      %mul3A_1238 = arith.muli %scan3A_213, %mul3A_1237 : i32
      %add3A_1239 = arith.constant 7 : i32
      %add3A_1240 = arith.addi %mul3A_1238, %add3A_1239 : i32
      %get3A_1241 = arith.index_cast %add3A_1240 : i32 to index
      %get3A_1242 = arith.constant 0 : index
      %get3A_1243 = tpu.vector_load %arg4[%get3A_1241, %get3A_1242] {strides = array<i32>} : memref<128x256xf32, #tpu.memory_space<vmem>>, vector<1x16xf32>,
      %get3A_1244 = vector.shape_cast %get3A_1243 : vector<1x16xf32> to vector<16xf32>
      %add3A_1245 = arith.addf %add3A_1101, %get3A_1244 : vector<16xf32>
      %mul3A_1246 = arith.constant 8 : i32
      %mul3A_1247 = arith.muli %scan3A_213, %mul3A_1246 : i32
      %add3A_1248 = arith.constant 7 : i32
      %add3A_1249 = arith.addi %mul3A_1247, %add3A_1248 : i32
      %get3A_1250 = arith.index_cast %add3A_1249 : i32 to index
      %get3A_1251 = arith.constant 16 : index
      %get3A_1252 = tpu.vector_load %arg4[%get3A_1250, %get3A_1251] {strides = array<i32>} : memref<128x256xf32, #tpu.memory_space<vmem>>, vector<1x16xf32>,
      %get3A_1253 = vector.shape_cast %get3A_1252 : vector<1x16xf32> to vector<16xf32>
      %add3A_1254 = arith.addf %add3A_1110, %get3A_1253 : vector<16xf32>
      %mul3A_1255 = arith.constant 8 : i32
      %mul3A_1256 = arith.muli %scan3A_213, %mul3A_1255 : i32
      %add3A_1257 = arith.constant 7 : i32
      %add3A_1258 = arith.addi %mul3A_1256, %add3A_1257 : i32
      %get3A_1259 = arith.index_cast %add3A_1258 : i32 to index
      %get3A_1260 = arith.constant 32 : index
      %get3A_1261 = tpu.vector_load %arg4[%get3A_1259, %get3A_1260] {strides = array<i32>} : memref<128x256xf32, #tpu.memory_space<vmem>>, vector<1x16xf32>,
      %get3A_1262 = vector.shape_cast %get3A_1261 : vector<1x16xf32> to vector<16xf32>
      %add3A_1263 = arith.addf %add3A_1119, %get3A_1262 : vector<16xf32>
      %mul3A_1264 = arith.constant 8 : i32
      %mul3A_1265 = arith.muli %scan3A_213, %mul3A_1264 : i32
      %add3A_1266 = arith.constant 7 : i32
      %add3A_1267 = arith.addi %mul3A_1265, %add3A_1266 : i32
      %get3A_1268 = arith.index_cast %add3A_1267 : i32 to index
      %get3A_1269 = arith.constant 48 : index
      %get3A_1270 = tpu.vector_load %arg4[%get3A_1268, %get3A_1269] {strides = array<i32>} : memref<128x256xf32, #tpu.memory_space<vmem>>, vector<1x16xf32>,
      %get3A_1271 = vector.shape_cast %get3A_1270 : vector<1x16xf32> to vector<16xf32>
      %add3A_1272 = arith.addf %add3A_1128, %get3A_1271 : vector<16xf32>
      %mul3A_1273 = arith.constant 8 : i32
      %mul3A_1274 = arith.muli %scan3A_213, %mul3A_1273 : i32
      %add3A_1275 = arith.constant 7 : i32
      %add3A_1276 = arith.addi %mul3A_1274, %add3A_1275 : i32
      %get3A_1277 = arith.index_cast %add3A_1276 : i32 to index
      %get3A_1278 = arith.constant 64 : index
      %get3A_1279 = tpu.vector_load %arg4[%get3A_1277, %get3A_1278] {strides = array<i32>} : memref<128x256xf32, #tpu.memory_space<vmem>>, vector<1x16xf32>,
      %get3A_1280 = vector.shape_cast %get3A_1279 : vector<1x16xf32> to vector<16xf32>
      %add3A_1281 = arith.addf %add3A_1137, %get3A_1280 : vector<16xf32>
      %mul3A_1282 = arith.constant 8 : i32
      %mul3A_1283 = arith.muli %scan3A_213, %mul3A_1282 : i32
      %add3A_1284 = arith.constant 7 : i32
      %add3A_1285 = arith.addi %mul3A_1283, %add3A_1284 : i32
      %get3A_1286 = arith.index_cast %add3A_1285 : i32 to index
      %get3A_1287 = arith.constant 80 : index
      %get3A_1288 = tpu.vector_load %arg4[%get3A_1286, %get3A_1287] {strides = array<i32>} : memref<128x256xf32, #tpu.memory_space<vmem>>, vector<1x16xf32>,
      %get3A_1289 = vector.shape_cast %get3A_1288 : vector<1x16xf32> to vector<16xf32>
      %add3A_1290 = arith.addf %add3A_1146, %get3A_1289 : vector<16xf32>
      %mul3A_1291 = arith.constant 8 : i32
      %mul3A_1292 = arith.muli %scan3A_213, %mul3A_1291 : i32
      %add3A_1293 = arith.constant 7 : i32
      %add3A_1294 = arith.addi %mul3A_1292, %add3A_1293 : i32
      %get3A_1295 = arith.index_cast %add3A_1294 : i32 to index
      %get3A_1296 = arith.constant 96 : index
      %get3A_1297 = tpu.vector_load %arg4[%get3A_1295, %get3A_1296] {strides = array<i32>} : memref<128x256xf32, #tpu.memory_space<vmem>>, vector<1x16xf32>,
      %get3A_1298 = vector.shape_cast %get3A_1297 : vector<1x16xf32> to vector<16xf32>
      %add3A_1299 = arith.addf %add3A_1155, %get3A_1298 : vector<16xf32>
      %mul3A_1300 = arith.constant 8 : i32
      %mul3A_1301 = arith.muli %scan3A_213, %mul3A_1300 : i32
      %add3A_1302 = arith.constant 7 : i32
      %add3A_1303 = arith.addi %mul3A_1301, %add3A_1302 : i32
      %get3A_1304 = arith.index_cast %add3A_1303 : i32 to index
      %get3A_1305 = arith.constant 112 : index
      %get3A_1306 = tpu.vector_load %arg4[%get3A_1304, %get3A_1305] {strides = array<i32>} : memref<128x256xf32, #tpu.memory_space<vmem>>, vector<1x16xf32>,
      %get3A_1307 = vector.shape_cast %get3A_1306 : vector<1x16xf32> to vector<16xf32>
      %add3A_1308 = arith.addf %add3A_1164, %get3A_1307 : vector<16xf32>
      %mul3A_1309 = arith.constant 8 : i32
      %mul3A_1310 = arith.muli %scan3A_213, %mul3A_1309 : i32
      %add3A_1311 = arith.constant 7 : i32
      %add3A_1312 = arith.addi %mul3A_1310, %add3A_1311 : i32
      %get3A_1313 = arith.index_cast %add3A_1312 : i32 to index
      %get3A_1314 = arith.constant 128 : index
      %get3A_1315 = tpu.vector_load %arg4[%get3A_1313, %get3A_1314] {strides = array<i32>} : memref<128x256xf32, #tpu.memory_space<vmem>>, vector<1x16xf32>,
      %get3A_1316 = vector.shape_cast %get3A_1315 : vector<1x16xf32> to vector<16xf32>
      %add3A_1317 = arith.addf %add3A_1173, %get3A_1316 : vector<16xf32>
      %mul3A_1318 = arith.constant 8 : i32
      %mul3A_1319 = arith.muli %scan3A_213, %mul3A_1318 : i32
      %add3A_1320 = arith.constant 7 : i32
      %add3A_1321 = arith.addi %mul3A_1319, %add3A_1320 : i32
      %get3A_1322 = arith.index_cast %add3A_1321 : i32 to index
      %get3A_1323 = arith.constant 144 : index
      %get3A_1324 = tpu.vector_load %arg4[%get3A_1322, %get3A_1323] {strides = array<i32>} : memref<128x256xf32, #tpu.memory_space<vmem>>, vector<1x16xf32>,
      %get3A_1325 = vector.shape_cast %get3A_1324 : vector<1x16xf32> to vector<16xf32>
      %add3A_1326 = arith.addf %add3A_1182, %get3A_1325 : vector<16xf32>
      %mul3A_1327 = arith.constant 8 : i32
      %mul3A_1328 = arith.muli %scan3A_213, %mul3A_1327 : i32
      %add3A_1329 = arith.constant 7 : i32
      %add3A_1330 = arith.addi %mul3A_1328, %add3A_1329 : i32
      %get3A_1331 = arith.index_cast %add3A_1330 : i32 to index
      %get3A_1332 = arith.constant 160 : index
      %get3A_1333 = tpu.vector_load %arg4[%get3A_1331, %get3A_1332] {strides = array<i32>} : memref<128x256xf32, #tpu.memory_space<vmem>>, vector<1x16xf32>,
      %get3A_1334 = vector.shape_cast %get3A_1333 : vector<1x16xf32> to vector<16xf32>
      %add3A_1335 = arith.addf %add3A_1191, %get3A_1334 : vector<16xf32>
      %mul3A_1336 = arith.constant 8 : i32
      %mul3A_1337 = arith.muli %scan3A_213, %mul3A_1336 : i32
      %add3A_1338 = arith.constant 7 : i32
      %add3A_1339 = arith.addi %mul3A_1337, %add3A_1338 : i32
      %get3A_1340 = arith.index_cast %add3A_1339 : i32 to index
      %get3A_1341 = arith.constant 176 : index
      %get3A_1342 = tpu.vector_load %arg4[%get3A_1340, %get3A_1341] {strides = array<i32>} : memref<128x256xf32, #tpu.memory_space<vmem>>, vector<1x16xf32>,
      %get3A_1343 = vector.shape_cast %get3A_1342 : vector<1x16xf32> to vector<16xf32>
      %add3A_1344 = arith.addf %add3A_1200, %get3A_1343 : vector<16xf32>
      %mul3A_1345 = arith.constant 8 : i32
      %mul3A_1346 = arith.muli %scan3A_213, %mul3A_1345 : i32
      %add3A_1347 = arith.constant 7 : i32
      %add3A_1348 = arith.addi %mul3A_1346, %add3A_1347 : i32
      %get3A_1349 = arith.index_cast %add3A_1348 : i32 to index
      %get3A_1350 = arith.constant 192 : index
      %get3A_1351 = tpu.vector_load %arg4[%get3A_1349, %get3A_1350] {strides = array<i32>} : memref<128x256xf32, #tpu.memory_space<vmem>>, vector<1x16xf32>,
      %get3A_1352 = vector.shape_cast %get3A_1351 : vector<1x16xf32> to vector<16xf32>
      %add3A_1353 = arith.addf %add3A_1209, %get3A_1352 : vector<16xf32>
      %mul3A_1354 = arith.constant 8 : i32
      %mul3A_1355 = arith.muli %scan3A_213, %mul3A_1354 : i32
      %add3A_1356 = arith.constant 7 : i32
      %add3A_1357 = arith.addi %mul3A_1355, %add3A_1356 : i32
      %get3A_1358 = arith.index_cast %add3A_1357 : i32 to index
      %get3A_1359 = arith.constant 208 : index
      %get3A_1360 = tpu.vector_load %arg4[%get3A_1358, %get3A_1359] {strides = array<i32>} : memref<128x256xf32, #tpu.memory_space<vmem>>, vector<1x16xf32>,
      %get3A_1361 = vector.shape_cast %get3A_1360 : vector<1x16xf32> to vector<16xf32>
      %add3A_1362 = arith.addf %add3A_1218, %get3A_1361 : vector<16xf32>
      %mul3A_1363 = arith.constant 8 : i32
      %mul3A_1364 = arith.muli %scan3A_213, %mul3A_1363 : i32
      %add3A_1365 = arith.constant 7 : i32
      %add3A_1366 = arith.addi %mul3A_1364, %add3A_1365 : i32
      %get3A_1367 = arith.index_cast %add3A_1366 : i32 to index
      %get3A_1368 = arith.constant 224 : index
      %get3A_1369 = tpu.vector_load %arg4[%get3A_1367, %get3A_1368] {strides = array<i32>} : memref<128x256xf32, #tpu.memory_space<vmem>>, vector<1x16xf32>,
      %get3A_1370 = vector.shape_cast %get3A_1369 : vector<1x16xf32> to vector<16xf32>
      %add3A_1371 = arith.addf %add3A_1227, %get3A_1370 : vector<16xf32>
      %mul3A_1372 = arith.constant 8 : i32
      %mul3A_1373 = arith.muli %scan3A_213, %mul3A_1372 : i32
      %add3A_1374 = arith.constant 7 : i32
      %add3A_1375 = arith.addi %mul3A_1373, %add3A_1374 : i32
      %get3A_1376 = arith.index_cast %add3A_1375 : i32 to index
      %get3A_1377 = arith.constant 240 : index
      %get3A_1378 = tpu.vector_load %arg4[%get3A_1376, %get3A_1377] {strides = array<i32>} : memref<128x256xf32, #tpu.memory_space<vmem>>, vector<1x16xf32>,
      %get3A_1379 = vector.shape_cast %get3A_1378 : vector<1x16xf32> to vector<16xf32>
      %add3A_1380 = arith.addf %add3A_1236, %get3A_1379 : vector<16xf32>
      scf.yield %add3A_1245, %add3A_1254, %add3A_1263, %add3A_1272, %add3A_1281, %add3A_1290, %add3A_1299, %add3A_1308, %add3A_1317, %add3A_1326, %add3A_1335, %add3A_1344, %add3A_1353, %add3A_1362, %add3A_1371, %add3A_1380 : vector<16xf32>, vector<16xf32>, vector<16xf32>, vector<16xf32>, vector<16xf32>, vector<16xf32>, vector<16xf32>, vector<16xf32>, vector<16xf32>, vector<16xf32>, vector<16xf32>, vector<16xf32>, vector<16xf32>, vector<16xf32>, vector<16xf32>, vector<16xf32>
    }
    %scan3A_102 = arith.constant 16 : i32
    %add3A_103 = arith.constant 384 : i32
    %add3A_104 = arith.addi %mul3A_38, %add3A_103 : i32
    %dma_start3A_105 = arith.constant 0 : i32
    %dma_start3A_106 = tpu.memref_slice %arg2[%add3A_36, %add3A_104, %dma_start3A_105] : memref<64x4096x256xf32, #tpu.memory_space<hbm>> -> memref<1x128x256xf32, #tpu.memory_space<hbm>>
    %dma_start3A_107 = tpu.memref_squeeze %dma_start3A_106 : memref<1x128x256xf32, #tpu.memory_space<hbm>> -> memref<128x256xf32, #tpu.memory_space<hbm>>
    %dma_start3A_108 = arith.constant 0 : i32
    %dma_start3A_109 = tpu.memref_slice %arg2[%add3A_36, %add3A_104, %dma_start3A_108] : memref<64x4096x256xf32, #tpu.memory_space<hbm>> -> memref<1x128x256xf32, #tpu.memory_space<hbm>>
    %dma_start3A_110 = tpu.memref_squeeze %dma_start3A_109 : memref<1x128x256xf32, #tpu.memory_space<hbm>> -> memref<128x256xf32, #tpu.memory_space<hbm>>
    tpu.enqueue_dma source(%dma_start3A_110 : memref<128x256xf32, #tpu.memory_space<hbm>>) target(%arg4 : memref<128x256xf32, #tpu.memory_space<vmem>>) target_semaphore(%arg8 : memref<!tpu.dma_semaphore, #tpu.memory_space<semaphore_mem>>)
    %dma_wait3A_111 = arith.constant 0 : i32
    %dma_wait3A_112 = tpu.memref_slice %arg2[%add3A_36, %add3A_78, %dma_wait3A_111] : memref<64x4096x256xf32, #tpu.memory_space<hbm>> -> memref<1x128x256xf32, #tpu.memory_space<hbm>>
    %dma_wait3A_113 = tpu.memref_squeeze %dma_wait3A_112 : memref<1x128x256xf32, #tpu.memory_space<hbm>> -> memref<128x256xf32, #tpu.memory_space<hbm>>
    %dma_wait3A_114 = arith.constant 0 : i32
    %dma_wait3A_115 = tpu.memref_slice %arg2[%add3A_36, %add3A_78, %dma_wait3A_114] : memref<64x4096x256xf32, #tpu.memory_space<hbm>> -> memref<1x128x256xf32, #tpu.memory_space<hbm>>
    %dma_wait3A_116 = tpu.memref_squeeze %dma_wait3A_115 : memref<1x128x256xf32, #tpu.memory_space<hbm>> -> memref<128x256xf32, #tpu.memory_space<hbm>>
    tpu.wait_dma2 semaphore(%arg9 : memref<!tpu.dma_semaphore, #tpu.memory_space<semaphore_mem>>) src(%dma_wait3A_116 : memref<128x256xf32, #tpu.memory_space<hbm>>) dst(%arg5 : memref<128x256xf32, #tpu.memory_space<vmem>>)
    %scan3A_117 = arith.constant 0 : i32
    %scan3A_118 = arith.constant 16 : i32
    %scan3A_119 = arith.addi %scan3A_117, %scan3A_118 : i32
    %scan3A_120 = arith.constant 1 : i32
    %scan3A_121:16 = scf.for %scan3A_213 = %scan3A_117 to %scan3A_119 step %scan3A_120 iter_args(%scan3A_214 = %scan3A_101#0, %scan3A_215 = %scan3A_101#1, %scan3A_216 = %scan3A_101#2, %scan3A_217 = %scan3A_101#3, %scan3A_218 = %scan3A_101#4, %scan3A_219 = %scan3A_101#5, %scan3A_220 = %scan3A_101#6, %scan3A_221 = %scan3A_101#7, %scan3A_222 = %scan3A_101#8, %scan3A_223 = %scan3A_101#9, %scan3A_224 = %scan3A_101#10, %scan3A_225 = %scan3A_101#11, %scan3A_226 = %scan3A_101#12, %scan3A_227 = %scan3A_101#13, %scan3A_228 = %scan3A_101#14, %scan3A_229 = %scan3A_101#15) -> (vector<16xf32>, vector<16xf32>, vector<16xf32>, vector<16xf32>, vector<16xf32>, vector<16xf32>, vector<16xf32>, vector<16xf32>, vector<16xf32>, vector<16xf32>, vector<16xf32>, vector<16xf32>, vector<16xf32>, vector<16xf32>, vector<16xf32>, vector<16xf32>)  : i32 {
      %mul3A_230 = arith.constant 8 : i32
      %mul3A_231 = arith.muli %scan3A_213, %mul3A_230 : i32
      %add3A_232 = arith.constant 0 : i32
      %add3A_233 = arith.addi %mul3A_231, %add3A_232 : i32
      %get3A = arith.index_cast %add3A_233 : i32 to index
      %get3A_234 = arith.constant 0 : index
      %get3A_235 = tpu.vector_load %arg5[%get3A, %get3A_234] {strides = array<i32>} : memref<128x256xf32, #tpu.memory_space<vmem>>, vector<1x16xf32>,
      %get3A_236 = vector.shape_cast %get3A_235 : vector<1x16xf32> to vector<16xf32>
      %add3A_237 = arith.addf %scan3A_214, %get3A_236 : vector<16xf32>
      %mul3A_238 = arith.constant 8 : i32
      %mul3A_239 = arith.muli %scan3A_213, %mul3A_238 : i32
      %add3A_240 = arith.constant 0 : i32
      %add3A_241 = arith.addi %mul3A_239, %add3A_240 : i32
      %get3A_242 = arith.index_cast %add3A_241 : i32 to index
      %get3A_243 = arith.constant 16 : index
      %get3A_244 = tpu.vector_load %arg5[%get3A_242, %get3A_243] {strides = array<i32>} : memref<128x256xf32, #tpu.memory_space<vmem>>, vector<1x16xf32>,
      %get3A_245 = vector.shape_cast %get3A_244 : vector<1x16xf32> to vector<16xf32>
      %add3A_246 = arith.addf %scan3A_215, %get3A_245 : vector<16xf32>
      %mul3A_247 = arith.constant 8 : i32
      %mul3A_248 = arith.muli %scan3A_213, %mul3A_247 : i32
      %add3A_249 = arith.constant 0 : i32
      %add3A_250 = arith.addi %mul3A_248, %add3A_249 : i32
      %get3A_251 = arith.index_cast %add3A_250 : i32 to index
      %get3A_252 = arith.constant 32 : index
      %get3A_253 = tpu.vector_load %arg5[%get3A_251, %get3A_252] {strides = array<i32>} : memref<128x256xf32, #tpu.memory_space<vmem>>, vector<1x16xf32>,
      %get3A_254 = vector.shape_cast %get3A_253 : vector<1x16xf32> to vector<16xf32>
      %add3A_255 = arith.addf %scan3A_216, %get3A_254 : vector<16xf32>
      %mul3A_256 = arith.constant 8 : i32
      %mul3A_257 = arith.muli %scan3A_213, %mul3A_256 : i32
      %add3A_258 = arith.constant 0 : i32
      %add3A_259 = arith.addi %mul3A_257, %add3A_258 : i32
      %get3A_260 = arith.index_cast %add3A_259 : i32 to index
      %get3A_261 = arith.constant 48 : index
      %get3A_262 = tpu.vector_load %arg5[%get3A_260, %get3A_261] {strides = array<i32>} : memref<128x256xf32, #tpu.memory_space<vmem>>, vector<1x16xf32>,
      %get3A_263 = vector.shape_cast %get3A_262 : vector<1x16xf32> to vector<16xf32>
      %add3A_264 = arith.addf %scan3A_217, %get3A_263 : vector<16xf32>
      %mul3A_265 = arith.constant 8 : i32
      %mul3A_266 = arith.muli %scan3A_213, %mul3A_265 : i32
      %add3A_267 = arith.constant 0 : i32
      %add3A_268 = arith.addi %mul3A_266, %add3A_267 : i32
      %get3A_269 = arith.index_cast %add3A_268 : i32 to index
      %get3A_270 = arith.constant 64 : index
      %get3A_271 = tpu.vector_load %arg5[%get3A_269, %get3A_270] {strides = array<i32>} : memref<128x256xf32, #tpu.memory_space<vmem>>, vector<1x16xf32>,
      %get3A_272 = vector.shape_cast %get3A_271 : vector<1x16xf32> to vector<16xf32>
      %add3A_273 = arith.addf %scan3A_218, %get3A_272 : vector<16xf32>
      %mul3A_274 = arith.constant 8 : i32
      %mul3A_275 = arith.muli %scan3A_213, %mul3A_274 : i32
      %add3A_276 = arith.constant 0 : i32
      %add3A_277 = arith.addi %mul3A_275, %add3A_276 : i32
      %get3A_278 = arith.index_cast %add3A_277 : i32 to index
      %get3A_279 = arith.constant 80 : index
      %get3A_280 = tpu.vector_load %arg5[%get3A_278, %get3A_279] {strides = array<i32>} : memref<128x256xf32, #tpu.memory_space<vmem>>, vector<1x16xf32>,
      %get3A_281 = vector.shape_cast %get3A_280 : vector<1x16xf32> to vector<16xf32>
      %add3A_282 = arith.addf %scan3A_219, %get3A_281 : vector<16xf32>
      %mul3A_283 = arith.constant 8 : i32
      %mul3A_284 = arith.muli %scan3A_213, %mul3A_283 : i32
      %add3A_285 = arith.constant 0 : i32
      %add3A_286 = arith.addi %mul3A_284, %add3A_285 : i32
      %get3A_287 = arith.index_cast %add3A_286 : i32 to index
      %get3A_288 = arith.constant 96 : index
      %get3A_289 = tpu.vector_load %arg5[%get3A_287, %get3A_288] {strides = array<i32>} : memref<128x256xf32, #tpu.memory_space<vmem>>, vector<1x16xf32>,
      %get3A_290 = vector.shape_cast %get3A_289 : vector<1x16xf32> to vector<16xf32>
      %add3A_291 = arith.addf %scan3A_220, %get3A_290 : vector<16xf32>
      %mul3A_292 = arith.constant 8 : i32
      %mul3A_293 = arith.muli %scan3A_213, %mul3A_292 : i32
      %add3A_294 = arith.constant 0 : i32
      %add3A_295 = arith.addi %mul3A_293, %add3A_294 : i32
      %get3A_296 = arith.index_cast %add3A_295 : i32 to index
      %get3A_297 = arith.constant 112 : index
      %get3A_298 = tpu.vector_load %arg5[%get3A_296, %get3A_297] {strides = array<i32>} : memref<128x256xf32, #tpu.memory_space<vmem>>, vector<1x16xf32>,
      %get3A_299 = vector.shape_cast %get3A_298 : vector<1x16xf32> to vector<16xf32>
      %add3A_300 = arith.addf %scan3A_221, %get3A_299 : vector<16xf32>
      %mul3A_301 = arith.constant 8 : i32
      %mul3A_302 = arith.muli %scan3A_213, %mul3A_301 : i32
      %add3A_303 = arith.constant 0 : i32
      %add3A_304 = arith.addi %mul3A_302, %add3A_303 : i32
      %get3A_305 = arith.index_cast %add3A_304 : i32 to index
      %get3A_306 = arith.constant 128 : index
      %get3A_307 = tpu.vector_load %arg5[%get3A_305, %get3A_306] {strides = array<i32>} : memref<128x256xf32, #tpu.memory_space<vmem>>, vector<1x16xf32>,
      %get3A_308 = vector.shape_cast %get3A_307 : vector<1x16xf32> to vector<16xf32>
      %add3A_309 = arith.addf %scan3A_222, %get3A_308 : vector<16xf32>
      %mul3A_310 = arith.constant 8 : i32
      %mul3A_311 = arith.muli %scan3A_213, %mul3A_310 : i32
      %add3A_312 = arith.constant 0 : i32
      %add3A_313 = arith.addi %mul3A_311, %add3A_312 : i32
      %get3A_314 = arith.index_cast %add3A_313 : i32 to index
      %get3A_315 = arith.constant 144 : index
      %get3A_316 = tpu.vector_load %arg5[%get3A_314, %get3A_315] {strides = array<i32>} : memref<128x256xf32, #tpu.memory_space<vmem>>, vector<1x16xf32>,
      %get3A_317 = vector.shape_cast %get3A_316 : vector<1x16xf32> to vector<16xf32>
      %add3A_318 = arith.addf %scan3A_223, %get3A_317 : vector<16xf32>
      %mul3A_319 = arith.constant 8 : i32
      %mul3A_320 = arith.muli %scan3A_213, %mul3A_319 : i32
      %add3A_321 = arith.constant 0 : i32
      %add3A_322 = arith.addi %mul3A_320, %add3A_321 : i32
      %get3A_323 = arith.index_cast %add3A_322 : i32 to index
      %get3A_324 = arith.constant 160 : index
      %get3A_325 = tpu.vector_load %arg5[%get3A_323, %get3A_324] {strides = array<i32>} : memref<128x256xf32, #tpu.memory_space<vmem>>, vector<1x16xf32>,
      %get3A_326 = vector.shape_cast %get3A_325 : vector<1x16xf32> to vector<16xf32>
      %add3A_327 = arith.addf %scan3A_224, %get3A_326 : vector<16xf32>
      %mul3A_328 = arith.constant 8 : i32
      %mul3A_329 = arith.muli %scan3A_213, %mul3A_328 : i32
      %add3A_330 = arith.constant 0 : i32
      %add3A_331 = arith.addi %mul3A_329, %add3A_330 : i32
      %get3A_332 = arith.index_cast %add3A_331 : i32 to index
      %get3A_333 = arith.constant 176 : index
      %get3A_334 = tpu.vector_load %arg5[%get3A_332, %get3A_333] {strides = array<i32>} : memref<128x256xf32, #tpu.memory_space<vmem>>, vector<1x16xf32>,
      %get3A_335 = vector.shape_cast %get3A_334 : vector<1x16xf32> to vector<16xf32>
      %add3A_336 = arith.addf %scan3A_225, %get3A_335 : vector<16xf32>
      %mul3A_337 = arith.constant 8 : i32
      %mul3A_338 = arith.muli %scan3A_213, %mul3A_337 : i32
      %add3A_339 = arith.constant 0 : i32
      %add3A_340 = arith.addi %mul3A_338, %add3A_339 : i32
      %get3A_341 = arith.index_cast %add3A_340 : i32 to index
      %get3A_342 = arith.constant 192 : index
      %get3A_343 = tpu.vector_load %arg5[%get3A_341, %get3A_342] {strides = array<i32>} : memref<128x256xf32, #tpu.memory_space<vmem>>, vector<1x16xf32>,
      %get3A_344 = vector.shape_cast %get3A_343 : vector<1x16xf32> to vector<16xf32>
      %add3A_345 = arith.addf %scan3A_226, %get3A_344 : vector<16xf32>
      %mul3A_346 = arith.constant 8 : i32
      %mul3A_347 = arith.muli %scan3A_213, %mul3A_346 : i32
      %add3A_348 = arith.constant 0 : i32
      %add3A_349 = arith.addi %mul3A_347, %add3A_348 : i32
      %get3A_350 = arith.index_cast %add3A_349 : i32 to index
      %get3A_351 = arith.constant 208 : index
      %get3A_352 = tpu.vector_load %arg5[%get3A_350, %get3A_351] {strides = array<i32>} : memref<128x256xf32, #tpu.memory_space<vmem>>, vector<1x16xf32>,
      %get3A_353 = vector.shape_cast %get3A_352 : vector<1x16xf32> to vector<16xf32>
      %add3A_354 = arith.addf %scan3A_227, %get3A_353 : vector<16xf32>
      %mul3A_355 = arith.constant 8 : i32
      %mul3A_356 = arith.muli %scan3A_213, %mul3A_355 : i32
      %add3A_357 = arith.constant 0 : i32
      %add3A_358 = arith.addi %mul3A_356, %add3A_357 : i32
      %get3A_359 = arith.index_cast %add3A_358 : i32 to index
      %get3A_360 = arith.constant 224 : index
      %get3A_361 = tpu.vector_load %arg5[%get3A_359, %get3A_360] {strides = array<i32>} : memref<128x256xf32, #tpu.memory_space<vmem>>, vector<1x16xf32>,
      %get3A_362 = vector.shape_cast %get3A_361 : vector<1x16xf32> to vector<16xf32>
      %add3A_363 = arith.addf %scan3A_228, %get3A_362 : vector<16xf32>
      %mul3A_364 = arith.constant 8 : i32
      %mul3A_365 = arith.muli %scan3A_213, %mul3A_364 : i32
      %add3A_366 = arith.constant 0 : i32
      %add3A_367 = arith.addi %mul3A_365, %add3A_366 : i32
      %get3A_368 = arith.index_cast %add3A_367 : i32 to index
      %get3A_369 = arith.constant 240 : index
      %get3A_370 = tpu.vector_load %arg5[%get3A_368, %get3A_369] {strides = array<i32>} : memref<128x256xf32, #tpu.memory_space<vmem>>, vector<1x16xf32>,
      %get3A_371 = vector.shape_cast %get3A_370 : vector<1x16xf32> to vector<16xf32>
      %add3A_372 = arith.addf %scan3A_229, %get3A_371 : vector<16xf32>
      %mul3A_373 = arith.constant 8 : i32
      %mul3A_374 = arith.muli %scan3A_213, %mul3A_373 : i32
      %add3A_375 = arith.constant 1 : i32
      %add3A_376 = arith.addi %mul3A_374, %add3A_375 : i32
      %get3A_377 = arith.index_cast %add3A_376 : i32 to index
      %get3A_378 = arith.constant 0 : index
      %get3A_379 = tpu.vector_load %arg5[%get3A_377, %get3A_378] {strides = array<i32>} : memref<128x256xf32, #tpu.memory_space<vmem>>, vector<1x16xf32>,
      %get3A_380 = vector.shape_cast %get3A_379 : vector<1x16xf32> to vector<16xf32>
      %add3A_381 = arith.addf %add3A_237, %get3A_380 : vector<16xf32>
      %mul3A_382 = arith.constant 8 : i32
      %mul3A_383 = arith.muli %scan3A_213, %mul3A_382 : i32
      %add3A_384 = arith.constant 1 : i32
      %add3A_385 = arith.addi %mul3A_383, %add3A_384 : i32
      %get3A_386 = arith.index_cast %add3A_385 : i32 to index
      %get3A_387 = arith.constant 16 : index
      %get3A_388 = tpu.vector_load %arg5[%get3A_386, %get3A_387] {strides = array<i32>} : memref<128x256xf32, #tpu.memory_space<vmem>>, vector<1x16xf32>,
      %get3A_389 = vector.shape_cast %get3A_388 : vector<1x16xf32> to vector<16xf32>
      %add3A_390 = arith.addf %add3A_246, %get3A_389 : vector<16xf32>
      %mul3A_391 = arith.constant 8 : i32
      %mul3A_392 = arith.muli %scan3A_213, %mul3A_391 : i32
      %add3A_393 = arith.constant 1 : i32
      %add3A_394 = arith.addi %mul3A_392, %add3A_393 : i32
      %get3A_395 = arith.index_cast %add3A_394 : i32 to index
      %get3A_396 = arith.constant 32 : index
      %get3A_397 = tpu.vector_load %arg5[%get3A_395, %get3A_396] {strides = array<i32>} : memref<128x256xf32, #tpu.memory_space<vmem>>, vector<1x16xf32>,
      %get3A_398 = vector.shape_cast %get3A_397 : vector<1x16xf32> to vector<16xf32>
      %add3A_399 = arith.addf %add3A_255, %get3A_398 : vector<16xf32>
      %mul3A_400 = arith.constant 8 : i32
      %mul3A_401 = arith.muli %scan3A_213, %mul3A_400 : i32
      %add3A_402 = arith.constant 1 : i32
      %add3A_403 = arith.addi %mul3A_401, %add3A_402 : i32
      %get3A_404 = arith.index_cast %add3A_403 : i32 to index
      %get3A_405 = arith.constant 48 : index
      %get3A_406 = tpu.vector_load %arg5[%get3A_404, %get3A_405] {strides = array<i32>} : memref<128x256xf32, #tpu.memory_space<vmem>>, vector<1x16xf32>,
      %get3A_407 = vector.shape_cast %get3A_406 : vector<1x16xf32> to vector<16xf32>
      %add3A_408 = arith.addf %add3A_264, %get3A_407 : vector<16xf32>
      %mul3A_409 = arith.constant 8 : i32
      %mul3A_410 = arith.muli %scan3A_213, %mul3A_409 : i32
      %add3A_411 = arith.constant 1 : i32
      %add3A_412 = arith.addi %mul3A_410, %add3A_411 : i32
      %get3A_413 = arith.index_cast %add3A_412 : i32 to index
      %get3A_414 = arith.constant 64 : index
      %get3A_415 = tpu.vector_load %arg5[%get3A_413, %get3A_414] {strides = array<i32>} : memref<128x256xf32, #tpu.memory_space<vmem>>, vector<1x16xf32>,
      %get3A_416 = vector.shape_cast %get3A_415 : vector<1x16xf32> to vector<16xf32>
      %add3A_417 = arith.addf %add3A_273, %get3A_416 : vector<16xf32>
      %mul3A_418 = arith.constant 8 : i32
      %mul3A_419 = arith.muli %scan3A_213, %mul3A_418 : i32
      %add3A_420 = arith.constant 1 : i32
      %add3A_421 = arith.addi %mul3A_419, %add3A_420 : i32
      %get3A_422 = arith.index_cast %add3A_421 : i32 to index
      %get3A_423 = arith.constant 80 : index
      %get3A_424 = tpu.vector_load %arg5[%get3A_422, %get3A_423] {strides = array<i32>} : memref<128x256xf32, #tpu.memory_space<vmem>>, vector<1x16xf32>,
      %get3A_425 = vector.shape_cast %get3A_424 : vector<1x16xf32> to vector<16xf32>
      %add3A_426 = arith.addf %add3A_282, %get3A_425 : vector<16xf32>
      %mul3A_427 = arith.constant 8 : i32
      %mul3A_428 = arith.muli %scan3A_213, %mul3A_427 : i32
      %add3A_429 = arith.constant 1 : i32
      %add3A_430 = arith.addi %mul3A_428, %add3A_429 : i32
      %get3A_431 = arith.index_cast %add3A_430 : i32 to index
      %get3A_432 = arith.constant 96 : index
      %get3A_433 = tpu.vector_load %arg5[%get3A_431, %get3A_432] {strides = array<i32>} : memref<128x256xf32, #tpu.memory_space<vmem>>, vector<1x16xf32>,
      %get3A_434 = vector.shape_cast %get3A_433 : vector<1x16xf32> to vector<16xf32>
      %add3A_435 = arith.addf %add3A_291, %get3A_434 : vector<16xf32>
      %mul3A_436 = arith.constant 8 : i32
      %mul3A_437 = arith.muli %scan3A_213, %mul3A_436 : i32
      %add3A_438 = arith.constant 1 : i32
      %add3A_439 = arith.addi %mul3A_437, %add3A_438 : i32
      %get3A_440 = arith.index_cast %add3A_439 : i32 to index
      %get3A_441 = arith.constant 112 : index
      %get3A_442 = tpu.vector_load %arg5[%get3A_440, %get3A_441] {strides = array<i32>} : memref<128x256xf32, #tpu.memory_space<vmem>>, vector<1x16xf32>,
      %get3A_443 = vector.shape_cast %get3A_442 : vector<1x16xf32> to vector<16xf32>
      %add3A_444 = arith.addf %add3A_300, %get3A_443 : vector<16xf32>
      %mul3A_445 = arith.constant 8 : i32
      %mul3A_446 = arith.muli %scan3A_213, %mul3A_445 : i32
      %add3A_447 = arith.constant 1 : i32
      %add3A_448 = arith.addi %mul3A_446, %add3A_447 : i32
      %get3A_449 = arith.index_cast %add3A_448 : i32 to index
      %get3A_450 = arith.constant 128 : index
      %get3A_451 = tpu.vector_load %arg5[%get3A_449, %get3A_450] {strides = array<i32>} : memref<128x256xf32, #tpu.memory_space<vmem>>, vector<1x16xf32>,
      %get3A_452 = vector.shape_cast %get3A_451 : vector<1x16xf32> to vector<16xf32>
      %add3A_453 = arith.addf %add3A_309, %get3A_452 : vector<16xf32>
      %mul3A_454 = arith.constant 8 : i32
      %mul3A_455 = arith.muli %scan3A_213, %mul3A_454 : i32
      %add3A_456 = arith.constant 1 : i32
      %add3A_457 = arith.addi %mul3A_455, %add3A_456 : i32
      %get3A_458 = arith.index_cast %add3A_457 : i32 to index
      %get3A_459 = arith.constant 144 : index
      %get3A_460 = tpu.vector_load %arg5[%get3A_458, %get3A_459] {strides = array<i32>} : memref<128x256xf32, #tpu.memory_space<vmem>>, vector<1x16xf32>,
      %get3A_461 = vector.shape_cast %get3A_460 : vector<1x16xf32> to vector<16xf32>
      %add3A_462 = arith.addf %add3A_318, %get3A_461 : vector<16xf32>
      %mul3A_463 = arith.constant 8 : i32
      %mul3A_464 = arith.muli %scan3A_213, %mul3A_463 : i32
      %add3A_465 = arith.constant 1 : i32
      %add3A_466 = arith.addi %mul3A_464, %add3A_465 : i32
      %get3A_467 = arith.index_cast %add3A_466 : i32 to index
      %get3A_468 = arith.constant 160 : index
      %get3A_469 = tpu.vector_load %arg5[%get3A_467, %get3A_468] {strides = array<i32>} : memref<128x256xf32, #tpu.memory_space<vmem>>, vector<1x16xf32>,
      %get3A_470 = vector.shape_cast %get3A_469 : vector<1x16xf32> to vector<16xf32>
      %add3A_471 = arith.addf %add3A_327, %get3A_470 : vector<16xf32>
      %mul3A_472 = arith.constant 8 : i32
      %mul3A_473 = arith.muli %scan3A_213, %mul3A_472 : i32
      %add3A_474 = arith.constant 1 : i32
      %add3A_475 = arith.addi %mul3A_473, %add3A_474 : i32
      %get3A_476 = arith.index_cast %add3A_475 : i32 to index
      %get3A_477 = arith.constant 176 : index
      %get3A_478 = tpu.vector_load %arg5[%get3A_476, %get3A_477] {strides = array<i32>} : memref<128x256xf32, #tpu.memory_space<vmem>>, vector<1x16xf32>,
      %get3A_479 = vector.shape_cast %get3A_478 : vector<1x16xf32> to vector<16xf32>
      %add3A_480 = arith.addf %add3A_336, %get3A_479 : vector<16xf32>
      %mul3A_481 = arith.constant 8 : i32
      %mul3A_482 = arith.muli %scan3A_213, %mul3A_481 : i32
      %add3A_483 = arith.constant 1 : i32
      %add3A_484 = arith.addi %mul3A_482, %add3A_483 : i32
      %get3A_485 = arith.index_cast %add3A_484 : i32 to index
      %get3A_486 = arith.constant 192 : index
      %get3A_487 = tpu.vector_load %arg5[%get3A_485, %get3A_486] {strides = array<i32>} : memref<128x256xf32, #tpu.memory_space<vmem>>, vector<1x16xf32>,
      %get3A_488 = vector.shape_cast %get3A_487 : vector<1x16xf32> to vector<16xf32>
      %add3A_489 = arith.addf %add3A_345, %get3A_488 : vector<16xf32>
      %mul3A_490 = arith.constant 8 : i32
      %mul3A_491 = arith.muli %scan3A_213, %mul3A_490 : i32
      %add3A_492 = arith.constant 1 : i32
      %add3A_493 = arith.addi %mul3A_491, %add3A_492 : i32
      %get3A_494 = arith.index_cast %add3A_493 : i32 to index
      %get3A_495 = arith.constant 208 : index
      %get3A_496 = tpu.vector_load %arg5[%get3A_494, %get3A_495] {strides = array<i32>} : memref<128x256xf32, #tpu.memory_space<vmem>>, vector<1x16xf32>,
      %get3A_497 = vector.shape_cast %get3A_496 : vector<1x16xf32> to vector<16xf32>
      %add3A_498 = arith.addf %add3A_354, %get3A_497 : vector<16xf32>
      %mul3A_499 = arith.constant 8 : i32
      %mul3A_500 = arith.muli %scan3A_213, %mul3A_499 : i32
      %add3A_501 = arith.constant 1 : i32
      %add3A_502 = arith.addi %mul3A_500, %add3A_501 : i32
      %get3A_503 = arith.index_cast %add3A_502 : i32 to index
      %get3A_504 = arith.constant 224 : index
      %get3A_505 = tpu.vector_load %arg5[%get3A_503, %get3A_504] {strides = array<i32>} : memref<128x256xf32, #tpu.memory_space<vmem>>, vector<1x16xf32>,
      %get3A_506 = vector.shape_cast %get3A_505 : vector<1x16xf32> to vector<16xf32>
      %add3A_507 = arith.addf %add3A_363, %get3A_506 : vector<16xf32>
      %mul3A_508 = arith.constant 8 : i32
      %mul3A_509 = arith.muli %scan3A_213, %mul3A_508 : i32
      %add3A_510 = arith.constant 1 : i32
      %add3A_511 = arith.addi %mul3A_509, %add3A_510 : i32
      %get3A_512 = arith.index_cast %add3A_511 : i32 to index
      %get3A_513 = arith.constant 240 : index
      %get3A_514 = tpu.vector_load %arg5[%get3A_512, %get3A_513] {strides = array<i32>} : memref<128x256xf32, #tpu.memory_space<vmem>>, vector<1x16xf32>,
      %get3A_515 = vector.shape_cast %get3A_514 : vector<1x16xf32> to vector<16xf32>
      %add3A_516 = arith.addf %add3A_372, %get3A_515 : vector<16xf32>
      %mul3A_517 = arith.constant 8 : i32
      %mul3A_518 = arith.muli %scan3A_213, %mul3A_517 : i32
      %add3A_519 = arith.constant 2 : i32
      %add3A_520 = arith.addi %mul3A_518, %add3A_519 : i32
      %get3A_521 = arith.index_cast %add3A_520 : i32 to index
      %get3A_522 = arith.constant 0 : index
      %get3A_523 = tpu.vector_load %arg5[%get3A_521, %get3A_522] {strides = array<i32>} : memref<128x256xf32, #tpu.memory_space<vmem>>, vector<1x16xf32>,
      %get3A_524 = vector.shape_cast %get3A_523 : vector<1x16xf32> to vector<16xf32>
      %add3A_525 = arith.addf %add3A_381, %get3A_524 : vector<16xf32>
      %mul3A_526 = arith.constant 8 : i32
      %mul3A_527 = arith.muli %scan3A_213, %mul3A_526 : i32
      %add3A_528 = arith.constant 2 : i32
      %add3A_529 = arith.addi %mul3A_527, %add3A_528 : i32
      %get3A_530 = arith.index_cast %add3A_529 : i32 to index
      %get3A_531 = arith.constant 16 : index
      %get3A_532 = tpu.vector_load %arg5[%get3A_530, %get3A_531] {strides = array<i32>} : memref<128x256xf32, #tpu.memory_space<vmem>>, vector<1x16xf32>,
      %get3A_533 = vector.shape_cast %get3A_532 : vector<1x16xf32> to vector<16xf32>
      %add3A_534 = arith.addf %add3A_390, %get3A_533 : vector<16xf32>
      %mul3A_535 = arith.constant 8 : i32
      %mul3A_536 = arith.muli %scan3A_213, %mul3A_535 : i32
      %add3A_537 = arith.constant 2 : i32
      %add3A_538 = arith.addi %mul3A_536, %add3A_537 : i32
      %get3A_539 = arith.index_cast %add3A_538 : i32 to index
      %get3A_540 = arith.constant 32 : index
      %get3A_541 = tpu.vector_load %arg5[%get3A_539, %get3A_540] {strides = array<i32>} : memref<128x256xf32, #tpu.memory_space<vmem>>, vector<1x16xf32>,
      %get3A_542 = vector.shape_cast %get3A_541 : vector<1x16xf32> to vector<16xf32>
      %add3A_543 = arith.addf %add3A_399, %get3A_542 : vector<16xf32>
      %mul3A_544 = arith.constant 8 : i32
      %mul3A_545 = arith.muli %scan3A_213, %mul3A_544 : i32
      %add3A_546 = arith.constant 2 : i32
      %add3A_547 = arith.addi %mul3A_545, %add3A_546 : i32
      %get3A_548 = arith.index_cast %add3A_547 : i32 to index
      %get3A_549 = arith.constant 48 : index
      %get3A_550 = tpu.vector_load %arg5[%get3A_548, %get3A_549] {strides = array<i32>} : memref<128x256xf32, #tpu.memory_space<vmem>>, vector<1x16xf32>,
      %get3A_551 = vector.shape_cast %get3A_550 : vector<1x16xf32> to vector<16xf32>
      %add3A_552 = arith.addf %add3A_408, %get3A_551 : vector<16xf32>
      %mul3A_553 = arith.constant 8 : i32
      %mul3A_554 = arith.muli %scan3A_213, %mul3A_553 : i32
      %add3A_555 = arith.constant 2 : i32
      %add3A_556 = arith.addi %mul3A_554, %add3A_555 : i32
      %get3A_557 = arith.index_cast %add3A_556 : i32 to index
      %get3A_558 = arith.constant 64 : index
      %get3A_559 = tpu.vector_load %arg5[%get3A_557, %get3A_558] {strides = array<i32>} : memref<128x256xf32, #tpu.memory_space<vmem>>, vector<1x16xf32>,
      %get3A_560 = vector.shape_cast %get3A_559 : vector<1x16xf32> to vector<16xf32>
      %add3A_561 = arith.addf %add3A_417, %get3A_560 : vector<16xf32>
      %mul3A_562 = arith.constant 8 : i32
      %mul3A_563 = arith.muli %scan3A_213, %mul3A_562 : i32
      %add3A_564 = arith.constant 2 : i32
      %add3A_565 = arith.addi %mul3A_563, %add3A_564 : i32
      %get3A_566 = arith.index_cast %add3A_565 : i32 to index
      %get3A_567 = arith.constant 80 : index
      %get3A_568 = tpu.vector_load %arg5[%get3A_566, %get3A_567] {strides = array<i32>} : memref<128x256xf32, #tpu.memory_space<vmem>>, vector<1x16xf32>,
      %get3A_569 = vector.shape_cast %get3A_568 : vector<1x16xf32> to vector<16xf32>
      %add3A_570 = arith.addf %add3A_426, %get3A_569 : vector<16xf32>
      %mul3A_571 = arith.constant 8 : i32
      %mul3A_572 = arith.muli %scan3A_213, %mul3A_571 : i32
      %add3A_573 = arith.constant 2 : i32
      %add3A_574 = arith.addi %mul3A_572, %add3A_573 : i32
      %get3A_575 = arith.index_cast %add3A_574 : i32 to index
      %get3A_576 = arith.constant 96 : index
      %get3A_577 = tpu.vector_load %arg5[%get3A_575, %get3A_576] {strides = array<i32>} : memref<128x256xf32, #tpu.memory_space<vmem>>, vector<1x16xf32>,
      %get3A_578 = vector.shape_cast %get3A_577 : vector<1x16xf32> to vector<16xf32>
      %add3A_579 = arith.addf %add3A_435, %get3A_578 : vector<16xf32>
      %mul3A_580 = arith.constant 8 : i32
      %mul3A_581 = arith.muli %scan3A_213, %mul3A_580 : i32
      %add3A_582 = arith.constant 2 : i32
      %add3A_583 = arith.addi %mul3A_581, %add3A_582 : i32
      %get3A_584 = arith.index_cast %add3A_583 : i32 to index
      %get3A_585 = arith.constant 112 : index
      %get3A_586 = tpu.vector_load %arg5[%get3A_584, %get3A_585] {strides = array<i32>} : memref<128x256xf32, #tpu.memory_space<vmem>>, vector<1x16xf32>,
      %get3A_587 = vector.shape_cast %get3A_586 : vector<1x16xf32> to vector<16xf32>
      %add3A_588 = arith.addf %add3A_444, %get3A_587 : vector<16xf32>
      %mul3A_589 = arith.constant 8 : i32
      %mul3A_590 = arith.muli %scan3A_213, %mul3A_589 : i32
      %add3A_591 = arith.constant 2 : i32
      %add3A_592 = arith.addi %mul3A_590, %add3A_591 : i32
      %get3A_593 = arith.index_cast %add3A_592 : i32 to index
      %get3A_594 = arith.constant 128 : index
      %get3A_595 = tpu.vector_load %arg5[%get3A_593, %get3A_594] {strides = array<i32>} : memref<128x256xf32, #tpu.memory_space<vmem>>, vector<1x16xf32>,
      %get3A_596 = vector.shape_cast %get3A_595 : vector<1x16xf32> to vector<16xf32>
      %add3A_597 = arith.addf %add3A_453, %get3A_596 : vector<16xf32>
      %mul3A_598 = arith.constant 8 : i32
      %mul3A_599 = arith.muli %scan3A_213, %mul3A_598 : i32
      %add3A_600 = arith.constant 2 : i32
      %add3A_601 = arith.addi %mul3A_599, %add3A_600 : i32
      %get3A_602 = arith.index_cast %add3A_601 : i32 to index
      %get3A_603 = arith.constant 144 : index
      %get3A_604 = tpu.vector_load %arg5[%get3A_602, %get3A_603] {strides = array<i32>} : memref<128x256xf32, #tpu.memory_space<vmem>>, vector<1x16xf32>,
      %get3A_605 = vector.shape_cast %get3A_604 : vector<1x16xf32> to vector<16xf32>
      %add3A_606 = arith.addf %add3A_462, %get3A_605 : vector<16xf32>
      %mul3A_607 = arith.constant 8 : i32
      %mul3A_608 = arith.muli %scan3A_213, %mul3A_607 : i32
      %add3A_609 = arith.constant 2 : i32
      %add3A_610 = arith.addi %mul3A_608, %add3A_609 : i32
      %get3A_611 = arith.index_cast %add3A_610 : i32 to index
      %get3A_612 = arith.constant 160 : index
      %get3A_613 = tpu.vector_load %arg5[%get3A_611, %get3A_612] {strides = array<i32>} : memref<128x256xf32, #tpu.memory_space<vmem>>, vector<1x16xf32>,
      %get3A_614 = vector.shape_cast %get3A_613 : vector<1x16xf32> to vector<16xf32>
      %add3A_615 = arith.addf %add3A_471, %get3A_614 : vector<16xf32>
      %mul3A_616 = arith.constant 8 : i32
      %mul3A_617 = arith.muli %scan3A_213, %mul3A_616 : i32
      %add3A_618 = arith.constant 2 : i32
      %add3A_619 = arith.addi %mul3A_617, %add3A_618 : i32
      %get3A_620 = arith.index_cast %add3A_619 : i32 to index
      %get3A_621 = arith.constant 176 : index
      %get3A_622 = tpu.vector_load %arg5[%get3A_620, %get3A_621] {strides = array<i32>} : memref<128x256xf32, #tpu.memory_space<vmem>>, vector<1x16xf32>,
      %get3A_623 = vector.shape_cast %get3A_622 : vector<1x16xf32> to vector<16xf32>
      %add3A_624 = arith.addf %add3A_480, %get3A_623 : vector<16xf32>
      %mul3A_625 = arith.constant 8 : i32
      %mul3A_626 = arith.muli %scan3A_213, %mul3A_625 : i32
      %add3A_627 = arith.constant 2 : i32
      %add3A_628 = arith.addi %mul3A_626, %add3A_627 : i32
      %get3A_629 = arith.index_cast %add3A_628 : i32 to index
      %get3A_630 = arith.constant 192 : index
      %get3A_631 = tpu.vector_load %arg5[%get3A_629, %get3A_630] {strides = array<i32>} : memref<128x256xf32, #tpu.memory_space<vmem>>, vector<1x16xf32>,
      %get3A_632 = vector.shape_cast %get3A_631 : vector<1x16xf32> to vector<16xf32>
      %add3A_633 = arith.addf %add3A_489, %get3A_632 : vector<16xf32>
      %mul3A_634 = arith.constant 8 : i32
      %mul3A_635 = arith.muli %scan3A_213, %mul3A_634 : i32
      %add3A_636 = arith.constant 2 : i32
      %add3A_637 = arith.addi %mul3A_635, %add3A_636 : i32
      %get3A_638 = arith.index_cast %add3A_637 : i32 to index
      %get3A_639 = arith.constant 208 : index
      %get3A_640 = tpu.vector_load %arg5[%get3A_638, %get3A_639] {strides = array<i32>} : memref<128x256xf32, #tpu.memory_space<vmem>>, vector<1x16xf32>,
      %get3A_641 = vector.shape_cast %get3A_640 : vector<1x16xf32> to vector<16xf32>
      %add3A_642 = arith.addf %add3A_498, %get3A_641 : vector<16xf32>
      %mul3A_643 = arith.constant 8 : i32
      %mul3A_644 = arith.muli %scan3A_213, %mul3A_643 : i32
      %add3A_645 = arith.constant 2 : i32
      %add3A_646 = arith.addi %mul3A_644, %add3A_645 : i32
      %get3A_647 = arith.index_cast %add3A_646 : i32 to index
      %get3A_648 = arith.constant 224 : index
      %get3A_649 = tpu.vector_load %arg5[%get3A_647, %get3A_648] {strides = array<i32>} : memref<128x256xf32, #tpu.memory_space<vmem>>, vector<1x16xf32>,
      %get3A_650 = vector.shape_cast %get3A_649 : vector<1x16xf32> to vector<16xf32>
      %add3A_651 = arith.addf %add3A_507, %get3A_650 : vector<16xf32>
      %mul3A_652 = arith.constant 8 : i32
      %mul3A_653 = arith.muli %scan3A_213, %mul3A_652 : i32
      %add3A_654 = arith.constant 2 : i32
      %add3A_655 = arith.addi %mul3A_653, %add3A_654 : i32
      %get3A_656 = arith.index_cast %add3A_655 : i32 to index
      %get3A_657 = arith.constant 240 : index
      %get3A_658 = tpu.vector_load %arg5[%get3A_656, %get3A_657] {strides = array<i32>} : memref<128x256xf32, #tpu.memory_space<vmem>>, vector<1x16xf32>,
      %get3A_659 = vector.shape_cast %get3A_658 : vector<1x16xf32> to vector<16xf32>
      %add3A_660 = arith.addf %add3A_516, %get3A_659 : vector<16xf32>
      %mul3A_661 = arith.constant 8 : i32
      %mul3A_662 = arith.muli %scan3A_213, %mul3A_661 : i32
      %add3A_663 = arith.constant 3 : i32
      %add3A_664 = arith.addi %mul3A_662, %add3A_663 : i32
      %get3A_665 = arith.index_cast %add3A_664 : i32 to index
      %get3A_666 = arith.constant 0 : index
      %get3A_667 = tpu.vector_load %arg5[%get3A_665, %get3A_666] {strides = array<i32>} : memref<128x256xf32, #tpu.memory_space<vmem>>, vector<1x16xf32>,
      %get3A_668 = vector.shape_cast %get3A_667 : vector<1x16xf32> to vector<16xf32>
      %add3A_669 = arith.addf %add3A_525, %get3A_668 : vector<16xf32>
      %mul3A_670 = arith.constant 8 : i32
      %mul3A_671 = arith.muli %scan3A_213, %mul3A_670 : i32
      %add3A_672 = arith.constant 3 : i32
      %add3A_673 = arith.addi %mul3A_671, %add3A_672 : i32
      %get3A_674 = arith.index_cast %add3A_673 : i32 to index
      %get3A_675 = arith.constant 16 : index
      %get3A_676 = tpu.vector_load %arg5[%get3A_674, %get3A_675] {strides = array<i32>} : memref<128x256xf32, #tpu.memory_space<vmem>>, vector<1x16xf32>,
      %get3A_677 = vector.shape_cast %get3A_676 : vector<1x16xf32> to vector<16xf32>
      %add3A_678 = arith.addf %add3A_534, %get3A_677 : vector<16xf32>
      %mul3A_679 = arith.constant 8 : i32
      %mul3A_680 = arith.muli %scan3A_213, %mul3A_679 : i32
      %add3A_681 = arith.constant 3 : i32
      %add3A_682 = arith.addi %mul3A_680, %add3A_681 : i32
      %get3A_683 = arith.index_cast %add3A_682 : i32 to index
      %get3A_684 = arith.constant 32 : index
      %get3A_685 = tpu.vector_load %arg5[%get3A_683, %get3A_684] {strides = array<i32>} : memref<128x256xf32, #tpu.memory_space<vmem>>, vector<1x16xf32>,
      %get3A_686 = vector.shape_cast %get3A_685 : vector<1x16xf32> to vector<16xf32>
      %add3A_687 = arith.addf %add3A_543, %get3A_686 : vector<16xf32>
      %mul3A_688 = arith.constant 8 : i32
      %mul3A_689 = arith.muli %scan3A_213, %mul3A_688 : i32
      %add3A_690 = arith.constant 3 : i32
      %add3A_691 = arith.addi %mul3A_689, %add3A_690 : i32
      %get3A_692 = arith.index_cast %add3A_691 : i32 to index
      %get3A_693 = arith.constant 48 : index
      %get3A_694 = tpu.vector_load %arg5[%get3A_692, %get3A_693] {strides = array<i32>} : memref<128x256xf32, #tpu.memory_space<vmem>>, vector<1x16xf32>,
      %get3A_695 = vector.shape_cast %get3A_694 : vector<1x16xf32> to vector<16xf32>
      %add3A_696 = arith.addf %add3A_552, %get3A_695 : vector<16xf32>
      %mul3A_697 = arith.constant 8 : i32
      %mul3A_698 = arith.muli %scan3A_213, %mul3A_697 : i32
      %add3A_699 = arith.constant 3 : i32
      %add3A_700 = arith.addi %mul3A_698, %add3A_699 : i32
      %get3A_701 = arith.index_cast %add3A_700 : i32 to index
      %get3A_702 = arith.constant 64 : index
      %get3A_703 = tpu.vector_load %arg5[%get3A_701, %get3A_702] {strides = array<i32>} : memref<128x256xf32, #tpu.memory_space<vmem>>, vector<1x16xf32>,
      %get3A_704 = vector.shape_cast %get3A_703 : vector<1x16xf32> to vector<16xf32>
      %add3A_705 = arith.addf %add3A_561, %get3A_704 : vector<16xf32>
      %mul3A_706 = arith.constant 8 : i32
      %mul3A_707 = arith.muli %scan3A_213, %mul3A_706 : i32
      %add3A_708 = arith.constant 3 : i32
      %add3A_709 = arith.addi %mul3A_707, %add3A_708 : i32
      %get3A_710 = arith.index_cast %add3A_709 : i32 to index
      %get3A_711 = arith.constant 80 : index
      %get3A_712 = tpu.vector_load %arg5[%get3A_710, %get3A_711] {strides = array<i32>} : memref<128x256xf32, #tpu.memory_space<vmem>>, vector<1x16xf32>,
      %get3A_713 = vector.shape_cast %get3A_712 : vector<1x16xf32> to vector<16xf32>
      %add3A_714 = arith.addf %add3A_570, %get3A_713 : vector<16xf32>
      %mul3A_715 = arith.constant 8 : i32
      %mul3A_716 = arith.muli %scan3A_213, %mul3A_715 : i32
      %add3A_717 = arith.constant 3 : i32
      %add3A_718 = arith.addi %mul3A_716, %add3A_717 : i32
      %get3A_719 = arith.index_cast %add3A_718 : i32 to index
      %get3A_720 = arith.constant 96 : index
      %get3A_721 = tpu.vector_load %arg5[%get3A_719, %get3A_720] {strides = array<i32>} : memref<128x256xf32, #tpu.memory_space<vmem>>, vector<1x16xf32>,
      %get3A_722 = vector.shape_cast %get3A_721 : vector<1x16xf32> to vector<16xf32>
      %add3A_723 = arith.addf %add3A_579, %get3A_722 : vector<16xf32>
      %mul3A_724 = arith.constant 8 : i32
      %mul3A_725 = arith.muli %scan3A_213, %mul3A_724 : i32
      %add3A_726 = arith.constant 3 : i32
      %add3A_727 = arith.addi %mul3A_725, %add3A_726 : i32
      %get3A_728 = arith.index_cast %add3A_727 : i32 to index
      %get3A_729 = arith.constant 112 : index
      %get3A_730 = tpu.vector_load %arg5[%get3A_728, %get3A_729] {strides = array<i32>} : memref<128x256xf32, #tpu.memory_space<vmem>>, vector<1x16xf32>,
      %get3A_731 = vector.shape_cast %get3A_730 : vector<1x16xf32> to vector<16xf32>
      %add3A_732 = arith.addf %add3A_588, %get3A_731 : vector<16xf32>
      %mul3A_733 = arith.constant 8 : i32
      %mul3A_734 = arith.muli %scan3A_213, %mul3A_733 : i32
      %add3A_735 = arith.constant 3 : i32
      %add3A_736 = arith.addi %mul3A_734, %add3A_735 : i32
      %get3A_737 = arith.index_cast %add3A_736 : i32 to index
      %get3A_738 = arith.constant 128 : index
      %get3A_739 = tpu.vector_load %arg5[%get3A_737, %get3A_738] {strides = array<i32>} : memref<128x256xf32, #tpu.memory_space<vmem>>, vector<1x16xf32>,
      %get3A_740 = vector.shape_cast %get3A_739 : vector<1x16xf32> to vector<16xf32>
      %add3A_741 = arith.addf %add3A_597, %get3A_740 : vector<16xf32>
      %mul3A_742 = arith.constant 8 : i32
      %mul3A_743 = arith.muli %scan3A_213, %mul3A_742 : i32
      %add3A_744 = arith.constant 3 : i32
      %add3A_745 = arith.addi %mul3A_743, %add3A_744 : i32
      %get3A_746 = arith.index_cast %add3A_745 : i32 to index
      %get3A_747 = arith.constant 144 : index
      %get3A_748 = tpu.vector_load %arg5[%get3A_746, %get3A_747] {strides = array<i32>} : memref<128x256xf32, #tpu.memory_space<vmem>>, vector<1x16xf32>,
      %get3A_749 = vector.shape_cast %get3A_748 : vector<1x16xf32> to vector<16xf32>
      %add3A_750 = arith.addf %add3A_606, %get3A_749 : vector<16xf32>
      %mul3A_751 = arith.constant 8 : i32
      %mul3A_752 = arith.muli %scan3A_213, %mul3A_751 : i32
      %add3A_753 = arith.constant 3 : i32
      %add3A_754 = arith.addi %mul3A_752, %add3A_753 : i32
      %get3A_755 = arith.index_cast %add3A_754 : i32 to index
      %get3A_756 = arith.constant 160 : index
      %get3A_757 = tpu.vector_load %arg5[%get3A_755, %get3A_756] {strides = array<i32>} : memref<128x256xf32, #tpu.memory_space<vmem>>, vector<1x16xf32>,
      %get3A_758 = vector.shape_cast %get3A_757 : vector<1x16xf32> to vector<16xf32>
      %add3A_759 = arith.addf %add3A_615, %get3A_758 : vector<16xf32>
      %mul3A_760 = arith.constant 8 : i32
      %mul3A_761 = arith.muli %scan3A_213, %mul3A_760 : i32
      %add3A_762 = arith.constant 3 : i32
      %add3A_763 = arith.addi %mul3A_761, %add3A_762 : i32
      %get3A_764 = arith.index_cast %add3A_763 : i32 to index
      %get3A_765 = arith.constant 176 : index
      %get3A_766 = tpu.vector_load %arg5[%get3A_764, %get3A_765] {strides = array<i32>} : memref<128x256xf32, #tpu.memory_space<vmem>>, vector<1x16xf32>,
      %get3A_767 = vector.shape_cast %get3A_766 : vector<1x16xf32> to vector<16xf32>
      %add3A_768 = arith.addf %add3A_624, %get3A_767 : vector<16xf32>
      %mul3A_769 = arith.constant 8 : i32
      %mul3A_770 = arith.muli %scan3A_213, %mul3A_769 : i32
      %add3A_771 = arith.constant 3 : i32
      %add3A_772 = arith.addi %mul3A_770, %add3A_771 : i32
      %get3A_773 = arith.index_cast %add3A_772 : i32 to index
      %get3A_774 = arith.constant 192 : index
      %get3A_775 = tpu.vector_load %arg5[%get3A_773, %get3A_774] {strides = array<i32>} : memref<128x256xf32, #tpu.memory_space<vmem>>, vector<1x16xf32>,
      %get3A_776 = vector.shape_cast %get3A_775 : vector<1x16xf32> to vector<16xf32>
      %add3A_777 = arith.addf %add3A_633, %get3A_776 : vector<16xf32>
      %mul3A_778 = arith.constant 8 : i32
      %mul3A_779 = arith.muli %scan3A_213, %mul3A_778 : i32
      %add3A_780 = arith.constant 3 : i32
      %add3A_781 = arith.addi %mul3A_779, %add3A_780 : i32
      %get3A_782 = arith.index_cast %add3A_781 : i32 to index
      %get3A_783 = arith.constant 208 : index
      %get3A_784 = tpu.vector_load %arg5[%get3A_782, %get3A_783] {strides = array<i32>} : memref<128x256xf32, #tpu.memory_space<vmem>>, vector<1x16xf32>,
      %get3A_785 = vector.shape_cast %get3A_784 : vector<1x16xf32> to vector<16xf32>
      %add3A_786 = arith.addf %add3A_642, %get3A_785 : vector<16xf32>
      %mul3A_787 = arith.constant 8 : i32
      %mul3A_788 = arith.muli %scan3A_213, %mul3A_787 : i32
      %add3A_789 = arith.constant 3 : i32
      %add3A_790 = arith.addi %mul3A_788, %add3A_789 : i32
      %get3A_791 = arith.index_cast %add3A_790 : i32 to index
      %get3A_792 = arith.constant 224 : index
      %get3A_793 = tpu.vector_load %arg5[%get3A_791, %get3A_792] {strides = array<i32>} : memref<128x256xf32, #tpu.memory_space<vmem>>, vector<1x16xf32>,
      %get3A_794 = vector.shape_cast %get3A_793 : vector<1x16xf32> to vector<16xf32>
      %add3A_795 = arith.addf %add3A_651, %get3A_794 : vector<16xf32>
      %mul3A_796 = arith.constant 8 : i32
      %mul3A_797 = arith.muli %scan3A_213, %mul3A_796 : i32
      %add3A_798 = arith.constant 3 : i32
      %add3A_799 = arith.addi %mul3A_797, %add3A_798 : i32
      %get3A_800 = arith.index_cast %add3A_799 : i32 to index
      %get3A_801 = arith.constant 240 : index
      %get3A_802 = tpu.vector_load %arg5[%get3A_800, %get3A_801] {strides = array<i32>} : memref<128x256xf32, #tpu.memory_space<vmem>>, vector<1x16xf32>,
      %get3A_803 = vector.shape_cast %get3A_802 : vector<1x16xf32> to vector<16xf32>
      %add3A_804 = arith.addf %add3A_660, %get3A_803 : vector<16xf32>
      %mul3A_805 = arith.constant 8 : i32
      %mul3A_806 = arith.muli %scan3A_213, %mul3A_805 : i32
      %add3A_807 = arith.constant 4 : i32
      %add3A_808 = arith.addi %mul3A_806, %add3A_807 : i32
      %get3A_809 = arith.index_cast %add3A_808 : i32 to index
      %get3A_810 = arith.constant 0 : index
      %get3A_811 = tpu.vector_load %arg5[%get3A_809, %get3A_810] {strides = array<i32>} : memref<128x256xf32, #tpu.memory_space<vmem>>, vector<1x16xf32>,
      %get3A_812 = vector.shape_cast %get3A_811 : vector<1x16xf32> to vector<16xf32>
      %add3A_813 = arith.addf %add3A_669, %get3A_812 : vector<16xf32>
      %mul3A_814 = arith.constant 8 : i32
      %mul3A_815 = arith.muli %scan3A_213, %mul3A_814 : i32
      %add3A_816 = arith.constant 4 : i32
      %add3A_817 = arith.addi %mul3A_815, %add3A_816 : i32
      %get3A_818 = arith.index_cast %add3A_817 : i32 to index
      %get3A_819 = arith.constant 16 : index
      %get3A_820 = tpu.vector_load %arg5[%get3A_818, %get3A_819] {strides = array<i32>} : memref<128x256xf32, #tpu.memory_space<vmem>>, vector<1x16xf32>,
      %get3A_821 = vector.shape_cast %get3A_820 : vector<1x16xf32> to vector<16xf32>
      %add3A_822 = arith.addf %add3A_678, %get3A_821 : vector<16xf32>
      %mul3A_823 = arith.constant 8 : i32
      %mul3A_824 = arith.muli %scan3A_213, %mul3A_823 : i32
      %add3A_825 = arith.constant 4 : i32
      %add3A_826 = arith.addi %mul3A_824, %add3A_825 : i32
      %get3A_827 = arith.index_cast %add3A_826 : i32 to index
      %get3A_828 = arith.constant 32 : index
      %get3A_829 = tpu.vector_load %arg5[%get3A_827, %get3A_828] {strides = array<i32>} : memref<128x256xf32, #tpu.memory_space<vmem>>, vector<1x16xf32>,
      %get3A_830 = vector.shape_cast %get3A_829 : vector<1x16xf32> to vector<16xf32>
      %add3A_831 = arith.addf %add3A_687, %get3A_830 : vector<16xf32>
      %mul3A_832 = arith.constant 8 : i32
      %mul3A_833 = arith.muli %scan3A_213, %mul3A_832 : i32
      %add3A_834 = arith.constant 4 : i32
      %add3A_835 = arith.addi %mul3A_833, %add3A_834 : i32
      %get3A_836 = arith.index_cast %add3A_835 : i32 to index
      %get3A_837 = arith.constant 48 : index
      %get3A_838 = tpu.vector_load %arg5[%get3A_836, %get3A_837] {strides = array<i32>} : memref<128x256xf32, #tpu.memory_space<vmem>>, vector<1x16xf32>,
      %get3A_839 = vector.shape_cast %get3A_838 : vector<1x16xf32> to vector<16xf32>
      %add3A_840 = arith.addf %add3A_696, %get3A_839 : vector<16xf32>
      %mul3A_841 = arith.constant 8 : i32
      %mul3A_842 = arith.muli %scan3A_213, %mul3A_841 : i32
      %add3A_843 = arith.constant 4 : i32
      %add3A_844 = arith.addi %mul3A_842, %add3A_843 : i32
      %get3A_845 = arith.index_cast %add3A_844 : i32 to index
      %get3A_846 = arith.constant 64 : index
      %get3A_847 = tpu.vector_load %arg5[%get3A_845, %get3A_846] {strides = array<i32>} : memref<128x256xf32, #tpu.memory_space<vmem>>, vector<1x16xf32>,
      %get3A_848 = vector.shape_cast %get3A_847 : vector<1x16xf32> to vector<16xf32>
      %add3A_849 = arith.addf %add3A_705, %get3A_848 : vector<16xf32>
      %mul3A_850 = arith.constant 8 : i32
      %mul3A_851 = arith.muli %scan3A_213, %mul3A_850 : i32
      %add3A_852 = arith.constant 4 : i32
      %add3A_853 = arith.addi %mul3A_851, %add3A_852 : i32
      %get3A_854 = arith.index_cast %add3A_853 : i32 to index
      %get3A_855 = arith.constant 80 : index
      %get3A_856 = tpu.vector_load %arg5[%get3A_854, %get3A_855] {strides = array<i32>} : memref<128x256xf32, #tpu.memory_space<vmem>>, vector<1x16xf32>,
      %get3A_857 = vector.shape_cast %get3A_856 : vector<1x16xf32> to vector<16xf32>
      %add3A_858 = arith.addf %add3A_714, %get3A_857 : vector<16xf32>
      %mul3A_859 = arith.constant 8 : i32
      %mul3A_860 = arith.muli %scan3A_213, %mul3A_859 : i32
      %add3A_861 = arith.constant 4 : i32
      %add3A_862 = arith.addi %mul3A_860, %add3A_861 : i32
      %get3A_863 = arith.index_cast %add3A_862 : i32 to index
      %get3A_864 = arith.constant 96 : index
      %get3A_865 = tpu.vector_load %arg5[%get3A_863, %get3A_864] {strides = array<i32>} : memref<128x256xf32, #tpu.memory_space<vmem>>, vector<1x16xf32>,
      %get3A_866 = vector.shape_cast %get3A_865 : vector<1x16xf32> to vector<16xf32>
      %add3A_867 = arith.addf %add3A_723, %get3A_866 : vector<16xf32>
      %mul3A_868 = arith.constant 8 : i32
      %mul3A_869 = arith.muli %scan3A_213, %mul3A_868 : i32
      %add3A_870 = arith.constant 4 : i32
      %add3A_871 = arith.addi %mul3A_869, %add3A_870 : i32
      %get3A_872 = arith.index_cast %add3A_871 : i32 to index
      %get3A_873 = arith.constant 112 : index
      %get3A_874 = tpu.vector_load %arg5[%get3A_872, %get3A_873] {strides = array<i32>} : memref<128x256xf32, #tpu.memory_space<vmem>>, vector<1x16xf32>,
      %get3A_875 = vector.shape_cast %get3A_874 : vector<1x16xf32> to vector<16xf32>
      %add3A_876 = arith.addf %add3A_732, %get3A_875 : vector<16xf32>
      %mul3A_877 = arith.constant 8 : i32
      %mul3A_878 = arith.muli %scan3A_213, %mul3A_877 : i32
      %add3A_879 = arith.constant 4 : i32
      %add3A_880 = arith.addi %mul3A_878, %add3A_879 : i32
      %get3A_881 = arith.index_cast %add3A_880 : i32 to index
      %get3A_882 = arith.constant 128 : index
      %get3A_883 = tpu.vector_load %arg5[%get3A_881, %get3A_882] {strides = array<i32>} : memref<128x256xf32, #tpu.memory_space<vmem>>, vector<1x16xf32>,
      %get3A_884 = vector.shape_cast %get3A_883 : vector<1x16xf32> to vector<16xf32>
      %add3A_885 = arith.addf %add3A_741, %get3A_884 : vector<16xf32>
      %mul3A_886 = arith.constant 8 : i32
      %mul3A_887 = arith.muli %scan3A_213, %mul3A_886 : i32
      %add3A_888 = arith.constant 4 : i32
      %add3A_889 = arith.addi %mul3A_887, %add3A_888 : i32
      %get3A_890 = arith.index_cast %add3A_889 : i32 to index
      %get3A_891 = arith.constant 144 : index
      %get3A_892 = tpu.vector_load %arg5[%get3A_890, %get3A_891] {strides = array<i32>} : memref<128x256xf32, #tpu.memory_space<vmem>>, vector<1x16xf32>,
      %get3A_893 = vector.shape_cast %get3A_892 : vector<1x16xf32> to vector<16xf32>
      %add3A_894 = arith.addf %add3A_750, %get3A_893 : vector<16xf32>
      %mul3A_895 = arith.constant 8 : i32
      %mul3A_896 = arith.muli %scan3A_213, %mul3A_895 : i32
      %add3A_897 = arith.constant 4 : i32
      %add3A_898 = arith.addi %mul3A_896, %add3A_897 : i32
      %get3A_899 = arith.index_cast %add3A_898 : i32 to index
      %get3A_900 = arith.constant 160 : index
      %get3A_901 = tpu.vector_load %arg5[%get3A_899, %get3A_900] {strides = array<i32>} : memref<128x256xf32, #tpu.memory_space<vmem>>, vector<1x16xf32>,
      %get3A_902 = vector.shape_cast %get3A_901 : vector<1x16xf32> to vector<16xf32>
      %add3A_903 = arith.addf %add3A_759, %get3A_902 : vector<16xf32>
      %mul3A_904 = arith.constant 8 : i32
      %mul3A_905 = arith.muli %scan3A_213, %mul3A_904 : i32
      %add3A_906 = arith.constant 4 : i32
      %add3A_907 = arith.addi %mul3A_905, %add3A_906 : i32
      %get3A_908 = arith.index_cast %add3A_907 : i32 to index
      %get3A_909 = arith.constant 176 : index
      %get3A_910 = tpu.vector_load %arg5[%get3A_908, %get3A_909] {strides = array<i32>} : memref<128x256xf32, #tpu.memory_space<vmem>>, vector<1x16xf32>,
      %get3A_911 = vector.shape_cast %get3A_910 : vector<1x16xf32> to vector<16xf32>
      %add3A_912 = arith.addf %add3A_768, %get3A_911 : vector<16xf32>
      %mul3A_913 = arith.constant 8 : i32
      %mul3A_914 = arith.muli %scan3A_213, %mul3A_913 : i32
      %add3A_915 = arith.constant 4 : i32
      %add3A_916 = arith.addi %mul3A_914, %add3A_915 : i32
      %get3A_917 = arith.index_cast %add3A_916 : i32 to index
      %get3A_918 = arith.constant 192 : index
      %get3A_919 = tpu.vector_load %arg5[%get3A_917, %get3A_918] {strides = array<i32>} : memref<128x256xf32, #tpu.memory_space<vmem>>, vector<1x16xf32>,
      %get3A_920 = vector.shape_cast %get3A_919 : vector<1x16xf32> to vector<16xf32>
      %add3A_921 = arith.addf %add3A_777, %get3A_920 : vector<16xf32>
      %mul3A_922 = arith.constant 8 : i32
      %mul3A_923 = arith.muli %scan3A_213, %mul3A_922 : i32
      %add3A_924 = arith.constant 4 : i32
      %add3A_925 = arith.addi %mul3A_923, %add3A_924 : i32
      %get3A_926 = arith.index_cast %add3A_925 : i32 to index
      %get3A_927 = arith.constant 208 : index
      %get3A_928 = tpu.vector_load %arg5[%get3A_926, %get3A_927] {strides = array<i32>} : memref<128x256xf32, #tpu.memory_space<vmem>>, vector<1x16xf32>,
      %get3A_929 = vector.shape_cast %get3A_928 : vector<1x16xf32> to vector<16xf32>
      %add3A_930 = arith.addf %add3A_786, %get3A_929 : vector<16xf32>
      %mul3A_931 = arith.constant 8 : i32
      %mul3A_932 = arith.muli %scan3A_213, %mul3A_931 : i32
      %add3A_933 = arith.constant 4 : i32
      %add3A_934 = arith.addi %mul3A_932, %add3A_933 : i32
      %get3A_935 = arith.index_cast %add3A_934 : i32 to index
      %get3A_936 = arith.constant 224 : index
      %get3A_937 = tpu.vector_load %arg5[%get3A_935, %get3A_936] {strides = array<i32>} : memref<128x256xf32, #tpu.memory_space<vmem>>, vector<1x16xf32>,
      %get3A_938 = vector.shape_cast %get3A_937 : vector<1x16xf32> to vector<16xf32>
      %add3A_939 = arith.addf %add3A_795, %get3A_938 : vector<16xf32>
      %mul3A_940 = arith.constant 8 : i32
      %mul3A_941 = arith.muli %scan3A_213, %mul3A_940 : i32
      %add3A_942 = arith.constant 4 : i32
      %add3A_943 = arith.addi %mul3A_941, %add3A_942 : i32
      %get3A_944 = arith.index_cast %add3A_943 : i32 to index
      %get3A_945 = arith.constant 240 : index
      %get3A_946 = tpu.vector_load %arg5[%get3A_944, %get3A_945] {strides = array<i32>} : memref<128x256xf32, #tpu.memory_space<vmem>>, vector<1x16xf32>,
      %get3A_947 = vector.shape_cast %get3A_946 : vector<1x16xf32> to vector<16xf32>
      %add3A_948 = arith.addf %add3A_804, %get3A_947 : vector<16xf32>
      %mul3A_949 = arith.constant 8 : i32
      %mul3A_950 = arith.muli %scan3A_213, %mul3A_949 : i32
      %add3A_951 = arith.constant 5 : i32
      %add3A_952 = arith.addi %mul3A_950, %add3A_951 : i32
      %get3A_953 = arith.index_cast %add3A_952 : i32 to index
      %get3A_954 = arith.constant 0 : index
      %get3A_955 = tpu.vector_load %arg5[%get3A_953, %get3A_954] {strides = array<i32>} : memref<128x256xf32, #tpu.memory_space<vmem>>, vector<1x16xf32>,
      %get3A_956 = vector.shape_cast %get3A_955 : vector<1x16xf32> to vector<16xf32>
      %add3A_957 = arith.addf %add3A_813, %get3A_956 : vector<16xf32>
      %mul3A_958 = arith.constant 8 : i32
      %mul3A_959 = arith.muli %scan3A_213, %mul3A_958 : i32
      %add3A_960 = arith.constant 5 : i32
      %add3A_961 = arith.addi %mul3A_959, %add3A_960 : i32
      %get3A_962 = arith.index_cast %add3A_961 : i32 to index
      %get3A_963 = arith.constant 16 : index
      %get3A_964 = tpu.vector_load %arg5[%get3A_962, %get3A_963] {strides = array<i32>} : memref<128x256xf32, #tpu.memory_space<vmem>>, vector<1x16xf32>,
      %get3A_965 = vector.shape_cast %get3A_964 : vector<1x16xf32> to vector<16xf32>
      %add3A_966 = arith.addf %add3A_822, %get3A_965 : vector<16xf32>
      %mul3A_967 = arith.constant 8 : i32
      %mul3A_968 = arith.muli %scan3A_213, %mul3A_967 : i32
      %add3A_969 = arith.constant 5 : i32
      %add3A_970 = arith.addi %mul3A_968, %add3A_969 : i32
      %get3A_971 = arith.index_cast %add3A_970 : i32 to index
      %get3A_972 = arith.constant 32 : index
      %get3A_973 = tpu.vector_load %arg5[%get3A_971, %get3A_972] {strides = array<i32>} : memref<128x256xf32, #tpu.memory_space<vmem>>, vector<1x16xf32>,
      %get3A_974 = vector.shape_cast %get3A_973 : vector<1x16xf32> to vector<16xf32>
      %add3A_975 = arith.addf %add3A_831, %get3A_974 : vector<16xf32>
      %mul3A_976 = arith.constant 8 : i32
      %mul3A_977 = arith.muli %scan3A_213, %mul3A_976 : i32
      %add3A_978 = arith.constant 5 : i32
      %add3A_979 = arith.addi %mul3A_977, %add3A_978 : i32
      %get3A_980 = arith.index_cast %add3A_979 : i32 to index
      %get3A_981 = arith.constant 48 : index
      %get3A_982 = tpu.vector_load %arg5[%get3A_980, %get3A_981] {strides = array<i32>} : memref<128x256xf32, #tpu.memory_space<vmem>>, vector<1x16xf32>,
      %get3A_983 = vector.shape_cast %get3A_982 : vector<1x16xf32> to vector<16xf32>
      %add3A_984 = arith.addf %add3A_840, %get3A_983 : vector<16xf32>
      %mul3A_985 = arith.constant 8 : i32
      %mul3A_986 = arith.muli %scan3A_213, %mul3A_985 : i32
      %add3A_987 = arith.constant 5 : i32
      %add3A_988 = arith.addi %mul3A_986, %add3A_987 : i32
      %get3A_989 = arith.index_cast %add3A_988 : i32 to index
      %get3A_990 = arith.constant 64 : index
      %get3A_991 = tpu.vector_load %arg5[%get3A_989, %get3A_990] {strides = array<i32>} : memref<128x256xf32, #tpu.memory_space<vmem>>, vector<1x16xf32>,
      %get3A_992 = vector.shape_cast %get3A_991 : vector<1x16xf32> to vector<16xf32>
      %add3A_993 = arith.addf %add3A_849, %get3A_992 : vector<16xf32>
      %mul3A_994 = arith.constant 8 : i32
      %mul3A_995 = arith.muli %scan3A_213, %mul3A_994 : i32
      %add3A_996 = arith.constant 5 : i32
      %add3A_997 = arith.addi %mul3A_995, %add3A_996 : i32
      %get3A_998 = arith.index_cast %add3A_997 : i32 to index
      %get3A_999 = arith.constant 80 : index
      %get3A_1000 = tpu.vector_load %arg5[%get3A_998, %get3A_999] {strides = array<i32>} : memref<128x256xf32, #tpu.memory_space<vmem>>, vector<1x16xf32>,
      %get3A_1001 = vector.shape_cast %get3A_1000 : vector<1x16xf32> to vector<16xf32>
      %add3A_1002 = arith.addf %add3A_858, %get3A_1001 : vector<16xf32>
      %mul3A_1003 = arith.constant 8 : i32
      %mul3A_1004 = arith.muli %scan3A_213, %mul3A_1003 : i32
      %add3A_1005 = arith.constant 5 : i32
      %add3A_1006 = arith.addi %mul3A_1004, %add3A_1005 : i32
      %get3A_1007 = arith.index_cast %add3A_1006 : i32 to index
      %get3A_1008 = arith.constant 96 : index
      %get3A_1009 = tpu.vector_load %arg5[%get3A_1007, %get3A_1008] {strides = array<i32>} : memref<128x256xf32, #tpu.memory_space<vmem>>, vector<1x16xf32>,
      %get3A_1010 = vector.shape_cast %get3A_1009 : vector<1x16xf32> to vector<16xf32>
      %add3A_1011 = arith.addf %add3A_867, %get3A_1010 : vector<16xf32>
      %mul3A_1012 = arith.constant 8 : i32
      %mul3A_1013 = arith.muli %scan3A_213, %mul3A_1012 : i32
      %add3A_1014 = arith.constant 5 : i32
      %add3A_1015 = arith.addi %mul3A_1013, %add3A_1014 : i32
      %get3A_1016 = arith.index_cast %add3A_1015 : i32 to index
      %get3A_1017 = arith.constant 112 : index
      %get3A_1018 = tpu.vector_load %arg5[%get3A_1016, %get3A_1017] {strides = array<i32>} : memref<128x256xf32, #tpu.memory_space<vmem>>, vector<1x16xf32>,
      %get3A_1019 = vector.shape_cast %get3A_1018 : vector<1x16xf32> to vector<16xf32>
      %add3A_1020 = arith.addf %add3A_876, %get3A_1019 : vector<16xf32>
      %mul3A_1021 = arith.constant 8 : i32
      %mul3A_1022 = arith.muli %scan3A_213, %mul3A_1021 : i32
      %add3A_1023 = arith.constant 5 : i32
      %add3A_1024 = arith.addi %mul3A_1022, %add3A_1023 : i32
      %get3A_1025 = arith.index_cast %add3A_1024 : i32 to index
      %get3A_1026 = arith.constant 128 : index
      %get3A_1027 = tpu.vector_load %arg5[%get3A_1025, %get3A_1026] {strides = array<i32>} : memref<128x256xf32, #tpu.memory_space<vmem>>, vector<1x16xf32>,
      %get3A_1028 = vector.shape_cast %get3A_1027 : vector<1x16xf32> to vector<16xf32>
      %add3A_1029 = arith.addf %add3A_885, %get3A_1028 : vector<16xf32>
      %mul3A_1030 = arith.constant 8 : i32
      %mul3A_1031 = arith.muli %scan3A_213, %mul3A_1030 : i32
      %add3A_1032 = arith.constant 5 : i32
      %add3A_1033 = arith.addi %mul3A_1031, %add3A_1032 : i32
      %get3A_1034 = arith.index_cast %add3A_1033 : i32 to index
      %get3A_1035 = arith.constant 144 : index
      %get3A_1036 = tpu.vector_load %arg5[%get3A_1034, %get3A_1035] {strides = array<i32>} : memref<128x256xf32, #tpu.memory_space<vmem>>, vector<1x16xf32>,
      %get3A_1037 = vector.shape_cast %get3A_1036 : vector<1x16xf32> to vector<16xf32>
      %add3A_1038 = arith.addf %add3A_894, %get3A_1037 : vector<16xf32>
      %mul3A_1039 = arith.constant 8 : i32
      %mul3A_1040 = arith.muli %scan3A_213, %mul3A_1039 : i32
      %add3A_1041 = arith.constant 5 : i32
      %add3A_1042 = arith.addi %mul3A_1040, %add3A_1041 : i32
      %get3A_1043 = arith.index_cast %add3A_1042 : i32 to index
      %get3A_1044 = arith.constant 160 : index
      %get3A_1045 = tpu.vector_load %arg5[%get3A_1043, %get3A_1044] {strides = array<i32>} : memref<128x256xf32, #tpu.memory_space<vmem>>, vector<1x16xf32>,
      %get3A_1046 = vector.shape_cast %get3A_1045 : vector<1x16xf32> to vector<16xf32>
      %add3A_1047 = arith.addf %add3A_903, %get3A_1046 : vector<16xf32>
      %mul3A_1048 = arith.constant 8 : i32
      %mul3A_1049 = arith.muli %scan3A_213, %mul3A_1048 : i32
      %add3A_1050 = arith.constant 5 : i32
      %add3A_1051 = arith.addi %mul3A_1049, %add3A_1050 : i32
      %get3A_1052 = arith.index_cast %add3A_1051 : i32 to index
      %get3A_1053 = arith.constant 176 : index
      %get3A_1054 = tpu.vector_load %arg5[%get3A_1052, %get3A_1053] {strides = array<i32>} : memref<128x256xf32, #tpu.memory_space<vmem>>, vector<1x16xf32>,
      %get3A_1055 = vector.shape_cast %get3A_1054 : vector<1x16xf32> to vector<16xf32>
      %add3A_1056 = arith.addf %add3A_912, %get3A_1055 : vector<16xf32>
      %mul3A_1057 = arith.constant 8 : i32
      %mul3A_1058 = arith.muli %scan3A_213, %mul3A_1057 : i32
      %add3A_1059 = arith.constant 5 : i32
      %add3A_1060 = arith.addi %mul3A_1058, %add3A_1059 : i32
      %get3A_1061 = arith.index_cast %add3A_1060 : i32 to index
      %get3A_1062 = arith.constant 192 : index
      %get3A_1063 = tpu.vector_load %arg5[%get3A_1061, %get3A_1062] {strides = array<i32>} : memref<128x256xf32, #tpu.memory_space<vmem>>, vector<1x16xf32>,
      %get3A_1064 = vector.shape_cast %get3A_1063 : vector<1x16xf32> to vector<16xf32>
      %add3A_1065 = arith.addf %add3A_921, %get3A_1064 : vector<16xf32>
      %mul3A_1066 = arith.constant 8 : i32
      %mul3A_1067 = arith.muli %scan3A_213, %mul3A_1066 : i32
      %add3A_1068 = arith.constant 5 : i32
      %add3A_1069 = arith.addi %mul3A_1067, %add3A_1068 : i32
      %get3A_1070 = arith.index_cast %add3A_1069 : i32 to index
      %get3A_1071 = arith.constant 208 : index
      %get3A_1072 = tpu.vector_load %arg5[%get3A_1070, %get3A_1071] {strides = array<i32>} : memref<128x256xf32, #tpu.memory_space<vmem>>, vector<1x16xf32>,
      %get3A_1073 = vector.shape_cast %get3A_1072 : vector<1x16xf32> to vector<16xf32>
      %add3A_1074 = arith.addf %add3A_930, %get3A_1073 : vector<16xf32>
      %mul3A_1075 = arith.constant 8 : i32
      %mul3A_1076 = arith.muli %scan3A_213, %mul3A_1075 : i32
      %add3A_1077 = arith.constant 5 : i32
      %add3A_1078 = arith.addi %mul3A_1076, %add3A_1077 : i32
      %get3A_1079 = arith.index_cast %add3A_1078 : i32 to index
      %get3A_1080 = arith.constant 224 : index
      %get3A_1081 = tpu.vector_load %arg5[%get3A_1079, %get3A_1080] {strides = array<i32>} : memref<128x256xf32, #tpu.memory_space<vmem>>, vector<1x16xf32>,
      %get3A_1082 = vector.shape_cast %get3A_1081 : vector<1x16xf32> to vector<16xf32>
      %add3A_1083 = arith.addf %add3A_939, %get3A_1082 : vector<16xf32>
      %mul3A_1084 = arith.constant 8 : i32
      %mul3A_1085 = arith.muli %scan3A_213, %mul3A_1084 : i32
      %add3A_1086 = arith.constant 5 : i32
      %add3A_1087 = arith.addi %mul3A_1085, %add3A_1086 : i32
      %get3A_1088 = arith.index_cast %add3A_1087 : i32 to index
      %get3A_1089 = arith.constant 240 : index
      %get3A_1090 = tpu.vector_load %arg5[%get3A_1088, %get3A_1089] {strides = array<i32>} : memref<128x256xf32, #tpu.memory_space<vmem>>, vector<1x16xf32>,
      %get3A_1091 = vector.shape_cast %get3A_1090 : vector<1x16xf32> to vector<16xf32>
      %add3A_1092 = arith.addf %add3A_948, %get3A_1091 : vector<16xf32>
      %mul3A_1093 = arith.constant 8 : i32
      %mul3A_1094 = arith.muli %scan3A_213, %mul3A_1093 : i32
      %add3A_1095 = arith.constant 6 : i32
      %add3A_1096 = arith.addi %mul3A_1094, %add3A_1095 : i32
      %get3A_1097 = arith.index_cast %add3A_1096 : i32 to index
      %get3A_1098 = arith.constant 0 : index
      %get3A_1099 = tpu.vector_load %arg5[%get3A_1097, %get3A_1098] {strides = array<i32>} : memref<128x256xf32, #tpu.memory_space<vmem>>, vector<1x16xf32>,
      %get3A_1100 = vector.shape_cast %get3A_1099 : vector<1x16xf32> to vector<16xf32>
      %add3A_1101 = arith.addf %add3A_957, %get3A_1100 : vector<16xf32>
      %mul3A_1102 = arith.constant 8 : i32
      %mul3A_1103 = arith.muli %scan3A_213, %mul3A_1102 : i32
      %add3A_1104 = arith.constant 6 : i32
      %add3A_1105 = arith.addi %mul3A_1103, %add3A_1104 : i32
      %get3A_1106 = arith.index_cast %add3A_1105 : i32 to index
      %get3A_1107 = arith.constant 16 : index
      %get3A_1108 = tpu.vector_load %arg5[%get3A_1106, %get3A_1107] {strides = array<i32>} : memref<128x256xf32, #tpu.memory_space<vmem>>, vector<1x16xf32>,
      %get3A_1109 = vector.shape_cast %get3A_1108 : vector<1x16xf32> to vector<16xf32>
      %add3A_1110 = arith.addf %add3A_966, %get3A_1109 : vector<16xf32>
      %mul3A_1111 = arith.constant 8 : i32
      %mul3A_1112 = arith.muli %scan3A_213, %mul3A_1111 : i32
      %add3A_1113 = arith.constant 6 : i32
      %add3A_1114 = arith.addi %mul3A_1112, %add3A_1113 : i32
      %get3A_1115 = arith.index_cast %add3A_1114 : i32 to index
      %get3A_1116 = arith.constant 32 : index
      %get3A_1117 = tpu.vector_load %arg5[%get3A_1115, %get3A_1116] {strides = array<i32>} : memref<128x256xf32, #tpu.memory_space<vmem>>, vector<1x16xf32>,
      %get3A_1118 = vector.shape_cast %get3A_1117 : vector<1x16xf32> to vector<16xf32>
      %add3A_1119 = arith.addf %add3A_975, %get3A_1118 : vector<16xf32>
      %mul3A_1120 = arith.constant 8 : i32
      %mul3A_1121 = arith.muli %scan3A_213, %mul3A_1120 : i32
      %add3A_1122 = arith.constant 6 : i32
      %add3A_1123 = arith.addi %mul3A_1121, %add3A_1122 : i32
      %get3A_1124 = arith.index_cast %add3A_1123 : i32 to index
      %get3A_1125 = arith.constant 48 : index
      %get3A_1126 = tpu.vector_load %arg5[%get3A_1124, %get3A_1125] {strides = array<i32>} : memref<128x256xf32, #tpu.memory_space<vmem>>, vector<1x16xf32>,
      %get3A_1127 = vector.shape_cast %get3A_1126 : vector<1x16xf32> to vector<16xf32>
      %add3A_1128 = arith.addf %add3A_984, %get3A_1127 : vector<16xf32>
      %mul3A_1129 = arith.constant 8 : i32
      %mul3A_1130 = arith.muli %scan3A_213, %mul3A_1129 : i32
      %add3A_1131 = arith.constant 6 : i32
      %add3A_1132 = arith.addi %mul3A_1130, %add3A_1131 : i32
      %get3A_1133 = arith.index_cast %add3A_1132 : i32 to index
      %get3A_1134 = arith.constant 64 : index
      %get3A_1135 = tpu.vector_load %arg5[%get3A_1133, %get3A_1134] {strides = array<i32>} : memref<128x256xf32, #tpu.memory_space<vmem>>, vector<1x16xf32>,
      %get3A_1136 = vector.shape_cast %get3A_1135 : vector<1x16xf32> to vector<16xf32>
      %add3A_1137 = arith.addf %add3A_993, %get3A_1136 : vector<16xf32>
      %mul3A_1138 = arith.constant 8 : i32
      %mul3A_1139 = arith.muli %scan3A_213, %mul3A_1138 : i32
      %add3A_1140 = arith.constant 6 : i32
      %add3A_1141 = arith.addi %mul3A_1139, %add3A_1140 : i32
      %get3A_1142 = arith.index_cast %add3A_1141 : i32 to index
      %get3A_1143 = arith.constant 80 : index
      %get3A_1144 = tpu.vector_load %arg5[%get3A_1142, %get3A_1143] {strides = array<i32>} : memref<128x256xf32, #tpu.memory_space<vmem>>, vector<1x16xf32>,
      %get3A_1145 = vector.shape_cast %get3A_1144 : vector<1x16xf32> to vector<16xf32>
      %add3A_1146 = arith.addf %add3A_1002, %get3A_1145 : vector<16xf32>
      %mul3A_1147 = arith.constant 8 : i32
      %mul3A_1148 = arith.muli %scan3A_213, %mul3A_1147 : i32
      %add3A_1149 = arith.constant 6 : i32
      %add3A_1150 = arith.addi %mul3A_1148, %add3A_1149 : i32
      %get3A_1151 = arith.index_cast %add3A_1150 : i32 to index
      %get3A_1152 = arith.constant 96 : index
      %get3A_1153 = tpu.vector_load %arg5[%get3A_1151, %get3A_1152] {strides = array<i32>} : memref<128x256xf32, #tpu.memory_space<vmem>>, vector<1x16xf32>,
      %get3A_1154 = vector.shape_cast %get3A_1153 : vector<1x16xf32> to vector<16xf32>
      %add3A_1155 = arith.addf %add3A_1011, %get3A_1154 : vector<16xf32>
      %mul3A_1156 = arith.constant 8 : i32
      %mul3A_1157 = arith.muli %scan3A_213, %mul3A_1156 : i32
      %add3A_1158 = arith.constant 6 : i32
      %add3A_1159 = arith.addi %mul3A_1157, %add3A_1158 : i32
      %get3A_1160 = arith.index_cast %add3A_1159 : i32 to index
      %get3A_1161 = arith.constant 112 : index
      %get3A_1162 = tpu.vector_load %arg5[%get3A_1160, %get3A_1161] {strides = array<i32>} : memref<128x256xf32, #tpu.memory_space<vmem>>, vector<1x16xf32>,
      %get3A_1163 = vector.shape_cast %get3A_1162 : vector<1x16xf32> to vector<16xf32>
      %add3A_1164 = arith.addf %add3A_1020, %get3A_1163 : vector<16xf32>
      %mul3A_1165 = arith.constant 8 : i32
      %mul3A_1166 = arith.muli %scan3A_213, %mul3A_1165 : i32
      %add3A_1167 = arith.constant 6 : i32
      %add3A_1168 = arith.addi %mul3A_1166, %add3A_1167 : i32
      %get3A_1169 = arith.index_cast %add3A_1168 : i32 to index
      %get3A_1170 = arith.constant 128 : index
      %get3A_1171 = tpu.vector_load %arg5[%get3A_1169, %get3A_1170] {strides = array<i32>} : memref<128x256xf32, #tpu.memory_space<vmem>>, vector<1x16xf32>,
      %get3A_1172 = vector.shape_cast %get3A_1171 : vector<1x16xf32> to vector<16xf32>
      %add3A_1173 = arith.addf %add3A_1029, %get3A_1172 : vector<16xf32>
      %mul3A_1174 = arith.constant 8 : i32
      %mul3A_1175 = arith.muli %scan3A_213, %mul3A_1174 : i32
      %add3A_1176 = arith.constant 6 : i32
      %add3A_1177 = arith.addi %mul3A_1175, %add3A_1176 : i32
      %get3A_1178 = arith.index_cast %add3A_1177 : i32 to index
      %get3A_1179 = arith.constant 144 : index
      %get3A_1180 = tpu.vector_load %arg5[%get3A_1178, %get3A_1179] {strides = array<i32>} : memref<128x256xf32, #tpu.memory_space<vmem>>, vector<1x16xf32>,
      %get3A_1181 = vector.shape_cast %get3A_1180 : vector<1x16xf32> to vector<16xf32>
      %add3A_1182 = arith.addf %add3A_1038, %get3A_1181 : vector<16xf32>
      %mul3A_1183 = arith.constant 8 : i32
      %mul3A_1184 = arith.muli %scan3A_213, %mul3A_1183 : i32
      %add3A_1185 = arith.constant 6 : i32
      %add3A_1186 = arith.addi %mul3A_1184, %add3A_1185 : i32
      %get3A_1187 = arith.index_cast %add3A_1186 : i32 to index
      %get3A_1188 = arith.constant 160 : index
      %get3A_1189 = tpu.vector_load %arg5[%get3A_1187, %get3A_1188] {strides = array<i32>} : memref<128x256xf32, #tpu.memory_space<vmem>>, vector<1x16xf32>,
      %get3A_1190 = vector.shape_cast %get3A_1189 : vector<1x16xf32> to vector<16xf32>
      %add3A_1191 = arith.addf %add3A_1047, %get3A_1190 : vector<16xf32>
      %mul3A_1192 = arith.constant 8 : i32
      %mul3A_1193 = arith.muli %scan3A_213, %mul3A_1192 : i32
      %add3A_1194 = arith.constant 6 : i32
      %add3A_1195 = arith.addi %mul3A_1193, %add3A_1194 : i32
      %get3A_1196 = arith.index_cast %add3A_1195 : i32 to index
      %get3A_1197 = arith.constant 176 : index
      %get3A_1198 = tpu.vector_load %arg5[%get3A_1196, %get3A_1197] {strides = array<i32>} : memref<128x256xf32, #tpu.memory_space<vmem>>, vector<1x16xf32>,
      %get3A_1199 = vector.shape_cast %get3A_1198 : vector<1x16xf32> to vector<16xf32>
      %add3A_1200 = arith.addf %add3A_1056, %get3A_1199 : vector<16xf32>
      %mul3A_1201 = arith.constant 8 : i32
      %mul3A_1202 = arith.muli %scan3A_213, %mul3A_1201 : i32
      %add3A_1203 = arith.constant 6 : i32
      %add3A_1204 = arith.addi %mul3A_1202, %add3A_1203 : i32
      %get3A_1205 = arith.index_cast %add3A_1204 : i32 to index
      %get3A_1206 = arith.constant 192 : index
      %get3A_1207 = tpu.vector_load %arg5[%get3A_1205, %get3A_1206] {strides = array<i32>} : memref<128x256xf32, #tpu.memory_space<vmem>>, vector<1x16xf32>,
      %get3A_1208 = vector.shape_cast %get3A_1207 : vector<1x16xf32> to vector<16xf32>
      %add3A_1209 = arith.addf %add3A_1065, %get3A_1208 : vector<16xf32>
      %mul3A_1210 = arith.constant 8 : i32
      %mul3A_1211 = arith.muli %scan3A_213, %mul3A_1210 : i32
      %add3A_1212 = arith.constant 6 : i32
      %add3A_1213 = arith.addi %mul3A_1211, %add3A_1212 : i32
      %get3A_1214 = arith.index_cast %add3A_1213 : i32 to index
      %get3A_1215 = arith.constant 208 : index
      %get3A_1216 = tpu.vector_load %arg5[%get3A_1214, %get3A_1215] {strides = array<i32>} : memref<128x256xf32, #tpu.memory_space<vmem>>, vector<1x16xf32>,
      %get3A_1217 = vector.shape_cast %get3A_1216 : vector<1x16xf32> to vector<16xf32>
      %add3A_1218 = arith.addf %add3A_1074, %get3A_1217 : vector<16xf32>
      %mul3A_1219 = arith.constant 8 : i32
      %mul3A_1220 = arith.muli %scan3A_213, %mul3A_1219 : i32
      %add3A_1221 = arith.constant 6 : i32
      %add3A_1222 = arith.addi %mul3A_1220, %add3A_1221 : i32
      %get3A_1223 = arith.index_cast %add3A_1222 : i32 to index
      %get3A_1224 = arith.constant 224 : index
      %get3A_1225 = tpu.vector_load %arg5[%get3A_1223, %get3A_1224] {strides = array<i32>} : memref<128x256xf32, #tpu.memory_space<vmem>>, vector<1x16xf32>,
      %get3A_1226 = vector.shape_cast %get3A_1225 : vector<1x16xf32> to vector<16xf32>
      %add3A_1227 = arith.addf %add3A_1083, %get3A_1226 : vector<16xf32>
      %mul3A_1228 = arith.constant 8 : i32
      %mul3A_1229 = arith.muli %scan3A_213, %mul3A_1228 : i32
      %add3A_1230 = arith.constant 6 : i32
      %add3A_1231 = arith.addi %mul3A_1229, %add3A_1230 : i32
      %get3A_1232 = arith.index_cast %add3A_1231 : i32 to index
      %get3A_1233 = arith.constant 240 : index
      %get3A_1234 = tpu.vector_load %arg5[%get3A_1232, %get3A_1233] {strides = array<i32>} : memref<128x256xf32, #tpu.memory_space<vmem>>, vector<1x16xf32>,
      %get3A_1235 = vector.shape_cast %get3A_1234 : vector<1x16xf32> to vector<16xf32>
      %add3A_1236 = arith.addf %add3A_1092, %get3A_1235 : vector<16xf32>
      %mul3A_1237 = arith.constant 8 : i32
      %mul3A_1238 = arith.muli %scan3A_213, %mul3A_1237 : i32
      %add3A_1239 = arith.constant 7 : i32
      %add3A_1240 = arith.addi %mul3A_1238, %add3A_1239 : i32
      %get3A_1241 = arith.index_cast %add3A_1240 : i32 to index
      %get3A_1242 = arith.constant 0 : index
      %get3A_1243 = tpu.vector_load %arg5[%get3A_1241, %get3A_1242] {strides = array<i32>} : memref<128x256xf32, #tpu.memory_space<vmem>>, vector<1x16xf32>,
      %get3A_1244 = vector.shape_cast %get3A_1243 : vector<1x16xf32> to vector<16xf32>
      %add3A_1245 = arith.addf %add3A_1101, %get3A_1244 : vector<16xf32>
      %mul3A_1246 = arith.constant 8 : i32
      %mul3A_1247 = arith.muli %scan3A_213, %mul3A_1246 : i32
      %add3A_1248 = arith.constant 7 : i32
      %add3A_1249 = arith.addi %mul3A_1247, %add3A_1248 : i32
      %get3A_1250 = arith.index_cast %add3A_1249 : i32 to index
      %get3A_1251 = arith.constant 16 : index
      %get3A_1252 = tpu.vector_load %arg5[%get3A_1250, %get3A_1251] {strides = array<i32>} : memref<128x256xf32, #tpu.memory_space<vmem>>, vector<1x16xf32>,
      %get3A_1253 = vector.shape_cast %get3A_1252 : vector<1x16xf32> to vector<16xf32>
      %add3A_1254 = arith.addf %add3A_1110, %get3A_1253 : vector<16xf32>
      %mul3A_1255 = arith.constant 8 : i32
      %mul3A_1256 = arith.muli %scan3A_213, %mul3A_1255 : i32
      %add3A_1257 = arith.constant 7 : i32
      %add3A_1258 = arith.addi %mul3A_1256, %add3A_1257 : i32
      %get3A_1259 = arith.index_cast %add3A_1258 : i32 to index
      %get3A_1260 = arith.constant 32 : index
      %get3A_1261 = tpu.vector_load %arg5[%get3A_1259, %get3A_1260] {strides = array<i32>} : memref<128x256xf32, #tpu.memory_space<vmem>>, vector<1x16xf32>,
      %get3A_1262 = vector.shape_cast %get3A_1261 : vector<1x16xf32> to vector<16xf32>
      %add3A_1263 = arith.addf %add3A_1119, %get3A_1262 : vector<16xf32>
      %mul3A_1264 = arith.constant 8 : i32
      %mul3A_1265 = arith.muli %scan3A_213, %mul3A_1264 : i32
      %add3A_1266 = arith.constant 7 : i32
      %add3A_1267 = arith.addi %mul3A_1265, %add3A_1266 : i32
      %get3A_1268 = arith.index_cast %add3A_1267 : i32 to index
      %get3A_1269 = arith.constant 48 : index
      %get3A_1270 = tpu.vector_load %arg5[%get3A_1268, %get3A_1269] {strides = array<i32>} : memref<128x256xf32, #tpu.memory_space<vmem>>, vector<1x16xf32>,
      %get3A_1271 = vector.shape_cast %get3A_1270 : vector<1x16xf32> to vector<16xf32>
      %add3A_1272 = arith.addf %add3A_1128, %get3A_1271 : vector<16xf32>
      %mul3A_1273 = arith.constant 8 : i32
      %mul3A_1274 = arith.muli %scan3A_213, %mul3A_1273 : i32
      %add3A_1275 = arith.constant 7 : i32
      %add3A_1276 = arith.addi %mul3A_1274, %add3A_1275 : i32
      %get3A_1277 = arith.index_cast %add3A_1276 : i32 to index
      %get3A_1278 = arith.constant 64 : index
      %get3A_1279 = tpu.vector_load %arg5[%get3A_1277, %get3A_1278] {strides = array<i32>} : memref<128x256xf32, #tpu.memory_space<vmem>>, vector<1x16xf32>,
      %get3A_1280 = vector.shape_cast %get3A_1279 : vector<1x16xf32> to vector<16xf32>
      %add3A_1281 = arith.addf %add3A_1137, %get3A_1280 : vector<16xf32>
      %mul3A_1282 = arith.constant 8 : i32
      %mul3A_1283 = arith.muli %scan3A_213, %mul3A_1282 : i32
      %add3A_1284 = arith.constant 7 : i32
      %add3A_1285 = arith.addi %mul3A_1283, %add3A_1284 : i32
      %get3A_1286 = arith.index_cast %add3A_1285 : i32 to index
      %get3A_1287 = arith.constant 80 : index
      %get3A_1288 = tpu.vector_load %arg5[%get3A_1286, %get3A_1287] {strides = array<i32>} : memref<128x256xf32, #tpu.memory_space<vmem>>, vector<1x16xf32>,
      %get3A_1289 = vector.shape_cast %get3A_1288 : vector<1x16xf32> to vector<16xf32>
      %add3A_1290 = arith.addf %add3A_1146, %get3A_1289 : vector<16xf32>
      %mul3A_1291 = arith.constant 8 : i32
      %mul3A_1292 = arith.muli %scan3A_213, %mul3A_1291 : i32
      %add3A_1293 = arith.constant 7 : i32
      %add3A_1294 = arith.addi %mul3A_1292, %add3A_1293 : i32
      %get3A_1295 = arith.index_cast %add3A_1294 : i32 to index
      %get3A_1296 = arith.constant 96 : index
      %get3A_1297 = tpu.vector_load %arg5[%get3A_1295, %get3A_1296] {strides = array<i32>} : memref<128x256xf32, #tpu.memory_space<vmem>>, vector<1x16xf32>,
      %get3A_1298 = vector.shape_cast %get3A_1297 : vector<1x16xf32> to vector<16xf32>
      %add3A_1299 = arith.addf %add3A_1155, %get3A_1298 : vector<16xf32>
      %mul3A_1300 = arith.constant 8 : i32
      %mul3A_1301 = arith.muli %scan3A_213, %mul3A_1300 : i32
      %add3A_1302 = arith.constant 7 : i32
      %add3A_1303 = arith.addi %mul3A_1301, %add3A_1302 : i32
      %get3A_1304 = arith.index_cast %add3A_1303 : i32 to index
      %get3A_1305 = arith.constant 112 : index
      %get3A_1306 = tpu.vector_load %arg5[%get3A_1304, %get3A_1305] {strides = array<i32>} : memref<128x256xf32, #tpu.memory_space<vmem>>, vector<1x16xf32>,
      %get3A_1307 = vector.shape_cast %get3A_1306 : vector<1x16xf32> to vector<16xf32>
      %add3A_1308 = arith.addf %add3A_1164, %get3A_1307 : vector<16xf32>
      %mul3A_1309 = arith.constant 8 : i32
      %mul3A_1310 = arith.muli %scan3A_213, %mul3A_1309 : i32
      %add3A_1311 = arith.constant 7 : i32
      %add3A_1312 = arith.addi %mul3A_1310, %add3A_1311 : i32
      %get3A_1313 = arith.index_cast %add3A_1312 : i32 to index
      %get3A_1314 = arith.constant 128 : index
      %get3A_1315 = tpu.vector_load %arg5[%get3A_1313, %get3A_1314] {strides = array<i32>} : memref<128x256xf32, #tpu.memory_space<vmem>>, vector<1x16xf32>,
      %get3A_1316 = vector.shape_cast %get3A_1315 : vector<1x16xf32> to vector<16xf32>
      %add3A_1317 = arith.addf %add3A_1173, %get3A_1316 : vector<16xf32>
      %mul3A_1318 = arith.constant 8 : i32
      %mul3A_1319 = arith.muli %scan3A_213, %mul3A_1318 : i32
      %add3A_1320 = arith.constant 7 : i32
      %add3A_1321 = arith.addi %mul3A_1319, %add3A_1320 : i32
      %get3A_1322 = arith.index_cast %add3A_1321 : i32 to index
      %get3A_1323 = arith.constant 144 : index
      %get3A_1324 = tpu.vector_load %arg5[%get3A_1322, %get3A_1323] {strides = array<i32>} : memref<128x256xf32, #tpu.memory_space<vmem>>, vector<1x16xf32>,
      %get3A_1325 = vector.shape_cast %get3A_1324 : vector<1x16xf32> to vector<16xf32>
      %add3A_1326 = arith.addf %add3A_1182, %get3A_1325 : vector<16xf32>
      %mul3A_1327 = arith.constant 8 : i32
      %mul3A_1328 = arith.muli %scan3A_213, %mul3A_1327 : i32
      %add3A_1329 = arith.constant 7 : i32
      %add3A_1330 = arith.addi %mul3A_1328, %add3A_1329 : i32
      %get3A_1331 = arith.index_cast %add3A_1330 : i32 to index
      %get3A_1332 = arith.constant 160 : index
      %get3A_1333 = tpu.vector_load %arg5[%get3A_1331, %get3A_1332] {strides = array<i32>} : memref<128x256xf32, #tpu.memory_space<vmem>>, vector<1x16xf32>,
      %get3A_1334 = vector.shape_cast %get3A_1333 : vector<1x16xf32> to vector<16xf32>
      %add3A_1335 = arith.addf %add3A_1191, %get3A_1334 : vector<16xf32>
      %mul3A_1336 = arith.constant 8 : i32
      %mul3A_1337 = arith.muli %scan3A_213, %mul3A_1336 : i32
      %add3A_1338 = arith.constant 7 : i32
      %add3A_1339 = arith.addi %mul3A_1337, %add3A_1338 : i32
      %get3A_1340 = arith.index_cast %add3A_1339 : i32 to index
      %get3A_1341 = arith.constant 176 : index
      %get3A_1342 = tpu.vector_load %arg5[%get3A_1340, %get3A_1341] {strides = array<i32>} : memref<128x256xf32, #tpu.memory_space<vmem>>, vector<1x16xf32>,
      %get3A_1343 = vector.shape_cast %get3A_1342 : vector<1x16xf32> to vector<16xf32>
      %add3A_1344 = arith.addf %add3A_1200, %get3A_1343 : vector<16xf32>
      %mul3A_1345 = arith.constant 8 : i32
      %mul3A_1346 = arith.muli %scan3A_213, %mul3A_1345 : i32
      %add3A_1347 = arith.constant 7 : i32
      %add3A_1348 = arith.addi %mul3A_1346, %add3A_1347 : i32
      %get3A_1349 = arith.index_cast %add3A_1348 : i32 to index
      %get3A_1350 = arith.constant 192 : index
      %get3A_1351 = tpu.vector_load %arg5[%get3A_1349, %get3A_1350] {strides = array<i32>} : memref<128x256xf32, #tpu.memory_space<vmem>>, vector<1x16xf32>,
      %get3A_1352 = vector.shape_cast %get3A_1351 : vector<1x16xf32> to vector<16xf32>
      %add3A_1353 = arith.addf %add3A_1209, %get3A_1352 : vector<16xf32>
      %mul3A_1354 = arith.constant 8 : i32
      %mul3A_1355 = arith.muli %scan3A_213, %mul3A_1354 : i32
      %add3A_1356 = arith.constant 7 : i32
      %add3A_1357 = arith.addi %mul3A_1355, %add3A_1356 : i32
      %get3A_1358 = arith.index_cast %add3A_1357 : i32 to index
      %get3A_1359 = arith.constant 208 : index
      %get3A_1360 = tpu.vector_load %arg5[%get3A_1358, %get3A_1359] {strides = array<i32>} : memref<128x256xf32, #tpu.memory_space<vmem>>, vector<1x16xf32>,
      %get3A_1361 = vector.shape_cast %get3A_1360 : vector<1x16xf32> to vector<16xf32>
      %add3A_1362 = arith.addf %add3A_1218, %get3A_1361 : vector<16xf32>
      %mul3A_1363 = arith.constant 8 : i32
      %mul3A_1364 = arith.muli %scan3A_213, %mul3A_1363 : i32
      %add3A_1365 = arith.constant 7 : i32
      %add3A_1366 = arith.addi %mul3A_1364, %add3A_1365 : i32
      %get3A_1367 = arith.index_cast %add3A_1366 : i32 to index
      %get3A_1368 = arith.constant 224 : index
      %get3A_1369 = tpu.vector_load %arg5[%get3A_1367, %get3A_1368] {strides = array<i32>} : memref<128x256xf32, #tpu.memory_space<vmem>>, vector<1x16xf32>,
      %get3A_1370 = vector.shape_cast %get3A_1369 : vector<1x16xf32> to vector<16xf32>
      %add3A_1371 = arith.addf %add3A_1227, %get3A_1370 : vector<16xf32>
      %mul3A_1372 = arith.constant 8 : i32
      %mul3A_1373 = arith.muli %scan3A_213, %mul3A_1372 : i32
      %add3A_1374 = arith.constant 7 : i32
      %add3A_1375 = arith.addi %mul3A_1373, %add3A_1374 : i32
      %get3A_1376 = arith.index_cast %add3A_1375 : i32 to index
      %get3A_1377 = arith.constant 240 : index
      %get3A_1378 = tpu.vector_load %arg5[%get3A_1376, %get3A_1377] {strides = array<i32>} : memref<128x256xf32, #tpu.memory_space<vmem>>, vector<1x16xf32>,
      %get3A_1379 = vector.shape_cast %get3A_1378 : vector<1x16xf32> to vector<16xf32>
      %add3A_1380 = arith.addf %add3A_1236, %get3A_1379 : vector<16xf32>
      scf.yield %add3A_1245, %add3A_1254, %add3A_1263, %add3A_1272, %add3A_1281, %add3A_1290, %add3A_1299, %add3A_1308, %add3A_1317, %add3A_1326, %add3A_1335, %add3A_1344, %add3A_1353, %add3A_1362, %add3A_1371, %add3A_1380 : vector<16xf32>, vector<16xf32>, vector<16xf32>, vector<16xf32>, vector<16xf32>, vector<16xf32>, vector<16xf32>, vector<16xf32>, vector<16xf32>, vector<16xf32>, vector<16xf32>, vector<16xf32>, vector<16xf32>, vector<16xf32>, vector<16xf32>, vector<16xf32>
    }
    %scan3A_122 = arith.constant 16 : i32
    %dma_wait3A_123 = arith.constant 0 : i32
    %dma_wait3A_124 = tpu.memref_slice %arg2[%add3A_36, %add3A_86, %dma_wait3A_123] : memref<64x4096x256xf32, #tpu.memory_space<hbm>> -> memref<1x128x256xf32, #tpu.memory_space<hbm>>
    %dma_wait3A_125 = tpu.memref_squeeze %dma_wait3A_124 : memref<1x128x256xf32, #tpu.memory_space<hbm>> -> memref<128x256xf32, #tpu.memory_space<hbm>>
    %dma_wait3A_126 = arith.constant 0 : i32
    %dma_wait3A_127 = tpu.memref_slice %arg2[%add3A_36, %add3A_86, %dma_wait3A_126] : memref<64x4096x256xf32, #tpu.memory_space<hbm>> -> memref<1x128x256xf32, #tpu.memory_space<hbm>>
    %dma_wait3A_128 = tpu.memref_squeeze %dma_wait3A_127 : memref<1x128x256xf32, #tpu.memory_space<hbm>> -> memref<128x256xf32, #tpu.memory_space<hbm>>
    tpu.wait_dma2 semaphore(%arg10 : memref<!tpu.dma_semaphore, #tpu.memory_space<semaphore_mem>>) src(%dma_wait3A_128 : memref<128x256xf32, #tpu.memory_space<hbm>>) dst(%arg6 : memref<128x256xf32, #tpu.memory_space<vmem>>)
    %scan3A_129 = arith.constant 0 : i32
    %scan3A_130 = arith.constant 16 : i32
    %scan3A_131 = arith.addi %scan3A_129, %scan3A_130 : i32
    %scan3A_132 = arith.constant 1 : i32
    %scan3A_133:16 = scf.for %scan3A_213 = %scan3A_129 to %scan3A_131 step %scan3A_132 iter_args(%scan3A_214 = %scan3A_121#0, %scan3A_215 = %scan3A_121#1, %scan3A_216 = %scan3A_121#2, %scan3A_217 = %scan3A_121#3, %scan3A_218 = %scan3A_121#4, %scan3A_219 = %scan3A_121#5, %scan3A_220 = %scan3A_121#6, %scan3A_221 = %scan3A_121#7, %scan3A_222 = %scan3A_121#8, %scan3A_223 = %scan3A_121#9, %scan3A_224 = %scan3A_121#10, %scan3A_225 = %scan3A_121#11, %scan3A_226 = %scan3A_121#12, %scan3A_227 = %scan3A_121#13, %scan3A_228 = %scan3A_121#14, %scan3A_229 = %scan3A_121#15) -> (vector<16xf32>, vector<16xf32>, vector<16xf32>, vector<16xf32>, vector<16xf32>, vector<16xf32>, vector<16xf32>, vector<16xf32>, vector<16xf32>, vector<16xf32>, vector<16xf32>, vector<16xf32>, vector<16xf32>, vector<16xf32>, vector<16xf32>, vector<16xf32>)  : i32 {
      %mul3A_230 = arith.constant 8 : i32
      %mul3A_231 = arith.muli %scan3A_213, %mul3A_230 : i32
      %add3A_232 = arith.constant 0 : i32
      %add3A_233 = arith.addi %mul3A_231, %add3A_232 : i32
      %get3A = arith.index_cast %add3A_233 : i32 to index
      %get3A_234 = arith.constant 0 : index
      %get3A_235 = tpu.vector_load %arg6[%get3A, %get3A_234] {strides = array<i32>} : memref<128x256xf32, #tpu.memory_space<vmem>>, vector<1x16xf32>,
      %get3A_236 = vector.shape_cast %get3A_235 : vector<1x16xf32> to vector<16xf32>
      %add3A_237 = arith.addf %scan3A_214, %get3A_236 : vector<16xf32>
      %mul3A_238 = arith.constant 8 : i32
      %mul3A_239 = arith.muli %scan3A_213, %mul3A_238 : i32
      %add3A_240 = arith.constant 0 : i32
      %add3A_241 = arith.addi %mul3A_239, %add3A_240 : i32
      %get3A_242 = arith.index_cast %add3A_241 : i32 to index
      %get3A_243 = arith.constant 16 : index
      %get3A_244 = tpu.vector_load %arg6[%get3A_242, %get3A_243] {strides = array<i32>} : memref<128x256xf32, #tpu.memory_space<vmem>>, vector<1x16xf32>,
      %get3A_245 = vector.shape_cast %get3A_244 : vector<1x16xf32> to vector<16xf32>
      %add3A_246 = arith.addf %scan3A_215, %get3A_245 : vector<16xf32>
      %mul3A_247 = arith.constant 8 : i32
      %mul3A_248 = arith.muli %scan3A_213, %mul3A_247 : i32
      %add3A_249 = arith.constant 0 : i32
      %add3A_250 = arith.addi %mul3A_248, %add3A_249 : i32
      %get3A_251 = arith.index_cast %add3A_250 : i32 to index
      %get3A_252 = arith.constant 32 : index
      %get3A_253 = tpu.vector_load %arg6[%get3A_251, %get3A_252] {strides = array<i32>} : memref<128x256xf32, #tpu.memory_space<vmem>>, vector<1x16xf32>,
      %get3A_254 = vector.shape_cast %get3A_253 : vector<1x16xf32> to vector<16xf32>
      %add3A_255 = arith.addf %scan3A_216, %get3A_254 : vector<16xf32>
      %mul3A_256 = arith.constant 8 : i32
      %mul3A_257 = arith.muli %scan3A_213, %mul3A_256 : i32
      %add3A_258 = arith.constant 0 : i32
      %add3A_259 = arith.addi %mul3A_257, %add3A_258 : i32
      %get3A_260 = arith.index_cast %add3A_259 : i32 to index
      %get3A_261 = arith.constant 48 : index
      %get3A_262 = tpu.vector_load %arg6[%get3A_260, %get3A_261] {strides = array<i32>} : memref<128x256xf32, #tpu.memory_space<vmem>>, vector<1x16xf32>,
      %get3A_263 = vector.shape_cast %get3A_262 : vector<1x16xf32> to vector<16xf32>
      %add3A_264 = arith.addf %scan3A_217, %get3A_263 : vector<16xf32>
      %mul3A_265 = arith.constant 8 : i32
      %mul3A_266 = arith.muli %scan3A_213, %mul3A_265 : i32
      %add3A_267 = arith.constant 0 : i32
      %add3A_268 = arith.addi %mul3A_266, %add3A_267 : i32
      %get3A_269 = arith.index_cast %add3A_268 : i32 to index
      %get3A_270 = arith.constant 64 : index
      %get3A_271 = tpu.vector_load %arg6[%get3A_269, %get3A_270] {strides = array<i32>} : memref<128x256xf32, #tpu.memory_space<vmem>>, vector<1x16xf32>,
      %get3A_272 = vector.shape_cast %get3A_271 : vector<1x16xf32> to vector<16xf32>
      %add3A_273 = arith.addf %scan3A_218, %get3A_272 : vector<16xf32>
      %mul3A_274 = arith.constant 8 : i32
      %mul3A_275 = arith.muli %scan3A_213, %mul3A_274 : i32
      %add3A_276 = arith.constant 0 : i32
      %add3A_277 = arith.addi %mul3A_275, %add3A_276 : i32
      %get3A_278 = arith.index_cast %add3A_277 : i32 to index
      %get3A_279 = arith.constant 80 : index
      %get3A_280 = tpu.vector_load %arg6[%get3A_278, %get3A_279] {strides = array<i32>} : memref<128x256xf32, #tpu.memory_space<vmem>>, vector<1x16xf32>,
      %get3A_281 = vector.shape_cast %get3A_280 : vector<1x16xf32> to vector<16xf32>
      %add3A_282 = arith.addf %scan3A_219, %get3A_281 : vector<16xf32>
      %mul3A_283 = arith.constant 8 : i32
      %mul3A_284 = arith.muli %scan3A_213, %mul3A_283 : i32
      %add3A_285 = arith.constant 0 : i32
      %add3A_286 = arith.addi %mul3A_284, %add3A_285 : i32
      %get3A_287 = arith.index_cast %add3A_286 : i32 to index
      %get3A_288 = arith.constant 96 : index
      %get3A_289 = tpu.vector_load %arg6[%get3A_287, %get3A_288] {strides = array<i32>} : memref<128x256xf32, #tpu.memory_space<vmem>>, vector<1x16xf32>,
      %get3A_290 = vector.shape_cast %get3A_289 : vector<1x16xf32> to vector<16xf32>
      %add3A_291 = arith.addf %scan3A_220, %get3A_290 : vector<16xf32>
      %mul3A_292 = arith.constant 8 : i32
      %mul3A_293 = arith.muli %scan3A_213, %mul3A_292 : i32
      %add3A_294 = arith.constant 0 : i32
      %add3A_295 = arith.addi %mul3A_293, %add3A_294 : i32
      %get3A_296 = arith.index_cast %add3A_295 : i32 to index
      %get3A_297 = arith.constant 112 : index
      %get3A_298 = tpu.vector_load %arg6[%get3A_296, %get3A_297] {strides = array<i32>} : memref<128x256xf32, #tpu.memory_space<vmem>>, vector<1x16xf32>,
      %get3A_299 = vector.shape_cast %get3A_298 : vector<1x16xf32> to vector<16xf32>
      %add3A_300 = arith.addf %scan3A_221, %get3A_299 : vector<16xf32>
      %mul3A_301 = arith.constant 8 : i32
      %mul3A_302 = arith.muli %scan3A_213, %mul3A_301 : i32
      %add3A_303 = arith.constant 0 : i32
      %add3A_304 = arith.addi %mul3A_302, %add3A_303 : i32
      %get3A_305 = arith.index_cast %add3A_304 : i32 to index
      %get3A_306 = arith.constant 128 : index
      %get3A_307 = tpu.vector_load %arg6[%get3A_305, %get3A_306] {strides = array<i32>} : memref<128x256xf32, #tpu.memory_space<vmem>>, vector<1x16xf32>,
      %get3A_308 = vector.shape_cast %get3A_307 : vector<1x16xf32> to vector<16xf32>
      %add3A_309 = arith.addf %scan3A_222, %get3A_308 : vector<16xf32>
      %mul3A_310 = arith.constant 8 : i32
      %mul3A_311 = arith.muli %scan3A_213, %mul3A_310 : i32
      %add3A_312 = arith.constant 0 : i32
      %add3A_313 = arith.addi %mul3A_311, %add3A_312 : i32
      %get3A_314 = arith.index_cast %add3A_313 : i32 to index
      %get3A_315 = arith.constant 144 : index
      %get3A_316 = tpu.vector_load %arg6[%get3A_314, %get3A_315] {strides = array<i32>} : memref<128x256xf32, #tpu.memory_space<vmem>>, vector<1x16xf32>,
      %get3A_317 = vector.shape_cast %get3A_316 : vector<1x16xf32> to vector<16xf32>
      %add3A_318 = arith.addf %scan3A_223, %get3A_317 : vector<16xf32>
      %mul3A_319 = arith.constant 8 : i32
      %mul3A_320 = arith.muli %scan3A_213, %mul3A_319 : i32
      %add3A_321 = arith.constant 0 : i32
      %add3A_322 = arith.addi %mul3A_320, %add3A_321 : i32
      %get3A_323 = arith.index_cast %add3A_322 : i32 to index
      %get3A_324 = arith.constant 160 : index
      %get3A_325 = tpu.vector_load %arg6[%get3A_323, %get3A_324] {strides = array<i32>} : memref<128x256xf32, #tpu.memory_space<vmem>>, vector<1x16xf32>,
      %get3A_326 = vector.shape_cast %get3A_325 : vector<1x16xf32> to vector<16xf32>
      %add3A_327 = arith.addf %scan3A_224, %get3A_326 : vector<16xf32>
      %mul3A_328 = arith.constant 8 : i32
      %mul3A_329 = arith.muli %scan3A_213, %mul3A_328 : i32
      %add3A_330 = arith.constant 0 : i32
      %add3A_331 = arith.addi %mul3A_329, %add3A_330 : i32
      %get3A_332 = arith.index_cast %add3A_331 : i32 to index
      %get3A_333 = arith.constant 176 : index
      %get3A_334 = tpu.vector_load %arg6[%get3A_332, %get3A_333] {strides = array<i32>} : memref<128x256xf32, #tpu.memory_space<vmem>>, vector<1x16xf32>,
      %get3A_335 = vector.shape_cast %get3A_334 : vector<1x16xf32> to vector<16xf32>
      %add3A_336 = arith.addf %scan3A_225, %get3A_335 : vector<16xf32>
      %mul3A_337 = arith.constant 8 : i32
      %mul3A_338 = arith.muli %scan3A_213, %mul3A_337 : i32
      %add3A_339 = arith.constant 0 : i32
      %add3A_340 = arith.addi %mul3A_338, %add3A_339 : i32
      %get3A_341 = arith.index_cast %add3A_340 : i32 to index
      %get3A_342 = arith.constant 192 : index
      %get3A_343 = tpu.vector_load %arg6[%get3A_341, %get3A_342] {strides = array<i32>} : memref<128x256xf32, #tpu.memory_space<vmem>>, vector<1x16xf32>,
      %get3A_344 = vector.shape_cast %get3A_343 : vector<1x16xf32> to vector<16xf32>
      %add3A_345 = arith.addf %scan3A_226, %get3A_344 : vector<16xf32>
      %mul3A_346 = arith.constant 8 : i32
      %mul3A_347 = arith.muli %scan3A_213, %mul3A_346 : i32
      %add3A_348 = arith.constant 0 : i32
      %add3A_349 = arith.addi %mul3A_347, %add3A_348 : i32
      %get3A_350 = arith.index_cast %add3A_349 : i32 to index
      %get3A_351 = arith.constant 208 : index
      %get3A_352 = tpu.vector_load %arg6[%get3A_350, %get3A_351] {strides = array<i32>} : memref<128x256xf32, #tpu.memory_space<vmem>>, vector<1x16xf32>,
      %get3A_353 = vector.shape_cast %get3A_352 : vector<1x16xf32> to vector<16xf32>
      %add3A_354 = arith.addf %scan3A_227, %get3A_353 : vector<16xf32>
      %mul3A_355 = arith.constant 8 : i32
      %mul3A_356 = arith.muli %scan3A_213, %mul3A_355 : i32
      %add3A_357 = arith.constant 0 : i32
      %add3A_358 = arith.addi %mul3A_356, %add3A_357 : i32
      %get3A_359 = arith.index_cast %add3A_358 : i32 to index
      %get3A_360 = arith.constant 224 : index
      %get3A_361 = tpu.vector_load %arg6[%get3A_359, %get3A_360] {strides = array<i32>} : memref<128x256xf32, #tpu.memory_space<vmem>>, vector<1x16xf32>,
      %get3A_362 = vector.shape_cast %get3A_361 : vector<1x16xf32> to vector<16xf32>
      %add3A_363 = arith.addf %scan3A_228, %get3A_362 : vector<16xf32>
      %mul3A_364 = arith.constant 8 : i32
      %mul3A_365 = arith.muli %scan3A_213, %mul3A_364 : i32
      %add3A_366 = arith.constant 0 : i32
      %add3A_367 = arith.addi %mul3A_365, %add3A_366 : i32
      %get3A_368 = arith.index_cast %add3A_367 : i32 to index
      %get3A_369 = arith.constant 240 : index
      %get3A_370 = tpu.vector_load %arg6[%get3A_368, %get3A_369] {strides = array<i32>} : memref<128x256xf32, #tpu.memory_space<vmem>>, vector<1x16xf32>,
      %get3A_371 = vector.shape_cast %get3A_370 : vector<1x16xf32> to vector<16xf32>
      %add3A_372 = arith.addf %scan3A_229, %get3A_371 : vector<16xf32>
      %mul3A_373 = arith.constant 8 : i32
      %mul3A_374 = arith.muli %scan3A_213, %mul3A_373 : i32
      %add3A_375 = arith.constant 1 : i32
      %add3A_376 = arith.addi %mul3A_374, %add3A_375 : i32
      %get3A_377 = arith.index_cast %add3A_376 : i32 to index
      %get3A_378 = arith.constant 0 : index
      %get3A_379 = tpu.vector_load %arg6[%get3A_377, %get3A_378] {strides = array<i32>} : memref<128x256xf32, #tpu.memory_space<vmem>>, vector<1x16xf32>,
      %get3A_380 = vector.shape_cast %get3A_379 : vector<1x16xf32> to vector<16xf32>
      %add3A_381 = arith.addf %add3A_237, %get3A_380 : vector<16xf32>
      %mul3A_382 = arith.constant 8 : i32
      %mul3A_383 = arith.muli %scan3A_213, %mul3A_382 : i32
      %add3A_384 = arith.constant 1 : i32
      %add3A_385 = arith.addi %mul3A_383, %add3A_384 : i32
      %get3A_386 = arith.index_cast %add3A_385 : i32 to index
      %get3A_387 = arith.constant 16 : index
      %get3A_388 = tpu.vector_load %arg6[%get3A_386, %get3A_387] {strides = array<i32>} : memref<128x256xf32, #tpu.memory_space<vmem>>, vector<1x16xf32>,
      %get3A_389 = vector.shape_cast %get3A_388 : vector<1x16xf32> to vector<16xf32>
      %add3A_390 = arith.addf %add3A_246, %get3A_389 : vector<16xf32>
      %mul3A_391 = arith.constant 8 : i32
      %mul3A_392 = arith.muli %scan3A_213, %mul3A_391 : i32
      %add3A_393 = arith.constant 1 : i32
      %add3A_394 = arith.addi %mul3A_392, %add3A_393 : i32
      %get3A_395 = arith.index_cast %add3A_394 : i32 to index
      %get3A_396 = arith.constant 32 : index
      %get3A_397 = tpu.vector_load %arg6[%get3A_395, %get3A_396] {strides = array<i32>} : memref<128x256xf32, #tpu.memory_space<vmem>>, vector<1x16xf32>,
      %get3A_398 = vector.shape_cast %get3A_397 : vector<1x16xf32> to vector<16xf32>
      %add3A_399 = arith.addf %add3A_255, %get3A_398 : vector<16xf32>
      %mul3A_400 = arith.constant 8 : i32
      %mul3A_401 = arith.muli %scan3A_213, %mul3A_400 : i32
      %add3A_402 = arith.constant 1 : i32
      %add3A_403 = arith.addi %mul3A_401, %add3A_402 : i32
      %get3A_404 = arith.index_cast %add3A_403 : i32 to index
      %get3A_405 = arith.constant 48 : index
      %get3A_406 = tpu.vector_load %arg6[%get3A_404, %get3A_405] {strides = array<i32>} : memref<128x256xf32, #tpu.memory_space<vmem>>, vector<1x16xf32>,
      %get3A_407 = vector.shape_cast %get3A_406 : vector<1x16xf32> to vector<16xf32>
      %add3A_408 = arith.addf %add3A_264, %get3A_407 : vector<16xf32>
      %mul3A_409 = arith.constant 8 : i32
      %mul3A_410 = arith.muli %scan3A_213, %mul3A_409 : i32
      %add3A_411 = arith.constant 1 : i32
      %add3A_412 = arith.addi %mul3A_410, %add3A_411 : i32
      %get3A_413 = arith.index_cast %add3A_412 : i32 to index
      %get3A_414 = arith.constant 64 : index
      %get3A_415 = tpu.vector_load %arg6[%get3A_413, %get3A_414] {strides = array<i32>} : memref<128x256xf32, #tpu.memory_space<vmem>>, vector<1x16xf32>,
      %get3A_416 = vector.shape_cast %get3A_415 : vector<1x16xf32> to vector<16xf32>
      %add3A_417 = arith.addf %add3A_273, %get3A_416 : vector<16xf32>
      %mul3A_418 = arith.constant 8 : i32
      %mul3A_419 = arith.muli %scan3A_213, %mul3A_418 : i32
      %add3A_420 = arith.constant 1 : i32
      %add3A_421 = arith.addi %mul3A_419, %add3A_420 : i32
      %get3A_422 = arith.index_cast %add3A_421 : i32 to index
      %get3A_423 = arith.constant 80 : index
      %get3A_424 = tpu.vector_load %arg6[%get3A_422, %get3A_423] {strides = array<i32>} : memref<128x256xf32, #tpu.memory_space<vmem>>, vector<1x16xf32>,
      %get3A_425 = vector.shape_cast %get3A_424 : vector<1x16xf32> to vector<16xf32>
      %add3A_426 = arith.addf %add3A_282, %get3A_425 : vector<16xf32>
      %mul3A_427 = arith.constant 8 : i32
      %mul3A_428 = arith.muli %scan3A_213, %mul3A_427 : i32
      %add3A_429 = arith.constant 1 : i32
      %add3A_430 = arith.addi %mul3A_428, %add3A_429 : i32
      %get3A_431 = arith.index_cast %add3A_430 : i32 to index
      %get3A_432 = arith.constant 96 : index
      %get3A_433 = tpu.vector_load %arg6[%get3A_431, %get3A_432] {strides = array<i32>} : memref<128x256xf32, #tpu.memory_space<vmem>>, vector<1x16xf32>,
      %get3A_434 = vector.shape_cast %get3A_433 : vector<1x16xf32> to vector<16xf32>
      %add3A_435 = arith.addf %add3A_291, %get3A_434 : vector<16xf32>
      %mul3A_436 = arith.constant 8 : i32
      %mul3A_437 = arith.muli %scan3A_213, %mul3A_436 : i32
      %add3A_438 = arith.constant 1 : i32
      %add3A_439 = arith.addi %mul3A_437, %add3A_438 : i32
      %get3A_440 = arith.index_cast %add3A_439 : i32 to index
      %get3A_441 = arith.constant 112 : index
      %get3A_442 = tpu.vector_load %arg6[%get3A_440, %get3A_441] {strides = array<i32>} : memref<128x256xf32, #tpu.memory_space<vmem>>, vector<1x16xf32>,
      %get3A_443 = vector.shape_cast %get3A_442 : vector<1x16xf32> to vector<16xf32>
      %add3A_444 = arith.addf %add3A_300, %get3A_443 : vector<16xf32>
      %mul3A_445 = arith.constant 8 : i32
      %mul3A_446 = arith.muli %scan3A_213, %mul3A_445 : i32
      %add3A_447 = arith.constant 1 : i32
      %add3A_448 = arith.addi %mul3A_446, %add3A_447 : i32
      %get3A_449 = arith.index_cast %add3A_448 : i32 to index
      %get3A_450 = arith.constant 128 : index
      %get3A_451 = tpu.vector_load %arg6[%get3A_449, %get3A_450] {strides = array<i32>} : memref<128x256xf32, #tpu.memory_space<vmem>>, vector<1x16xf32>,
      %get3A_452 = vector.shape_cast %get3A_451 : vector<1x16xf32> to vector<16xf32>
      %add3A_453 = arith.addf %add3A_309, %get3A_452 : vector<16xf32>
      %mul3A_454 = arith.constant 8 : i32
      %mul3A_455 = arith.muli %scan3A_213, %mul3A_454 : i32
      %add3A_456 = arith.constant 1 : i32
      %add3A_457 = arith.addi %mul3A_455, %add3A_456 : i32
      %get3A_458 = arith.index_cast %add3A_457 : i32 to index
      %get3A_459 = arith.constant 144 : index
      %get3A_460 = tpu.vector_load %arg6[%get3A_458, %get3A_459] {strides = array<i32>} : memref<128x256xf32, #tpu.memory_space<vmem>>, vector<1x16xf32>,
      %get3A_461 = vector.shape_cast %get3A_460 : vector<1x16xf32> to vector<16xf32>
      %add3A_462 = arith.addf %add3A_318, %get3A_461 : vector<16xf32>
      %mul3A_463 = arith.constant 8 : i32
      %mul3A_464 = arith.muli %scan3A_213, %mul3A_463 : i32
      %add3A_465 = arith.constant 1 : i32
      %add3A_466 = arith.addi %mul3A_464, %add3A_465 : i32
      %get3A_467 = arith.index_cast %add3A_466 : i32 to index
      %get3A_468 = arith.constant 160 : index
      %get3A_469 = tpu.vector_load %arg6[%get3A_467, %get3A_468] {strides = array<i32>} : memref<128x256xf32, #tpu.memory_space<vmem>>, vector<1x16xf32>,
      %get3A_470 = vector.shape_cast %get3A_469 : vector<1x16xf32> to vector<16xf32>
      %add3A_471 = arith.addf %add3A_327, %get3A_470 : vector<16xf32>
      %mul3A_472 = arith.constant 8 : i32
      %mul3A_473 = arith.muli %scan3A_213, %mul3A_472 : i32
      %add3A_474 = arith.constant 1 : i32
      %add3A_475 = arith.addi %mul3A_473, %add3A_474 : i32
      %get3A_476 = arith.index_cast %add3A_475 : i32 to index
      %get3A_477 = arith.constant 176 : index
      %get3A_478 = tpu.vector_load %arg6[%get3A_476, %get3A_477] {strides = array<i32>} : memref<128x256xf32, #tpu.memory_space<vmem>>, vector<1x16xf32>,
      %get3A_479 = vector.shape_cast %get3A_478 : vector<1x16xf32> to vector<16xf32>
      %add3A_480 = arith.addf %add3A_336, %get3A_479 : vector<16xf32>
      %mul3A_481 = arith.constant 8 : i32
      %mul3A_482 = arith.muli %scan3A_213, %mul3A_481 : i32
      %add3A_483 = arith.constant 1 : i32
      %add3A_484 = arith.addi %mul3A_482, %add3A_483 : i32
      %get3A_485 = arith.index_cast %add3A_484 : i32 to index
      %get3A_486 = arith.constant 192 : index
      %get3A_487 = tpu.vector_load %arg6[%get3A_485, %get3A_486] {strides = array<i32>} : memref<128x256xf32, #tpu.memory_space<vmem>>, vector<1x16xf32>,
      %get3A_488 = vector.shape_cast %get3A_487 : vector<1x16xf32> to vector<16xf32>
      %add3A_489 = arith.addf %add3A_345, %get3A_488 : vector<16xf32>
      %mul3A_490 = arith.constant 8 : i32
      %mul3A_491 = arith.muli %scan3A_213, %mul3A_490 : i32
      %add3A_492 = arith.constant 1 : i32
      %add3A_493 = arith.addi %mul3A_491, %add3A_492 : i32
      %get3A_494 = arith.index_cast %add3A_493 : i32 to index
      %get3A_495 = arith.constant 208 : index
      %get3A_496 = tpu.vector_load %arg6[%get3A_494, %get3A_495] {strides = array<i32>} : memref<128x256xf32, #tpu.memory_space<vmem>>, vector<1x16xf32>,
      %get3A_497 = vector.shape_cast %get3A_496 : vector<1x16xf32> to vector<16xf32>
      %add3A_498 = arith.addf %add3A_354, %get3A_497 : vector<16xf32>
      %mul3A_499 = arith.constant 8 : i32
      %mul3A_500 = arith.muli %scan3A_213, %mul3A_499 : i32
      %add3A_501 = arith.constant 1 : i32
      %add3A_502 = arith.addi %mul3A_500, %add3A_501 : i32
      %get3A_503 = arith.index_cast %add3A_502 : i32 to index
      %get3A_504 = arith.constant 224 : index
      %get3A_505 = tpu.vector_load %arg6[%get3A_503, %get3A_504] {strides = array<i32>} : memref<128x256xf32, #tpu.memory_space<vmem>>, vector<1x16xf32>,
      %get3A_506 = vector.shape_cast %get3A_505 : vector<1x16xf32> to vector<16xf32>
      %add3A_507 = arith.addf %add3A_363, %get3A_506 : vector<16xf32>
      %mul3A_508 = arith.constant 8 : i32
      %mul3A_509 = arith.muli %scan3A_213, %mul3A_508 : i32
      %add3A_510 = arith.constant 1 : i32
      %add3A_511 = arith.addi %mul3A_509, %add3A_510 : i32
      %get3A_512 = arith.index_cast %add3A_511 : i32 to index
      %get3A_513 = arith.constant 240 : index
      %get3A_514 = tpu.vector_load %arg6[%get3A_512, %get3A_513] {strides = array<i32>} : memref<128x256xf32, #tpu.memory_space<vmem>>, vector<1x16xf32>,
      %get3A_515 = vector.shape_cast %get3A_514 : vector<1x16xf32> to vector<16xf32>
      %add3A_516 = arith.addf %add3A_372, %get3A_515 : vector<16xf32>
      %mul3A_517 = arith.constant 8 : i32
      %mul3A_518 = arith.muli %scan3A_213, %mul3A_517 : i32
      %add3A_519 = arith.constant 2 : i32
      %add3A_520 = arith.addi %mul3A_518, %add3A_519 : i32
      %get3A_521 = arith.index_cast %add3A_520 : i32 to index
      %get3A_522 = arith.constant 0 : index
      %get3A_523 = tpu.vector_load %arg6[%get3A_521, %get3A_522] {strides = array<i32>} : memref<128x256xf32, #tpu.memory_space<vmem>>, vector<1x16xf32>,
      %get3A_524 = vector.shape_cast %get3A_523 : vector<1x16xf32> to vector<16xf32>
      %add3A_525 = arith.addf %add3A_381, %get3A_524 : vector<16xf32>
      %mul3A_526 = arith.constant 8 : i32
      %mul3A_527 = arith.muli %scan3A_213, %mul3A_526 : i32
      %add3A_528 = arith.constant 2 : i32
      %add3A_529 = arith.addi %mul3A_527, %add3A_528 : i32
      %get3A_530 = arith.index_cast %add3A_529 : i32 to index
      %get3A_531 = arith.constant 16 : index
      %get3A_532 = tpu.vector_load %arg6[%get3A_530, %get3A_531] {strides = array<i32>} : memref<128x256xf32, #tpu.memory_space<vmem>>, vector<1x16xf32>,
      %get3A_533 = vector.shape_cast %get3A_532 : vector<1x16xf32> to vector<16xf32>
      %add3A_534 = arith.addf %add3A_390, %get3A_533 : vector<16xf32>
      %mul3A_535 = arith.constant 8 : i32
      %mul3A_536 = arith.muli %scan3A_213, %mul3A_535 : i32
      %add3A_537 = arith.constant 2 : i32
      %add3A_538 = arith.addi %mul3A_536, %add3A_537 : i32
      %get3A_539 = arith.index_cast %add3A_538 : i32 to index
      %get3A_540 = arith.constant 32 : index
      %get3A_541 = tpu.vector_load %arg6[%get3A_539, %get3A_540] {strides = array<i32>} : memref<128x256xf32, #tpu.memory_space<vmem>>, vector<1x16xf32>,
      %get3A_542 = vector.shape_cast %get3A_541 : vector<1x16xf32> to vector<16xf32>
      %add3A_543 = arith.addf %add3A_399, %get3A_542 : vector<16xf32>
      %mul3A_544 = arith.constant 8 : i32
      %mul3A_545 = arith.muli %scan3A_213, %mul3A_544 : i32
      %add3A_546 = arith.constant 2 : i32
      %add3A_547 = arith.addi %mul3A_545, %add3A_546 : i32
      %get3A_548 = arith.index_cast %add3A_547 : i32 to index
      %get3A_549 = arith.constant 48 : index
      %get3A_550 = tpu.vector_load %arg6[%get3A_548, %get3A_549] {strides = array<i32>} : memref<128x256xf32, #tpu.memory_space<vmem>>, vector<1x16xf32>,
      %get3A_551 = vector.shape_cast %get3A_550 : vector<1x16xf32> to vector<16xf32>
      %add3A_552 = arith.addf %add3A_408, %get3A_551 : vector<16xf32>
      %mul3A_553 = arith.constant 8 : i32
      %mul3A_554 = arith.muli %scan3A_213, %mul3A_553 : i32
      %add3A_555 = arith.constant 2 : i32
      %add3A_556 = arith.addi %mul3A_554, %add3A_555 : i32
      %get3A_557 = arith.index_cast %add3A_556 : i32 to index
      %get3A_558 = arith.constant 64 : index
      %get3A_559 = tpu.vector_load %arg6[%get3A_557, %get3A_558] {strides = array<i32>} : memref<128x256xf32, #tpu.memory_space<vmem>>, vector<1x16xf32>,
      %get3A_560 = vector.shape_cast %get3A_559 : vector<1x16xf32> to vector<16xf32>
      %add3A_561 = arith.addf %add3A_417, %get3A_560 : vector<16xf32>
      %mul3A_562 = arith.constant 8 : i32
      %mul3A_563 = arith.muli %scan3A_213, %mul3A_562 : i32
      %add3A_564 = arith.constant 2 : i32
      %add3A_565 = arith.addi %mul3A_563, %add3A_564 : i32
      %get3A_566 = arith.index_cast %add3A_565 : i32 to index
      %get3A_567 = arith.constant 80 : index
      %get3A_568 = tpu.vector_load %arg6[%get3A_566, %get3A_567] {strides = array<i32>} : memref<128x256xf32, #tpu.memory_space<vmem>>, vector<1x16xf32>,
      %get3A_569 = vector.shape_cast %get3A_568 : vector<1x16xf32> to vector<16xf32>
      %add3A_570 = arith.addf %add3A_426, %get3A_569 : vector<16xf32>
      %mul3A_571 = arith.constant 8 : i32
      %mul3A_572 = arith.muli %scan3A_213, %mul3A_571 : i32
      %add3A_573 = arith.constant 2 : i32
      %add3A_574 = arith.addi %mul3A_572, %add3A_573 : i32
      %get3A_575 = arith.index_cast %add3A_574 : i32 to index
      %get3A_576 = arith.constant 96 : index
      %get3A_577 = tpu.vector_load %arg6[%get3A_575, %get3A_576] {strides = array<i32>} : memref<128x256xf32, #tpu.memory_space<vmem>>, vector<1x16xf32>,
      %get3A_578 = vector.shape_cast %get3A_577 : vector<1x16xf32> to vector<16xf32>
      %add3A_579 = arith.addf %add3A_435, %get3A_578 : vector<16xf32>
      %mul3A_580 = arith.constant 8 : i32
      %mul3A_581 = arith.muli %scan3A_213, %mul3A_580 : i32
      %add3A_582 = arith.constant 2 : i32
      %add3A_583 = arith.addi %mul3A_581, %add3A_582 : i32
      %get3A_584 = arith.index_cast %add3A_583 : i32 to index
      %get3A_585 = arith.constant 112 : index
      %get3A_586 = tpu.vector_load %arg6[%get3A_584, %get3A_585] {strides = array<i32>} : memref<128x256xf32, #tpu.memory_space<vmem>>, vector<1x16xf32>,
      %get3A_587 = vector.shape_cast %get3A_586 : vector<1x16xf32> to vector<16xf32>
      %add3A_588 = arith.addf %add3A_444, %get3A_587 : vector<16xf32>
      %mul3A_589 = arith.constant 8 : i32
      %mul3A_590 = arith.muli %scan3A_213, %mul3A_589 : i32
      %add3A_591 = arith.constant 2 : i32
      %add3A_592 = arith.addi %mul3A_590, %add3A_591 : i32
      %get3A_593 = arith.index_cast %add3A_592 : i32 to index
      %get3A_594 = arith.constant 128 : index
      %get3A_595 = tpu.vector_load %arg6[%get3A_593, %get3A_594] {strides = array<i32>} : memref<128x256xf32, #tpu.memory_space<vmem>>, vector<1x16xf32>,
      %get3A_596 = vector.shape_cast %get3A_595 : vector<1x16xf32> to vector<16xf32>
      %add3A_597 = arith.addf %add3A_453, %get3A_596 : vector<16xf32>
      %mul3A_598 = arith.constant 8 : i32
      %mul3A_599 = arith.muli %scan3A_213, %mul3A_598 : i32
      %add3A_600 = arith.constant 2 : i32
      %add3A_601 = arith.addi %mul3A_599, %add3A_600 : i32
      %get3A_602 = arith.index_cast %add3A_601 : i32 to index
      %get3A_603 = arith.constant 144 : index
      %get3A_604 = tpu.vector_load %arg6[%get3A_602, %get3A_603] {strides = array<i32>} : memref<128x256xf32, #tpu.memory_space<vmem>>, vector<1x16xf32>,
      %get3A_605 = vector.shape_cast %get3A_604 : vector<1x16xf32> to vector<16xf32>
      %add3A_606 = arith.addf %add3A_462, %get3A_605 : vector<16xf32>
      %mul3A_607 = arith.constant 8 : i32
      %mul3A_608 = arith.muli %scan3A_213, %mul3A_607 : i32
      %add3A_609 = arith.constant 2 : i32
      %add3A_610 = arith.addi %mul3A_608, %add3A_609 : i32
      %get3A_611 = arith.index_cast %add3A_610 : i32 to index
      %get3A_612 = arith.constant 160 : index
      %get3A_613 = tpu.vector_load %arg6[%get3A_611, %get3A_612] {strides = array<i32>} : memref<128x256xf32, #tpu.memory_space<vmem>>, vector<1x16xf32>,
      %get3A_614 = vector.shape_cast %get3A_613 : vector<1x16xf32> to vector<16xf32>
      %add3A_615 = arith.addf %add3A_471, %get3A_614 : vector<16xf32>
      %mul3A_616 = arith.constant 8 : i32
      %mul3A_617 = arith.muli %scan3A_213, %mul3A_616 : i32
      %add3A_618 = arith.constant 2 : i32
      %add3A_619 = arith.addi %mul3A_617, %add3A_618 : i32
      %get3A_620 = arith.index_cast %add3A_619 : i32 to index
      %get3A_621 = arith.constant 176 : index
      %get3A_622 = tpu.vector_load %arg6[%get3A_620, %get3A_621] {strides = array<i32>} : memref<128x256xf32, #tpu.memory_space<vmem>>, vector<1x16xf32>,
      %get3A_623 = vector.shape_cast %get3A_622 : vector<1x16xf32> to vector<16xf32>
      %add3A_624 = arith.addf %add3A_480, %get3A_623 : vector<16xf32>
      %mul3A_625 = arith.constant 8 : i32
      %mul3A_626 = arith.muli %scan3A_213, %mul3A_625 : i32
      %add3A_627 = arith.constant 2 : i32
      %add3A_628 = arith.addi %mul3A_626, %add3A_627 : i32
      %get3A_629 = arith.index_cast %add3A_628 : i32 to index
      %get3A_630 = arith.constant 192 : index
      %get3A_631 = tpu.vector_load %arg6[%get3A_629, %get3A_630] {strides = array<i32>} : memref<128x256xf32, #tpu.memory_space<vmem>>, vector<1x16xf32>,
      %get3A_632 = vector.shape_cast %get3A_631 : vector<1x16xf32> to vector<16xf32>
      %add3A_633 = arith.addf %add3A_489, %get3A_632 : vector<16xf32>
      %mul3A_634 = arith.constant 8 : i32
      %mul3A_635 = arith.muli %scan3A_213, %mul3A_634 : i32
      %add3A_636 = arith.constant 2 : i32
      %add3A_637 = arith.addi %mul3A_635, %add3A_636 : i32
      %get3A_638 = arith.index_cast %add3A_637 : i32 to index
      %get3A_639 = arith.constant 208 : index
      %get3A_640 = tpu.vector_load %arg6[%get3A_638, %get3A_639] {strides = array<i32>} : memref<128x256xf32, #tpu.memory_space<vmem>>, vector<1x16xf32>,
      %get3A_641 = vector.shape_cast %get3A_640 : vector<1x16xf32> to vector<16xf32>
      %add3A_642 = arith.addf %add3A_498, %get3A_641 : vector<16xf32>
      %mul3A_643 = arith.constant 8 : i32
      %mul3A_644 = arith.muli %scan3A_213, %mul3A_643 : i32
      %add3A_645 = arith.constant 2 : i32
      %add3A_646 = arith.addi %mul3A_644, %add3A_645 : i32
      %get3A_647 = arith.index_cast %add3A_646 : i32 to index
      %get3A_648 = arith.constant 224 : index
      %get3A_649 = tpu.vector_load %arg6[%get3A_647, %get3A_648] {strides = array<i32>} : memref<128x256xf32, #tpu.memory_space<vmem>>, vector<1x16xf32>,
      %get3A_650 = vector.shape_cast %get3A_649 : vector<1x16xf32> to vector<16xf32>
      %add3A_651 = arith.addf %add3A_507, %get3A_650 : vector<16xf32>
      %mul3A_652 = arith.constant 8 : i32
      %mul3A_653 = arith.muli %scan3A_213, %mul3A_652 : i32
      %add3A_654 = arith.constant 2 : i32
      %add3A_655 = arith.addi %mul3A_653, %add3A_654 : i32
      %get3A_656 = arith.index_cast %add3A_655 : i32 to index
      %get3A_657 = arith.constant 240 : index
      %get3A_658 = tpu.vector_load %arg6[%get3A_656, %get3A_657] {strides = array<i32>} : memref<128x256xf32, #tpu.memory_space<vmem>>, vector<1x16xf32>,
      %get3A_659 = vector.shape_cast %get3A_658 : vector<1x16xf32> to vector<16xf32>
      %add3A_660 = arith.addf %add3A_516, %get3A_659 : vector<16xf32>
      %mul3A_661 = arith.constant 8 : i32
      %mul3A_662 = arith.muli %scan3A_213, %mul3A_661 : i32
      %add3A_663 = arith.constant 3 : i32
      %add3A_664 = arith.addi %mul3A_662, %add3A_663 : i32
      %get3A_665 = arith.index_cast %add3A_664 : i32 to index
      %get3A_666 = arith.constant 0 : index
      %get3A_667 = tpu.vector_load %arg6[%get3A_665, %get3A_666] {strides = array<i32>} : memref<128x256xf32, #tpu.memory_space<vmem>>, vector<1x16xf32>,
      %get3A_668 = vector.shape_cast %get3A_667 : vector<1x16xf32> to vector<16xf32>
      %add3A_669 = arith.addf %add3A_525, %get3A_668 : vector<16xf32>
      %mul3A_670 = arith.constant 8 : i32
      %mul3A_671 = arith.muli %scan3A_213, %mul3A_670 : i32
      %add3A_672 = arith.constant 3 : i32
      %add3A_673 = arith.addi %mul3A_671, %add3A_672 : i32
      %get3A_674 = arith.index_cast %add3A_673 : i32 to index
      %get3A_675 = arith.constant 16 : index
      %get3A_676 = tpu.vector_load %arg6[%get3A_674, %get3A_675] {strides = array<i32>} : memref<128x256xf32, #tpu.memory_space<vmem>>, vector<1x16xf32>,
      %get3A_677 = vector.shape_cast %get3A_676 : vector<1x16xf32> to vector<16xf32>
      %add3A_678 = arith.addf %add3A_534, %get3A_677 : vector<16xf32>
      %mul3A_679 = arith.constant 8 : i32
      %mul3A_680 = arith.muli %scan3A_213, %mul3A_679 : i32
      %add3A_681 = arith.constant 3 : i32
      %add3A_682 = arith.addi %mul3A_680, %add3A_681 : i32
      %get3A_683 = arith.index_cast %add3A_682 : i32 to index
      %get3A_684 = arith.constant 32 : index
      %get3A_685 = tpu.vector_load %arg6[%get3A_683, %get3A_684] {strides = array<i32>} : memref<128x256xf32, #tpu.memory_space<vmem>>, vector<1x16xf32>,
      %get3A_686 = vector.shape_cast %get3A_685 : vector<1x16xf32> to vector<16xf32>
      %add3A_687 = arith.addf %add3A_543, %get3A_686 : vector<16xf32>
      %mul3A_688 = arith.constant 8 : i32
      %mul3A_689 = arith.muli %scan3A_213, %mul3A_688 : i32
      %add3A_690 = arith.constant 3 : i32
      %add3A_691 = arith.addi %mul3A_689, %add3A_690 : i32
      %get3A_692 = arith.index_cast %add3A_691 : i32 to index
      %get3A_693 = arith.constant 48 : index
      %get3A_694 = tpu.vector_load %arg6[%get3A_692, %get3A_693] {strides = array<i32>} : memref<128x256xf32, #tpu.memory_space<vmem>>, vector<1x16xf32>,
      %get3A_695 = vector.shape_cast %get3A_694 : vector<1x16xf32> to vector<16xf32>
      %add3A_696 = arith.addf %add3A_552, %get3A_695 : vector<16xf32>
      %mul3A_697 = arith.constant 8 : i32
      %mul3A_698 = arith.muli %scan3A_213, %mul3A_697 : i32
      %add3A_699 = arith.constant 3 : i32
      %add3A_700 = arith.addi %mul3A_698, %add3A_699 : i32
      %get3A_701 = arith.index_cast %add3A_700 : i32 to index
      %get3A_702 = arith.constant 64 : index
      %get3A_703 = tpu.vector_load %arg6[%get3A_701, %get3A_702] {strides = array<i32>} : memref<128x256xf32, #tpu.memory_space<vmem>>, vector<1x16xf32>,
      %get3A_704 = vector.shape_cast %get3A_703 : vector<1x16xf32> to vector<16xf32>
      %add3A_705 = arith.addf %add3A_561, %get3A_704 : vector<16xf32>
      %mul3A_706 = arith.constant 8 : i32
      %mul3A_707 = arith.muli %scan3A_213, %mul3A_706 : i32
      %add3A_708 = arith.constant 3 : i32
      %add3A_709 = arith.addi %mul3A_707, %add3A_708 : i32
      %get3A_710 = arith.index_cast %add3A_709 : i32 to index
      %get3A_711 = arith.constant 80 : index
      %get3A_712 = tpu.vector_load %arg6[%get3A_710, %get3A_711] {strides = array<i32>} : memref<128x256xf32, #tpu.memory_space<vmem>>, vector<1x16xf32>,
      %get3A_713 = vector.shape_cast %get3A_712 : vector<1x16xf32> to vector<16xf32>
      %add3A_714 = arith.addf %add3A_570, %get3A_713 : vector<16xf32>
      %mul3A_715 = arith.constant 8 : i32
      %mul3A_716 = arith.muli %scan3A_213, %mul3A_715 : i32
      %add3A_717 = arith.constant 3 : i32
      %add3A_718 = arith.addi %mul3A_716, %add3A_717 : i32
      %get3A_719 = arith.index_cast %add3A_718 : i32 to index
      %get3A_720 = arith.constant 96 : index
      %get3A_721 = tpu.vector_load %arg6[%get3A_719, %get3A_720] {strides = array<i32>} : memref<128x256xf32, #tpu.memory_space<vmem>>, vector<1x16xf32>,
      %get3A_722 = vector.shape_cast %get3A_721 : vector<1x16xf32> to vector<16xf32>
      %add3A_723 = arith.addf %add3A_579, %get3A_722 : vector<16xf32>
      %mul3A_724 = arith.constant 8 : i32
      %mul3A_725 = arith.muli %scan3A_213, %mul3A_724 : i32
      %add3A_726 = arith.constant 3 : i32
      %add3A_727 = arith.addi %mul3A_725, %add3A_726 : i32
      %get3A_728 = arith.index_cast %add3A_727 : i32 to index
      %get3A_729 = arith.constant 112 : index
      %get3A_730 = tpu.vector_load %arg6[%get3A_728, %get3A_729] {strides = array<i32>} : memref<128x256xf32, #tpu.memory_space<vmem>>, vector<1x16xf32>,
      %get3A_731 = vector.shape_cast %get3A_730 : vector<1x16xf32> to vector<16xf32>
      %add3A_732 = arith.addf %add3A_588, %get3A_731 : vector<16xf32>
      %mul3A_733 = arith.constant 8 : i32
      %mul3A_734 = arith.muli %scan3A_213, %mul3A_733 : i32
      %add3A_735 = arith.constant 3 : i32
      %add3A_736 = arith.addi %mul3A_734, %add3A_735 : i32
      %get3A_737 = arith.index_cast %add3A_736 : i32 to index
      %get3A_738 = arith.constant 128 : index
      %get3A_739 = tpu.vector_load %arg6[%get3A_737, %get3A_738] {strides = array<i32>} : memref<128x256xf32, #tpu.memory_space<vmem>>, vector<1x16xf32>,
      %get3A_740 = vector.shape_cast %get3A_739 : vector<1x16xf32> to vector<16xf32>
      %add3A_741 = arith.addf %add3A_597, %get3A_740 : vector<16xf32>
      %mul3A_742 = arith.constant 8 : i32
      %mul3A_743 = arith.muli %scan3A_213, %mul3A_742 : i32
      %add3A_744 = arith.constant 3 : i32
      %add3A_745 = arith.addi %mul3A_743, %add3A_744 : i32
      %get3A_746 = arith.index_cast %add3A_745 : i32 to index
      %get3A_747 = arith.constant 144 : index
      %get3A_748 = tpu.vector_load %arg6[%get3A_746, %get3A_747] {strides = array<i32>} : memref<128x256xf32, #tpu.memory_space<vmem>>, vector<1x16xf32>,
      %get3A_749 = vector.shape_cast %get3A_748 : vector<1x16xf32> to vector<16xf32>
      %add3A_750 = arith.addf %add3A_606, %get3A_749 : vector<16xf32>
      %mul3A_751 = arith.constant 8 : i32
      %mul3A_752 = arith.muli %scan3A_213, %mul3A_751 : i32
      %add3A_753 = arith.constant 3 : i32
      %add3A_754 = arith.addi %mul3A_752, %add3A_753 : i32
      %get3A_755 = arith.index_cast %add3A_754 : i32 to index
      %get3A_756 = arith.constant 160 : index
      %get3A_757 = tpu.vector_load %arg6[%get3A_755, %get3A_756] {strides = array<i32>} : memref<128x256xf32, #tpu.memory_space<vmem>>, vector<1x16xf32>,
      %get3A_758 = vector.shape_cast %get3A_757 : vector<1x16xf32> to vector<16xf32>
      %add3A_759 = arith.addf %add3A_615, %get3A_758 : vector<16xf32>
      %mul3A_760 = arith.constant 8 : i32
      %mul3A_761 = arith.muli %scan3A_213, %mul3A_760 : i32
      %add3A_762 = arith.constant 3 : i32
      %add3A_763 = arith.addi %mul3A_761, %add3A_762 : i32
      %get3A_764 = arith.index_cast %add3A_763 : i32 to index
      %get3A_765 = arith.constant 176 : index
      %get3A_766 = tpu.vector_load %arg6[%get3A_764, %get3A_765] {strides = array<i32>} : memref<128x256xf32, #tpu.memory_space<vmem>>, vector<1x16xf32>,
      %get3A_767 = vector.shape_cast %get3A_766 : vector<1x16xf32> to vector<16xf32>
      %add3A_768 = arith.addf %add3A_624, %get3A_767 : vector<16xf32>
      %mul3A_769 = arith.constant 8 : i32
      %mul3A_770 = arith.muli %scan3A_213, %mul3A_769 : i32
      %add3A_771 = arith.constant 3 : i32
      %add3A_772 = arith.addi %mul3A_770, %add3A_771 : i32
      %get3A_773 = arith.index_cast %add3A_772 : i32 to index
      %get3A_774 = arith.constant 192 : index
      %get3A_775 = tpu.vector_load %arg6[%get3A_773, %get3A_774] {strides = array<i32>} : memref<128x256xf32, #tpu.memory_space<vmem>>, vector<1x16xf32>,
      %get3A_776 = vector.shape_cast %get3A_775 : vector<1x16xf32> to vector<16xf32>
      %add3A_777 = arith.addf %add3A_633, %get3A_776 : vector<16xf32>
      %mul3A_778 = arith.constant 8 : i32
      %mul3A_779 = arith.muli %scan3A_213, %mul3A_778 : i32
      %add3A_780 = arith.constant 3 : i32
      %add3A_781 = arith.addi %mul3A_779, %add3A_780 : i32
      %get3A_782 = arith.index_cast %add3A_781 : i32 to index
      %get3A_783 = arith.constant 208 : index
      %get3A_784 = tpu.vector_load %arg6[%get3A_782, %get3A_783] {strides = array<i32>} : memref<128x256xf32, #tpu.memory_space<vmem>>, vector<1x16xf32>,
      %get3A_785 = vector.shape_cast %get3A_784 : vector<1x16xf32> to vector<16xf32>
      %add3A_786 = arith.addf %add3A_642, %get3A_785 : vector<16xf32>
      %mul3A_787 = arith.constant 8 : i32
      %mul3A_788 = arith.muli %scan3A_213, %mul3A_787 : i32
      %add3A_789 = arith.constant 3 : i32
      %add3A_790 = arith.addi %mul3A_788, %add3A_789 : i32
      %get3A_791 = arith.index_cast %add3A_790 : i32 to index
      %get3A_792 = arith.constant 224 : index
      %get3A_793 = tpu.vector_load %arg6[%get3A_791, %get3A_792] {strides = array<i32>} : memref<128x256xf32, #tpu.memory_space<vmem>>, vector<1x16xf32>,
      %get3A_794 = vector.shape_cast %get3A_793 : vector<1x16xf32> to vector<16xf32>
      %add3A_795 = arith.addf %add3A_651, %get3A_794 : vector<16xf32>
      %mul3A_796 = arith.constant 8 : i32
      %mul3A_797 = arith.muli %scan3A_213, %mul3A_796 : i32
      %add3A_798 = arith.constant 3 : i32
      %add3A_799 = arith.addi %mul3A_797, %add3A_798 : i32
      %get3A_800 = arith.index_cast %add3A_799 : i32 to index
      %get3A_801 = arith.constant 240 : index
      %get3A_802 = tpu.vector_load %arg6[%get3A_800, %get3A_801] {strides = array<i32>} : memref<128x256xf32, #tpu.memory_space<vmem>>, vector<1x16xf32>,
      %get3A_803 = vector.shape_cast %get3A_802 : vector<1x16xf32> to vector<16xf32>
      %add3A_804 = arith.addf %add3A_660, %get3A_803 : vector<16xf32>
      %mul3A_805 = arith.constant 8 : i32
      %mul3A_806 = arith.muli %scan3A_213, %mul3A_805 : i32
      %add3A_807 = arith.constant 4 : i32
      %add3A_808 = arith.addi %mul3A_806, %add3A_807 : i32
      %get3A_809 = arith.index_cast %add3A_808 : i32 to index
      %get3A_810 = arith.constant 0 : index
      %get3A_811 = tpu.vector_load %arg6[%get3A_809, %get3A_810] {strides = array<i32>} : memref<128x256xf32, #tpu.memory_space<vmem>>, vector<1x16xf32>,
      %get3A_812 = vector.shape_cast %get3A_811 : vector<1x16xf32> to vector<16xf32>
      %add3A_813 = arith.addf %add3A_669, %get3A_812 : vector<16xf32>
      %mul3A_814 = arith.constant 8 : i32
      %mul3A_815 = arith.muli %scan3A_213, %mul3A_814 : i32
      %add3A_816 = arith.constant 4 : i32
      %add3A_817 = arith.addi %mul3A_815, %add3A_816 : i32
      %get3A_818 = arith.index_cast %add3A_817 : i32 to index
      %get3A_819 = arith.constant 16 : index
      %get3A_820 = tpu.vector_load %arg6[%get3A_818, %get3A_819] {strides = array<i32>} : memref<128x256xf32, #tpu.memory_space<vmem>>, vector<1x16xf32>,
      %get3A_821 = vector.shape_cast %get3A_820 : vector<1x16xf32> to vector<16xf32>
      %add3A_822 = arith.addf %add3A_678, %get3A_821 : vector<16xf32>
      %mul3A_823 = arith.constant 8 : i32
      %mul3A_824 = arith.muli %scan3A_213, %mul3A_823 : i32
      %add3A_825 = arith.constant 4 : i32
      %add3A_826 = arith.addi %mul3A_824, %add3A_825 : i32
      %get3A_827 = arith.index_cast %add3A_826 : i32 to index
      %get3A_828 = arith.constant 32 : index
      %get3A_829 = tpu.vector_load %arg6[%get3A_827, %get3A_828] {strides = array<i32>} : memref<128x256xf32, #tpu.memory_space<vmem>>, vector<1x16xf32>,
      %get3A_830 = vector.shape_cast %get3A_829 : vector<1x16xf32> to vector<16xf32>
      %add3A_831 = arith.addf %add3A_687, %get3A_830 : vector<16xf32>
      %mul3A_832 = arith.constant 8 : i32
      %mul3A_833 = arith.muli %scan3A_213, %mul3A_832 : i32
      %add3A_834 = arith.constant 4 : i32
      %add3A_835 = arith.addi %mul3A_833, %add3A_834 : i32
      %get3A_836 = arith.index_cast %add3A_835 : i32 to index
      %get3A_837 = arith.constant 48 : index
      %get3A_838 = tpu.vector_load %arg6[%get3A_836, %get3A_837] {strides = array<i32>} : memref<128x256xf32, #tpu.memory_space<vmem>>, vector<1x16xf32>,
      %get3A_839 = vector.shape_cast %get3A_838 : vector<1x16xf32> to vector<16xf32>
      %add3A_840 = arith.addf %add3A_696, %get3A_839 : vector<16xf32>
      %mul3A_841 = arith.constant 8 : i32
      %mul3A_842 = arith.muli %scan3A_213, %mul3A_841 : i32
      %add3A_843 = arith.constant 4 : i32
      %add3A_844 = arith.addi %mul3A_842, %add3A_843 : i32
      %get3A_845 = arith.index_cast %add3A_844 : i32 to index
      %get3A_846 = arith.constant 64 : index
      %get3A_847 = tpu.vector_load %arg6[%get3A_845, %get3A_846] {strides = array<i32>} : memref<128x256xf32, #tpu.memory_space<vmem>>, vector<1x16xf32>,
      %get3A_848 = vector.shape_cast %get3A_847 : vector<1x16xf32> to vector<16xf32>
      %add3A_849 = arith.addf %add3A_705, %get3A_848 : vector<16xf32>
      %mul3A_850 = arith.constant 8 : i32
      %mul3A_851 = arith.muli %scan3A_213, %mul3A_850 : i32
      %add3A_852 = arith.constant 4 : i32
      %add3A_853 = arith.addi %mul3A_851, %add3A_852 : i32
      %get3A_854 = arith.index_cast %add3A_853 : i32 to index
      %get3A_855 = arith.constant 80 : index
      %get3A_856 = tpu.vector_load %arg6[%get3A_854, %get3A_855] {strides = array<i32>} : memref<128x256xf32, #tpu.memory_space<vmem>>, vector<1x16xf32>,
      %get3A_857 = vector.shape_cast %get3A_856 : vector<1x16xf32> to vector<16xf32>
      %add3A_858 = arith.addf %add3A_714, %get3A_857 : vector<16xf32>
      %mul3A_859 = arith.constant 8 : i32
      %mul3A_860 = arith.muli %scan3A_213, %mul3A_859 : i32
      %add3A_861 = arith.constant 4 : i32
      %add3A_862 = arith.addi %mul3A_860, %add3A_861 : i32
      %get3A_863 = arith.index_cast %add3A_862 : i32 to index
      %get3A_864 = arith.constant 96 : index
      %get3A_865 = tpu.vector_load %arg6[%get3A_863, %get3A_864] {strides = array<i32>} : memref<128x256xf32, #tpu.memory_space<vmem>>, vector<1x16xf32>,
      %get3A_866 = vector.shape_cast %get3A_865 : vector<1x16xf32> to vector<16xf32>
      %add3A_867 = arith.addf %add3A_723, %get3A_866 : vector<16xf32>
      %mul3A_868 = arith.constant 8 : i32
      %mul3A_869 = arith.muli %scan3A_213, %mul3A_868 : i32
      %add3A_870 = arith.constant 4 : i32
      %add3A_871 = arith.addi %mul3A_869, %add3A_870 : i32
      %get3A_872 = arith.index_cast %add3A_871 : i32 to index
      %get3A_873 = arith.constant 112 : index
      %get3A_874 = tpu.vector_load %arg6[%get3A_872, %get3A_873] {strides = array<i32>} : memref<128x256xf32, #tpu.memory_space<vmem>>, vector<1x16xf32>,
      %get3A_875 = vector.shape_cast %get3A_874 : vector<1x16xf32> to vector<16xf32>
      %add3A_876 = arith.addf %add3A_732, %get3A_875 : vector<16xf32>
      %mul3A_877 = arith.constant 8 : i32
      %mul3A_878 = arith.muli %scan3A_213, %mul3A_877 : i32
      %add3A_879 = arith.constant 4 : i32
      %add3A_880 = arith.addi %mul3A_878, %add3A_879 : i32
      %get3A_881 = arith.index_cast %add3A_880 : i32 to index
      %get3A_882 = arith.constant 128 : index
      %get3A_883 = tpu.vector_load %arg6[%get3A_881, %get3A_882] {strides = array<i32>} : memref<128x256xf32, #tpu.memory_space<vmem>>, vector<1x16xf32>,
      %get3A_884 = vector.shape_cast %get3A_883 : vector<1x16xf32> to vector<16xf32>
      %add3A_885 = arith.addf %add3A_741, %get3A_884 : vector<16xf32>
      %mul3A_886 = arith.constant 8 : i32
      %mul3A_887 = arith.muli %scan3A_213, %mul3A_886 : i32
      %add3A_888 = arith.constant 4 : i32
      %add3A_889 = arith.addi %mul3A_887, %add3A_888 : i32
      %get3A_890 = arith.index_cast %add3A_889 : i32 to index
      %get3A_891 = arith.constant 144 : index
      %get3A_892 = tpu.vector_load %arg6[%get3A_890, %get3A_891] {strides = array<i32>} : memref<128x256xf32, #tpu.memory_space<vmem>>, vector<1x16xf32>,
      %get3A_893 = vector.shape_cast %get3A_892 : vector<1x16xf32> to vector<16xf32>
      %add3A_894 = arith.addf %add3A_750, %get3A_893 : vector<16xf32>
      %mul3A_895 = arith.constant 8 : i32
      %mul3A_896 = arith.muli %scan3A_213, %mul3A_895 : i32
      %add3A_897 = arith.constant 4 : i32
      %add3A_898 = arith.addi %mul3A_896, %add3A_897 : i32
      %get3A_899 = arith.index_cast %add3A_898 : i32 to index
      %get3A_900 = arith.constant 160 : index
      %get3A_901 = tpu.vector_load %arg6[%get3A_899, %get3A_900] {strides = array<i32>} : memref<128x256xf32, #tpu.memory_space<vmem>>, vector<1x16xf32>,
      %get3A_902 = vector.shape_cast %get3A_901 : vector<1x16xf32> to vector<16xf32>
      %add3A_903 = arith.addf %add3A_759, %get3A_902 : vector<16xf32>
      %mul3A_904 = arith.constant 8 : i32
      %mul3A_905 = arith.muli %scan3A_213, %mul3A_904 : i32
      %add3A_906 = arith.constant 4 : i32
      %add3A_907 = arith.addi %mul3A_905, %add3A_906 : i32
      %get3A_908 = arith.index_cast %add3A_907 : i32 to index
      %get3A_909 = arith.constant 176 : index
      %get3A_910 = tpu.vector_load %arg6[%get3A_908, %get3A_909] {strides = array<i32>} : memref<128x256xf32, #tpu.memory_space<vmem>>, vector<1x16xf32>,
      %get3A_911 = vector.shape_cast %get3A_910 : vector<1x16xf32> to vector<16xf32>
      %add3A_912 = arith.addf %add3A_768, %get3A_911 : vector<16xf32>
      %mul3A_913 = arith.constant 8 : i32
      %mul3A_914 = arith.muli %scan3A_213, %mul3A_913 : i32
      %add3A_915 = arith.constant 4 : i32
      %add3A_916 = arith.addi %mul3A_914, %add3A_915 : i32
      %get3A_917 = arith.index_cast %add3A_916 : i32 to index
      %get3A_918 = arith.constant 192 : index
      %get3A_919 = tpu.vector_load %arg6[%get3A_917, %get3A_918] {strides = array<i32>} : memref<128x256xf32, #tpu.memory_space<vmem>>, vector<1x16xf32>,
      %get3A_920 = vector.shape_cast %get3A_919 : vector<1x16xf32> to vector<16xf32>
      %add3A_921 = arith.addf %add3A_777, %get3A_920 : vector<16xf32>
      %mul3A_922 = arith.constant 8 : i32
      %mul3A_923 = arith.muli %scan3A_213, %mul3A_922 : i32
      %add3A_924 = arith.constant 4 : i32
      %add3A_925 = arith.addi %mul3A_923, %add3A_924 : i32
      %get3A_926 = arith.index_cast %add3A_925 : i32 to index
      %get3A_927 = arith.constant 208 : index
      %get3A_928 = tpu.vector_load %arg6[%get3A_926, %get3A_927] {strides = array<i32>} : memref<128x256xf32, #tpu.memory_space<vmem>>, vector<1x16xf32>,
      %get3A_929 = vector.shape_cast %get3A_928 : vector<1x16xf32> to vector<16xf32>
      %add3A_930 = arith.addf %add3A_786, %get3A_929 : vector<16xf32>
      %mul3A_931 = arith.constant 8 : i32
      %mul3A_932 = arith.muli %scan3A_213, %mul3A_931 : i32
      %add3A_933 = arith.constant 4 : i32
      %add3A_934 = arith.addi %mul3A_932, %add3A_933 : i32
      %get3A_935 = arith.index_cast %add3A_934 : i32 to index
      %get3A_936 = arith.constant 224 : index
      %get3A_937 = tpu.vector_load %arg6[%get3A_935, %get3A_936] {strides = array<i32>} : memref<128x256xf32, #tpu.memory_space<vmem>>, vector<1x16xf32>,
      %get3A_938 = vector.shape_cast %get3A_937 : vector<1x16xf32> to vector<16xf32>
      %add3A_939 = arith.addf %add3A_795, %get3A_938 : vector<16xf32>
      %mul3A_940 = arith.constant 8 : i32
      %mul3A_941 = arith.muli %scan3A_213, %mul3A_940 : i32
      %add3A_942 = arith.constant 4 : i32
      %add3A_943 = arith.addi %mul3A_941, %add3A_942 : i32
      %get3A_944 = arith.index_cast %add3A_943 : i32 to index
      %get3A_945 = arith.constant 240 : index
      %get3A_946 = tpu.vector_load %arg6[%get3A_944, %get3A_945] {strides = array<i32>} : memref<128x256xf32, #tpu.memory_space<vmem>>, vector<1x16xf32>,
      %get3A_947 = vector.shape_cast %get3A_946 : vector<1x16xf32> to vector<16xf32>
      %add3A_948 = arith.addf %add3A_804, %get3A_947 : vector<16xf32>
      %mul3A_949 = arith.constant 8 : i32
      %mul3A_950 = arith.muli %scan3A_213, %mul3A_949 : i32
      %add3A_951 = arith.constant 5 : i32
      %add3A_952 = arith.addi %mul3A_950, %add3A_951 : i32
      %get3A_953 = arith.index_cast %add3A_952 : i32 to index
      %get3A_954 = arith.constant 0 : index
      %get3A_955 = tpu.vector_load %arg6[%get3A_953, %get3A_954] {strides = array<i32>} : memref<128x256xf32, #tpu.memory_space<vmem>>, vector<1x16xf32>,
      %get3A_956 = vector.shape_cast %get3A_955 : vector<1x16xf32> to vector<16xf32>
      %add3A_957 = arith.addf %add3A_813, %get3A_956 : vector<16xf32>
      %mul3A_958 = arith.constant 8 : i32
      %mul3A_959 = arith.muli %scan3A_213, %mul3A_958 : i32
      %add3A_960 = arith.constant 5 : i32
      %add3A_961 = arith.addi %mul3A_959, %add3A_960 : i32
      %get3A_962 = arith.index_cast %add3A_961 : i32 to index
      %get3A_963 = arith.constant 16 : index
      %get3A_964 = tpu.vector_load %arg6[%get3A_962, %get3A_963] {strides = array<i32>} : memref<128x256xf32, #tpu.memory_space<vmem>>, vector<1x16xf32>,
      %get3A_965 = vector.shape_cast %get3A_964 : vector<1x16xf32> to vector<16xf32>
      %add3A_966 = arith.addf %add3A_822, %get3A_965 : vector<16xf32>
      %mul3A_967 = arith.constant 8 : i32
      %mul3A_968 = arith.muli %scan3A_213, %mul3A_967 : i32
      %add3A_969 = arith.constant 5 : i32
      %add3A_970 = arith.addi %mul3A_968, %add3A_969 : i32
      %get3A_971 = arith.index_cast %add3A_970 : i32 to index
      %get3A_972 = arith.constant 32 : index
      %get3A_973 = tpu.vector_load %arg6[%get3A_971, %get3A_972] {strides = array<i32>} : memref<128x256xf32, #tpu.memory_space<vmem>>, vector<1x16xf32>,
      %get3A_974 = vector.shape_cast %get3A_973 : vector<1x16xf32> to vector<16xf32>
      %add3A_975 = arith.addf %add3A_831, %get3A_974 : vector<16xf32>
      %mul3A_976 = arith.constant 8 : i32
      %mul3A_977 = arith.muli %scan3A_213, %mul3A_976 : i32
      %add3A_978 = arith.constant 5 : i32
      %add3A_979 = arith.addi %mul3A_977, %add3A_978 : i32
      %get3A_980 = arith.index_cast %add3A_979 : i32 to index
      %get3A_981 = arith.constant 48 : index
      %get3A_982 = tpu.vector_load %arg6[%get3A_980, %get3A_981] {strides = array<i32>} : memref<128x256xf32, #tpu.memory_space<vmem>>, vector<1x16xf32>,
      %get3A_983 = vector.shape_cast %get3A_982 : vector<1x16xf32> to vector<16xf32>
      %add3A_984 = arith.addf %add3A_840, %get3A_983 : vector<16xf32>
      %mul3A_985 = arith.constant 8 : i32
      %mul3A_986 = arith.muli %scan3A_213, %mul3A_985 : i32
      %add3A_987 = arith.constant 5 : i32
      %add3A_988 = arith.addi %mul3A_986, %add3A_987 : i32
      %get3A_989 = arith.index_cast %add3A_988 : i32 to index
      %get3A_990 = arith.constant 64 : index
      %get3A_991 = tpu.vector_load %arg6[%get3A_989, %get3A_990] {strides = array<i32>} : memref<128x256xf32, #tpu.memory_space<vmem>>, vector<1x16xf32>,
      %get3A_992 = vector.shape_cast %get3A_991 : vector<1x16xf32> to vector<16xf32>
      %add3A_993 = arith.addf %add3A_849, %get3A_992 : vector<16xf32>
      %mul3A_994 = arith.constant 8 : i32
      %mul3A_995 = arith.muli %scan3A_213, %mul3A_994 : i32
      %add3A_996 = arith.constant 5 : i32
      %add3A_997 = arith.addi %mul3A_995, %add3A_996 : i32
      %get3A_998 = arith.index_cast %add3A_997 : i32 to index
      %get3A_999 = arith.constant 80 : index
      %get3A_1000 = tpu.vector_load %arg6[%get3A_998, %get3A_999] {strides = array<i32>} : memref<128x256xf32, #tpu.memory_space<vmem>>, vector<1x16xf32>,
      %get3A_1001 = vector.shape_cast %get3A_1000 : vector<1x16xf32> to vector<16xf32>
      %add3A_1002 = arith.addf %add3A_858, %get3A_1001 : vector<16xf32>
      %mul3A_1003 = arith.constant 8 : i32
      %mul3A_1004 = arith.muli %scan3A_213, %mul3A_1003 : i32
      %add3A_1005 = arith.constant 5 : i32
      %add3A_1006 = arith.addi %mul3A_1004, %add3A_1005 : i32
      %get3A_1007 = arith.index_cast %add3A_1006 : i32 to index
      %get3A_1008 = arith.constant 96 : index
      %get3A_1009 = tpu.vector_load %arg6[%get3A_1007, %get3A_1008] {strides = array<i32>} : memref<128x256xf32, #tpu.memory_space<vmem>>, vector<1x16xf32>,
      %get3A_1010 = vector.shape_cast %get3A_1009 : vector<1x16xf32> to vector<16xf32>
      %add3A_1011 = arith.addf %add3A_867, %get3A_1010 : vector<16xf32>
      %mul3A_1012 = arith.constant 8 : i32
      %mul3A_1013 = arith.muli %scan3A_213, %mul3A_1012 : i32
      %add3A_1014 = arith.constant 5 : i32
      %add3A_1015 = arith.addi %mul3A_1013, %add3A_1014 : i32
      %get3A_1016 = arith.index_cast %add3A_1015 : i32 to index
      %get3A_1017 = arith.constant 112 : index
      %get3A_1018 = tpu.vector_load %arg6[%get3A_1016, %get3A_1017] {strides = array<i32>} : memref<128x256xf32, #tpu.memory_space<vmem>>, vector<1x16xf32>,
      %get3A_1019 = vector.shape_cast %get3A_1018 : vector<1x16xf32> to vector<16xf32>
      %add3A_1020 = arith.addf %add3A_876, %get3A_1019 : vector<16xf32>
      %mul3A_1021 = arith.constant 8 : i32
      %mul3A_1022 = arith.muli %scan3A_213, %mul3A_1021 : i32
      %add3A_1023 = arith.constant 5 : i32
      %add3A_1024 = arith.addi %mul3A_1022, %add3A_1023 : i32
      %get3A_1025 = arith.index_cast %add3A_1024 : i32 to index
      %get3A_1026 = arith.constant 128 : index
      %get3A_1027 = tpu.vector_load %arg6[%get3A_1025, %get3A_1026] {strides = array<i32>} : memref<128x256xf32, #tpu.memory_space<vmem>>, vector<1x16xf32>,
      %get3A_1028 = vector.shape_cast %get3A_1027 : vector<1x16xf32> to vector<16xf32>
      %add3A_1029 = arith.addf %add3A_885, %get3A_1028 : vector<16xf32>
      %mul3A_1030 = arith.constant 8 : i32
      %mul3A_1031 = arith.muli %scan3A_213, %mul3A_1030 : i32
      %add3A_1032 = arith.constant 5 : i32
      %add3A_1033 = arith.addi %mul3A_1031, %add3A_1032 : i32
      %get3A_1034 = arith.index_cast %add3A_1033 : i32 to index
      %get3A_1035 = arith.constant 144 : index
      %get3A_1036 = tpu.vector_load %arg6[%get3A_1034, %get3A_1035] {strides = array<i32>} : memref<128x256xf32, #tpu.memory_space<vmem>>, vector<1x16xf32>,
      %get3A_1037 = vector.shape_cast %get3A_1036 : vector<1x16xf32> to vector<16xf32>
      %add3A_1038 = arith.addf %add3A_894, %get3A_1037 : vector<16xf32>
      %mul3A_1039 = arith.constant 8 : i32
      %mul3A_1040 = arith.muli %scan3A_213, %mul3A_1039 : i32
      %add3A_1041 = arith.constant 5 : i32
      %add3A_1042 = arith.addi %mul3A_1040, %add3A_1041 : i32
      %get3A_1043 = arith.index_cast %add3A_1042 : i32 to index
      %get3A_1044 = arith.constant 160 : index
      %get3A_1045 = tpu.vector_load %arg6[%get3A_1043, %get3A_1044] {strides = array<i32>} : memref<128x256xf32, #tpu.memory_space<vmem>>, vector<1x16xf32>,
      %get3A_1046 = vector.shape_cast %get3A_1045 : vector<1x16xf32> to vector<16xf32>
      %add3A_1047 = arith.addf %add3A_903, %get3A_1046 : vector<16xf32>
      %mul3A_1048 = arith.constant 8 : i32
      %mul3A_1049 = arith.muli %scan3A_213, %mul3A_1048 : i32
      %add3A_1050 = arith.constant 5 : i32
      %add3A_1051 = arith.addi %mul3A_1049, %add3A_1050 : i32
      %get3A_1052 = arith.index_cast %add3A_1051 : i32 to index
      %get3A_1053 = arith.constant 176 : index
      %get3A_1054 = tpu.vector_load %arg6[%get3A_1052, %get3A_1053] {strides = array<i32>} : memref<128x256xf32, #tpu.memory_space<vmem>>, vector<1x16xf32>,
      %get3A_1055 = vector.shape_cast %get3A_1054 : vector<1x16xf32> to vector<16xf32>
      %add3A_1056 = arith.addf %add3A_912, %get3A_1055 : vector<16xf32>
      %mul3A_1057 = arith.constant 8 : i32
      %mul3A_1058 = arith.muli %scan3A_213, %mul3A_1057 : i32
      %add3A_1059 = arith.constant 5 : i32
      %add3A_1060 = arith.addi %mul3A_1058, %add3A_1059 : i32
      %get3A_1061 = arith.index_cast %add3A_1060 : i32 to index
      %get3A_1062 = arith.constant 192 : index
      %get3A_1063 = tpu.vector_load %arg6[%get3A_1061, %get3A_1062] {strides = array<i32>} : memref<128x256xf32, #tpu.memory_space<vmem>>, vector<1x16xf32>,
      %get3A_1064 = vector.shape_cast %get3A_1063 : vector<1x16xf32> to vector<16xf32>
      %add3A_1065 = arith.addf %add3A_921, %get3A_1064 : vector<16xf32>
      %mul3A_1066 = arith.constant 8 : i32
      %mul3A_1067 = arith.muli %scan3A_213, %mul3A_1066 : i32
      %add3A_1068 = arith.constant 5 : i32
      %add3A_1069 = arith.addi %mul3A_1067, %add3A_1068 : i32
      %get3A_1070 = arith.index_cast %add3A_1069 : i32 to index
      %get3A_1071 = arith.constant 208 : index
      %get3A_1072 = tpu.vector_load %arg6[%get3A_1070, %get3A_1071] {strides = array<i32>} : memref<128x256xf32, #tpu.memory_space<vmem>>, vector<1x16xf32>,
      %get3A_1073 = vector.shape_cast %get3A_1072 : vector<1x16xf32> to vector<16xf32>
      %add3A_1074 = arith.addf %add3A_930, %get3A_1073 : vector<16xf32>
      %mul3A_1075 = arith.constant 8 : i32
      %mul3A_1076 = arith.muli %scan3A_213, %mul3A_1075 : i32
      %add3A_1077 = arith.constant 5 : i32
      %add3A_1078 = arith.addi %mul3A_1076, %add3A_1077 : i32
      %get3A_1079 = arith.index_cast %add3A_1078 : i32 to index
      %get3A_1080 = arith.constant 224 : index
      %get3A_1081 = tpu.vector_load %arg6[%get3A_1079, %get3A_1080] {strides = array<i32>} : memref<128x256xf32, #tpu.memory_space<vmem>>, vector<1x16xf32>,
      %get3A_1082 = vector.shape_cast %get3A_1081 : vector<1x16xf32> to vector<16xf32>
      %add3A_1083 = arith.addf %add3A_939, %get3A_1082 : vector<16xf32>
      %mul3A_1084 = arith.constant 8 : i32
      %mul3A_1085 = arith.muli %scan3A_213, %mul3A_1084 : i32
      %add3A_1086 = arith.constant 5 : i32
      %add3A_1087 = arith.addi %mul3A_1085, %add3A_1086 : i32
      %get3A_1088 = arith.index_cast %add3A_1087 : i32 to index
      %get3A_1089 = arith.constant 240 : index
      %get3A_1090 = tpu.vector_load %arg6[%get3A_1088, %get3A_1089] {strides = array<i32>} : memref<128x256xf32, #tpu.memory_space<vmem>>, vector<1x16xf32>,
      %get3A_1091 = vector.shape_cast %get3A_1090 : vector<1x16xf32> to vector<16xf32>
      %add3A_1092 = arith.addf %add3A_948, %get3A_1091 : vector<16xf32>
      %mul3A_1093 = arith.constant 8 : i32
      %mul3A_1094 = arith.muli %scan3A_213, %mul3A_1093 : i32
      %add3A_1095 = arith.constant 6 : i32
      %add3A_1096 = arith.addi %mul3A_1094, %add3A_1095 : i32
      %get3A_1097 = arith.index_cast %add3A_1096 : i32 to index
      %get3A_1098 = arith.constant 0 : index
      %get3A_1099 = tpu.vector_load %arg6[%get3A_1097, %get3A_1098] {strides = array<i32>} : memref<128x256xf32, #tpu.memory_space<vmem>>, vector<1x16xf32>,
      %get3A_1100 = vector.shape_cast %get3A_1099 : vector<1x16xf32> to vector<16xf32>
      %add3A_1101 = arith.addf %add3A_957, %get3A_1100 : vector<16xf32>
      %mul3A_1102 = arith.constant 8 : i32
      %mul3A_1103 = arith.muli %scan3A_213, %mul3A_1102 : i32
      %add3A_1104 = arith.constant 6 : i32
      %add3A_1105 = arith.addi %mul3A_1103, %add3A_1104 : i32
      %get3A_1106 = arith.index_cast %add3A_1105 : i32 to index
      %get3A_1107 = arith.constant 16 : index
      %get3A_1108 = tpu.vector_load %arg6[%get3A_1106, %get3A_1107] {strides = array<i32>} : memref<128x256xf32, #tpu.memory_space<vmem>>, vector<1x16xf32>,
      %get3A_1109 = vector.shape_cast %get3A_1108 : vector<1x16xf32> to vector<16xf32>
      %add3A_1110 = arith.addf %add3A_966, %get3A_1109 : vector<16xf32>
      %mul3A_1111 = arith.constant 8 : i32
      %mul3A_1112 = arith.muli %scan3A_213, %mul3A_1111 : i32
      %add3A_1113 = arith.constant 6 : i32
      %add3A_1114 = arith.addi %mul3A_1112, %add3A_1113 : i32
      %get3A_1115 = arith.index_cast %add3A_1114 : i32 to index
      %get3A_1116 = arith.constant 32 : index
      %get3A_1117 = tpu.vector_load %arg6[%get3A_1115, %get3A_1116] {strides = array<i32>} : memref<128x256xf32, #tpu.memory_space<vmem>>, vector<1x16xf32>,
      %get3A_1118 = vector.shape_cast %get3A_1117 : vector<1x16xf32> to vector<16xf32>
      %add3A_1119 = arith.addf %add3A_975, %get3A_1118 : vector<16xf32>
      %mul3A_1120 = arith.constant 8 : i32
      %mul3A_1121 = arith.muli %scan3A_213, %mul3A_1120 : i32
      %add3A_1122 = arith.constant 6 : i32
      %add3A_1123 = arith.addi %mul3A_1121, %add3A_1122 : i32
      %get3A_1124 = arith.index_cast %add3A_1123 : i32 to index
      %get3A_1125 = arith.constant 48 : index
      %get3A_1126 = tpu.vector_load %arg6[%get3A_1124, %get3A_1125] {strides = array<i32>} : memref<128x256xf32, #tpu.memory_space<vmem>>, vector<1x16xf32>,
      %get3A_1127 = vector.shape_cast %get3A_1126 : vector<1x16xf32> to vector<16xf32>
      %add3A_1128 = arith.addf %add3A_984, %get3A_1127 : vector<16xf32>
      %mul3A_1129 = arith.constant 8 : i32
      %mul3A_1130 = arith.muli %scan3A_213, %mul3A_1129 : i32
      %add3A_1131 = arith.constant 6 : i32
      %add3A_1132 = arith.addi %mul3A_1130, %add3A_1131 : i32
      %get3A_1133 = arith.index_cast %add3A_1132 : i32 to index
      %get3A_1134 = arith.constant 64 : index
      %get3A_1135 = tpu.vector_load %arg6[%get3A_1133, %get3A_1134] {strides = array<i32>} : memref<128x256xf32, #tpu.memory_space<vmem>>, vector<1x16xf32>,
      %get3A_1136 = vector.shape_cast %get3A_1135 : vector<1x16xf32> to vector<16xf32>
      %add3A_1137 = arith.addf %add3A_993, %get3A_1136 : vector<16xf32>
      %mul3A_1138 = arith.constant 8 : i32
      %mul3A_1139 = arith.muli %scan3A_213, %mul3A_1138 : i32
      %add3A_1140 = arith.constant 6 : i32
      %add3A_1141 = arith.addi %mul3A_1139, %add3A_1140 : i32
      %get3A_1142 = arith.index_cast %add3A_1141 : i32 to index
      %get3A_1143 = arith.constant 80 : index
      %get3A_1144 = tpu.vector_load %arg6[%get3A_1142, %get3A_1143] {strides = array<i32>} : memref<128x256xf32, #tpu.memory_space<vmem>>, vector<1x16xf32>,
      %get3A_1145 = vector.shape_cast %get3A_1144 : vector<1x16xf32> to vector<16xf32>
      %add3A_1146 = arith.addf %add3A_1002, %get3A_1145 : vector<16xf32>
      %mul3A_1147 = arith.constant 8 : i32
      %mul3A_1148 = arith.muli %scan3A_213, %mul3A_1147 : i32
      %add3A_1149 = arith.constant 6 : i32
      %add3A_1150 = arith.addi %mul3A_1148, %add3A_1149 : i32
      %get3A_1151 = arith.index_cast %add3A_1150 : i32 to index
      %get3A_1152 = arith.constant 96 : index
      %get3A_1153 = tpu.vector_load %arg6[%get3A_1151, %get3A_1152] {strides = array<i32>} : memref<128x256xf32, #tpu.memory_space<vmem>>, vector<1x16xf32>,
      %get3A_1154 = vector.shape_cast %get3A_1153 : vector<1x16xf32> to vector<16xf32>
      %add3A_1155 = arith.addf %add3A_1011, %get3A_1154 : vector<16xf32>
      %mul3A_1156 = arith.constant 8 : i32
      %mul3A_1157 = arith.muli %scan3A_213, %mul3A_1156 : i32
      %add3A_1158 = arith.constant 6 : i32
      %add3A_1159 = arith.addi %mul3A_1157, %add3A_1158 : i32
      %get3A_1160 = arith.index_cast %add3A_1159 : i32 to index
      %get3A_1161 = arith.constant 112 : index
      %get3A_1162 = tpu.vector_load %arg6[%get3A_1160, %get3A_1161] {strides = array<i32>} : memref<128x256xf32, #tpu.memory_space<vmem>>, vector<1x16xf32>,
      %get3A_1163 = vector.shape_cast %get3A_1162 : vector<1x16xf32> to vector<16xf32>
      %add3A_1164 = arith.addf %add3A_1020, %get3A_1163 : vector<16xf32>
      %mul3A_1165 = arith.constant 8 : i32
      %mul3A_1166 = arith.muli %scan3A_213, %mul3A_1165 : i32
      %add3A_1167 = arith.constant 6 : i32
      %add3A_1168 = arith.addi %mul3A_1166, %add3A_1167 : i32
      %get3A_1169 = arith.index_cast %add3A_1168 : i32 to index
      %get3A_1170 = arith.constant 128 : index
      %get3A_1171 = tpu.vector_load %arg6[%get3A_1169, %get3A_1170] {strides = array<i32>} : memref<128x256xf32, #tpu.memory_space<vmem>>, vector<1x16xf32>,
      %get3A_1172 = vector.shape_cast %get3A_1171 : vector<1x16xf32> to vector<16xf32>
      %add3A_1173 = arith.addf %add3A_1029, %get3A_1172 : vector<16xf32>
      %mul3A_1174 = arith.constant 8 : i32
      %mul3A_1175 = arith.muli %scan3A_213, %mul3A_1174 : i32
      %add3A_1176 = arith.constant 6 : i32
      %add3A_1177 = arith.addi %mul3A_1175, %add3A_1176 : i32
      %get3A_1178 = arith.index_cast %add3A_1177 : i32 to index
      %get3A_1179 = arith.constant 144 : index
      %get3A_1180 = tpu.vector_load %arg6[%get3A_1178, %get3A_1179] {strides = array<i32>} : memref<128x256xf32, #tpu.memory_space<vmem>>, vector<1x16xf32>,
      %get3A_1181 = vector.shape_cast %get3A_1180 : vector<1x16xf32> to vector<16xf32>
      %add3A_1182 = arith.addf %add3A_1038, %get3A_1181 : vector<16xf32>
      %mul3A_1183 = arith.constant 8 : i32
      %mul3A_1184 = arith.muli %scan3A_213, %mul3A_1183 : i32
      %add3A_1185 = arith.constant 6 : i32
      %add3A_1186 = arith.addi %mul3A_1184, %add3A_1185 : i32
      %get3A_1187 = arith.index_cast %add3A_1186 : i32 to index
      %get3A_1188 = arith.constant 160 : index
      %get3A_1189 = tpu.vector_load %arg6[%get3A_1187, %get3A_1188] {strides = array<i32>} : memref<128x256xf32, #tpu.memory_space<vmem>>, vector<1x16xf32>,
      %get3A_1190 = vector.shape_cast %get3A_1189 : vector<1x16xf32> to vector<16xf32>
      %add3A_1191 = arith.addf %add3A_1047, %get3A_1190 : vector<16xf32>
      %mul3A_1192 = arith.constant 8 : i32
      %mul3A_1193 = arith.muli %scan3A_213, %mul3A_1192 : i32
      %add3A_1194 = arith.constant 6 : i32
      %add3A_1195 = arith.addi %mul3A_1193, %add3A_1194 : i32
      %get3A_1196 = arith.index_cast %add3A_1195 : i32 to index
      %get3A_1197 = arith.constant 176 : index
      %get3A_1198 = tpu.vector_load %arg6[%get3A_1196, %get3A_1197] {strides = array<i32>} : memref<128x256xf32, #tpu.memory_space<vmem>>, vector<1x16xf32>,
      %get3A_1199 = vector.shape_cast %get3A_1198 : vector<1x16xf32> to vector<16xf32>
      %add3A_1200 = arith.addf %add3A_1056, %get3A_1199 : vector<16xf32>
      %mul3A_1201 = arith.constant 8 : i32
      %mul3A_1202 = arith.muli %scan3A_213, %mul3A_1201 : i32
      %add3A_1203 = arith.constant 6 : i32
      %add3A_1204 = arith.addi %mul3A_1202, %add3A_1203 : i32
      %get3A_1205 = arith.index_cast %add3A_1204 : i32 to index
      %get3A_1206 = arith.constant 192 : index
      %get3A_1207 = tpu.vector_load %arg6[%get3A_1205, %get3A_1206] {strides = array<i32>} : memref<128x256xf32, #tpu.memory_space<vmem>>, vector<1x16xf32>,
      %get3A_1208 = vector.shape_cast %get3A_1207 : vector<1x16xf32> to vector<16xf32>
      %add3A_1209 = arith.addf %add3A_1065, %get3A_1208 : vector<16xf32>
      %mul3A_1210 = arith.constant 8 : i32
      %mul3A_1211 = arith.muli %scan3A_213, %mul3A_1210 : i32
      %add3A_1212 = arith.constant 6 : i32
      %add3A_1213 = arith.addi %mul3A_1211, %add3A_1212 : i32
      %get3A_1214 = arith.index_cast %add3A_1213 : i32 to index
      %get3A_1215 = arith.constant 208 : index
      %get3A_1216 = tpu.vector_load %arg6[%get3A_1214, %get3A_1215] {strides = array<i32>} : memref<128x256xf32, #tpu.memory_space<vmem>>, vector<1x16xf32>,
      %get3A_1217 = vector.shape_cast %get3A_1216 : vector<1x16xf32> to vector<16xf32>
      %add3A_1218 = arith.addf %add3A_1074, %get3A_1217 : vector<16xf32>
      %mul3A_1219 = arith.constant 8 : i32
      %mul3A_1220 = arith.muli %scan3A_213, %mul3A_1219 : i32
      %add3A_1221 = arith.constant 6 : i32
      %add3A_1222 = arith.addi %mul3A_1220, %add3A_1221 : i32
      %get3A_1223 = arith.index_cast %add3A_1222 : i32 to index
      %get3A_1224 = arith.constant 224 : index
      %get3A_1225 = tpu.vector_load %arg6[%get3A_1223, %get3A_1224] {strides = array<i32>} : memref<128x256xf32, #tpu.memory_space<vmem>>, vector<1x16xf32>,
      %get3A_1226 = vector.shape_cast %get3A_1225 : vector<1x16xf32> to vector<16xf32>
      %add3A_1227 = arith.addf %add3A_1083, %get3A_1226 : vector<16xf32>
      %mul3A_1228 = arith.constant 8 : i32
      %mul3A_1229 = arith.muli %scan3A_213, %mul3A_1228 : i32
      %add3A_1230 = arith.constant 6 : i32
      %add3A_1231 = arith.addi %mul3A_1229, %add3A_1230 : i32
      %get3A_1232 = arith.index_cast %add3A_1231 : i32 to index
      %get3A_1233 = arith.constant 240 : index
      %get3A_1234 = tpu.vector_load %arg6[%get3A_1232, %get3A_1233] {strides = array<i32>} : memref<128x256xf32, #tpu.memory_space<vmem>>, vector<1x16xf32>,
      %get3A_1235 = vector.shape_cast %get3A_1234 : vector<1x16xf32> to vector<16xf32>
      %add3A_1236 = arith.addf %add3A_1092, %get3A_1235 : vector<16xf32>
      %mul3A_1237 = arith.constant 8 : i32
      %mul3A_1238 = arith.muli %scan3A_213, %mul3A_1237 : i32
      %add3A_1239 = arith.constant 7 : i32
      %add3A_1240 = arith.addi %mul3A_1238, %add3A_1239 : i32
      %get3A_1241 = arith.index_cast %add3A_1240 : i32 to index
      %get3A_1242 = arith.constant 0 : index
      %get3A_1243 = tpu.vector_load %arg6[%get3A_1241, %get3A_1242] {strides = array<i32>} : memref<128x256xf32, #tpu.memory_space<vmem>>, vector<1x16xf32>,
      %get3A_1244 = vector.shape_cast %get3A_1243 : vector<1x16xf32> to vector<16xf32>
      %add3A_1245 = arith.addf %add3A_1101, %get3A_1244 : vector<16xf32>
      %mul3A_1246 = arith.constant 8 : i32
      %mul3A_1247 = arith.muli %scan3A_213, %mul3A_1246 : i32
      %add3A_1248 = arith.constant 7 : i32
      %add3A_1249 = arith.addi %mul3A_1247, %add3A_1248 : i32
      %get3A_1250 = arith.index_cast %add3A_1249 : i32 to index
      %get3A_1251 = arith.constant 16 : index
      %get3A_1252 = tpu.vector_load %arg6[%get3A_1250, %get3A_1251] {strides = array<i32>} : memref<128x256xf32, #tpu.memory_space<vmem>>, vector<1x16xf32>,
      %get3A_1253 = vector.shape_cast %get3A_1252 : vector<1x16xf32> to vector<16xf32>
      %add3A_1254 = arith.addf %add3A_1110, %get3A_1253 : vector<16xf32>
      %mul3A_1255 = arith.constant 8 : i32
      %mul3A_1256 = arith.muli %scan3A_213, %mul3A_1255 : i32
      %add3A_1257 = arith.constant 7 : i32
      %add3A_1258 = arith.addi %mul3A_1256, %add3A_1257 : i32
      %get3A_1259 = arith.index_cast %add3A_1258 : i32 to index
      %get3A_1260 = arith.constant 32 : index
      %get3A_1261 = tpu.vector_load %arg6[%get3A_1259, %get3A_1260] {strides = array<i32>} : memref<128x256xf32, #tpu.memory_space<vmem>>, vector<1x16xf32>,
      %get3A_1262 = vector.shape_cast %get3A_1261 : vector<1x16xf32> to vector<16xf32>
      %add3A_1263 = arith.addf %add3A_1119, %get3A_1262 : vector<16xf32>
      %mul3A_1264 = arith.constant 8 : i32
      %mul3A_1265 = arith.muli %scan3A_213, %mul3A_1264 : i32
      %add3A_1266 = arith.constant 7 : i32
      %add3A_1267 = arith.addi %mul3A_1265, %add3A_1266 : i32
      %get3A_1268 = arith.index_cast %add3A_1267 : i32 to index
      %get3A_1269 = arith.constant 48 : index
      %get3A_1270 = tpu.vector_load %arg6[%get3A_1268, %get3A_1269] {strides = array<i32>} : memref<128x256xf32, #tpu.memory_space<vmem>>, vector<1x16xf32>,
      %get3A_1271 = vector.shape_cast %get3A_1270 : vector<1x16xf32> to vector<16xf32>
      %add3A_1272 = arith.addf %add3A_1128, %get3A_1271 : vector<16xf32>
      %mul3A_1273 = arith.constant 8 : i32
      %mul3A_1274 = arith.muli %scan3A_213, %mul3A_1273 : i32
      %add3A_1275 = arith.constant 7 : i32
      %add3A_1276 = arith.addi %mul3A_1274, %add3A_1275 : i32
      %get3A_1277 = arith.index_cast %add3A_1276 : i32 to index
      %get3A_1278 = arith.constant 64 : index
      %get3A_1279 = tpu.vector_load %arg6[%get3A_1277, %get3A_1278] {strides = array<i32>} : memref<128x256xf32, #tpu.memory_space<vmem>>, vector<1x16xf32>,
      %get3A_1280 = vector.shape_cast %get3A_1279 : vector<1x16xf32> to vector<16xf32>
      %add3A_1281 = arith.addf %add3A_1137, %get3A_1280 : vector<16xf32>
      %mul3A_1282 = arith.constant 8 : i32
      %mul3A_1283 = arith.muli %scan3A_213, %mul3A_1282 : i32
      %add3A_1284 = arith.constant 7 : i32
      %add3A_1285 = arith.addi %mul3A_1283, %add3A_1284 : i32
      %get3A_1286 = arith.index_cast %add3A_1285 : i32 to index
      %get3A_1287 = arith.constant 80 : index
      %get3A_1288 = tpu.vector_load %arg6[%get3A_1286, %get3A_1287] {strides = array<i32>} : memref<128x256xf32, #tpu.memory_space<vmem>>, vector<1x16xf32>,
      %get3A_1289 = vector.shape_cast %get3A_1288 : vector<1x16xf32> to vector<16xf32>
      %add3A_1290 = arith.addf %add3A_1146, %get3A_1289 : vector<16xf32>
      %mul3A_1291 = arith.constant 8 : i32
      %mul3A_1292 = arith.muli %scan3A_213, %mul3A_1291 : i32
      %add3A_1293 = arith.constant 7 : i32
      %add3A_1294 = arith.addi %mul3A_1292, %add3A_1293 : i32
      %get3A_1295 = arith.index_cast %add3A_1294 : i32 to index
      %get3A_1296 = arith.constant 96 : index
      %get3A_1297 = tpu.vector_load %arg6[%get3A_1295, %get3A_1296] {strides = array<i32>} : memref<128x256xf32, #tpu.memory_space<vmem>>, vector<1x16xf32>,
      %get3A_1298 = vector.shape_cast %get3A_1297 : vector<1x16xf32> to vector<16xf32>
      %add3A_1299 = arith.addf %add3A_1155, %get3A_1298 : vector<16xf32>
      %mul3A_1300 = arith.constant 8 : i32
      %mul3A_1301 = arith.muli %scan3A_213, %mul3A_1300 : i32
      %add3A_1302 = arith.constant 7 : i32
      %add3A_1303 = arith.addi %mul3A_1301, %add3A_1302 : i32
      %get3A_1304 = arith.index_cast %add3A_1303 : i32 to index
      %get3A_1305 = arith.constant 112 : index
      %get3A_1306 = tpu.vector_load %arg6[%get3A_1304, %get3A_1305] {strides = array<i32>} : memref<128x256xf32, #tpu.memory_space<vmem>>, vector<1x16xf32>,
      %get3A_1307 = vector.shape_cast %get3A_1306 : vector<1x16xf32> to vector<16xf32>
      %add3A_1308 = arith.addf %add3A_1164, %get3A_1307 : vector<16xf32>
      %mul3A_1309 = arith.constant 8 : i32
      %mul3A_1310 = arith.muli %scan3A_213, %mul3A_1309 : i32
      %add3A_1311 = arith.constant 7 : i32
      %add3A_1312 = arith.addi %mul3A_1310, %add3A_1311 : i32
      %get3A_1313 = arith.index_cast %add3A_1312 : i32 to index
      %get3A_1314 = arith.constant 128 : index
      %get3A_1315 = tpu.vector_load %arg6[%get3A_1313, %get3A_1314] {strides = array<i32>} : memref<128x256xf32, #tpu.memory_space<vmem>>, vector<1x16xf32>,
      %get3A_1316 = vector.shape_cast %get3A_1315 : vector<1x16xf32> to vector<16xf32>
      %add3A_1317 = arith.addf %add3A_1173, %get3A_1316 : vector<16xf32>
      %mul3A_1318 = arith.constant 8 : i32
      %mul3A_1319 = arith.muli %scan3A_213, %mul3A_1318 : i32
      %add3A_1320 = arith.constant 7 : i32
      %add3A_1321 = arith.addi %mul3A_1319, %add3A_1320 : i32
      %get3A_1322 = arith.index_cast %add3A_1321 : i32 to index
      %get3A_1323 = arith.constant 144 : index
      %get3A_1324 = tpu.vector_load %arg6[%get3A_1322, %get3A_1323] {strides = array<i32>} : memref<128x256xf32, #tpu.memory_space<vmem>>, vector<1x16xf32>,
      %get3A_1325 = vector.shape_cast %get3A_1324 : vector<1x16xf32> to vector<16xf32>
      %add3A_1326 = arith.addf %add3A_1182, %get3A_1325 : vector<16xf32>
      %mul3A_1327 = arith.constant 8 : i32
      %mul3A_1328 = arith.muli %scan3A_213, %mul3A_1327 : i32
      %add3A_1329 = arith.constant 7 : i32
      %add3A_1330 = arith.addi %mul3A_1328, %add3A_1329 : i32
      %get3A_1331 = arith.index_cast %add3A_1330 : i32 to index
      %get3A_1332 = arith.constant 160 : index
      %get3A_1333 = tpu.vector_load %arg6[%get3A_1331, %get3A_1332] {strides = array<i32>} : memref<128x256xf32, #tpu.memory_space<vmem>>, vector<1x16xf32>,
      %get3A_1334 = vector.shape_cast %get3A_1333 : vector<1x16xf32> to vector<16xf32>
      %add3A_1335 = arith.addf %add3A_1191, %get3A_1334 : vector<16xf32>
      %mul3A_1336 = arith.constant 8 : i32
      %mul3A_1337 = arith.muli %scan3A_213, %mul3A_1336 : i32
      %add3A_1338 = arith.constant 7 : i32
      %add3A_1339 = arith.addi %mul3A_1337, %add3A_1338 : i32
      %get3A_1340 = arith.index_cast %add3A_1339 : i32 to index
      %get3A_1341 = arith.constant 176 : index
      %get3A_1342 = tpu.vector_load %arg6[%get3A_1340, %get3A_1341] {strides = array<i32>} : memref<128x256xf32, #tpu.memory_space<vmem>>, vector<1x16xf32>,
      %get3A_1343 = vector.shape_cast %get3A_1342 : vector<1x16xf32> to vector<16xf32>
      %add3A_1344 = arith.addf %add3A_1200, %get3A_1343 : vector<16xf32>
      %mul3A_1345 = arith.constant 8 : i32
      %mul3A_1346 = arith.muli %scan3A_213, %mul3A_1345 : i32
      %add3A_1347 = arith.constant 7 : i32
      %add3A_1348 = arith.addi %mul3A_1346, %add3A_1347 : i32
      %get3A_1349 = arith.index_cast %add3A_1348 : i32 to index
      %get3A_1350 = arith.constant 192 : index
      %get3A_1351 = tpu.vector_load %arg6[%get3A_1349, %get3A_1350] {strides = array<i32>} : memref<128x256xf32, #tpu.memory_space<vmem>>, vector<1x16xf32>,
      %get3A_1352 = vector.shape_cast %get3A_1351 : vector<1x16xf32> to vector<16xf32>
      %add3A_1353 = arith.addf %add3A_1209, %get3A_1352 : vector<16xf32>
      %mul3A_1354 = arith.constant 8 : i32
      %mul3A_1355 = arith.muli %scan3A_213, %mul3A_1354 : i32
      %add3A_1356 = arith.constant 7 : i32
      %add3A_1357 = arith.addi %mul3A_1355, %add3A_1356 : i32
      %get3A_1358 = arith.index_cast %add3A_1357 : i32 to index
      %get3A_1359 = arith.constant 208 : index
      %get3A_1360 = tpu.vector_load %arg6[%get3A_1358, %get3A_1359] {strides = array<i32>} : memref<128x256xf32, #tpu.memory_space<vmem>>, vector<1x16xf32>,
      %get3A_1361 = vector.shape_cast %get3A_1360 : vector<1x16xf32> to vector<16xf32>
      %add3A_1362 = arith.addf %add3A_1218, %get3A_1361 : vector<16xf32>
      %mul3A_1363 = arith.constant 8 : i32
      %mul3A_1364 = arith.muli %scan3A_213, %mul3A_1363 : i32
      %add3A_1365 = arith.constant 7 : i32
      %add3A_1366 = arith.addi %mul3A_1364, %add3A_1365 : i32
      %get3A_1367 = arith.index_cast %add3A_1366 : i32 to index
      %get3A_1368 = arith.constant 224 : index
      %get3A_1369 = tpu.vector_load %arg6[%get3A_1367, %get3A_1368] {strides = array<i32>} : memref<128x256xf32, #tpu.memory_space<vmem>>, vector<1x16xf32>,
      %get3A_1370 = vector.shape_cast %get3A_1369 : vector<1x16xf32> to vector<16xf32>
      %add3A_1371 = arith.addf %add3A_1227, %get3A_1370 : vector<16xf32>
      %mul3A_1372 = arith.constant 8 : i32
      %mul3A_1373 = arith.muli %scan3A_213, %mul3A_1372 : i32
      %add3A_1374 = arith.constant 7 : i32
      %add3A_1375 = arith.addi %mul3A_1373, %add3A_1374 : i32
      %get3A_1376 = arith.index_cast %add3A_1375 : i32 to index
      %get3A_1377 = arith.constant 240 : index
      %get3A_1378 = tpu.vector_load %arg6[%get3A_1376, %get3A_1377] {strides = array<i32>} : memref<128x256xf32, #tpu.memory_space<vmem>>, vector<1x16xf32>,
      %get3A_1379 = vector.shape_cast %get3A_1378 : vector<1x16xf32> to vector<16xf32>
      %add3A_1380 = arith.addf %add3A_1236, %get3A_1379 : vector<16xf32>
      scf.yield %add3A_1245, %add3A_1254, %add3A_1263, %add3A_1272, %add3A_1281, %add3A_1290, %add3A_1299, %add3A_1308, %add3A_1317, %add3A_1326, %add3A_1335, %add3A_1344, %add3A_1353, %add3A_1362, %add3A_1371, %add3A_1380 : vector<16xf32>, vector<16xf32>, vector<16xf32>, vector<16xf32>, vector<16xf32>, vector<16xf32>, vector<16xf32>, vector<16xf32>, vector<16xf32>, vector<16xf32>, vector<16xf32>, vector<16xf32>, vector<16xf32>, vector<16xf32>, vector<16xf32>, vector<16xf32>
    }
    %scan3A_134 = arith.constant 16 : i32
    %dma_wait3A_135 = arith.constant 0 : i32
    %dma_wait3A_136 = tpu.memref_slice %arg2[%add3A_36, %add3A_104, %dma_wait3A_135] : memref<64x4096x256xf32, #tpu.memory_space<hbm>> -> memref<1x128x256xf32, #tpu.memory_space<hbm>>
    %dma_wait3A_137 = tpu.memref_squeeze %dma_wait3A_136 : memref<1x128x256xf32, #tpu.memory_space<hbm>> -> memref<128x256xf32, #tpu.memory_space<hbm>>
    %dma_wait3A_138 = arith.constant 0 : i32
    %dma_wait3A_139 = tpu.memref_slice %arg2[%add3A_36, %add3A_104, %dma_wait3A_138] : memref<64x4096x256xf32, #tpu.memory_space<hbm>> -> memref<1x128x256xf32, #tpu.memory_space<hbm>>
    %dma_wait3A_140 = tpu.memref_squeeze %dma_wait3A_139 : memref<1x128x256xf32, #tpu.memory_space<hbm>> -> memref<128x256xf32, #tpu.memory_space<hbm>>
    tpu.wait_dma2 semaphore(%arg8 : memref<!tpu.dma_semaphore, #tpu.memory_space<semaphore_mem>>) src(%dma_wait3A_140 : memref<128x256xf32, #tpu.memory_space<hbm>>) dst(%arg4 : memref<128x256xf32, #tpu.memory_space<vmem>>)
    %scan3A_141 = arith.constant 0 : i32
    %scan3A_142 = arith.constant 16 : i32
    %scan3A_143 = arith.addi %scan3A_141, %scan3A_142 : i32
    %scan3A_144 = arith.constant 1 : i32
    %scan3A_145:16 = scf.for %scan3A_213 = %scan3A_141 to %scan3A_143 step %scan3A_144 iter_args(%scan3A_214 = %scan3A_133#0, %scan3A_215 = %scan3A_133#1, %scan3A_216 = %scan3A_133#2, %scan3A_217 = %scan3A_133#3, %scan3A_218 = %scan3A_133#4, %scan3A_219 = %scan3A_133#5, %scan3A_220 = %scan3A_133#6, %scan3A_221 = %scan3A_133#7, %scan3A_222 = %scan3A_133#8, %scan3A_223 = %scan3A_133#9, %scan3A_224 = %scan3A_133#10, %scan3A_225 = %scan3A_133#11, %scan3A_226 = %scan3A_133#12, %scan3A_227 = %scan3A_133#13, %scan3A_228 = %scan3A_133#14, %scan3A_229 = %scan3A_133#15) -> (vector<16xf32>, vector<16xf32>, vector<16xf32>, vector<16xf32>, vector<16xf32>, vector<16xf32>, vector<16xf32>, vector<16xf32>, vector<16xf32>, vector<16xf32>, vector<16xf32>, vector<16xf32>, vector<16xf32>, vector<16xf32>, vector<16xf32>, vector<16xf32>)  : i32 {
      %mul3A_230 = arith.constant 8 : i32
      %mul3A_231 = arith.muli %scan3A_213, %mul3A_230 : i32
      %add3A_232 = arith.constant 0 : i32
      %add3A_233 = arith.addi %mul3A_231, %add3A_232 : i32
      %get3A = arith.index_cast %add3A_233 : i32 to index
      %get3A_234 = arith.constant 0 : index
      %get3A_235 = tpu.vector_load %arg4[%get3A, %get3A_234] {strides = array<i32>} : memref<128x256xf32, #tpu.memory_space<vmem>>, vector<1x16xf32>,
      %get3A_236 = vector.shape_cast %get3A_235 : vector<1x16xf32> to vector<16xf32>
      %add3A_237 = arith.addf %scan3A_214, %get3A_236 : vector<16xf32>
      %mul3A_238 = arith.constant 8 : i32
      %mul3A_239 = arith.muli %scan3A_213, %mul3A_238 : i32
      %add3A_240 = arith.constant 0 : i32
      %add3A_241 = arith.addi %mul3A_239, %add3A_240 : i32
      %get3A_242 = arith.index_cast %add3A_241 : i32 to index
      %get3A_243 = arith.constant 16 : index
      %get3A_244 = tpu.vector_load %arg4[%get3A_242, %get3A_243] {strides = array<i32>} : memref<128x256xf32, #tpu.memory_space<vmem>>, vector<1x16xf32>,
      %get3A_245 = vector.shape_cast %get3A_244 : vector<1x16xf32> to vector<16xf32>
      %add3A_246 = arith.addf %scan3A_215, %get3A_245 : vector<16xf32>
      %mul3A_247 = arith.constant 8 : i32
      %mul3A_248 = arith.muli %scan3A_213, %mul3A_247 : i32
      %add3A_249 = arith.constant 0 : i32
      %add3A_250 = arith.addi %mul3A_248, %add3A_249 : i32
      %get3A_251 = arith.index_cast %add3A_250 : i32 to index
      %get3A_252 = arith.constant 32 : index
      %get3A_253 = tpu.vector_load %arg4[%get3A_251, %get3A_252] {strides = array<i32>} : memref<128x256xf32, #tpu.memory_space<vmem>>, vector<1x16xf32>,
      %get3A_254 = vector.shape_cast %get3A_253 : vector<1x16xf32> to vector<16xf32>
      %add3A_255 = arith.addf %scan3A_216, %get3A_254 : vector<16xf32>
      %mul3A_256 = arith.constant 8 : i32
      %mul3A_257 = arith.muli %scan3A_213, %mul3A_256 : i32
      %add3A_258 = arith.constant 0 : i32
      %add3A_259 = arith.addi %mul3A_257, %add3A_258 : i32
      %get3A_260 = arith.index_cast %add3A_259 : i32 to index
      %get3A_261 = arith.constant 48 : index
      %get3A_262 = tpu.vector_load %arg4[%get3A_260, %get3A_261] {strides = array<i32>} : memref<128x256xf32, #tpu.memory_space<vmem>>, vector<1x16xf32>,
      %get3A_263 = vector.shape_cast %get3A_262 : vector<1x16xf32> to vector<16xf32>
      %add3A_264 = arith.addf %scan3A_217, %get3A_263 : vector<16xf32>
      %mul3A_265 = arith.constant 8 : i32
      %mul3A_266 = arith.muli %scan3A_213, %mul3A_265 : i32
      %add3A_267 = arith.constant 0 : i32
      %add3A_268 = arith.addi %mul3A_266, %add3A_267 : i32
      %get3A_269 = arith.index_cast %add3A_268 : i32 to index
      %get3A_270 = arith.constant 64 : index
      %get3A_271 = tpu.vector_load %arg4[%get3A_269, %get3A_270] {strides = array<i32>} : memref<128x256xf32, #tpu.memory_space<vmem>>, vector<1x16xf32>,
      %get3A_272 = vector.shape_cast %get3A_271 : vector<1x16xf32> to vector<16xf32>
      %add3A_273 = arith.addf %scan3A_218, %get3A_272 : vector<16xf32>
      %mul3A_274 = arith.constant 8 : i32
      %mul3A_275 = arith.muli %scan3A_213, %mul3A_274 : i32
      %add3A_276 = arith.constant 0 : i32
      %add3A_277 = arith.addi %mul3A_275, %add3A_276 : i32
      %get3A_278 = arith.index_cast %add3A_277 : i32 to index
      %get3A_279 = arith.constant 80 : index
      %get3A_280 = tpu.vector_load %arg4[%get3A_278, %get3A_279] {strides = array<i32>} : memref<128x256xf32, #tpu.memory_space<vmem>>, vector<1x16xf32>,
      %get3A_281 = vector.shape_cast %get3A_280 : vector<1x16xf32> to vector<16xf32>
      %add3A_282 = arith.addf %scan3A_219, %get3A_281 : vector<16xf32>
      %mul3A_283 = arith.constant 8 : i32
      %mul3A_284 = arith.muli %scan3A_213, %mul3A_283 : i32
      %add3A_285 = arith.constant 0 : i32
      %add3A_286 = arith.addi %mul3A_284, %add3A_285 : i32
      %get3A_287 = arith.index_cast %add3A_286 : i32 to index
      %get3A_288 = arith.constant 96 : index
      %get3A_289 = tpu.vector_load %arg4[%get3A_287, %get3A_288] {strides = array<i32>} : memref<128x256xf32, #tpu.memory_space<vmem>>, vector<1x16xf32>,
      %get3A_290 = vector.shape_cast %get3A_289 : vector<1x16xf32> to vector<16xf32>
      %add3A_291 = arith.addf %scan3A_220, %get3A_290 : vector<16xf32>
      %mul3A_292 = arith.constant 8 : i32
      %mul3A_293 = arith.muli %scan3A_213, %mul3A_292 : i32
      %add3A_294 = arith.constant 0 : i32
      %add3A_295 = arith.addi %mul3A_293, %add3A_294 : i32
      %get3A_296 = arith.index_cast %add3A_295 : i32 to index
      %get3A_297 = arith.constant 112 : index
      %get3A_298 = tpu.vector_load %arg4[%get3A_296, %get3A_297] {strides = array<i32>} : memref<128x256xf32, #tpu.memory_space<vmem>>, vector<1x16xf32>,
      %get3A_299 = vector.shape_cast %get3A_298 : vector<1x16xf32> to vector<16xf32>
      %add3A_300 = arith.addf %scan3A_221, %get3A_299 : vector<16xf32>
      %mul3A_301 = arith.constant 8 : i32
      %mul3A_302 = arith.muli %scan3A_213, %mul3A_301 : i32
      %add3A_303 = arith.constant 0 : i32
      %add3A_304 = arith.addi %mul3A_302, %add3A_303 : i32
      %get3A_305 = arith.index_cast %add3A_304 : i32 to index
      %get3A_306 = arith.constant 128 : index
      %get3A_307 = tpu.vector_load %arg4[%get3A_305, %get3A_306] {strides = array<i32>} : memref<128x256xf32, #tpu.memory_space<vmem>>, vector<1x16xf32>,
      %get3A_308 = vector.shape_cast %get3A_307 : vector<1x16xf32> to vector<16xf32>
      %add3A_309 = arith.addf %scan3A_222, %get3A_308 : vector<16xf32>
      %mul3A_310 = arith.constant 8 : i32
      %mul3A_311 = arith.muli %scan3A_213, %mul3A_310 : i32
      %add3A_312 = arith.constant 0 : i32
      %add3A_313 = arith.addi %mul3A_311, %add3A_312 : i32
      %get3A_314 = arith.index_cast %add3A_313 : i32 to index
      %get3A_315 = arith.constant 144 : index
      %get3A_316 = tpu.vector_load %arg4[%get3A_314, %get3A_315] {strides = array<i32>} : memref<128x256xf32, #tpu.memory_space<vmem>>, vector<1x16xf32>,
      %get3A_317 = vector.shape_cast %get3A_316 : vector<1x16xf32> to vector<16xf32>
      %add3A_318 = arith.addf %scan3A_223, %get3A_317 : vector<16xf32>
      %mul3A_319 = arith.constant 8 : i32
      %mul3A_320 = arith.muli %scan3A_213, %mul3A_319 : i32
      %add3A_321 = arith.constant 0 : i32
      %add3A_322 = arith.addi %mul3A_320, %add3A_321 : i32
      %get3A_323 = arith.index_cast %add3A_322 : i32 to index
      %get3A_324 = arith.constant 160 : index
      %get3A_325 = tpu.vector_load %arg4[%get3A_323, %get3A_324] {strides = array<i32>} : memref<128x256xf32, #tpu.memory_space<vmem>>, vector<1x16xf32>,
      %get3A_326 = vector.shape_cast %get3A_325 : vector<1x16xf32> to vector<16xf32>
      %add3A_327 = arith.addf %scan3A_224, %get3A_326 : vector<16xf32>
      %mul3A_328 = arith.constant 8 : i32
      %mul3A_329 = arith.muli %scan3A_213, %mul3A_328 : i32
      %add3A_330 = arith.constant 0 : i32
      %add3A_331 = arith.addi %mul3A_329, %add3A_330 : i32
      %get3A_332 = arith.index_cast %add3A_331 : i32 to index
      %get3A_333 = arith.constant 176 : index
      %get3A_334 = tpu.vector_load %arg4[%get3A_332, %get3A_333] {strides = array<i32>} : memref<128x256xf32, #tpu.memory_space<vmem>>, vector<1x16xf32>,
      %get3A_335 = vector.shape_cast %get3A_334 : vector<1x16xf32> to vector<16xf32>
      %add3A_336 = arith.addf %scan3A_225, %get3A_335 : vector<16xf32>
      %mul3A_337 = arith.constant 8 : i32
      %mul3A_338 = arith.muli %scan3A_213, %mul3A_337 : i32
      %add3A_339 = arith.constant 0 : i32
      %add3A_340 = arith.addi %mul3A_338, %add3A_339 : i32
      %get3A_341 = arith.index_cast %add3A_340 : i32 to index
      %get3A_342 = arith.constant 192 : index
      %get3A_343 = tpu.vector_load %arg4[%get3A_341, %get3A_342] {strides = array<i32>} : memref<128x256xf32, #tpu.memory_space<vmem>>, vector<1x16xf32>,
      %get3A_344 = vector.shape_cast %get3A_343 : vector<1x16xf32> to vector<16xf32>
      %add3A_345 = arith.addf %scan3A_226, %get3A_344 : vector<16xf32>
      %mul3A_346 = arith.constant 8 : i32
      %mul3A_347 = arith.muli %scan3A_213, %mul3A_346 : i32
      %add3A_348 = arith.constant 0 : i32
      %add3A_349 = arith.addi %mul3A_347, %add3A_348 : i32
      %get3A_350 = arith.index_cast %add3A_349 : i32 to index
      %get3A_351 = arith.constant 208 : index
      %get3A_352 = tpu.vector_load %arg4[%get3A_350, %get3A_351] {strides = array<i32>} : memref<128x256xf32, #tpu.memory_space<vmem>>, vector<1x16xf32>,
      %get3A_353 = vector.shape_cast %get3A_352 : vector<1x16xf32> to vector<16xf32>
      %add3A_354 = arith.addf %scan3A_227, %get3A_353 : vector<16xf32>
      %mul3A_355 = arith.constant 8 : i32
      %mul3A_356 = arith.muli %scan3A_213, %mul3A_355 : i32
      %add3A_357 = arith.constant 0 : i32
      %add3A_358 = arith.addi %mul3A_356, %add3A_357 : i32
      %get3A_359 = arith.index_cast %add3A_358 : i32 to index
      %get3A_360 = arith.constant 224 : index
      %get3A_361 = tpu.vector_load %arg4[%get3A_359, %get3A_360] {strides = array<i32>} : memref<128x256xf32, #tpu.memory_space<vmem>>, vector<1x16xf32>,
      %get3A_362 = vector.shape_cast %get3A_361 : vector<1x16xf32> to vector<16xf32>
      %add3A_363 = arith.addf %scan3A_228, %get3A_362 : vector<16xf32>
      %mul3A_364 = arith.constant 8 : i32
      %mul3A_365 = arith.muli %scan3A_213, %mul3A_364 : i32
      %add3A_366 = arith.constant 0 : i32
      %add3A_367 = arith.addi %mul3A_365, %add3A_366 : i32
      %get3A_368 = arith.index_cast %add3A_367 : i32 to index
      %get3A_369 = arith.constant 240 : index
      %get3A_370 = tpu.vector_load %arg4[%get3A_368, %get3A_369] {strides = array<i32>} : memref<128x256xf32, #tpu.memory_space<vmem>>, vector<1x16xf32>,
      %get3A_371 = vector.shape_cast %get3A_370 : vector<1x16xf32> to vector<16xf32>
      %add3A_372 = arith.addf %scan3A_229, %get3A_371 : vector<16xf32>
      %mul3A_373 = arith.constant 8 : i32
      %mul3A_374 = arith.muli %scan3A_213, %mul3A_373 : i32
      %add3A_375 = arith.constant 1 : i32
      %add3A_376 = arith.addi %mul3A_374, %add3A_375 : i32
      %get3A_377 = arith.index_cast %add3A_376 : i32 to index
      %get3A_378 = arith.constant 0 : index
      %get3A_379 = tpu.vector_load %arg4[%get3A_377, %get3A_378] {strides = array<i32>} : memref<128x256xf32, #tpu.memory_space<vmem>>, vector<1x16xf32>,
      %get3A_380 = vector.shape_cast %get3A_379 : vector<1x16xf32> to vector<16xf32>
      %add3A_381 = arith.addf %add3A_237, %get3A_380 : vector<16xf32>
      %mul3A_382 = arith.constant 8 : i32
      %mul3A_383 = arith.muli %scan3A_213, %mul3A_382 : i32
      %add3A_384 = arith.constant 1 : i32
      %add3A_385 = arith.addi %mul3A_383, %add3A_384 : i32
      %get3A_386 = arith.index_cast %add3A_385 : i32 to index
      %get3A_387 = arith.constant 16 : index
      %get3A_388 = tpu.vector_load %arg4[%get3A_386, %get3A_387] {strides = array<i32>} : memref<128x256xf32, #tpu.memory_space<vmem>>, vector<1x16xf32>,
      %get3A_389 = vector.shape_cast %get3A_388 : vector<1x16xf32> to vector<16xf32>
      %add3A_390 = arith.addf %add3A_246, %get3A_389 : vector<16xf32>
      %mul3A_391 = arith.constant 8 : i32
      %mul3A_392 = arith.muli %scan3A_213, %mul3A_391 : i32
      %add3A_393 = arith.constant 1 : i32
      %add3A_394 = arith.addi %mul3A_392, %add3A_393 : i32
      %get3A_395 = arith.index_cast %add3A_394 : i32 to index
      %get3A_396 = arith.constant 32 : index
      %get3A_397 = tpu.vector_load %arg4[%get3A_395, %get3A_396] {strides = array<i32>} : memref<128x256xf32, #tpu.memory_space<vmem>>, vector<1x16xf32>,
      %get3A_398 = vector.shape_cast %get3A_397 : vector<1x16xf32> to vector<16xf32>
      %add3A_399 = arith.addf %add3A_255, %get3A_398 : vector<16xf32>
      %mul3A_400 = arith.constant 8 : i32
      %mul3A_401 = arith.muli %scan3A_213, %mul3A_400 : i32
      %add3A_402 = arith.constant 1 : i32
      %add3A_403 = arith.addi %mul3A_401, %add3A_402 : i32
      %get3A_404 = arith.index_cast %add3A_403 : i32 to index
      %get3A_405 = arith.constant 48 : index
      %get3A_406 = tpu.vector_load %arg4[%get3A_404, %get3A_405] {strides = array<i32>} : memref<128x256xf32, #tpu.memory_space<vmem>>, vector<1x16xf32>,
      %get3A_407 = vector.shape_cast %get3A_406 : vector<1x16xf32> to vector<16xf32>
      %add3A_408 = arith.addf %add3A_264, %get3A_407 : vector<16xf32>
      %mul3A_409 = arith.constant 8 : i32
      %mul3A_410 = arith.muli %scan3A_213, %mul3A_409 : i32
      %add3A_411 = arith.constant 1 : i32
      %add3A_412 = arith.addi %mul3A_410, %add3A_411 : i32
      %get3A_413 = arith.index_cast %add3A_412 : i32 to index
      %get3A_414 = arith.constant 64 : index
      %get3A_415 = tpu.vector_load %arg4[%get3A_413, %get3A_414] {strides = array<i32>} : memref<128x256xf32, #tpu.memory_space<vmem>>, vector<1x16xf32>,
      %get3A_416 = vector.shape_cast %get3A_415 : vector<1x16xf32> to vector<16xf32>
      %add3A_417 = arith.addf %add3A_273, %get3A_416 : vector<16xf32>
      %mul3A_418 = arith.constant 8 : i32
      %mul3A_419 = arith.muli %scan3A_213, %mul3A_418 : i32
      %add3A_420 = arith.constant 1 : i32
      %add3A_421 = arith.addi %mul3A_419, %add3A_420 : i32
      %get3A_422 = arith.index_cast %add3A_421 : i32 to index
      %get3A_423 = arith.constant 80 : index
      %get3A_424 = tpu.vector_load %arg4[%get3A_422, %get3A_423] {strides = array<i32>} : memref<128x256xf32, #tpu.memory_space<vmem>>, vector<1x16xf32>,
      %get3A_425 = vector.shape_cast %get3A_424 : vector<1x16xf32> to vector<16xf32>
      %add3A_426 = arith.addf %add3A_282, %get3A_425 : vector<16xf32>
      %mul3A_427 = arith.constant 8 : i32
      %mul3A_428 = arith.muli %scan3A_213, %mul3A_427 : i32
      %add3A_429 = arith.constant 1 : i32
      %add3A_430 = arith.addi %mul3A_428, %add3A_429 : i32
      %get3A_431 = arith.index_cast %add3A_430 : i32 to index
      %get3A_432 = arith.constant 96 : index
      %get3A_433 = tpu.vector_load %arg4[%get3A_431, %get3A_432] {strides = array<i32>} : memref<128x256xf32, #tpu.memory_space<vmem>>, vector<1x16xf32>,
      %get3A_434 = vector.shape_cast %get3A_433 : vector<1x16xf32> to vector<16xf32>
      %add3A_435 = arith.addf %add3A_291, %get3A_434 : vector<16xf32>
      %mul3A_436 = arith.constant 8 : i32
      %mul3A_437 = arith.muli %scan3A_213, %mul3A_436 : i32
      %add3A_438 = arith.constant 1 : i32
      %add3A_439 = arith.addi %mul3A_437, %add3A_438 : i32
      %get3A_440 = arith.index_cast %add3A_439 : i32 to index
      %get3A_441 = arith.constant 112 : index
      %get3A_442 = tpu.vector_load %arg4[%get3A_440, %get3A_441] {strides = array<i32>} : memref<128x256xf32, #tpu.memory_space<vmem>>, vector<1x16xf32>,
      %get3A_443 = vector.shape_cast %get3A_442 : vector<1x16xf32> to vector<16xf32>
      %add3A_444 = arith.addf %add3A_300, %get3A_443 : vector<16xf32>
      %mul3A_445 = arith.constant 8 : i32
      %mul3A_446 = arith.muli %scan3A_213, %mul3A_445 : i32
      %add3A_447 = arith.constant 1 : i32
      %add3A_448 = arith.addi %mul3A_446, %add3A_447 : i32
      %get3A_449 = arith.index_cast %add3A_448 : i32 to index
      %get3A_450 = arith.constant 128 : index
      %get3A_451 = tpu.vector_load %arg4[%get3A_449, %get3A_450] {strides = array<i32>} : memref<128x256xf32, #tpu.memory_space<vmem>>, vector<1x16xf32>,
      %get3A_452 = vector.shape_cast %get3A_451 : vector<1x16xf32> to vector<16xf32>
      %add3A_453 = arith.addf %add3A_309, %get3A_452 : vector<16xf32>
      %mul3A_454 = arith.constant 8 : i32
      %mul3A_455 = arith.muli %scan3A_213, %mul3A_454 : i32
      %add3A_456 = arith.constant 1 : i32
      %add3A_457 = arith.addi %mul3A_455, %add3A_456 : i32
      %get3A_458 = arith.index_cast %add3A_457 : i32 to index
      %get3A_459 = arith.constant 144 : index
      %get3A_460 = tpu.vector_load %arg4[%get3A_458, %get3A_459] {strides = array<i32>} : memref<128x256xf32, #tpu.memory_space<vmem>>, vector<1x16xf32>,
      %get3A_461 = vector.shape_cast %get3A_460 : vector<1x16xf32> to vector<16xf32>
      %add3A_462 = arith.addf %add3A_318, %get3A_461 : vector<16xf32>
      %mul3A_463 = arith.constant 8 : i32
      %mul3A_464 = arith.muli %scan3A_213, %mul3A_463 : i32
      %add3A_465 = arith.constant 1 : i32
      %add3A_466 = arith.addi %mul3A_464, %add3A_465 : i32
      %get3A_467 = arith.index_cast %add3A_466 : i32 to index
      %get3A_468 = arith.constant 160 : index
      %get3A_469 = tpu.vector_load %arg4[%get3A_467, %get3A_468] {strides = array<i32>} : memref<128x256xf32, #tpu.memory_space<vmem>>, vector<1x16xf32>,
      %get3A_470 = vector.shape_cast %get3A_469 : vector<1x16xf32> to vector<16xf32>
      %add3A_471 = arith.addf %add3A_327, %get3A_470 : vector<16xf32>
      %mul3A_472 = arith.constant 8 : i32
      %mul3A_473 = arith.muli %scan3A_213, %mul3A_472 : i32
      %add3A_474 = arith.constant 1 : i32
      %add3A_475 = arith.addi %mul3A_473, %add3A_474 : i32
      %get3A_476 = arith.index_cast %add3A_475 : i32 to index
      %get3A_477 = arith.constant 176 : index
      %get3A_478 = tpu.vector_load %arg4[%get3A_476, %get3A_477] {strides = array<i32>} : memref<128x256xf32, #tpu.memory_space<vmem>>, vector<1x16xf32>,
      %get3A_479 = vector.shape_cast %get3A_478 : vector<1x16xf32> to vector<16xf32>
      %add3A_480 = arith.addf %add3A_336, %get3A_479 : vector<16xf32>
      %mul3A_481 = arith.constant 8 : i32
      %mul3A_482 = arith.muli %scan3A_213, %mul3A_481 : i32
      %add3A_483 = arith.constant 1 : i32
      %add3A_484 = arith.addi %mul3A_482, %add3A_483 : i32
      %get3A_485 = arith.index_cast %add3A_484 : i32 to index
      %get3A_486 = arith.constant 192 : index
      %get3A_487 = tpu.vector_load %arg4[%get3A_485, %get3A_486] {strides = array<i32>} : memref<128x256xf32, #tpu.memory_space<vmem>>, vector<1x16xf32>,
      %get3A_488 = vector.shape_cast %get3A_487 : vector<1x16xf32> to vector<16xf32>
      %add3A_489 = arith.addf %add3A_345, %get3A_488 : vector<16xf32>
      %mul3A_490 = arith.constant 8 : i32
      %mul3A_491 = arith.muli %scan3A_213, %mul3A_490 : i32
      %add3A_492 = arith.constant 1 : i32
      %add3A_493 = arith.addi %mul3A_491, %add3A_492 : i32
      %get3A_494 = arith.index_cast %add3A_493 : i32 to index
      %get3A_495 = arith.constant 208 : index
      %get3A_496 = tpu.vector_load %arg4[%get3A_494, %get3A_495] {strides = array<i32>} : memref<128x256xf32, #tpu.memory_space<vmem>>, vector<1x16xf32>,
      %get3A_497 = vector.shape_cast %get3A_496 : vector<1x16xf32> to vector<16xf32>
      %add3A_498 = arith.addf %add3A_354, %get3A_497 : vector<16xf32>
      %mul3A_499 = arith.constant 8 : i32
      %mul3A_500 = arith.muli %scan3A_213, %mul3A_499 : i32
      %add3A_501 = arith.constant 1 : i32
      %add3A_502 = arith.addi %mul3A_500, %add3A_501 : i32
      %get3A_503 = arith.index_cast %add3A_502 : i32 to index
      %get3A_504 = arith.constant 224 : index
      %get3A_505 = tpu.vector_load %arg4[%get3A_503, %get3A_504] {strides = array<i32>} : memref<128x256xf32, #tpu.memory_space<vmem>>, vector<1x16xf32>,
      %get3A_506 = vector.shape_cast %get3A_505 : vector<1x16xf32> to vector<16xf32>
      %add3A_507 = arith.addf %add3A_363, %get3A_506 : vector<16xf32>
      %mul3A_508 = arith.constant 8 : i32
      %mul3A_509 = arith.muli %scan3A_213, %mul3A_508 : i32
      %add3A_510 = arith.constant 1 : i32
      %add3A_511 = arith.addi %mul3A_509, %add3A_510 : i32
      %get3A_512 = arith.index_cast %add3A_511 : i32 to index
      %get3A_513 = arith.constant 240 : index
      %get3A_514 = tpu.vector_load %arg4[%get3A_512, %get3A_513] {strides = array<i32>} : memref<128x256xf32, #tpu.memory_space<vmem>>, vector<1x16xf32>,
      %get3A_515 = vector.shape_cast %get3A_514 : vector<1x16xf32> to vector<16xf32>
      %add3A_516 = arith.addf %add3A_372, %get3A_515 : vector<16xf32>
      %mul3A_517 = arith.constant 8 : i32
      %mul3A_518 = arith.muli %scan3A_213, %mul3A_517 : i32
      %add3A_519 = arith.constant 2 : i32
      %add3A_520 = arith.addi %mul3A_518, %add3A_519 : i32
      %get3A_521 = arith.index_cast %add3A_520 : i32 to index
      %get3A_522 = arith.constant 0 : index
      %get3A_523 = tpu.vector_load %arg4[%get3A_521, %get3A_522] {strides = array<i32>} : memref<128x256xf32, #tpu.memory_space<vmem>>, vector<1x16xf32>,
      %get3A_524 = vector.shape_cast %get3A_523 : vector<1x16xf32> to vector<16xf32>
      %add3A_525 = arith.addf %add3A_381, %get3A_524 : vector<16xf32>
      %mul3A_526 = arith.constant 8 : i32
      %mul3A_527 = arith.muli %scan3A_213, %mul3A_526 : i32
      %add3A_528 = arith.constant 2 : i32
      %add3A_529 = arith.addi %mul3A_527, %add3A_528 : i32
      %get3A_530 = arith.index_cast %add3A_529 : i32 to index
      %get3A_531 = arith.constant 16 : index
      %get3A_532 = tpu.vector_load %arg4[%get3A_530, %get3A_531] {strides = array<i32>} : memref<128x256xf32, #tpu.memory_space<vmem>>, vector<1x16xf32>,
      %get3A_533 = vector.shape_cast %get3A_532 : vector<1x16xf32> to vector<16xf32>
      %add3A_534 = arith.addf %add3A_390, %get3A_533 : vector<16xf32>
      %mul3A_535 = arith.constant 8 : i32
      %mul3A_536 = arith.muli %scan3A_213, %mul3A_535 : i32
      %add3A_537 = arith.constant 2 : i32
      %add3A_538 = arith.addi %mul3A_536, %add3A_537 : i32
      %get3A_539 = arith.index_cast %add3A_538 : i32 to index
      %get3A_540 = arith.constant 32 : index
      %get3A_541 = tpu.vector_load %arg4[%get3A_539, %get3A_540] {strides = array<i32>} : memref<128x256xf32, #tpu.memory_space<vmem>>, vector<1x16xf32>,
      %get3A_542 = vector.shape_cast %get3A_541 : vector<1x16xf32> to vector<16xf32>
      %add3A_543 = arith.addf %add3A_399, %get3A_542 : vector<16xf32>
      %mul3A_544 = arith.constant 8 : i32
      %mul3A_545 = arith.muli %scan3A_213, %mul3A_544 : i32
      %add3A_546 = arith.constant 2 : i32
      %add3A_547 = arith.addi %mul3A_545, %add3A_546 : i32
      %get3A_548 = arith.index_cast %add3A_547 : i32 to index
      %get3A_549 = arith.constant 48 : index
      %get3A_550 = tpu.vector_load %arg4[%get3A_548, %get3A_549] {strides = array<i32>} : memref<128x256xf32, #tpu.memory_space<vmem>>, vector<1x16xf32>,
      %get3A_551 = vector.shape_cast %get3A_550 : vector<1x16xf32> to vector<16xf32>
      %add3A_552 = arith.addf %add3A_408, %get3A_551 : vector<16xf32>
      %mul3A_553 = arith.constant 8 : i32
      %mul3A_554 = arith.muli %scan3A_213, %mul3A_553 : i32
      %add3A_555 = arith.constant 2 : i32
      %add3A_556 = arith.addi %mul3A_554, %add3A_555 : i32
      %get3A_557 = arith.index_cast %add3A_556 : i32 to index
      %get3A_558 = arith.constant 64 : index
      %get3A_559 = tpu.vector_load %arg4[%get3A_557, %get3A_558] {strides = array<i32>} : memref<128x256xf32, #tpu.memory_space<vmem>>, vector<1x16xf32>,
      %get3A_560 = vector.shape_cast %get3A_559 : vector<1x16xf32> to vector<16xf32>
      %add3A_561 = arith.addf %add3A_417, %get3A_560 : vector<16xf32>
      %mul3A_562 = arith.constant 8 : i32
      %mul3A_563 = arith.muli %scan3A_213, %mul3A_562 : i32
      %add3A_564 = arith.constant 2 : i32
      %add3A_565 = arith.addi %mul3A_563, %add3A_564 : i32
      %get3A_566 = arith.index_cast %add3A_565 : i32 to index
      %get3A_567 = arith.constant 80 : index
      %get3A_568 = tpu.vector_load %arg4[%get3A_566, %get3A_567] {strides = array<i32>} : memref<128x256xf32, #tpu.memory_space<vmem>>, vector<1x16xf32>,
      %get3A_569 = vector.shape_cast %get3A_568 : vector<1x16xf32> to vector<16xf32>
      %add3A_570 = arith.addf %add3A_426, %get3A_569 : vector<16xf32>
      %mul3A_571 = arith.constant 8 : i32
      %mul3A_572 = arith.muli %scan3A_213, %mul3A_571 : i32
      %add3A_573 = arith.constant 2 : i32
      %add3A_574 = arith.addi %mul3A_572, %add3A_573 : i32
      %get3A_575 = arith.index_cast %add3A_574 : i32 to index
      %get3A_576 = arith.constant 96 : index
      %get3A_577 = tpu.vector_load %arg4[%get3A_575, %get3A_576] {strides = array<i32>} : memref<128x256xf32, #tpu.memory_space<vmem>>, vector<1x16xf32>,
      %get3A_578 = vector.shape_cast %get3A_577 : vector<1x16xf32> to vector<16xf32>
      %add3A_579 = arith.addf %add3A_435, %get3A_578 : vector<16xf32>
      %mul3A_580 = arith.constant 8 : i32
      %mul3A_581 = arith.muli %scan3A_213, %mul3A_580 : i32
      %add3A_582 = arith.constant 2 : i32
      %add3A_583 = arith.addi %mul3A_581, %add3A_582 : i32
      %get3A_584 = arith.index_cast %add3A_583 : i32 to index
      %get3A_585 = arith.constant 112 : index
      %get3A_586 = tpu.vector_load %arg4[%get3A_584, %get3A_585] {strides = array<i32>} : memref<128x256xf32, #tpu.memory_space<vmem>>, vector<1x16xf32>,
      %get3A_587 = vector.shape_cast %get3A_586 : vector<1x16xf32> to vector<16xf32>
      %add3A_588 = arith.addf %add3A_444, %get3A_587 : vector<16xf32>
      %mul3A_589 = arith.constant 8 : i32
      %mul3A_590 = arith.muli %scan3A_213, %mul3A_589 : i32
      %add3A_591 = arith.constant 2 : i32
      %add3A_592 = arith.addi %mul3A_590, %add3A_591 : i32
      %get3A_593 = arith.index_cast %add3A_592 : i32 to index
      %get3A_594 = arith.constant 128 : index
      %get3A_595 = tpu.vector_load %arg4[%get3A_593, %get3A_594] {strides = array<i32>} : memref<128x256xf32, #tpu.memory_space<vmem>>, vector<1x16xf32>,
      %get3A_596 = vector.shape_cast %get3A_595 : vector<1x16xf32> to vector<16xf32>
      %add3A_597 = arith.addf %add3A_453, %get3A_596 : vector<16xf32>
      %mul3A_598 = arith.constant 8 : i32
      %mul3A_599 = arith.muli %scan3A_213, %mul3A_598 : i32
      %add3A_600 = arith.constant 2 : i32
      %add3A_601 = arith.addi %mul3A_599, %add3A_600 : i32
      %get3A_602 = arith.index_cast %add3A_601 : i32 to index
      %get3A_603 = arith.constant 144 : index
      %get3A_604 = tpu.vector_load %arg4[%get3A_602, %get3A_603] {strides = array<i32>} : memref<128x256xf32, #tpu.memory_space<vmem>>, vector<1x16xf32>,
      %get3A_605 = vector.shape_cast %get3A_604 : vector<1x16xf32> to vector<16xf32>
      %add3A_606 = arith.addf %add3A_462, %get3A_605 : vector<16xf32>
      %mul3A_607 = arith.constant 8 : i32
      %mul3A_608 = arith.muli %scan3A_213, %mul3A_607 : i32
      %add3A_609 = arith.constant 2 : i32
      %add3A_610 = arith.addi %mul3A_608, %add3A_609 : i32
      %get3A_611 = arith.index_cast %add3A_610 : i32 to index
      %get3A_612 = arith.constant 160 : index
      %get3A_613 = tpu.vector_load %arg4[%get3A_611, %get3A_612] {strides = array<i32>} : memref<128x256xf32, #tpu.memory_space<vmem>>, vector<1x16xf32>,
      %get3A_614 = vector.shape_cast %get3A_613 : vector<1x16xf32> to vector<16xf32>
      %add3A_615 = arith.addf %add3A_471, %get3A_614 : vector<16xf32>
      %mul3A_616 = arith.constant 8 : i32
      %mul3A_617 = arith.muli %scan3A_213, %mul3A_616 : i32
      %add3A_618 = arith.constant 2 : i32
      %add3A_619 = arith.addi %mul3A_617, %add3A_618 : i32
      %get3A_620 = arith.index_cast %add3A_619 : i32 to index
      %get3A_621 = arith.constant 176 : index
      %get3A_622 = tpu.vector_load %arg4[%get3A_620, %get3A_621] {strides = array<i32>} : memref<128x256xf32, #tpu.memory_space<vmem>>, vector<1x16xf32>,
      %get3A_623 = vector.shape_cast %get3A_622 : vector<1x16xf32> to vector<16xf32>
      %add3A_624 = arith.addf %add3A_480, %get3A_623 : vector<16xf32>
      %mul3A_625 = arith.constant 8 : i32
      %mul3A_626 = arith.muli %scan3A_213, %mul3A_625 : i32
      %add3A_627 = arith.constant 2 : i32
      %add3A_628 = arith.addi %mul3A_626, %add3A_627 : i32
      %get3A_629 = arith.index_cast %add3A_628 : i32 to index
      %get3A_630 = arith.constant 192 : index
      %get3A_631 = tpu.vector_load %arg4[%get3A_629, %get3A_630] {strides = array<i32>} : memref<128x256xf32, #tpu.memory_space<vmem>>, vector<1x16xf32>,
      %get3A_632 = vector.shape_cast %get3A_631 : vector<1x16xf32> to vector<16xf32>
      %add3A_633 = arith.addf %add3A_489, %get3A_632 : vector<16xf32>
      %mul3A_634 = arith.constant 8 : i32
      %mul3A_635 = arith.muli %scan3A_213, %mul3A_634 : i32
      %add3A_636 = arith.constant 2 : i32
      %add3A_637 = arith.addi %mul3A_635, %add3A_636 : i32
      %get3A_638 = arith.index_cast %add3A_637 : i32 to index
      %get3A_639 = arith.constant 208 : index
      %get3A_640 = tpu.vector_load %arg4[%get3A_638, %get3A_639] {strides = array<i32>} : memref<128x256xf32, #tpu.memory_space<vmem>>, vector<1x16xf32>,
      %get3A_641 = vector.shape_cast %get3A_640 : vector<1x16xf32> to vector<16xf32>
      %add3A_642 = arith.addf %add3A_498, %get3A_641 : vector<16xf32>
      %mul3A_643 = arith.constant 8 : i32
      %mul3A_644 = arith.muli %scan3A_213, %mul3A_643 : i32
      %add3A_645 = arith.constant 2 : i32
      %add3A_646 = arith.addi %mul3A_644, %add3A_645 : i32
      %get3A_647 = arith.index_cast %add3A_646 : i32 to index
      %get3A_648 = arith.constant 224 : index
      %get3A_649 = tpu.vector_load %arg4[%get3A_647, %get3A_648] {strides = array<i32>} : memref<128x256xf32, #tpu.memory_space<vmem>>, vector<1x16xf32>,
      %get3A_650 = vector.shape_cast %get3A_649 : vector<1x16xf32> to vector<16xf32>
      %add3A_651 = arith.addf %add3A_507, %get3A_650 : vector<16xf32>
      %mul3A_652 = arith.constant 8 : i32
      %mul3A_653 = arith.muli %scan3A_213, %mul3A_652 : i32
      %add3A_654 = arith.constant 2 : i32
      %add3A_655 = arith.addi %mul3A_653, %add3A_654 : i32
      %get3A_656 = arith.index_cast %add3A_655 : i32 to index
      %get3A_657 = arith.constant 240 : index
      %get3A_658 = tpu.vector_load %arg4[%get3A_656, %get3A_657] {strides = array<i32>} : memref<128x256xf32, #tpu.memory_space<vmem>>, vector<1x16xf32>,
      %get3A_659 = vector.shape_cast %get3A_658 : vector<1x16xf32> to vector<16xf32>
      %add3A_660 = arith.addf %add3A_516, %get3A_659 : vector<16xf32>
      %mul3A_661 = arith.constant 8 : i32
      %mul3A_662 = arith.muli %scan3A_213, %mul3A_661 : i32
      %add3A_663 = arith.constant 3 : i32
      %add3A_664 = arith.addi %mul3A_662, %add3A_663 : i32
      %get3A_665 = arith.index_cast %add3A_664 : i32 to index
      %get3A_666 = arith.constant 0 : index
      %get3A_667 = tpu.vector_load %arg4[%get3A_665, %get3A_666] {strides = array<i32>} : memref<128x256xf32, #tpu.memory_space<vmem>>, vector<1x16xf32>,
      %get3A_668 = vector.shape_cast %get3A_667 : vector<1x16xf32> to vector<16xf32>
      %add3A_669 = arith.addf %add3A_525, %get3A_668 : vector<16xf32>
      %mul3A_670 = arith.constant 8 : i32
      %mul3A_671 = arith.muli %scan3A_213, %mul3A_670 : i32
      %add3A_672 = arith.constant 3 : i32
      %add3A_673 = arith.addi %mul3A_671, %add3A_672 : i32
      %get3A_674 = arith.index_cast %add3A_673 : i32 to index
      %get3A_675 = arith.constant 16 : index
      %get3A_676 = tpu.vector_load %arg4[%get3A_674, %get3A_675] {strides = array<i32>} : memref<128x256xf32, #tpu.memory_space<vmem>>, vector<1x16xf32>,
      %get3A_677 = vector.shape_cast %get3A_676 : vector<1x16xf32> to vector<16xf32>
      %add3A_678 = arith.addf %add3A_534, %get3A_677 : vector<16xf32>
      %mul3A_679 = arith.constant 8 : i32
      %mul3A_680 = arith.muli %scan3A_213, %mul3A_679 : i32
      %add3A_681 = arith.constant 3 : i32
      %add3A_682 = arith.addi %mul3A_680, %add3A_681 : i32
      %get3A_683 = arith.index_cast %add3A_682 : i32 to index
      %get3A_684 = arith.constant 32 : index
      %get3A_685 = tpu.vector_load %arg4[%get3A_683, %get3A_684] {strides = array<i32>} : memref<128x256xf32, #tpu.memory_space<vmem>>, vector<1x16xf32>,
      %get3A_686 = vector.shape_cast %get3A_685 : vector<1x16xf32> to vector<16xf32>
      %add3A_687 = arith.addf %add3A_543, %get3A_686 : vector<16xf32>
      %mul3A_688 = arith.constant 8 : i32
      %mul3A_689 = arith.muli %scan3A_213, %mul3A_688 : i32
      %add3A_690 = arith.constant 3 : i32
      %add3A_691 = arith.addi %mul3A_689, %add3A_690 : i32
      %get3A_692 = arith.index_cast %add3A_691 : i32 to index
      %get3A_693 = arith.constant 48 : index
      %get3A_694 = tpu.vector_load %arg4[%get3A_692, %get3A_693] {strides = array<i32>} : memref<128x256xf32, #tpu.memory_space<vmem>>, vector<1x16xf32>,
      %get3A_695 = vector.shape_cast %get3A_694 : vector<1x16xf32> to vector<16xf32>
      %add3A_696 = arith.addf %add3A_552, %get3A_695 : vector<16xf32>
      %mul3A_697 = arith.constant 8 : i32
      %mul3A_698 = arith.muli %scan3A_213, %mul3A_697 : i32
      %add3A_699 = arith.constant 3 : i32
      %add3A_700 = arith.addi %mul3A_698, %add3A_699 : i32
      %get3A_701 = arith.index_cast %add3A_700 : i32 to index
      %get3A_702 = arith.constant 64 : index
      %get3A_703 = tpu.vector_load %arg4[%get3A_701, %get3A_702] {strides = array<i32>} : memref<128x256xf32, #tpu.memory_space<vmem>>, vector<1x16xf32>,
      %get3A_704 = vector.shape_cast %get3A_703 : vector<1x16xf32> to vector<16xf32>
      %add3A_705 = arith.addf %add3A_561, %get3A_704 : vector<16xf32>
      %mul3A_706 = arith.constant 8 : i32
      %mul3A_707 = arith.muli %scan3A_213, %mul3A_706 : i32
      %add3A_708 = arith.constant 3 : i32
      %add3A_709 = arith.addi %mul3A_707, %add3A_708 : i32
      %get3A_710 = arith.index_cast %add3A_709 : i32 to index
      %get3A_711 = arith.constant 80 : index
      %get3A_712 = tpu.vector_load %arg4[%get3A_710, %get3A_711] {strides = array<i32>} : memref<128x256xf32, #tpu.memory_space<vmem>>, vector<1x16xf32>,
      %get3A_713 = vector.shape_cast %get3A_712 : vector<1x16xf32> to vector<16xf32>
      %add3A_714 = arith.addf %add3A_570, %get3A_713 : vector<16xf32>
      %mul3A_715 = arith.constant 8 : i32
      %mul3A_716 = arith.muli %scan3A_213, %mul3A_715 : i32
      %add3A_717 = arith.constant 3 : i32
      %add3A_718 = arith.addi %mul3A_716, %add3A_717 : i32
      %get3A_719 = arith.index_cast %add3A_718 : i32 to index
      %get3A_720 = arith.constant 96 : index
      %get3A_721 = tpu.vector_load %arg4[%get3A_719, %get3A_720] {strides = array<i32>} : memref<128x256xf32, #tpu.memory_space<vmem>>, vector<1x16xf32>,
      %get3A_722 = vector.shape_cast %get3A_721 : vector<1x16xf32> to vector<16xf32>
      %add3A_723 = arith.addf %add3A_579, %get3A_722 : vector<16xf32>
      %mul3A_724 = arith.constant 8 : i32
      %mul3A_725 = arith.muli %scan3A_213, %mul3A_724 : i32
      %add3A_726 = arith.constant 3 : i32
      %add3A_727 = arith.addi %mul3A_725, %add3A_726 : i32
      %get3A_728 = arith.index_cast %add3A_727 : i32 to index
      %get3A_729 = arith.constant 112 : index
      %get3A_730 = tpu.vector_load %arg4[%get3A_728, %get3A_729] {strides = array<i32>} : memref<128x256xf32, #tpu.memory_space<vmem>>, vector<1x16xf32>,
      %get3A_731 = vector.shape_cast %get3A_730 : vector<1x16xf32> to vector<16xf32>
      %add3A_732 = arith.addf %add3A_588, %get3A_731 : vector<16xf32>
      %mul3A_733 = arith.constant 8 : i32
      %mul3A_734 = arith.muli %scan3A_213, %mul3A_733 : i32
      %add3A_735 = arith.constant 3 : i32
      %add3A_736 = arith.addi %mul3A_734, %add3A_735 : i32
      %get3A_737 = arith.index_cast %add3A_736 : i32 to index
      %get3A_738 = arith.constant 128 : index
      %get3A_739 = tpu.vector_load %arg4[%get3A_737, %get3A_738] {strides = array<i32>} : memref<128x256xf32, #tpu.memory_space<vmem>>, vector<1x16xf32>,
      %get3A_740 = vector.shape_cast %get3A_739 : vector<1x16xf32> to vector<16xf32>
      %add3A_741 = arith.addf %add3A_597, %get3A_740 : vector<16xf32>
      %mul3A_742 = arith.constant 8 : i32
      %mul3A_743 = arith.muli %scan3A_213, %mul3A_742 : i32
      %add3A_744 = arith.constant 3 : i32
      %add3A_745 = arith.addi %mul3A_743, %add3A_744 : i32
      %get3A_746 = arith.index_cast %add3A_745 : i32 to index
      %get3A_747 = arith.constant 144 : index
      %get3A_748 = tpu.vector_load %arg4[%get3A_746, %get3A_747] {strides = array<i32>} : memref<128x256xf32, #tpu.memory_space<vmem>>, vector<1x16xf32>,
      %get3A_749 = vector.shape_cast %get3A_748 : vector<1x16xf32> to vector<16xf32>
      %add3A_750 = arith.addf %add3A_606, %get3A_749 : vector<16xf32>
      %mul3A_751 = arith.constant 8 : i32
      %mul3A_752 = arith.muli %scan3A_213, %mul3A_751 : i32
      %add3A_753 = arith.constant 3 : i32
      %add3A_754 = arith.addi %mul3A_752, %add3A_753 : i32
      %get3A_755 = arith.index_cast %add3A_754 : i32 to index
      %get3A_756 = arith.constant 160 : index
      %get3A_757 = tpu.vector_load %arg4[%get3A_755, %get3A_756] {strides = array<i32>} : memref<128x256xf32, #tpu.memory_space<vmem>>, vector<1x16xf32>,
      %get3A_758 = vector.shape_cast %get3A_757 : vector<1x16xf32> to vector<16xf32>
      %add3A_759 = arith.addf %add3A_615, %get3A_758 : vector<16xf32>
      %mul3A_760 = arith.constant 8 : i32
      %mul3A_761 = arith.muli %scan3A_213, %mul3A_760 : i32
      %add3A_762 = arith.constant 3 : i32
      %add3A_763 = arith.addi %mul3A_761, %add3A_762 : i32
      %get3A_764 = arith.index_cast %add3A_763 : i32 to index
      %get3A_765 = arith.constant 176 : index
      %get3A_766 = tpu.vector_load %arg4[%get3A_764, %get3A_765] {strides = array<i32>} : memref<128x256xf32, #tpu.memory_space<vmem>>, vector<1x16xf32>,
      %get3A_767 = vector.shape_cast %get3A_766 : vector<1x16xf32> to vector<16xf32>
      %add3A_768 = arith.addf %add3A_624, %get3A_767 : vector<16xf32>
      %mul3A_769 = arith.constant 8 : i32
      %mul3A_770 = arith.muli %scan3A_213, %mul3A_769 : i32
      %add3A_771 = arith.constant 3 : i32
      %add3A_772 = arith.addi %mul3A_770, %add3A_771 : i32
      %get3A_773 = arith.index_cast %add3A_772 : i32 to index
      %get3A_774 = arith.constant 192 : index
      %get3A_775 = tpu.vector_load %arg4[%get3A_773, %get3A_774] {strides = array<i32>} : memref<128x256xf32, #tpu.memory_space<vmem>>, vector<1x16xf32>,
      %get3A_776 = vector.shape_cast %get3A_775 : vector<1x16xf32> to vector<16xf32>
      %add3A_777 = arith.addf %add3A_633, %get3A_776 : vector<16xf32>
      %mul3A_778 = arith.constant 8 : i32
      %mul3A_779 = arith.muli %scan3A_213, %mul3A_778 : i32
      %add3A_780 = arith.constant 3 : i32
      %add3A_781 = arith.addi %mul3A_779, %add3A_780 : i32
      %get3A_782 = arith.index_cast %add3A_781 : i32 to index
      %get3A_783 = arith.constant 208 : index
      %get3A_784 = tpu.vector_load %arg4[%get3A_782, %get3A_783] {strides = array<i32>} : memref<128x256xf32, #tpu.memory_space<vmem>>, vector<1x16xf32>,
      %get3A_785 = vector.shape_cast %get3A_784 : vector<1x16xf32> to vector<16xf32>
      %add3A_786 = arith.addf %add3A_642, %get3A_785 : vector<16xf32>
      %mul3A_787 = arith.constant 8 : i32
      %mul3A_788 = arith.muli %scan3A_213, %mul3A_787 : i32
      %add3A_789 = arith.constant 3 : i32
      %add3A_790 = arith.addi %mul3A_788, %add3A_789 : i32
      %get3A_791 = arith.index_cast %add3A_790 : i32 to index
      %get3A_792 = arith.constant 224 : index
      %get3A_793 = tpu.vector_load %arg4[%get3A_791, %get3A_792] {strides = array<i32>} : memref<128x256xf32, #tpu.memory_space<vmem>>, vector<1x16xf32>,
      %get3A_794 = vector.shape_cast %get3A_793 : vector<1x16xf32> to vector<16xf32>
      %add3A_795 = arith.addf %add3A_651, %get3A_794 : vector<16xf32>
      %mul3A_796 = arith.constant 8 : i32
      %mul3A_797 = arith.muli %scan3A_213, %mul3A_796 : i32
      %add3A_798 = arith.constant 3 : i32
      %add3A_799 = arith.addi %mul3A_797, %add3A_798 : i32
      %get3A_800 = arith.index_cast %add3A_799 : i32 to index
      %get3A_801 = arith.constant 240 : index
      %get3A_802 = tpu.vector_load %arg4[%get3A_800, %get3A_801] {strides = array<i32>} : memref<128x256xf32, #tpu.memory_space<vmem>>, vector<1x16xf32>,
      %get3A_803 = vector.shape_cast %get3A_802 : vector<1x16xf32> to vector<16xf32>
      %add3A_804 = arith.addf %add3A_660, %get3A_803 : vector<16xf32>
      %mul3A_805 = arith.constant 8 : i32
      %mul3A_806 = arith.muli %scan3A_213, %mul3A_805 : i32
      %add3A_807 = arith.constant 4 : i32
      %add3A_808 = arith.addi %mul3A_806, %add3A_807 : i32
      %get3A_809 = arith.index_cast %add3A_808 : i32 to index
      %get3A_810 = arith.constant 0 : index
      %get3A_811 = tpu.vector_load %arg4[%get3A_809, %get3A_810] {strides = array<i32>} : memref<128x256xf32, #tpu.memory_space<vmem>>, vector<1x16xf32>,
      %get3A_812 = vector.shape_cast %get3A_811 : vector<1x16xf32> to vector<16xf32>
      %add3A_813 = arith.addf %add3A_669, %get3A_812 : vector<16xf32>
      %mul3A_814 = arith.constant 8 : i32
      %mul3A_815 = arith.muli %scan3A_213, %mul3A_814 : i32
      %add3A_816 = arith.constant 4 : i32
      %add3A_817 = arith.addi %mul3A_815, %add3A_816 : i32
      %get3A_818 = arith.index_cast %add3A_817 : i32 to index
      %get3A_819 = arith.constant 16 : index
      %get3A_820 = tpu.vector_load %arg4[%get3A_818, %get3A_819] {strides = array<i32>} : memref<128x256xf32, #tpu.memory_space<vmem>>, vector<1x16xf32>,
      %get3A_821 = vector.shape_cast %get3A_820 : vector<1x16xf32> to vector<16xf32>
      %add3A_822 = arith.addf %add3A_678, %get3A_821 : vector<16xf32>
      %mul3A_823 = arith.constant 8 : i32
      %mul3A_824 = arith.muli %scan3A_213, %mul3A_823 : i32
      %add3A_825 = arith.constant 4 : i32
      %add3A_826 = arith.addi %mul3A_824, %add3A_825 : i32
      %get3A_827 = arith.index_cast %add3A_826 : i32 to index
      %get3A_828 = arith.constant 32 : index
      %get3A_829 = tpu.vector_load %arg4[%get3A_827, %get3A_828] {strides = array<i32>} : memref<128x256xf32, #tpu.memory_space<vmem>>, vector<1x16xf32>,
      %get3A_830 = vector.shape_cast %get3A_829 : vector<1x16xf32> to vector<16xf32>
      %add3A_831 = arith.addf %add3A_687, %get3A_830 : vector<16xf32>
      %mul3A_832 = arith.constant 8 : i32
      %mul3A_833 = arith.muli %scan3A_213, %mul3A_832 : i32
      %add3A_834 = arith.constant 4 : i32
      %add3A_835 = arith.addi %mul3A_833, %add3A_834 : i32
      %get3A_836 = arith.index_cast %add3A_835 : i32 to index
      %get3A_837 = arith.constant 48 : index
      %get3A_838 = tpu.vector_load %arg4[%get3A_836, %get3A_837] {strides = array<i32>} : memref<128x256xf32, #tpu.memory_space<vmem>>, vector<1x16xf32>,
      %get3A_839 = vector.shape_cast %get3A_838 : vector<1x16xf32> to vector<16xf32>
      %add3A_840 = arith.addf %add3A_696, %get3A_839 : vector<16xf32>
      %mul3A_841 = arith.constant 8 : i32
      %mul3A_842 = arith.muli %scan3A_213, %mul3A_841 : i32
      %add3A_843 = arith.constant 4 : i32
      %add3A_844 = arith.addi %mul3A_842, %add3A_843 : i32
      %get3A_845 = arith.index_cast %add3A_844 : i32 to index
      %get3A_846 = arith.constant 64 : index
      %get3A_847 = tpu.vector_load %arg4[%get3A_845, %get3A_846] {strides = array<i32>} : memref<128x256xf32, #tpu.memory_space<vmem>>, vector<1x16xf32>,
      %get3A_848 = vector.shape_cast %get3A_847 : vector<1x16xf32> to vector<16xf32>
      %add3A_849 = arith.addf %add3A_705, %get3A_848 : vector<16xf32>
      %mul3A_850 = arith.constant 8 : i32
      %mul3A_851 = arith.muli %scan3A_213, %mul3A_850 : i32
      %add3A_852 = arith.constant 4 : i32
      %add3A_853 = arith.addi %mul3A_851, %add3A_852 : i32
      %get3A_854 = arith.index_cast %add3A_853 : i32 to index
      %get3A_855 = arith.constant 80 : index
      %get3A_856 = tpu.vector_load %arg4[%get3A_854, %get3A_855] {strides = array<i32>} : memref<128x256xf32, #tpu.memory_space<vmem>>, vector<1x16xf32>,
      %get3A_857 = vector.shape_cast %get3A_856 : vector<1x16xf32> to vector<16xf32>
      %add3A_858 = arith.addf %add3A_714, %get3A_857 : vector<16xf32>
      %mul3A_859 = arith.constant 8 : i32
      %mul3A_860 = arith.muli %scan3A_213, %mul3A_859 : i32
      %add3A_861 = arith.constant 4 : i32
      %add3A_862 = arith.addi %mul3A_860, %add3A_861 : i32
      %get3A_863 = arith.index_cast %add3A_862 : i32 to index
      %get3A_864 = arith.constant 96 : index
      %get3A_865 = tpu.vector_load %arg4[%get3A_863, %get3A_864] {strides = array<i32>} : memref<128x256xf32, #tpu.memory_space<vmem>>, vector<1x16xf32>,
      %get3A_866 = vector.shape_cast %get3A_865 : vector<1x16xf32> to vector<16xf32>
      %add3A_867 = arith.addf %add3A_723, %get3A_866 : vector<16xf32>
      %mul3A_868 = arith.constant 8 : i32
      %mul3A_869 = arith.muli %scan3A_213, %mul3A_868 : i32
      %add3A_870 = arith.constant 4 : i32
      %add3A_871 = arith.addi %mul3A_869, %add3A_870 : i32
      %get3A_872 = arith.index_cast %add3A_871 : i32 to index
      %get3A_873 = arith.constant 112 : index
      %get3A_874 = tpu.vector_load %arg4[%get3A_872, %get3A_873] {strides = array<i32>} : memref<128x256xf32, #tpu.memory_space<vmem>>, vector<1x16xf32>,
      %get3A_875 = vector.shape_cast %get3A_874 : vector<1x16xf32> to vector<16xf32>
      %add3A_876 = arith.addf %add3A_732, %get3A_875 : vector<16xf32>
      %mul3A_877 = arith.constant 8 : i32
      %mul3A_878 = arith.muli %scan3A_213, %mul3A_877 : i32
      %add3A_879 = arith.constant 4 : i32
      %add3A_880 = arith.addi %mul3A_878, %add3A_879 : i32
      %get3A_881 = arith.index_cast %add3A_880 : i32 to index
      %get3A_882 = arith.constant 128 : index
      %get3A_883 = tpu.vector_load %arg4[%get3A_881, %get3A_882] {strides = array<i32>} : memref<128x256xf32, #tpu.memory_space<vmem>>, vector<1x16xf32>,
      %get3A_884 = vector.shape_cast %get3A_883 : vector<1x16xf32> to vector<16xf32>
      %add3A_885 = arith.addf %add3A_741, %get3A_884 : vector<16xf32>
      %mul3A_886 = arith.constant 8 : i32
      %mul3A_887 = arith.muli %scan3A_213, %mul3A_886 : i32
      %add3A_888 = arith.constant 4 : i32
      %add3A_889 = arith.addi %mul3A_887, %add3A_888 : i32
      %get3A_890 = arith.index_cast %add3A_889 : i32 to index
      %get3A_891 = arith.constant 144 : index
      %get3A_892 = tpu.vector_load %arg4[%get3A_890, %get3A_891] {strides = array<i32>} : memref<128x256xf32, #tpu.memory_space<vmem>>, vector<1x16xf32>,
      %get3A_893 = vector.shape_cast %get3A_892 : vector<1x16xf32> to vector<16xf32>
      %add3A_894 = arith.addf %add3A_750, %get3A_893 : vector<16xf32>
      %mul3A_895 = arith.constant 8 : i32
      %mul3A_896 = arith.muli %scan3A_213, %mul3A_895 : i32
      %add3A_897 = arith.constant 4 : i32
      %add3A_898 = arith.addi %mul3A_896, %add3A_897 : i32
      %get3A_899 = arith.index_cast %add3A_898 : i32 to index
      %get3A_900 = arith.constant 160 : index
      %get3A_901 = tpu.vector_load %arg4[%get3A_899, %get3A_900] {strides = array<i32>} : memref<128x256xf32, #tpu.memory_space<vmem>>, vector<1x16xf32>,
      %get3A_902 = vector.shape_cast %get3A_901 : vector<1x16xf32> to vector<16xf32>
      %add3A_903 = arith.addf %add3A_759, %get3A_902 : vector<16xf32>
      %mul3A_904 = arith.constant 8 : i32
      %mul3A_905 = arith.muli %scan3A_213, %mul3A_904 : i32
      %add3A_906 = arith.constant 4 : i32
      %add3A_907 = arith.addi %mul3A_905, %add3A_906 : i32
      %get3A_908 = arith.index_cast %add3A_907 : i32 to index
      %get3A_909 = arith.constant 176 : index
      %get3A_910 = tpu.vector_load %arg4[%get3A_908, %get3A_909] {strides = array<i32>} : memref<128x256xf32, #tpu.memory_space<vmem>>, vector<1x16xf32>,
      %get3A_911 = vector.shape_cast %get3A_910 : vector<1x16xf32> to vector<16xf32>
      %add3A_912 = arith.addf %add3A_768, %get3A_911 : vector<16xf32>
      %mul3A_913 = arith.constant 8 : i32
      %mul3A_914 = arith.muli %scan3A_213, %mul3A_913 : i32
      %add3A_915 = arith.constant 4 : i32
      %add3A_916 = arith.addi %mul3A_914, %add3A_915 : i32
      %get3A_917 = arith.index_cast %add3A_916 : i32 to index
      %get3A_918 = arith.constant 192 : index
      %get3A_919 = tpu.vector_load %arg4[%get3A_917, %get3A_918] {strides = array<i32>} : memref<128x256xf32, #tpu.memory_space<vmem>>, vector<1x16xf32>,
      %get3A_920 = vector.shape_cast %get3A_919 : vector<1x16xf32> to vector<16xf32>
      %add3A_921 = arith.addf %add3A_777, %get3A_920 : vector<16xf32>
      %mul3A_922 = arith.constant 8 : i32
      %mul3A_923 = arith.muli %scan3A_213, %mul3A_922 : i32
      %add3A_924 = arith.constant 4 : i32
      %add3A_925 = arith.addi %mul3A_923, %add3A_924 : i32
      %get3A_926 = arith.index_cast %add3A_925 : i32 to index
      %get3A_927 = arith.constant 208 : index
      %get3A_928 = tpu.vector_load %arg4[%get3A_926, %get3A_927] {strides = array<i32>} : memref<128x256xf32, #tpu.memory_space<vmem>>, vector<1x16xf32>,
      %get3A_929 = vector.shape_cast %get3A_928 : vector<1x16xf32> to vector<16xf32>
      %add3A_930 = arith.addf %add3A_786, %get3A_929 : vector<16xf32>
      %mul3A_931 = arith.constant 8 : i32
      %mul3A_932 = arith.muli %scan3A_213, %mul3A_931 : i32
      %add3A_933 = arith.constant 4 : i32
      %add3A_934 = arith.addi %mul3A_932, %add3A_933 : i32
      %get3A_935 = arith.index_cast %add3A_934 : i32 to index
      %get3A_936 = arith.constant 224 : index
      %get3A_937 = tpu.vector_load %arg4[%get3A_935, %get3A_936] {strides = array<i32>} : memref<128x256xf32, #tpu.memory_space<vmem>>, vector<1x16xf32>,
      %get3A_938 = vector.shape_cast %get3A_937 : vector<1x16xf32> to vector<16xf32>
      %add3A_939 = arith.addf %add3A_795, %get3A_938 : vector<16xf32>
      %mul3A_940 = arith.constant 8 : i32
      %mul3A_941 = arith.muli %scan3A_213, %mul3A_940 : i32
      %add3A_942 = arith.constant 4 : i32
      %add3A_943 = arith.addi %mul3A_941, %add3A_942 : i32
      %get3A_944 = arith.index_cast %add3A_943 : i32 to index
      %get3A_945 = arith.constant 240 : index
      %get3A_946 = tpu.vector_load %arg4[%get3A_944, %get3A_945] {strides = array<i32>} : memref<128x256xf32, #tpu.memory_space<vmem>>, vector<1x16xf32>,
      %get3A_947 = vector.shape_cast %get3A_946 : vector<1x16xf32> to vector<16xf32>
      %add3A_948 = arith.addf %add3A_804, %get3A_947 : vector<16xf32>
      %mul3A_949 = arith.constant 8 : i32
      %mul3A_950 = arith.muli %scan3A_213, %mul3A_949 : i32
      %add3A_951 = arith.constant 5 : i32
      %add3A_952 = arith.addi %mul3A_950, %add3A_951 : i32
      %get3A_953 = arith.index_cast %add3A_952 : i32 to index
      %get3A_954 = arith.constant 0 : index
      %get3A_955 = tpu.vector_load %arg4[%get3A_953, %get3A_954] {strides = array<i32>} : memref<128x256xf32, #tpu.memory_space<vmem>>, vector<1x16xf32>,
      %get3A_956 = vector.shape_cast %get3A_955 : vector<1x16xf32> to vector<16xf32>
      %add3A_957 = arith.addf %add3A_813, %get3A_956 : vector<16xf32>
      %mul3A_958 = arith.constant 8 : i32
      %mul3A_959 = arith.muli %scan3A_213, %mul3A_958 : i32
      %add3A_960 = arith.constant 5 : i32
      %add3A_961 = arith.addi %mul3A_959, %add3A_960 : i32
      %get3A_962 = arith.index_cast %add3A_961 : i32 to index
      %get3A_963 = arith.constant 16 : index
      %get3A_964 = tpu.vector_load %arg4[%get3A_962, %get3A_963] {strides = array<i32>} : memref<128x256xf32, #tpu.memory_space<vmem>>, vector<1x16xf32>,
      %get3A_965 = vector.shape_cast %get3A_964 : vector<1x16xf32> to vector<16xf32>
      %add3A_966 = arith.addf %add3A_822, %get3A_965 : vector<16xf32>
      %mul3A_967 = arith.constant 8 : i32
      %mul3A_968 = arith.muli %scan3A_213, %mul3A_967 : i32
      %add3A_969 = arith.constant 5 : i32
      %add3A_970 = arith.addi %mul3A_968, %add3A_969 : i32
      %get3A_971 = arith.index_cast %add3A_970 : i32 to index
      %get3A_972 = arith.constant 32 : index
      %get3A_973 = tpu.vector_load %arg4[%get3A_971, %get3A_972] {strides = array<i32>} : memref<128x256xf32, #tpu.memory_space<vmem>>, vector<1x16xf32>,
      %get3A_974 = vector.shape_cast %get3A_973 : vector<1x16xf32> to vector<16xf32>
      %add3A_975 = arith.addf %add3A_831, %get3A_974 : vector<16xf32>
      %mul3A_976 = arith.constant 8 : i32
      %mul3A_977 = arith.muli %scan3A_213, %mul3A_976 : i32
      %add3A_978 = arith.constant 5 : i32
      %add3A_979 = arith.addi %mul3A_977, %add3A_978 : i32
      %get3A_980 = arith.index_cast %add3A_979 : i32 to index
      %get3A_981 = arith.constant 48 : index
      %get3A_982 = tpu.vector_load %arg4[%get3A_980, %get3A_981] {strides = array<i32>} : memref<128x256xf32, #tpu.memory_space<vmem>>, vector<1x16xf32>,
      %get3A_983 = vector.shape_cast %get3A_982 : vector<1x16xf32> to vector<16xf32>
      %add3A_984 = arith.addf %add3A_840, %get3A_983 : vector<16xf32>
      %mul3A_985 = arith.constant 8 : i32
      %mul3A_986 = arith.muli %scan3A_213, %mul3A_985 : i32
      %add3A_987 = arith.constant 5 : i32
      %add3A_988 = arith.addi %mul3A_986, %add3A_987 : i32
      %get3A_989 = arith.index_cast %add3A_988 : i32 to index
      %get3A_990 = arith.constant 64 : index
      %get3A_991 = tpu.vector_load %arg4[%get3A_989, %get3A_990] {strides = array<i32>} : memref<128x256xf32, #tpu.memory_space<vmem>>, vector<1x16xf32>,
      %get3A_992 = vector.shape_cast %get3A_991 : vector<1x16xf32> to vector<16xf32>
      %add3A_993 = arith.addf %add3A_849, %get3A_992 : vector<16xf32>
      %mul3A_994 = arith.constant 8 : i32
      %mul3A_995 = arith.muli %scan3A_213, %mul3A_994 : i32
      %add3A_996 = arith.constant 5 : i32
      %add3A_997 = arith.addi %mul3A_995, %add3A_996 : i32
      %get3A_998 = arith.index_cast %add3A_997 : i32 to index
      %get3A_999 = arith.constant 80 : index
      %get3A_1000 = tpu.vector_load %arg4[%get3A_998, %get3A_999] {strides = array<i32>} : memref<128x256xf32, #tpu.memory_space<vmem>>, vector<1x16xf32>,
      %get3A_1001 = vector.shape_cast %get3A_1000 : vector<1x16xf32> to vector<16xf32>
      %add3A_1002 = arith.addf %add3A_858, %get3A_1001 : vector<16xf32>
      %mul3A_1003 = arith.constant 8 : i32
      %mul3A_1004 = arith.muli %scan3A_213, %mul3A_1003 : i32
      %add3A_1005 = arith.constant 5 : i32
      %add3A_1006 = arith.addi %mul3A_1004, %add3A_1005 : i32
      %get3A_1007 = arith.index_cast %add3A_1006 : i32 to index
      %get3A_1008 = arith.constant 96 : index
      %get3A_1009 = tpu.vector_load %arg4[%get3A_1007, %get3A_1008] {strides = array<i32>} : memref<128x256xf32, #tpu.memory_space<vmem>>, vector<1x16xf32>,
      %get3A_1010 = vector.shape_cast %get3A_1009 : vector<1x16xf32> to vector<16xf32>
      %add3A_1011 = arith.addf %add3A_867, %get3A_1010 : vector<16xf32>
      %mul3A_1012 = arith.constant 8 : i32
      %mul3A_1013 = arith.muli %scan3A_213, %mul3A_1012 : i32
      %add3A_1014 = arith.constant 5 : i32
      %add3A_1015 = arith.addi %mul3A_1013, %add3A_1014 : i32
      %get3A_1016 = arith.index_cast %add3A_1015 : i32 to index
      %get3A_1017 = arith.constant 112 : index
      %get3A_1018 = tpu.vector_load %arg4[%get3A_1016, %get3A_1017] {strides = array<i32>} : memref<128x256xf32, #tpu.memory_space<vmem>>, vector<1x16xf32>,
      %get3A_1019 = vector.shape_cast %get3A_1018 : vector<1x16xf32> to vector<16xf32>
      %add3A_1020 = arith.addf %add3A_876, %get3A_1019 : vector<16xf32>
      %mul3A_1021 = arith.constant 8 : i32
      %mul3A_1022 = arith.muli %scan3A_213, %mul3A_1021 : i32
      %add3A_1023 = arith.constant 5 : i32
      %add3A_1024 = arith.addi %mul3A_1022, %add3A_1023 : i32
      %get3A_1025 = arith.index_cast %add3A_1024 : i32 to index
      %get3A_1026 = arith.constant 128 : index
      %get3A_1027 = tpu.vector_load %arg4[%get3A_1025, %get3A_1026] {strides = array<i32>} : memref<128x256xf32, #tpu.memory_space<vmem>>, vector<1x16xf32>,
      %get3A_1028 = vector.shape_cast %get3A_1027 : vector<1x16xf32> to vector<16xf32>
      %add3A_1029 = arith.addf %add3A_885, %get3A_1028 : vector<16xf32>
      %mul3A_1030 = arith.constant 8 : i32
      %mul3A_1031 = arith.muli %scan3A_213, %mul3A_1030 : i32
      %add3A_1032 = arith.constant 5 : i32
      %add3A_1033 = arith.addi %mul3A_1031, %add3A_1032 : i32
      %get3A_1034 = arith.index_cast %add3A_1033 : i32 to index
      %get3A_1035 = arith.constant 144 : index
      %get3A_1036 = tpu.vector_load %arg4[%get3A_1034, %get3A_1035] {strides = array<i32>} : memref<128x256xf32, #tpu.memory_space<vmem>>, vector<1x16xf32>,
      %get3A_1037 = vector.shape_cast %get3A_1036 : vector<1x16xf32> to vector<16xf32>
      %add3A_1038 = arith.addf %add3A_894, %get3A_1037 : vector<16xf32>
      %mul3A_1039 = arith.constant 8 : i32
      %mul3A_1040 = arith.muli %scan3A_213, %mul3A_1039 : i32
      %add3A_1041 = arith.constant 5 : i32
      %add3A_1042 = arith.addi %mul3A_1040, %add3A_1041 : i32
      %get3A_1043 = arith.index_cast %add3A_1042 : i32 to index
      %get3A_1044 = arith.constant 160 : index
      %get3A_1045 = tpu.vector_load %arg4[%get3A_1043, %get3A_1044] {strides = array<i32>} : memref<128x256xf32, #tpu.memory_space<vmem>>, vector<1x16xf32>,
      %get3A_1046 = vector.shape_cast %get3A_1045 : vector<1x16xf32> to vector<16xf32>
      %add3A_1047 = arith.addf %add3A_903, %get3A_1046 : vector<16xf32>
      %mul3A_1048 = arith.constant 8 : i32
      %mul3A_1049 = arith.muli %scan3A_213, %mul3A_1048 : i32
      %add3A_1050 = arith.constant 5 : i32
      %add3A_1051 = arith.addi %mul3A_1049, %add3A_1050 : i32
      %get3A_1052 = arith.index_cast %add3A_1051 : i32 to index
      %get3A_1053 = arith.constant 176 : index
      %get3A_1054 = tpu.vector_load %arg4[%get3A_1052, %get3A_1053] {strides = array<i32>} : memref<128x256xf32, #tpu.memory_space<vmem>>, vector<1x16xf32>,
      %get3A_1055 = vector.shape_cast %get3A_1054 : vector<1x16xf32> to vector<16xf32>
      %add3A_1056 = arith.addf %add3A_912, %get3A_1055 : vector<16xf32>
      %mul3A_1057 = arith.constant 8 : i32
      %mul3A_1058 = arith.muli %scan3A_213, %mul3A_1057 : i32
      %add3A_1059 = arith.constant 5 : i32
      %add3A_1060 = arith.addi %mul3A_1058, %add3A_1059 : i32
      %get3A_1061 = arith.index_cast %add3A_1060 : i32 to index
      %get3A_1062 = arith.constant 192 : index
      %get3A_1063 = tpu.vector_load %arg4[%get3A_1061, %get3A_1062] {strides = array<i32>} : memref<128x256xf32, #tpu.memory_space<vmem>>, vector<1x16xf32>,
      %get3A_1064 = vector.shape_cast %get3A_1063 : vector<1x16xf32> to vector<16xf32>
      %add3A_1065 = arith.addf %add3A_921, %get3A_1064 : vector<16xf32>
      %mul3A_1066 = arith.constant 8 : i32
      %mul3A_1067 = arith.muli %scan3A_213, %mul3A_1066 : i32
      %add3A_1068 = arith.constant 5 : i32
      %add3A_1069 = arith.addi %mul3A_1067, %add3A_1068 : i32
      %get3A_1070 = arith.index_cast %add3A_1069 : i32 to index
      %get3A_1071 = arith.constant 208 : index
      %get3A_1072 = tpu.vector_load %arg4[%get3A_1070, %get3A_1071] {strides = array<i32>} : memref<128x256xf32, #tpu.memory_space<vmem>>, vector<1x16xf32>,
      %get3A_1073 = vector.shape_cast %get3A_1072 : vector<1x16xf32> to vector<16xf32>
      %add3A_1074 = arith.addf %add3A_930, %get3A_1073 : vector<16xf32>
      %mul3A_1075 = arith.constant 8 : i32
      %mul3A_1076 = arith.muli %scan3A_213, %mul3A_1075 : i32
      %add3A_1077 = arith.constant 5 : i32
      %add3A_1078 = arith.addi %mul3A_1076, %add3A_1077 : i32
      %get3A_1079 = arith.index_cast %add3A_1078 : i32 to index
      %get3A_1080 = arith.constant 224 : index
      %get3A_1081 = tpu.vector_load %arg4[%get3A_1079, %get3A_1080] {strides = array<i32>} : memref<128x256xf32, #tpu.memory_space<vmem>>, vector<1x16xf32>,
      %get3A_1082 = vector.shape_cast %get3A_1081 : vector<1x16xf32> to vector<16xf32>
      %add3A_1083 = arith.addf %add3A_939, %get3A_1082 : vector<16xf32>
      %mul3A_1084 = arith.constant 8 : i32
      %mul3A_1085 = arith.muli %scan3A_213, %mul3A_1084 : i32
      %add3A_1086 = arith.constant 5 : i32
      %add3A_1087 = arith.addi %mul3A_1085, %add3A_1086 : i32
      %get3A_1088 = arith.index_cast %add3A_1087 : i32 to index
      %get3A_1089 = arith.constant 240 : index
      %get3A_1090 = tpu.vector_load %arg4[%get3A_1088, %get3A_1089] {strides = array<i32>} : memref<128x256xf32, #tpu.memory_space<vmem>>, vector<1x16xf32>,
      %get3A_1091 = vector.shape_cast %get3A_1090 : vector<1x16xf32> to vector<16xf32>
      %add3A_1092 = arith.addf %add3A_948, %get3A_1091 : vector<16xf32>
      %mul3A_1093 = arith.constant 8 : i32
      %mul3A_1094 = arith.muli %scan3A_213, %mul3A_1093 : i32
      %add3A_1095 = arith.constant 6 : i32
      %add3A_1096 = arith.addi %mul3A_1094, %add3A_1095 : i32
      %get3A_1097 = arith.index_cast %add3A_1096 : i32 to index
      %get3A_1098 = arith.constant 0 : index
      %get3A_1099 = tpu.vector_load %arg4[%get3A_1097, %get3A_1098] {strides = array<i32>} : memref<128x256xf32, #tpu.memory_space<vmem>>, vector<1x16xf32>,
      %get3A_1100 = vector.shape_cast %get3A_1099 : vector<1x16xf32> to vector<16xf32>
      %add3A_1101 = arith.addf %add3A_957, %get3A_1100 : vector<16xf32>
      %mul3A_1102 = arith.constant 8 : i32
      %mul3A_1103 = arith.muli %scan3A_213, %mul3A_1102 : i32
      %add3A_1104 = arith.constant 6 : i32
      %add3A_1105 = arith.addi %mul3A_1103, %add3A_1104 : i32
      %get3A_1106 = arith.index_cast %add3A_1105 : i32 to index
      %get3A_1107 = arith.constant 16 : index
      %get3A_1108 = tpu.vector_load %arg4[%get3A_1106, %get3A_1107] {strides = array<i32>} : memref<128x256xf32, #tpu.memory_space<vmem>>, vector<1x16xf32>,
      %get3A_1109 = vector.shape_cast %get3A_1108 : vector<1x16xf32> to vector<16xf32>
      %add3A_1110 = arith.addf %add3A_966, %get3A_1109 : vector<16xf32>
      %mul3A_1111 = arith.constant 8 : i32
      %mul3A_1112 = arith.muli %scan3A_213, %mul3A_1111 : i32
      %add3A_1113 = arith.constant 6 : i32
      %add3A_1114 = arith.addi %mul3A_1112, %add3A_1113 : i32
      %get3A_1115 = arith.index_cast %add3A_1114 : i32 to index
      %get3A_1116 = arith.constant 32 : index
      %get3A_1117 = tpu.vector_load %arg4[%get3A_1115, %get3A_1116] {strides = array<i32>} : memref<128x256xf32, #tpu.memory_space<vmem>>, vector<1x16xf32>,
      %get3A_1118 = vector.shape_cast %get3A_1117 : vector<1x16xf32> to vector<16xf32>
      %add3A_1119 = arith.addf %add3A_975, %get3A_1118 : vector<16xf32>
      %mul3A_1120 = arith.constant 8 : i32
      %mul3A_1121 = arith.muli %scan3A_213, %mul3A_1120 : i32
      %add3A_1122 = arith.constant 6 : i32
      %add3A_1123 = arith.addi %mul3A_1121, %add3A_1122 : i32
      %get3A_1124 = arith.index_cast %add3A_1123 : i32 to index
      %get3A_1125 = arith.constant 48 : index
      %get3A_1126 = tpu.vector_load %arg4[%get3A_1124, %get3A_1125] {strides = array<i32>} : memref<128x256xf32, #tpu.memory_space<vmem>>, vector<1x16xf32>,
      %get3A_1127 = vector.shape_cast %get3A_1126 : vector<1x16xf32> to vector<16xf32>
      %add3A_1128 = arith.addf %add3A_984, %get3A_1127 : vector<16xf32>
      %mul3A_1129 = arith.constant 8 : i32
      %mul3A_1130 = arith.muli %scan3A_213, %mul3A_1129 : i32
      %add3A_1131 = arith.constant 6 : i32
      %add3A_1132 = arith.addi %mul3A_1130, %add3A_1131 : i32
      %get3A_1133 = arith.index_cast %add3A_1132 : i32 to index
      %get3A_1134 = arith.constant 64 : index
      %get3A_1135 = tpu.vector_load %arg4[%get3A_1133, %get3A_1134] {strides = array<i32>} : memref<128x256xf32, #tpu.memory_space<vmem>>, vector<1x16xf32>,
      %get3A_1136 = vector.shape_cast %get3A_1135 : vector<1x16xf32> to vector<16xf32>
      %add3A_1137 = arith.addf %add3A_993, %get3A_1136 : vector<16xf32>
      %mul3A_1138 = arith.constant 8 : i32
      %mul3A_1139 = arith.muli %scan3A_213, %mul3A_1138 : i32
      %add3A_1140 = arith.constant 6 : i32
      %add3A_1141 = arith.addi %mul3A_1139, %add3A_1140 : i32
      %get3A_1142 = arith.index_cast %add3A_1141 : i32 to index
      %get3A_1143 = arith.constant 80 : index
      %get3A_1144 = tpu.vector_load %arg4[%get3A_1142, %get3A_1143] {strides = array<i32>} : memref<128x256xf32, #tpu.memory_space<vmem>>, vector<1x16xf32>,
      %get3A_1145 = vector.shape_cast %get3A_1144 : vector<1x16xf32> to vector<16xf32>
      %add3A_1146 = arith.addf %add3A_1002, %get3A_1145 : vector<16xf32>
      %mul3A_1147 = arith.constant 8 : i32
      %mul3A_1148 = arith.muli %scan3A_213, %mul3A_1147 : i32
      %add3A_1149 = arith.constant 6 : i32
      %add3A_1150 = arith.addi %mul3A_1148, %add3A_1149 : i32
      %get3A_1151 = arith.index_cast %add3A_1150 : i32 to index
      %get3A_1152 = arith.constant 96 : index
      %get3A_1153 = tpu.vector_load %arg4[%get3A_1151, %get3A_1152] {strides = array<i32>} : memref<128x256xf32, #tpu.memory_space<vmem>>, vector<1x16xf32>,
      %get3A_1154 = vector.shape_cast %get3A_1153 : vector<1x16xf32> to vector<16xf32>
      %add3A_1155 = arith.addf %add3A_1011, %get3A_1154 : vector<16xf32>
      %mul3A_1156 = arith.constant 8 : i32
      %mul3A_1157 = arith.muli %scan3A_213, %mul3A_1156 : i32
      %add3A_1158 = arith.constant 6 : i32
      %add3A_1159 = arith.addi %mul3A_1157, %add3A_1158 : i32
      %get3A_1160 = arith.index_cast %add3A_1159 : i32 to index
      %get3A_1161 = arith.constant 112 : index
      %get3A_1162 = tpu.vector_load %arg4[%get3A_1160, %get3A_1161] {strides = array<i32>} : memref<128x256xf32, #tpu.memory_space<vmem>>, vector<1x16xf32>,
      %get3A_1163 = vector.shape_cast %get3A_1162 : vector<1x16xf32> to vector<16xf32>
      %add3A_1164 = arith.addf %add3A_1020, %get3A_1163 : vector<16xf32>
      %mul3A_1165 = arith.constant 8 : i32
      %mul3A_1166 = arith.muli %scan3A_213, %mul3A_1165 : i32
      %add3A_1167 = arith.constant 6 : i32
      %add3A_1168 = arith.addi %mul3A_1166, %add3A_1167 : i32
      %get3A_1169 = arith.index_cast %add3A_1168 : i32 to index
      %get3A_1170 = arith.constant 128 : index
      %get3A_1171 = tpu.vector_load %arg4[%get3A_1169, %get3A_1170] {strides = array<i32>} : memref<128x256xf32, #tpu.memory_space<vmem>>, vector<1x16xf32>,
      %get3A_1172 = vector.shape_cast %get3A_1171 : vector<1x16xf32> to vector<16xf32>
      %add3A_1173 = arith.addf %add3A_1029, %get3A_1172 : vector<16xf32>
      %mul3A_1174 = arith.constant 8 : i32
      %mul3A_1175 = arith.muli %scan3A_213, %mul3A_1174 : i32
      %add3A_1176 = arith.constant 6 : i32
      %add3A_1177 = arith.addi %mul3A_1175, %add3A_1176 : i32
      %get3A_1178 = arith.index_cast %add3A_1177 : i32 to index
      %get3A_1179 = arith.constant 144 : index
      %get3A_1180 = tpu.vector_load %arg4[%get3A_1178, %get3A_1179] {strides = array<i32>} : memref<128x256xf32, #tpu.memory_space<vmem>>, vector<1x16xf32>,
      %get3A_1181 = vector.shape_cast %get3A_1180 : vector<1x16xf32> to vector<16xf32>
      %add3A_1182 = arith.addf %add3A_1038, %get3A_1181 : vector<16xf32>
      %mul3A_1183 = arith.constant 8 : i32
      %mul3A_1184 = arith.muli %scan3A_213, %mul3A_1183 : i32
      %add3A_1185 = arith.constant 6 : i32
      %add3A_1186 = arith.addi %mul3A_1184, %add3A_1185 : i32
      %get3A_1187 = arith.index_cast %add3A_1186 : i32 to index
      %get3A_1188 = arith.constant 160 : index
      %get3A_1189 = tpu.vector_load %arg4[%get3A_1187, %get3A_1188] {strides = array<i32>} : memref<128x256xf32, #tpu.memory_space<vmem>>, vector<1x16xf32>,
      %get3A_1190 = vector.shape_cast %get3A_1189 : vector<1x16xf32> to vector<16xf32>
      %add3A_1191 = arith.addf %add3A_1047, %get3A_1190 : vector<16xf32>
      %mul3A_1192 = arith.constant 8 : i32
      %mul3A_1193 = arith.muli %scan3A_213, %mul3A_1192 : i32
      %add3A_1194 = arith.constant 6 : i32
      %add3A_1195 = arith.addi %mul3A_1193, %add3A_1194 : i32
      %get3A_1196 = arith.index_cast %add3A_1195 : i32 to index
      %get3A_1197 = arith.constant 176 : index
      %get3A_1198 = tpu.vector_load %arg4[%get3A_1196, %get3A_1197] {strides = array<i32>} : memref<128x256xf32, #tpu.memory_space<vmem>>, vector<1x16xf32>,
      %get3A_1199 = vector.shape_cast %get3A_1198 : vector<1x16xf32> to vector<16xf32>
      %add3A_1200 = arith.addf %add3A_1056, %get3A_1199 : vector<16xf32>
      %mul3A_1201 = arith.constant 8 : i32
      %mul3A_1202 = arith.muli %scan3A_213, %mul3A_1201 : i32
      %add3A_1203 = arith.constant 6 : i32
      %add3A_1204 = arith.addi %mul3A_1202, %add3A_1203 : i32
      %get3A_1205 = arith.index_cast %add3A_1204 : i32 to index
      %get3A_1206 = arith.constant 192 : index
      %get3A_1207 = tpu.vector_load %arg4[%get3A_1205, %get3A_1206] {strides = array<i32>} : memref<128x256xf32, #tpu.memory_space<vmem>>, vector<1x16xf32>,
      %get3A_1208 = vector.shape_cast %get3A_1207 : vector<1x16xf32> to vector<16xf32>
      %add3A_1209 = arith.addf %add3A_1065, %get3A_1208 : vector<16xf32>
      %mul3A_1210 = arith.constant 8 : i32
      %mul3A_1211 = arith.muli %scan3A_213, %mul3A_1210 : i32
      %add3A_1212 = arith.constant 6 : i32
      %add3A_1213 = arith.addi %mul3A_1211, %add3A_1212 : i32
      %get3A_1214 = arith.index_cast %add3A_1213 : i32 to index
      %get3A_1215 = arith.constant 208 : index
      %get3A_1216 = tpu.vector_load %arg4[%get3A_1214, %get3A_1215] {strides = array<i32>} : memref<128x256xf32, #tpu.memory_space<vmem>>, vector<1x16xf32>,
      %get3A_1217 = vector.shape_cast %get3A_1216 : vector<1x16xf32> to vector<16xf32>
      %add3A_1218 = arith.addf %add3A_1074, %get3A_1217 : vector<16xf32>
      %mul3A_1219 = arith.constant 8 : i32
      %mul3A_1220 = arith.muli %scan3A_213, %mul3A_1219 : i32
      %add3A_1221 = arith.constant 6 : i32
      %add3A_1222 = arith.addi %mul3A_1220, %add3A_1221 : i32
      %get3A_1223 = arith.index_cast %add3A_1222 : i32 to index
      %get3A_1224 = arith.constant 224 : index
      %get3A_1225 = tpu.vector_load %arg4[%get3A_1223, %get3A_1224] {strides = array<i32>} : memref<128x256xf32, #tpu.memory_space<vmem>>, vector<1x16xf32>,
      %get3A_1226 = vector.shape_cast %get3A_1225 : vector<1x16xf32> to vector<16xf32>
      %add3A_1227 = arith.addf %add3A_1083, %get3A_1226 : vector<16xf32>
      %mul3A_1228 = arith.constant 8 : i32
      %mul3A_1229 = arith.muli %scan3A_213, %mul3A_1228 : i32
      %add3A_1230 = arith.constant 6 : i32
      %add3A_1231 = arith.addi %mul3A_1229, %add3A_1230 : i32
      %get3A_1232 = arith.index_cast %add3A_1231 : i32 to index
      %get3A_1233 = arith.constant 240 : index
      %get3A_1234 = tpu.vector_load %arg4[%get3A_1232, %get3A_1233] {strides = array<i32>} : memref<128x256xf32, #tpu.memory_space<vmem>>, vector<1x16xf32>,
      %get3A_1235 = vector.shape_cast %get3A_1234 : vector<1x16xf32> to vector<16xf32>
      %add3A_1236 = arith.addf %add3A_1092, %get3A_1235 : vector<16xf32>
      %mul3A_1237 = arith.constant 8 : i32
      %mul3A_1238 = arith.muli %scan3A_213, %mul3A_1237 : i32
      %add3A_1239 = arith.constant 7 : i32
      %add3A_1240 = arith.addi %mul3A_1238, %add3A_1239 : i32
      %get3A_1241 = arith.index_cast %add3A_1240 : i32 to index
      %get3A_1242 = arith.constant 0 : index
      %get3A_1243 = tpu.vector_load %arg4[%get3A_1241, %get3A_1242] {strides = array<i32>} : memref<128x256xf32, #tpu.memory_space<vmem>>, vector<1x16xf32>,
      %get3A_1244 = vector.shape_cast %get3A_1243 : vector<1x16xf32> to vector<16xf32>
      %add3A_1245 = arith.addf %add3A_1101, %get3A_1244 : vector<16xf32>
      %mul3A_1246 = arith.constant 8 : i32
      %mul3A_1247 = arith.muli %scan3A_213, %mul3A_1246 : i32
      %add3A_1248 = arith.constant 7 : i32
      %add3A_1249 = arith.addi %mul3A_1247, %add3A_1248 : i32
      %get3A_1250 = arith.index_cast %add3A_1249 : i32 to index
      %get3A_1251 = arith.constant 16 : index
      %get3A_1252 = tpu.vector_load %arg4[%get3A_1250, %get3A_1251] {strides = array<i32>} : memref<128x256xf32, #tpu.memory_space<vmem>>, vector<1x16xf32>,
      %get3A_1253 = vector.shape_cast %get3A_1252 : vector<1x16xf32> to vector<16xf32>
      %add3A_1254 = arith.addf %add3A_1110, %get3A_1253 : vector<16xf32>
      %mul3A_1255 = arith.constant 8 : i32
      %mul3A_1256 = arith.muli %scan3A_213, %mul3A_1255 : i32
      %add3A_1257 = arith.constant 7 : i32
      %add3A_1258 = arith.addi %mul3A_1256, %add3A_1257 : i32
      %get3A_1259 = arith.index_cast %add3A_1258 : i32 to index
      %get3A_1260 = arith.constant 32 : index
      %get3A_1261 = tpu.vector_load %arg4[%get3A_1259, %get3A_1260] {strides = array<i32>} : memref<128x256xf32, #tpu.memory_space<vmem>>, vector<1x16xf32>,
      %get3A_1262 = vector.shape_cast %get3A_1261 : vector<1x16xf32> to vector<16xf32>
      %add3A_1263 = arith.addf %add3A_1119, %get3A_1262 : vector<16xf32>
      %mul3A_1264 = arith.constant 8 : i32
      %mul3A_1265 = arith.muli %scan3A_213, %mul3A_1264 : i32
      %add3A_1266 = arith.constant 7 : i32
      %add3A_1267 = arith.addi %mul3A_1265, %add3A_1266 : i32
      %get3A_1268 = arith.index_cast %add3A_1267 : i32 to index
      %get3A_1269 = arith.constant 48 : index
      %get3A_1270 = tpu.vector_load %arg4[%get3A_1268, %get3A_1269] {strides = array<i32>} : memref<128x256xf32, #tpu.memory_space<vmem>>, vector<1x16xf32>,
      %get3A_1271 = vector.shape_cast %get3A_1270 : vector<1x16xf32> to vector<16xf32>
      %add3A_1272 = arith.addf %add3A_1128, %get3A_1271 : vector<16xf32>
      %mul3A_1273 = arith.constant 8 : i32
      %mul3A_1274 = arith.muli %scan3A_213, %mul3A_1273 : i32
      %add3A_1275 = arith.constant 7 : i32
      %add3A_1276 = arith.addi %mul3A_1274, %add3A_1275 : i32
      %get3A_1277 = arith.index_cast %add3A_1276 : i32 to index
      %get3A_1278 = arith.constant 64 : index
      %get3A_1279 = tpu.vector_load %arg4[%get3A_1277, %get3A_1278] {strides = array<i32>} : memref<128x256xf32, #tpu.memory_space<vmem>>, vector<1x16xf32>,
      %get3A_1280 = vector.shape_cast %get3A_1279 : vector<1x16xf32> to vector<16xf32>
      %add3A_1281 = arith.addf %add3A_1137, %get3A_1280 : vector<16xf32>
      %mul3A_1282 = arith.constant 8 : i32
      %mul3A_1283 = arith.muli %scan3A_213, %mul3A_1282 : i32
      %add3A_1284 = arith.constant 7 : i32
      %add3A_1285 = arith.addi %mul3A_1283, %add3A_1284 : i32
      %get3A_1286 = arith.index_cast %add3A_1285 : i32 to index
      %get3A_1287 = arith.constant 80 : index
      %get3A_1288 = tpu.vector_load %arg4[%get3A_1286, %get3A_1287] {strides = array<i32>} : memref<128x256xf32, #tpu.memory_space<vmem>>, vector<1x16xf32>,
      %get3A_1289 = vector.shape_cast %get3A_1288 : vector<1x16xf32> to vector<16xf32>
      %add3A_1290 = arith.addf %add3A_1146, %get3A_1289 : vector<16xf32>
      %mul3A_1291 = arith.constant 8 : i32
      %mul3A_1292 = arith.muli %scan3A_213, %mul3A_1291 : i32
      %add3A_1293 = arith.constant 7 : i32
      %add3A_1294 = arith.addi %mul3A_1292, %add3A_1293 : i32
      %get3A_1295 = arith.index_cast %add3A_1294 : i32 to index
      %get3A_1296 = arith.constant 96 : index
      %get3A_1297 = tpu.vector_load %arg4[%get3A_1295, %get3A_1296] {strides = array<i32>} : memref<128x256xf32, #tpu.memory_space<vmem>>, vector<1x16xf32>,
      %get3A_1298 = vector.shape_cast %get3A_1297 : vector<1x16xf32> to vector<16xf32>
      %add3A_1299 = arith.addf %add3A_1155, %get3A_1298 : vector<16xf32>
      %mul3A_1300 = arith.constant 8 : i32
      %mul3A_1301 = arith.muli %scan3A_213, %mul3A_1300 : i32
      %add3A_1302 = arith.constant 7 : i32
      %add3A_1303 = arith.addi %mul3A_1301, %add3A_1302 : i32
      %get3A_1304 = arith.index_cast %add3A_1303 : i32 to index
      %get3A_1305 = arith.constant 112 : index
      %get3A_1306 = tpu.vector_load %arg4[%get3A_1304, %get3A_1305] {strides = array<i32>} : memref<128x256xf32, #tpu.memory_space<vmem>>, vector<1x16xf32>,
      %get3A_1307 = vector.shape_cast %get3A_1306 : vector<1x16xf32> to vector<16xf32>
      %add3A_1308 = arith.addf %add3A_1164, %get3A_1307 : vector<16xf32>
      %mul3A_1309 = arith.constant 8 : i32
      %mul3A_1310 = arith.muli %scan3A_213, %mul3A_1309 : i32
      %add3A_1311 = arith.constant 7 : i32
      %add3A_1312 = arith.addi %mul3A_1310, %add3A_1311 : i32
      %get3A_1313 = arith.index_cast %add3A_1312 : i32 to index
      %get3A_1314 = arith.constant 128 : index
      %get3A_1315 = tpu.vector_load %arg4[%get3A_1313, %get3A_1314] {strides = array<i32>} : memref<128x256xf32, #tpu.memory_space<vmem>>, vector<1x16xf32>,
      %get3A_1316 = vector.shape_cast %get3A_1315 : vector<1x16xf32> to vector<16xf32>
      %add3A_1317 = arith.addf %add3A_1173, %get3A_1316 : vector<16xf32>
      %mul3A_1318 = arith.constant 8 : i32
      %mul3A_1319 = arith.muli %scan3A_213, %mul3A_1318 : i32
      %add3A_1320 = arith.constant 7 : i32
      %add3A_1321 = arith.addi %mul3A_1319, %add3A_1320 : i32
      %get3A_1322 = arith.index_cast %add3A_1321 : i32 to index
      %get3A_1323 = arith.constant 144 : index
      %get3A_1324 = tpu.vector_load %arg4[%get3A_1322, %get3A_1323] {strides = array<i32>} : memref<128x256xf32, #tpu.memory_space<vmem>>, vector<1x16xf32>,
      %get3A_1325 = vector.shape_cast %get3A_1324 : vector<1x16xf32> to vector<16xf32>
      %add3A_1326 = arith.addf %add3A_1182, %get3A_1325 : vector<16xf32>
      %mul3A_1327 = arith.constant 8 : i32
      %mul3A_1328 = arith.muli %scan3A_213, %mul3A_1327 : i32
      %add3A_1329 = arith.constant 7 : i32
      %add3A_1330 = arith.addi %mul3A_1328, %add3A_1329 : i32
      %get3A_1331 = arith.index_cast %add3A_1330 : i32 to index
      %get3A_1332 = arith.constant 160 : index
      %get3A_1333 = tpu.vector_load %arg4[%get3A_1331, %get3A_1332] {strides = array<i32>} : memref<128x256xf32, #tpu.memory_space<vmem>>, vector<1x16xf32>,
      %get3A_1334 = vector.shape_cast %get3A_1333 : vector<1x16xf32> to vector<16xf32>
      %add3A_1335 = arith.addf %add3A_1191, %get3A_1334 : vector<16xf32>
      %mul3A_1336 = arith.constant 8 : i32
      %mul3A_1337 = arith.muli %scan3A_213, %mul3A_1336 : i32
      %add3A_1338 = arith.constant 7 : i32
      %add3A_1339 = arith.addi %mul3A_1337, %add3A_1338 : i32
      %get3A_1340 = arith.index_cast %add3A_1339 : i32 to index
      %get3A_1341 = arith.constant 176 : index
      %get3A_1342 = tpu.vector_load %arg4[%get3A_1340, %get3A_1341] {strides = array<i32>} : memref<128x256xf32, #tpu.memory_space<vmem>>, vector<1x16xf32>,
      %get3A_1343 = vector.shape_cast %get3A_1342 : vector<1x16xf32> to vector<16xf32>
      %add3A_1344 = arith.addf %add3A_1200, %get3A_1343 : vector<16xf32>
      %mul3A_1345 = arith.constant 8 : i32
      %mul3A_1346 = arith.muli %scan3A_213, %mul3A_1345 : i32
      %add3A_1347 = arith.constant 7 : i32
      %add3A_1348 = arith.addi %mul3A_1346, %add3A_1347 : i32
      %get3A_1349 = arith.index_cast %add3A_1348 : i32 to index
      %get3A_1350 = arith.constant 192 : index
      %get3A_1351 = tpu.vector_load %arg4[%get3A_1349, %get3A_1350] {strides = array<i32>} : memref<128x256xf32, #tpu.memory_space<vmem>>, vector<1x16xf32>,
      %get3A_1352 = vector.shape_cast %get3A_1351 : vector<1x16xf32> to vector<16xf32>
      %add3A_1353 = arith.addf %add3A_1209, %get3A_1352 : vector<16xf32>
      %mul3A_1354 = arith.constant 8 : i32
      %mul3A_1355 = arith.muli %scan3A_213, %mul3A_1354 : i32
      %add3A_1356 = arith.constant 7 : i32
      %add3A_1357 = arith.addi %mul3A_1355, %add3A_1356 : i32
      %get3A_1358 = arith.index_cast %add3A_1357 : i32 to index
      %get3A_1359 = arith.constant 208 : index
      %get3A_1360 = tpu.vector_load %arg4[%get3A_1358, %get3A_1359] {strides = array<i32>} : memref<128x256xf32, #tpu.memory_space<vmem>>, vector<1x16xf32>,
      %get3A_1361 = vector.shape_cast %get3A_1360 : vector<1x16xf32> to vector<16xf32>
      %add3A_1362 = arith.addf %add3A_1218, %get3A_1361 : vector<16xf32>
      %mul3A_1363 = arith.constant 8 : i32
      %mul3A_1364 = arith.muli %scan3A_213, %mul3A_1363 : i32
      %add3A_1365 = arith.constant 7 : i32
      %add3A_1366 = arith.addi %mul3A_1364, %add3A_1365 : i32
      %get3A_1367 = arith.index_cast %add3A_1366 : i32 to index
      %get3A_1368 = arith.constant 224 : index
      %get3A_1369 = tpu.vector_load %arg4[%get3A_1367, %get3A_1368] {strides = array<i32>} : memref<128x256xf32, #tpu.memory_space<vmem>>, vector<1x16xf32>,
      %get3A_1370 = vector.shape_cast %get3A_1369 : vector<1x16xf32> to vector<16xf32>
      %add3A_1371 = arith.addf %add3A_1227, %get3A_1370 : vector<16xf32>
      %mul3A_1372 = arith.constant 8 : i32
      %mul3A_1373 = arith.muli %scan3A_213, %mul3A_1372 : i32
      %add3A_1374 = arith.constant 7 : i32
      %add3A_1375 = arith.addi %mul3A_1373, %add3A_1374 : i32
      %get3A_1376 = arith.index_cast %add3A_1375 : i32 to index
      %get3A_1377 = arith.constant 240 : index
      %get3A_1378 = tpu.vector_load %arg4[%get3A_1376, %get3A_1377] {strides = array<i32>} : memref<128x256xf32, #tpu.memory_space<vmem>>, vector<1x16xf32>,
      %get3A_1379 = vector.shape_cast %get3A_1378 : vector<1x16xf32> to vector<16xf32>
      %add3A_1380 = arith.addf %add3A_1236, %get3A_1379 : vector<16xf32>
      scf.yield %add3A_1245, %add3A_1254, %add3A_1263, %add3A_1272, %add3A_1281, %add3A_1290, %add3A_1299, %add3A_1308, %add3A_1317, %add3A_1326, %add3A_1335, %add3A_1344, %add3A_1353, %add3A_1362, %add3A_1371, %add3A_1380 : vector<16xf32>, vector<16xf32>, vector<16xf32>, vector<16xf32>, vector<16xf32>, vector<16xf32>, vector<16xf32>, vector<16xf32>, vector<16xf32>, vector<16xf32>, vector<16xf32>, vector<16xf32>, vector<16xf32>, vector<16xf32>, vector<16xf32>, vector<16xf32>
    }
    %scan3A_146 = arith.constant 16 : i32
    %swap3A = arith.constant 0 : index
    %swap3A_147 = tpu.vector_load %arg7[%swap3A] {strides = array<i32>} : memref<256xf32, #tpu.memory_space<vmem>>, vector<16xf32>,
    %swap3A_148 = vector.shape_cast %swap3A_147 : vector<16xf32> to vector<16xf32>
    %swap3A_149 = vector.shape_cast %scan3A_145#0 : vector<16xf32> to vector<16xf32>
    tpu.vector_store %arg7[%swap3A], %swap3A_149 {strides = array<i32>} : memref<256xf32, #tpu.memory_space<vmem>>, vector<16xf32>,
    %swap3A_150 = arith.constant 16 : index
    %swap3A_151 = tpu.vector_load %arg7[%swap3A_150] {strides = array<i32>} : memref<256xf32, #tpu.memory_space<vmem>>, vector<16xf32>,
    %swap3A_152 = vector.shape_cast %swap3A_151 : vector<16xf32> to vector<16xf32>
    %swap3A_153 = vector.shape_cast %scan3A_145#1 : vector<16xf32> to vector<16xf32>
    tpu.vector_store %arg7[%swap3A_150], %swap3A_153 {strides = array<i32>} : memref<256xf32, #tpu.memory_space<vmem>>, vector<16xf32>,
    %swap3A_154 = arith.constant 32 : index
    %swap3A_155 = tpu.vector_load %arg7[%swap3A_154] {strides = array<i32>} : memref<256xf32, #tpu.memory_space<vmem>>, vector<16xf32>,
    %swap3A_156 = vector.shape_cast %swap3A_155 : vector<16xf32> to vector<16xf32>
    %swap3A_157 = vector.shape_cast %scan3A_145#2 : vector<16xf32> to vector<16xf32>
    tpu.vector_store %arg7[%swap3A_154], %swap3A_157 {strides = array<i32>} : memref<256xf32, #tpu.memory_space<vmem>>, vector<16xf32>,
    %swap3A_158 = arith.constant 48 : index
    %swap3A_159 = tpu.vector_load %arg7[%swap3A_158] {strides = array<i32>} : memref<256xf32, #tpu.memory_space<vmem>>, vector<16xf32>,
    %swap3A_160 = vector.shape_cast %swap3A_159 : vector<16xf32> to vector<16xf32>
    %swap3A_161 = vector.shape_cast %scan3A_145#3 : vector<16xf32> to vector<16xf32>
    tpu.vector_store %arg7[%swap3A_158], %swap3A_161 {strides = array<i32>} : memref<256xf32, #tpu.memory_space<vmem>>, vector<16xf32>,
    %swap3A_162 = arith.constant 64 : index
    %swap3A_163 = tpu.vector_load %arg7[%swap3A_162] {strides = array<i32>} : memref<256xf32, #tpu.memory_space<vmem>>, vector<16xf32>,
    %swap3A_164 = vector.shape_cast %swap3A_163 : vector<16xf32> to vector<16xf32>
    %swap3A_165 = vector.shape_cast %scan3A_145#4 : vector<16xf32> to vector<16xf32>
    tpu.vector_store %arg7[%swap3A_162], %swap3A_165 {strides = array<i32>} : memref<256xf32, #tpu.memory_space<vmem>>, vector<16xf32>,
    %swap3A_166 = arith.constant 80 : index
    %swap3A_167 = tpu.vector_load %arg7[%swap3A_166] {strides = array<i32>} : memref<256xf32, #tpu.memory_space<vmem>>, vector<16xf32>,
    %swap3A_168 = vector.shape_cast %swap3A_167 : vector<16xf32> to vector<16xf32>
    %swap3A_169 = vector.shape_cast %scan3A_145#5 : vector<16xf32> to vector<16xf32>
    tpu.vector_store %arg7[%swap3A_166], %swap3A_169 {strides = array<i32>} : memref<256xf32, #tpu.memory_space<vmem>>, vector<16xf32>,
    %swap3A_170 = arith.constant 96 : index
    %swap3A_171 = tpu.vector_load %arg7[%swap3A_170] {strides = array<i32>} : memref<256xf32, #tpu.memory_space<vmem>>, vector<16xf32>,
    %swap3A_172 = vector.shape_cast %swap3A_171 : vector<16xf32> to vector<16xf32>
    %swap3A_173 = vector.shape_cast %scan3A_145#6 : vector<16xf32> to vector<16xf32>
    tpu.vector_store %arg7[%swap3A_170], %swap3A_173 {strides = array<i32>} : memref<256xf32, #tpu.memory_space<vmem>>, vector<16xf32>,
    %swap3A_174 = arith.constant 112 : index
    %swap3A_175 = tpu.vector_load %arg7[%swap3A_174] {strides = array<i32>} : memref<256xf32, #tpu.memory_space<vmem>>, vector<16xf32>,
    %swap3A_176 = vector.shape_cast %swap3A_175 : vector<16xf32> to vector<16xf32>
    %swap3A_177 = vector.shape_cast %scan3A_145#7 : vector<16xf32> to vector<16xf32>
    tpu.vector_store %arg7[%swap3A_174], %swap3A_177 {strides = array<i32>} : memref<256xf32, #tpu.memory_space<vmem>>, vector<16xf32>,
    %swap3A_178 = arith.constant 128 : index
    %swap3A_179 = tpu.vector_load %arg7[%swap3A_178] {strides = array<i32>} : memref<256xf32, #tpu.memory_space<vmem>>, vector<16xf32>,
    %swap3A_180 = vector.shape_cast %swap3A_179 : vector<16xf32> to vector<16xf32>
    %swap3A_181 = vector.shape_cast %scan3A_145#8 : vector<16xf32> to vector<16xf32>
    tpu.vector_store %arg7[%swap3A_178], %swap3A_181 {strides = array<i32>} : memref<256xf32, #tpu.memory_space<vmem>>, vector<16xf32>,
    %swap3A_182 = arith.constant 144 : index
    %swap3A_183 = tpu.vector_load %arg7[%swap3A_182] {strides = array<i32>} : memref<256xf32, #tpu.memory_space<vmem>>, vector<16xf32>,
    %swap3A_184 = vector.shape_cast %swap3A_183 : vector<16xf32> to vector<16xf32>
    %swap3A_185 = vector.shape_cast %scan3A_145#9 : vector<16xf32> to vector<16xf32>
    tpu.vector_store %arg7[%swap3A_182], %swap3A_185 {strides = array<i32>} : memref<256xf32, #tpu.memory_space<vmem>>, vector<16xf32>,
    %swap3A_186 = arith.constant 160 : index
    %swap3A_187 = tpu.vector_load %arg7[%swap3A_186] {strides = array<i32>} : memref<256xf32, #tpu.memory_space<vmem>>, vector<16xf32>,
    %swap3A_188 = vector.shape_cast %swap3A_187 : vector<16xf32> to vector<16xf32>
    %swap3A_189 = vector.shape_cast %scan3A_145#10 : vector<16xf32> to vector<16xf32>
    tpu.vector_store %arg7[%swap3A_186], %swap3A_189 {strides = array<i32>} : memref<256xf32, #tpu.memory_space<vmem>>, vector<16xf32>,
    %swap3A_190 = arith.constant 176 : index
    %swap3A_191 = tpu.vector_load %arg7[%swap3A_190] {strides = array<i32>} : memref<256xf32, #tpu.memory_space<vmem>>, vector<16xf32>,
    %swap3A_192 = vector.shape_cast %swap3A_191 : vector<16xf32> to vector<16xf32>
    %swap3A_193 = vector.shape_cast %scan3A_145#11 : vector<16xf32> to vector<16xf32>
    tpu.vector_store %arg7[%swap3A_190], %swap3A_193 {strides = array<i32>} : memref<256xf32, #tpu.memory_space<vmem>>, vector<16xf32>,
    %swap3A_194 = arith.constant 192 : index
    %swap3A_195 = tpu.vector_load %arg7[%swap3A_194] {strides = array<i32>} : memref<256xf32, #tpu.memory_space<vmem>>, vector<16xf32>,
    %swap3A_196 = vector.shape_cast %swap3A_195 : vector<16xf32> to vector<16xf32>
    %swap3A_197 = vector.shape_cast %scan3A_145#12 : vector<16xf32> to vector<16xf32>
    tpu.vector_store %arg7[%swap3A_194], %swap3A_197 {strides = array<i32>} : memref<256xf32, #tpu.memory_space<vmem>>, vector<16xf32>,
    %swap3A_198 = arith.constant 208 : index
    %swap3A_199 = tpu.vector_load %arg7[%swap3A_198] {strides = array<i32>} : memref<256xf32, #tpu.memory_space<vmem>>, vector<16xf32>,
    %swap3A_200 = vector.shape_cast %swap3A_199 : vector<16xf32> to vector<16xf32>
    %swap3A_201 = vector.shape_cast %scan3A_145#13 : vector<16xf32> to vector<16xf32>
    tpu.vector_store %arg7[%swap3A_198], %swap3A_201 {strides = array<i32>} : memref<256xf32, #tpu.memory_space<vmem>>, vector<16xf32>,
    %swap3A_202 = arith.constant 224 : index
    %swap3A_203 = tpu.vector_load %arg7[%swap3A_202] {strides = array<i32>} : memref<256xf32, #tpu.memory_space<vmem>>, vector<16xf32>,
    %swap3A_204 = vector.shape_cast %swap3A_203 : vector<16xf32> to vector<16xf32>
    %swap3A_205 = vector.shape_cast %scan3A_145#14 : vector<16xf32> to vector<16xf32>
    tpu.vector_store %arg7[%swap3A_202], %swap3A_205 {strides = array<i32>} : memref<256xf32, #tpu.memory_space<vmem>>, vector<16xf32>,
    %swap3A_206 = arith.constant 240 : index
    %swap3A_207 = tpu.vector_load %arg7[%swap3A_206] {strides = array<i32>} : memref<256xf32, #tpu.memory_space<vmem>>, vector<16xf32>,
    %swap3A_208 = vector.shape_cast %swap3A_207 : vector<16xf32> to vector<16xf32>
    %swap3A_209 = vector.shape_cast %scan3A_145#15 : vector<16xf32> to vector<16xf32>
    tpu.vector_store %arg7[%swap3A_206], %swap3A_209 {strides = array<i32>} : memref<256xf32, #tpu.memory_space<vmem>>, vector<16xf32>,
    %mul3A_210 = arith.constant 16 : i32
    %mul3A_211 = arith.muli %arg0, %mul3A_210 : i32
    %add3A_212 = arith.addi %mul3A_211, %add3A_1 : i32
    "tpu.region"() ({
      %run_scoped3A = tpu.sem_alloc : memref<!tpu.dma_semaphore, #tpu.memory_space<semaphore_mem>>
      %dma_start3A_213 = arith.constant 0 : i32
      %dma_start3A_214 = tpu.memref_slice %arg3[%add3A_212, %dma_start3A_213] : memref<32x256xf32, #tpu.memory_space<hbm>> -> memref<1x256xf32, #tpu.memory_space<hbm>>
      %dma_start3A_215 = tpu.memref_squeeze %dma_start3A_214 : memref<1x256xf32, #tpu.memory_space<hbm>> -> memref<256xf32, #tpu.memory_space<hbm>>
      %dma_start3A_216 = arith.constant 0 : i32
      %dma_start3A_217 = tpu.memref_slice %arg3[%add3A_212, %dma_start3A_216] : memref<32x256xf32, #tpu.memory_space<hbm>> -> memref<1x256xf32, #tpu.memory_space<hbm>>
      %dma_start3A_218 = tpu.memref_squeeze %dma_start3A_217 : memref<1x256xf32, #tpu.memory_space<hbm>> -> memref<256xf32, #tpu.memory_space<hbm>>
      tpu.enqueue_dma source(%arg7 : memref<256xf32, #tpu.memory_space<vmem>>) target(%dma_start3A_218 : memref<256xf32, #tpu.memory_space<hbm>>) target_semaphore(%run_scoped3A : memref<!tpu.dma_semaphore, #tpu.memory_space<semaphore_mem>>)
      %dma_wait3A_219 = arith.constant 0 : i32
      %dma_wait3A_220 = tpu.memref_slice %arg3[%add3A_212, %dma_wait3A_219] : memref<32x256xf32, #tpu.memory_space<hbm>> -> memref<1x256xf32, #tpu.memory_space<hbm>>
      %dma_wait3A_221 = tpu.memref_squeeze %dma_wait3A_220 : memref<1x256xf32, #tpu.memory_space<hbm>> -> memref<256xf32, #tpu.memory_space<hbm>>
      %dma_wait3A_222 = arith.constant 0 : i32
      %dma_wait3A_223 = tpu.memref_slice %arg3[%add3A_212, %dma_wait3A_222] : memref<32x256xf32, #tpu.memory_space<hbm>> -> memref<1x256xf32, #tpu.memory_space<hbm>>
      %dma_wait3A_224 = tpu.memref_squeeze %dma_wait3A_223 : memref<1x256xf32, #tpu.memory_space<hbm>> -> memref<256xf32, #tpu.memory_space<hbm>>
      tpu.wait_dma2 semaphore(%run_scoped3A : memref<!tpu.dma_semaphore, #tpu.memory_space<semaphore_mem>>) src(%arg7 : memref<256xf32, #tpu.memory_space<vmem>>) dst(%dma_wait3A_224 : memref<256xf32, #tpu.memory_space<hbm>>)
      tpu.yield
    }) : () -> ()
    return
  }
}

module attributes {stable_mosaic.version = 14 : i64} {
  func.func @_pool_tc_body(%arg0: i32, %arg1: memref<2x4096x256xf32, #tpu.memory_space<vmem>>, %arg2: memref<2x1x256xf32, #tpu.memory_space<vmem>>) attributes {dimension_semantics = [#tpu.dimension_semantics<arbitrary>], iteration_bounds = array<i64: 30>, scalar_prefetch = 0 : i64, scratch_operands = 0 : i64, tpu.core_type = #tpu.core_type<tc>, window_params = [{transform_indices = @transform_0, window_bounds = array<i64: 2, 4096, 256>}, {transform_indices = @transform_1, window_bounds = array<i64: 2, 1, 256>}]} {
    %get3A = arith.constant 0 : index
    %get3A_0 = arith.constant 0 : index
    %get3A_1 = arith.constant 0 : index
    %get3A_2 = vector.load %arg1[%get3A, %get3A_0, %get3A_1] : memref<2x4096x256xf32, #tpu.memory_space<vmem>>, vector<2x4096x256xf32>
    %reduce_sum3A = arith.constant dense<0.000000e+00> : vector<2x256xf32>
    %reduce_sum3A_3 = vector.multi_reduction <add>, %get3A_2, %reduce_sum3A [1] : vector<2x4096x256xf32> to vector<2x256xf32>
    %broadcast_in_dim3A = vector.shape_cast %reduce_sum3A_3 : vector<2x256xf32> to vector<2x1x256xf32>
    %mul3A = arith.constant 2.44140625E-4 : f32
    %mul3A_4 = vector.broadcast %mul3A : f32 to vector<2x1x256xf32>
    %mul3A_5 = arith.mulf %broadcast_in_dim3A, %mul3A_4 : vector<2x1x256xf32>
    %swap3A = arith.constant 0 : index
    %swap3A_6 = arith.constant 0 : index
    %swap3A_7 = arith.constant 0 : index
    %swap3A_8 = vector.load %arg2[%swap3A, %swap3A_6, %swap3A_7] : memref<2x1x256xf32, #tpu.memory_space<vmem>>, vector<2x1x256xf32>
    tpu.vector_store %arg2[%swap3A, %swap3A_6, %swap3A_7], %mul3A_5 {strides = array<i32>} : memref<2x1x256xf32, #tpu.memory_space<vmem>>, vector<2x1x256xf32>,
    return
  }
  func.func @transform_0(%arg0: i32) -> (i32, i32, i32) {
    %c0_i32 = arith.constant 0 : i32
    %c0_i32_0 = arith.constant 0 : i32
    %c0_i32_1 = arith.constant 0 : i32
    return %arg0, %c0_i32, %c0_i32_0 : i32, i32, i32
  }
  func.func @transform_1(%arg0: i32) -> (i32, i32, i32) {
    %c0_i32 = arith.constant 0 : i32
    %c0_i32_0 = arith.constant 0 : i32
    %c0_i32_1 = arith.constant 0 : i32
    return %arg0, %c0_i32, %c0_i32_0 : i32, i32, i32
  }
}

module attributes {stable_mosaic.version = 14 : i64} {
  func.func @_add_body(%arg0: i32, %arg1: memref<2x4096x256xf32, #tpu.memory_space<vmem>>, %arg2: memref<2x1x256xf32, #tpu.memory_space<vmem>>, %arg3: memref<2x4096x256xf32, #tpu.memory_space<vmem>>) attributes {dimension_semantics = [#tpu.dimension_semantics<arbitrary>], iteration_bounds = array<i64: 32>, scalar_prefetch = 0 : i64, scratch_operands = 0 : i64, tpu.core_type = #tpu.core_type<tc>, window_params = [{transform_indices = @transform_0, window_bounds = array<i64: 2, 4096, 256>}, {transform_indices = @transform_1, window_bounds = array<i64: 2, 1, 256>}, {transform_indices = @transform_2, window_bounds = array<i64: 2, 4096, 256>}]} {
    %get3A = arith.constant 0 : index
    %get3A_0 = arith.constant 0 : index
    %get3A_1 = arith.constant 0 : index
    %get3A_2 = vector.load %arg1[%get3A, %get3A_0, %get3A_1] : memref<2x4096x256xf32, #tpu.memory_space<vmem>>, vector<2x4096x256xf32>
    %get3A_3 = arith.constant 0 : index
    %get3A_4 = arith.constant 0 : index
    %get3A_5 = arith.constant 0 : index
    %get3A_6 = vector.load %arg2[%get3A_3, %get3A_4, %get3A_5] : memref<2x1x256xf32, #tpu.memory_space<vmem>>, vector<2x1x256xf32>
    %add3A = vector.broadcast %get3A_6 : vector<2x1x256xf32> to vector<2x4096x256xf32>
    %add3A_7 = arith.addf %get3A_2, %add3A : vector<2x4096x256xf32>
    %swap3A = arith.constant 0 : index
    %swap3A_8 = arith.constant 0 : index
    %swap3A_9 = arith.constant 0 : index
    %swap3A_10 = vector.load %arg3[%swap3A, %swap3A_8, %swap3A_9] : memref<2x4096x256xf32, #tpu.memory_space<vmem>>, vector<2x4096x256xf32>
    tpu.vector_store %arg3[%swap3A, %swap3A_8, %swap3A_9], %add3A_7 {strides = array<i32>} : memref<2x4096x256xf32, #tpu.memory_space<vmem>>, vector<2x4096x256xf32>,
    return
  }
  func.func @transform_0(%arg0: i32) -> (i32, i32, i32) {
    %c0_i32 = arith.constant 0 : i32
    %c0_i32_0 = arith.constant 0 : i32
    %c0_i32_1 = arith.constant 0 : i32
    return %arg0, %c0_i32, %c0_i32_0 : i32, i32, i32
  }
  func.func @transform_1(%arg0: i32) -> (i32, i32, i32) {
    %c0_i32 = arith.constant 0 : i32
    %c0_i32_0 = arith.constant 0 : i32
    %c0_i32_1 = arith.constant 0 : i32
    return %arg0, %c0_i32, %c0_i32_0 : i32, i32, i32
  }
  func.func @transform_2(%arg0: i32) -> (i32, i32, i32) {
    %c0_i32 = arith.constant 0 : i32
    %c0_i32_0 = arith.constant 0 : i32
    %c0_i32_1 = arith.constant 0 : i32
    return %arg0, %c0_i32, %c0_i32_0 : i32, i32, i32
  }
}

module attributes {stable_mosaic.version = 14 : i64} {
  func.func @_sim_body(%arg0: memref<60x1x256xf32, #tpu.memory_space<vmem>>, %arg1: memref<32x256xf32, #tpu.memory_space<vmem>>, %arg2: memref<64x256xf32, #tpu.memory_space<vmem>>) attributes {dimension_semantics = [], scalar_prefetch = 0 : i64, scratch_operands = 0 : i64, tpu.core_type = #tpu.core_type<tc>} {
    %get3A = arith.constant 0 : index
    %get3A_0 = arith.constant 0 : index
    %get3A_1 = arith.constant 0 : index
    %get3A_2 = vector.load %arg0[%get3A, %get3A_0, %get3A_1] : memref<60x1x256xf32, #tpu.memory_space<vmem>>, vector<60x1x256xf32>
    %reshape3A = vector.shape_cast %get3A_2 : vector<60x1x256xf32> to vector<60x256xf32>
    %get3A_3 = arith.constant 0 : index
    %get3A_4 = arith.constant 0 : index
    %get3A_5 = vector.load %arg1[%get3A_3, %get3A_4] : memref<32x256xf32, #tpu.memory_space<vmem>>, vector<32x256xf32>
    %iota3A = tpu.iota {dimensions = array<i32: 0>} : vector<4x32xi32>
    %iota3A_6 = tpu.iota {dimensions = array<i32: 1>} : vector<4x32xi32>
    %jit3A = arith.constant 16 : i32
    %div3A = vector.broadcast %jit3A : i32 to vector<4x32xi32>
    %div3A_7 = arith.divsi %iota3A_6, %div3A : vector<4x32xi32>
    %sign3A = arith.constant 0 : i32
    %sign3A_8 = vector.broadcast %sign3A : i32 to vector<4x32xi32>
    %sign3A_9 = arith.cmpi sgt, %iota3A_6, %sign3A_8 : vector<4x32xi32>
    %sign3A_10 = arith.extui %sign3A_9 : vector<4x32xi1> to vector<4x32xi32>
    %sign3A_11 = arith.constant 0 : i32
    %sign3A_12 = vector.broadcast %sign3A_11 : i32 to vector<4x32xi32>
    %sign3A_13 = arith.cmpi slt, %iota3A_6, %sign3A_12 : vector<4x32xi32>
    %sign3A_14 = arith.extui %sign3A_13 : vector<4x32xi1> to vector<4x32xi32>
    %sign3A_15 = arith.subi %sign3A_10, %sign3A_14 : vector<4x32xi32>
    %sign3A_16 = arith.constant 0 : i32
    %sign3A_17 = arith.cmpi sgt, %jit3A, %sign3A_16 : i32
    %sign3A_18 = arith.extui %sign3A_17 : i1 to i32
    %sign3A_19 = arith.constant 0 : i32
    %sign3A_20 = arith.cmpi slt, %jit3A, %sign3A_19 : i32
    %sign3A_21 = arith.extui %sign3A_20 : i1 to i32
    %sign3A_22 = arith.subi %sign3A_18, %sign3A_21 : i32
    %ne3A = vector.broadcast %sign3A_22 : i32 to vector<4x32xi32>
    %ne3A_23 = arith.cmpi ne, %sign3A_15, %ne3A : vector<4x32xi32>
    %rem3A = vector.broadcast %jit3A : i32 to vector<4x32xi32>
    %rem3A_24 = arith.remsi %iota3A_6, %rem3A : vector<4x32xi32>
    %ne3A_25 = arith.constant 0 : i32
    %ne3A_26 = vector.broadcast %ne3A_25 : i32 to vector<4x32xi32>
    %ne3A_27 = arith.cmpi ne, %rem3A_24, %ne3A_26 : vector<4x32xi32>
    %and3A = arith.andi %ne3A_23, %ne3A_27 : vector<4x32xi1>
    %sub3A = arith.constant 1 : i32
    %sub3A_28 = vector.broadcast %sub3A : i32 to vector<4x32xi32>
    %sub3A_29 = arith.subi %div3A_7, %sub3A_28 : vector<4x32xi32>
    %select_n3A = arith.select %and3A, %sub3A_29, %div3A_7 : vector<4x32xi1>, vector<4x32xi32>
    %mul3A = arith.constant 2 : i32
    %mul3A_30 = vector.broadcast %mul3A : i32 to vector<4x32xi32>
    %mul3A_31 = arith.muli %select_n3A, %mul3A_30 : vector<4x32xi32>
    %jit3A_32 = arith.constant 16 : i32
    %eq3A = arith.constant 0 : i32
    %eq3A_33 = arith.cmpi eq, %jit3A_32, %eq3A : i32
    %jit3A_34 = arith.constant 1 : i32
    %select_n3A_35 = arith.select %eq3A_33, %jit3A_34, %jit3A_32 : i32
    %rem3A_36 = vector.broadcast %select_n3A_35 : i32 to vector<4x32xi32>
    %rem3A_37 = arith.remsi %iota3A_6, %rem3A_36 : vector<4x32xi32>
    %ne3A_38 = arith.constant 0 : i32
    %ne3A_39 = vector.broadcast %ne3A_38 : i32 to vector<4x32xi32>
    %ne3A_40 = arith.cmpi ne, %rem3A_37, %ne3A_39 : vector<4x32xi32>
    %lt3A = arith.constant 0 : i32
    %lt3A_41 = vector.broadcast %lt3A : i32 to vector<4x32xi32>
    %lt3A_42 = arith.cmpi slt, %rem3A_37, %lt3A_41 : vector<4x32xi32>
    %lt3A_43 = arith.constant 0 : i32
    %lt3A_44 = arith.cmpi slt, %select_n3A_35, %lt3A_43 : i32
    %ne3A_45 = vector.broadcast %lt3A_44 : i1 to vector<4x32xi1>
    %ne3A_46 = vector.broadcast %ne3A_45 : vector<4x32xi1> to vector<4x32xi1>
    %ne3A_47 = arith.xori %lt3A_42, %ne3A_46 : vector<4x32xi1>
    %and3A_48 = arith.andi %ne3A_47, %ne3A_40 : vector<4x32xi1>
    %add3A = vector.broadcast %select_n3A_35 : i32 to vector<4x32xi32>
    %add3A_49 = arith.addi %rem3A_37, %add3A : vector<4x32xi32>
    %select_n3A_50 = arith.select %and3A_48, %add3A_49, %rem3A_37 : vector<4x32xi1>, vector<4x32xi32>
    %jit3A_51 = arith.constant 8 : i32
    %div3A_52 = vector.broadcast %jit3A_51 : i32 to vector<4x32xi32>
    %div3A_53 = arith.divsi %select_n3A_50, %div3A_52 : vector<4x32xi32>
    %sign3A_54 = arith.constant 0 : i32
    %sign3A_55 = vector.broadcast %sign3A_54 : i32 to vector<4x32xi32>
    %sign3A_56 = arith.cmpi sgt, %select_n3A_50, %sign3A_55 : vector<4x32xi32>
    %sign3A_57 = arith.extui %sign3A_56 : vector<4x32xi1> to vector<4x32xi32>
    %sign3A_58 = arith.constant 0 : i32
    %sign3A_59 = vector.broadcast %sign3A_58 : i32 to vector<4x32xi32>
    %sign3A_60 = arith.cmpi slt, %select_n3A_50, %sign3A_59 : vector<4x32xi32>
    %sign3A_61 = arith.extui %sign3A_60 : vector<4x32xi1> to vector<4x32xi32>
    %sign3A_62 = arith.subi %sign3A_57, %sign3A_61 : vector<4x32xi32>
    %sign3A_63 = arith.constant 0 : i32
    %sign3A_64 = arith.cmpi sgt, %jit3A_51, %sign3A_63 : i32
    %sign3A_65 = arith.extui %sign3A_64 : i1 to i32
    %sign3A_66 = arith.constant 0 : i32
    %sign3A_67 = arith.cmpi slt, %jit3A_51, %sign3A_66 : i32
    %sign3A_68 = arith.extui %sign3A_67 : i1 to i32
    %sign3A_69 = arith.subi %sign3A_65, %sign3A_68 : i32
    %ne3A_70 = vector.broadcast %sign3A_69 : i32 to vector<4x32xi32>
    %ne3A_71 = arith.cmpi ne, %sign3A_62, %ne3A_70 : vector<4x32xi32>
    %rem3A_72 = vector.broadcast %jit3A_51 : i32 to vector<4x32xi32>
    %rem3A_73 = arith.remsi %select_n3A_50, %rem3A_72 : vector<4x32xi32>
    %ne3A_74 = arith.constant 0 : i32
    %ne3A_75 = vector.broadcast %ne3A_74 : i32 to vector<4x32xi32>
    %ne3A_76 = arith.cmpi ne, %rem3A_73, %ne3A_75 : vector<4x32xi32>
    %and3A_77 = arith.andi %ne3A_71, %ne3A_76 : vector<4x32xi1>
    %sub3A_78 = arith.constant 1 : i32
    %sub3A_79 = vector.broadcast %sub3A_78 : i32 to vector<4x32xi32>
    %sub3A_80 = arith.subi %div3A_53, %sub3A_79 : vector<4x32xi32>
    %select_n3A_81 = arith.select %and3A_77, %sub3A_80, %div3A_53 : vector<4x32xi1>, vector<4x32xi32>
    %add3A_82 = arith.addi %mul3A_31, %select_n3A_81 : vector<4x32xi32>
    %eq3A_83 = arith.cmpi eq, %add3A_82, %iota3A : vector<4x32xi32>
    %jit3A_84 = arith.constant 1.000000e+00 : f32
    %jit3A_85 = arith.constant 0.000000e+00 : f32
    %broadcast_in_dim3A = vector.broadcast %jit3A_84 : f32 to vector<4x32xf32>
    %broadcast_in_dim3A_86 = vector.broadcast %jit3A_85 : f32 to vector<4x32xf32>
    %select_n3A_87 = arith.select %eq3A_83, %broadcast_in_dim3A, %broadcast_in_dim3A_86 : vector<4x32xi1>, vector<4x32xf32>
    %dot_general3A = arith.constant dense<0.000000e+00> : vector<4x256xf32>
    %dot_general3A_88 = tpu.matmul %select_n3A_87, %get3A_5, %dot_general3A {dimension_numbers = #tpu.dot_dimension_numbers<[1], [0], [0], [1], [0, 0, 1, 1], [], []>, transpose_lhs_hint = false} : vector<4x32xf32>, vector<32x256xf32>, vector<4x256xf32> -> vector<4x256xf32>
    %mul3A_89 = arith.constant 2.44140625E-4 : f32
    %mul3A_90 = vector.broadcast %mul3A_89 : f32 to vector<4x256xf32>
    %mul3A_91 = arith.mulf %dot_general3A_88, %mul3A_90 : vector<4x256xf32>
    %concatenate3A = tpu.concatenate %reshape3A, %mul3A_91 in 0 : vector<60x256xf32>, vector<4x256xf32> -> vector<64x256xf32>
    %mul3A_92 = arith.mulf %concatenate3A, %concatenate3A : vector<64x256xf32>
    %reduce_sum3A = arith.constant dense<0.000000e+00> : vector<64xf32>
    %reduce_sum3A_93 = vector.multi_reduction <add>, %mul3A_92, %reduce_sum3A [1] : vector<64x256xf32> to vector<64xf32>
    %broadcast_in_dim3A_94 = vector.shape_cast %reduce_sum3A_93 : vector<64xf32> to vector<64x1xf32>
    %sqrt3A = math.sqrt %broadcast_in_dim3A_94 : vector<64x1xf32>
    %max3A = arith.constant 9.99999996E-13 : f32
    %max3A_95 = vector.broadcast %max3A : f32 to vector<64x1xf32>
    %max3A_96 = arith.maximumf %sqrt3A, %max3A_95 : vector<64x1xf32>
    %div3A_97 = vector.broadcast %max3A_96 : vector<64x1xf32> to vector<64x256xf32>
    %div3A_98 = arith.divf %concatenate3A, %div3A_97 : vector<64x256xf32>
    %transpose3A = tpu.transpose %div3A_98, [1, 0] : vector<64x256xf32> -> vector<256x64xf32>
    %dot_general3A_99 = arith.constant dense<0.000000e+00> : vector<64x64xf32>
    %dot_general3A_100 = tpu.matmul %div3A_98, %transpose3A, %dot_general3A_99 {dimension_numbers = #tpu.dot_dimension_numbers<[1], [0], [0], [1], [0, 0, 1, 1], [], []>, transpose_lhs_hint = false} : vector<64x256xf32>, vector<256x64xf32>, vector<64x64xf32> -> vector<64x64xf32>
    %iota3A_101 = tpu.iota {dimensions = array<i32: 0>} : vector<64x64xi32>
    %iota3A_102 = tpu.iota {dimensions = array<i32: 1>} : vector<64x64xi32>
    %eq3A_103 = arith.cmpi eq, %iota3A_101, %iota3A_102 : vector<64x64xi32>
    %jit3A_104 = arith.constant 0.000000e+00 : f32
    %broadcast_in_dim3A_105 = vector.broadcast %jit3A_104 : f32 to vector<64x64xf32>
    %select_n3A_106 = arith.select %eq3A_103, %broadcast_in_dim3A_105, %dot_general3A_100 : vector<64x64xi1>, vector<64x64xf32>
    %reduce_max3A = arith.constant dense<0xFF800000> : vector<64xf32>
    %reduce_max3A_107 = vector.multi_reduction <maximumf>, %select_n3A_106, %reduce_max3A [1] : vector<64x64xf32> to vector<64xf32>
    %broadcast_in_dim3A_108 = vector.shape_cast %reduce_max3A_107 : vector<64xf32> to vector<64x1xf32>
    %eq3A_109 = vector.broadcast %broadcast_in_dim3A_108 : vector<64x1xf32> to vector<64x64xf32>
    %eq3A_110 = arith.cmpf oeq, %select_n3A_106, %eq3A_109 : vector<64x64xf32>
    %jit3A_111 = arith.constant 64 : i32
    %broadcast_in_dim3A_112 = vector.broadcast %jit3A_111 : i32 to vector<64x64xi32>
    %select_n3A_113 = arith.select %eq3A_110, %iota3A_102, %broadcast_in_dim3A_112 : vector<64x64xi1>, vector<64x64xi32>
    %reduce_min3A = arith.constant dense<2147483647> : vector<64xi32>
    %reduce_min3A_114 = vector.multi_reduction <minsi>, %select_n3A_113, %reduce_min3A [1] : vector<64x64xi32> to vector<64xi32>
    %broadcast_in_dim3A_115 = vector.shape_cast %reduce_min3A_114 : vector<64xi32> to vector<64x1xi32>
    %eq3A_116 = vector.broadcast %broadcast_in_dim3A_115 : vector<64x1xi32> to vector<64x64xi32>
    %eq3A_117 = arith.cmpi eq, %iota3A_102, %eq3A_116 : vector<64x64xi32>
    %jit3A_118 = arith.constant 0.000000e+00 : f32
    %broadcast_in_dim3A_119 = vector.shape_cast %broadcast_in_dim3A_108 : vector<64x1xf32> to vector<64x1xf32>
    %broadcast_in_dim3A_120 = vector.broadcast %broadcast_in_dim3A_119 : vector<64x1xf32> to vector<64x64xf32>
    %broadcast_in_dim3A_121 = vector.broadcast %jit3A_118 : f32 to vector<64x64xf32>
    %select_n3A_122 = arith.select %eq3A_117, %broadcast_in_dim3A_120, %broadcast_in_dim3A_121 : vector<64x64xi1>, vector<64x64xf32>
    %dot_general3A_123 = arith.constant dense<0.000000e+00> : vector<64x256xf32>
    %dot_general3A_124 = tpu.matmul %select_n3A_122, %concatenate3A, %dot_general3A_123 {dimension_numbers = #tpu.dot_dimension_numbers<[1], [0], [0], [1], [0, 0, 1, 1], [], []>, transpose_lhs_hint = false} : vector<64x64xf32>, vector<64x256xf32>, vector<64x256xf32> -> vector<64x256xf32>
    %swap3A = arith.constant 0 : index
    %swap3A_125 = arith.constant 0 : index
    %swap3A_126 = vector.load %arg2[%swap3A, %swap3A_125] : memref<64x256xf32, #tpu.memory_space<vmem>>, vector<64x256xf32>
    tpu.vector_store %arg2[%swap3A, %swap3A_125], %dot_general3A_124 {strides = array<i32>} : memref<64x256xf32, #tpu.memory_space<vmem>>, vector<64x256xf32>,
    return
  }
}

</mosaic_0001>

<sc_bundles>
// kernel: kernel.6.cloned.1.call-start
scs
__scs_entry_jumppad:
0x0: {  	(pc) =	sbr.rel $0x88, $3  }
0x1: {  	(tag) =	ssettag $0x0;
	lr =	simm.s32 $0x1  }
0x2: {  	[smem:$0x3FA0] =	sst lr;
	_ =	strace $0xD0000000  }
0x3: {  	_ = 	snop  }
0x4: {  	_ = 	snop  }
0x5: {  	_ = 	snop  }
0x6: {  	_ = 	snop  }
0x7: {  	_ = 	snop  }
__scs_overlays_trampoline_lowered:
0x8: {  	[smem:$0x3FAF] =	sst s0  }
0x9: {  	[smem:$0x3FB0] =	sst s1  }
0xa: {  	[smem:$0x3FB1] =	sst s2  }
0xb: {  	[smem:$0x3FB2] =	sst s3  }
0xc: {  	[smem:$0x3FB3] =	sst s4  }
0xd: {  	[smem:$0x3FB4] =	sst s5  }
0xe: {  	[smem:$0x3FB5] =	sst s6  }
0xf: {  	[smem:$0x3FB6] =	sst s7  }
0x10: {  	[smem:$0x3FB7] =	sst s8  }
0x11: {  	[smem:$0x3FB8] =	sst s9;
	s0 =	simm.s32 @!p0 $0x0  }
0x12: {  	s1 =	sld [smem:$0x3F9E];
	s0 =	simm.s32 @p0 $0x1  }
0x13: {  	[smem:$0x3FB9] =	sst s0;
	s0 =	simm.s32 @!p1 $0x0  }
0x14: {  	s2 =	sld [smem:$0x3F9D];
	s0 =	simm.s32 @p1 $0x1  }
0x15: {  	[smem:$0x3FBA] =	sst s0;
	s0 =	simm.s32 @!p2 $0x0  }
0x16: {  	s3 =	sld [smem:$0x3FDB];
	s0 =	simm.s32 @p2 $0x1  }
0x17: {  	s4 =	simm.s32 $0x1BF5;
	[smem:$0x3FBC] =	sst s0  }
0x18: {  	s0 =	sld [smem:$0x3F9F];
	_ =	swait.ge [sflag:s4], $0x0  }
0x19: {  	s7 =	sld [smem:$0x3FA0]  }
0x1a: {  	s8 =	sadd.s32 $0xFFFFE003, lr  }
0x1b: {  	s9 =	sadd.s32 $0xFFFFFEF7, lr;
	s5 =	simm.s32 $0xFFFFFFFF;
	p2 =	slt.u32 s8, $0xFFFFF086  }
0x1c: {  	p1 =	slt.u32 s9, $0xF7A;
	s5 =	simm.s32 @!p2 $0x0  }
0x1d: {  	s5 =	simm.s32 @p1 $0x1;
	p0 =	seq.s32 s7, s2  }
0x1e: {  	s7 =	smul.u32 @!p0 $0xF7A, s2;
	p2 =	seq.s32 @!p0 s5, $0x0  }
0x1f: {  	s9 =	smul.u32 $0xF7A, s1;
	s8 =	simm.s32 @!p0 $0x1BF5;
	p2 =	por !p2, p0  }
0x20: {  	[sflag:s8] =	ssyncset.s32 @!p0 $0xFFFFF086;
	s6 =	sadd.s32 @!p0 s3, s7;
	s7 =	simm.s32 @!p0 $0x108  }
0x21: {  	s3 =	sadd.s32 s3, s9;
	s6 =	sadd.s32 @!p0 $0x88, s6;
	s7 =	simm.s32 @p2 $0x1082  }
0x22: {  	[simem:s7], [sflag:s8] =	dma.local @!p0 [hbm:s6], $0xF7A  }
0x23: {  	s9 =	sor.u32 $0xD0000000, s2;
	s6 =	simm.s32 $0x108;
	_ =	swait.ge @!p0 [sflag:s8], $0x0  }
0x24: {  	s3 =	sadd.s32 $0x88, s3;
	s6 =	simm.s32 @!p1 $0x1082;
	[sflag:s4] =	ssyncset.s32 $0xFFFFF086  }
0x25: {  	[simem:s6], [sflag:s4] =	dma.local [hbm:s3], $0xF7A  }
0x26: {  	[smem:$0x3FA0] =	sst s1;
	(tag) =	ssettag s2;
	_ =	strace s9  }
0x27: {  	s1 =	sld [smem:$0x3FB0]  }
0x28: {  	s2 =	sld [smem:$0x3FB1]  }
0x29: {  	s4 =	sld [smem:$0x3FB3]  }
0x2a: {  	p0 =	seq.s32 s5, $0x0;
	s5 =	sld [smem:$0x3FB4]  }
0x2b: {  	s6 =	sld [smem:$0x3FB5]  }
0x2c: {  	s7 =	sld [smem:$0x3FB6]  }
0x2d: {  	s3 =	simm.s32 $0x108;
	s8 =	sld [smem:$0x3FB7]  }
0x2e: {  	s3 =	simm.s32 @!p0 $0x1082;
	s9 =	sld [smem:$0x3FB8]  }
0x2f: {  	lr =	sadd.s32 s0, s3;
	s0 =	sld [smem:$0x3FAF]  }
0x30: {  	s3 =	sld [smem:$0x3FB2]  }
0x31: {  	[smem:$0x3FBB] =	sst s10  }
0x32: {  	s10 =	sld [smem:$0x3FB9];
	_ =	sdelay $0x3  }
0x33: {  	p0 =	seq.s32 s10, $0x1;
	s10 =	sld [smem:$0x3FBB];
	_ =	sdelay $0x3  }
0x34: {  	[smem:$0x3FBB] =	sst s10  }
0x35: {  	s10 =	sld [smem:$0x3FBA];
	_ =	sdelay $0x3  }
0x36: {  	p1 =	seq.s32 s10, $0x1;
	s10 =	sld [smem:$0x3FBB];
	_ =	sdelay $0x3  }
0x37: {  	[smem:$0x3FBB] =	sst s10  }
0x38: {  	s10 =	sld [smem:$0x3FBC]  }
0x39: {  	_ = 	snop;
	(pc) =	sbr.ind lr, $3  }
0x3a: {  	_ = 	snop  }
0x3b: {  	_ = 	snop  }
0x3c: {  	p2 =	seq.s32 s10, $0x1;
	s10 =	sld [smem:$0x3FBB]  }
0x3d: {  	_ =	shalt  }
0x3e: {  	_ =	shalt  }
0x3f: {  	_ =	shalt  }
0x40: {  	_ =	shalt  }
0x41: {  	_ =	shalt  }
0x42: {  	_ =	shalt  }
0x43: {  	_ =	shalt  }
0x44: {  	_ =	shalt  }
0x45: {  	_ =	shalt  }
0x46: {  	_ =	shalt  }
0x47: {  	_ =	shalt  }
0x48: {  	_ =	shalt  }
0x49: {  	_ =	shalt  }
0x4a: {  	_ =	shalt  }
0x4b: {  	_ =	shalt  }
0x4c: {  	_ =	shalt  }
0x4d: {  	_ =	shalt  }
0x4e: {  	_ =	shalt  }
0x4f: {  	_ =	shalt  }
0x50: {  	_ =	shalt  }
0x51: {  	_ =	shalt  }
0x52: {  	_ =	shalt  }
0x53: {  	_ =	shalt  }
0x54: {  	_ =	shalt  }
0x55: {  	_ =	shalt  }
0x56: {  	_ =	shalt  }
0x57: {  	_ =	shalt  }
0x58: {  	_ =	shalt  }
0x59: {  	_ =	shalt  }
0x5a: {  	_ =	shalt  }
0x5b: {  	_ =	shalt  }
0x5c: {  	_ =	shalt  }
0x5d: {  	_ =	shalt  }
0x5e: {  	_ =	shalt  }
0x5f: {  	_ =	shalt  }
0x60: {  	_ =	shalt  }
0x61: {  	_ =	shalt  }
0x62: {  	_ =	shalt  }
0x63: {  	_ =	shalt  }
0x64: {  	_ =	shalt  }
0x65: {  	_ =	shalt  }
0x66: {  	_ =	shalt  }
0x67: {  	_ =	shalt  }
0x68: {  	_ =	shalt  }
0x69: {  	_ =	shalt  }
0x6a: {  	_ =	shalt  }
0x6b: {  	_ =	shalt  }
0x6c: {  	_ =	shalt  }
0x6d: {  	_ =	shalt  }
0x6e: {  	_ =	shalt  }
0x6f: {  	_ =	shalt  }
0x70: {  	_ =	shalt  }
0x71: {  	_ =	shalt  }
0x72: {  	_ =	shalt  }
0x73: {  	_ =	shalt  }
0x74: {  	_ =	shalt  }
0x75: {  	_ =	shalt  }
0x76: {  	_ =	shalt  }
0x77: {  	_ =	shalt  }
0x78: {  	_ =	shalt  }
0x79: {  	_ =	shalt  }
0x7a: {  	_ =	shalt  }
0x7b: {  	_ =	shalt  }
0x7c: {  	_ =	shalt  }
0x7d: {  	_ =	shalt  }
0x7e: {  	_ =	shalt  }
0x7f: {  	_ =	shalt  }
0x80: {  	_ =	shalt  }
0x81: {  	_ =	shalt  }
0x82: {  	_ =	shalt  }
0x83: {  	_ =	shalt  }
0x84: {  	_ =	shalt  }
0x85: {  	_ =	shalt  }
0x86: {  	_ =	shalt  }
0x87: {  	_ =	shalt  }
.Lfunc_end0:
.L_simem_size_0:
called_computation_lowered:
.L_overlay_start_0:
0x88: {  	s2 =	sld [smem:$0x3FD9]  }
0x89: {  	s3 =	sld [smem:$0x3FFE];
	_ =	sdelay $0x1  }
0x8a: {  	s1 =	srdreg.scid  }
0x8b: {  	s0 =	sand.u32 $0x1, s1  }
0x8c: {  	s18 =	sshll.u32 s0, $0xA;
	s2 =	sadd.s32 s3, s2  }
0x8d: {  	s2 =	sadd.s32 s2, s18  }
0x8e: {  	[smem:$0x3FC7] =	sst s2  }
0x8f: {  	_ = 	snop  }
0x90: {  	s2 =	sld [smem:$0x3FC9]  }
0x91: {  	s19 =	sld [smem:$0x3FD0];
	(tm) =	ssettm $0x1  }
0x92: {  	s4 =	sld [smem:$0x3FFB];
	_ =	sdelay $0x3  }
0x93: {  	_ =	strace s4  }
0x94: {  	s4 =	sld [smem:$0x3FFC];
	_ =	sdelay $0x3  }
0x95: {  	_ =	strace s4  }
0x96: {  	s4 =	sld [smem:$0x3FFD];
	_ =	sdelay $0x3  }
0x97: {  	_ =	strace s4  }
0x98: {  	_ =	strace $0x8FFFFFFF  }
0x99: {  	s20 =	sld [smem:$0x3FDB];
	_ =	sdelay $0x1  }
0x9a: {  	s5 =	simm.s32 $_scs_section_size  }
0x9b: {  	s6 =	simm.s32 $_size__tile_overlayer_lowered;
	s7 =	simm.s32 $_tile_overlayer_lowered  }
0x9c: {  	s23 =	simm.s32 $0x1BFF;
	s22 =	sshll.u32 s7, $0x1;
	s4 =	sadd.s32 s5, s20  }
0x9d: {  	s8 =	simm.s32 $0x0;
	s21 =	sshll.u32 s6, $0x1;
	s6 =	sadd.s32 s22, s4  }
0x9e: {  	[timem:s8], [sflag:s23] =	dma.local [hbm:s6], s21  }
0x9f: {  	_ =	swait.ge [sflag:s23], s21  }
0xa0: {  	s5 =	ssub.s32 $0x0, s21;
	[sflag:s23] =	ssyncset.done $0x0  }
0xa1: {  	[sflag:s23] =	ssyncadd.s32 s5;
	_ =	sdelay $0x1  }
0xa2: {  	s24 =	simm.s32 $0x1B8B  }
0xa3: {  	_ =	swait.ge [sflag:s24], $0x1  }
0xa4: {  	[sflag:s24] =	ssyncset.done $0x0  }
0xa5: {  	s25 =	simm.s32 $0x1B8E;
	[sflag:s24] =	ssyncadd.s32 $0xFFFFFFFF  }
0xa6: {  	s26 =	simm.s32 $execute0_lowered;
	[smem:$0x3FD2] =	sst s25  }
0xa7: {  	s5 =	sshll.u32 s26, $0x1;
	_ =	strace $0x80000046;
	[dreg:$0x1] =	wrdreg $0xFFFFFFFF  }
0xa8: {  	s28 =	simm.s32 $_size_execute0_lowered;
	s4 =	sadd.s32 s4, s5;
	[dreg:$0x0] =	wrdreg $0x0  }
0xa9: {  	s5 =	sshll.u32 s28, $0x1;
	[dreg:$0x2] =	wrdreg s4  }
0xaa: {  	[dreg:$0x3] =	wrdreg s5  }
0xab: {  	[dreg:$0x4] =	wrdreg $0xC0  }
0xac: {  	_ =	task [dreg:s8], $0x5FFFF  }
0xad: {  	[dreg:$0x1] =	wrdreg $0xFFFFFFFF  }
0xae: {  	[dreg:$0x0] =	wrdreg $0x60  }
0xaf: {  	[dreg:$0x2] =	wrdreg s2  }
0xb0: {  	[dreg:$0x3] =	wrdreg s19  }
0xb1: {  	[dreg:$0x4] =	wrdreg $0x9  }
0xb2: {  	_ =	task.clear_ibuf [dreg:s8], $0x5FFFF;
	_ =	strace $0x90000046  }
0xb3: {  	s29 =	simm.s32 $0x9;
	_ =	strace $0x80000048  }
0xb4: {  	_ =	swait.ge [sflag:s29], $0x1  }
0xb5: {  	[sflag:s29] =	ssyncadd.s32 $0xFFFFFFFF  }
0xb6: {  	_ =	strace $0x90000048  }
0xb7: {  	_ =	sfence  }
0xb8: {  	s30 =	sld [smem:$0x0];
	_ =	sdelay $0x2  }
0xb9: {  	s31 =	sshll.u32 s1, $0xD;
	s1 =	sshrl.u32 s1, $0x2  }
0xba: {  	s3 =	sand.u32 $0x4000, s31;
	s1 =	sadd.s32 s1, s30  }
0xbb: {  	s0 =	sor.u32 s3, s0;
	s1 =	sshll.u32 s1, $0x11  }
0xbc: {  	s0 =	sor.u32 s1, s0  }
0xbd: {  	s0 =	sadd.s32 $0x8F2B, s0  }
0xbe: {  	[sflag:s0] =	ssyncadd.remote.s32 $0x1  }
0xbf: {  	_ =	sfence.sel $0xFFFF  }
0xc0: {  	[dreg:$0x0] =	wrdreg $0xFFFFFFFF;
	(pc) =	sbr.abs _section_cstart, $3  }
0xc1: {  	[dreg:$0x1] =	wrdreg $0xFFFFFFFF  }
0xc2: {  	_ =	task.clear_ibuf [dreg:s8], $0x2FFFF;
	_ =	strace $0x9FFFFFFF  }
0xc3: {  	(tm) =	ssettm $0x7FFFFFFF  }
tec
execute0_lowered:
.L_overlay_start_1:
0x0: {  	(tag) =	ssettag $0x1  }
0x1: {  	s3 =	rddreg [dreg:$0x0]  }
0x2: {  	s6 =	rddreg [dreg:$0x1];
	s2 =	srdreg.scid  }
0x3: {  	s0 =	rddreg [dreg:$0x2];
	s1 =	stileid.u32;
	s12 =	simm.s32 $0x2  }
0x4: {  	s13 =	simm.s32 $0x3;
	s14 =	simm.s32 $0x80;
	s15 =	simm.s32 $0x400  }
0x5: {  	s16 =	simm.s32 $0x18000;
	s17 =	simm.s32 $0x4;
	s18 =	simm.s32 $0x0  }
0x6: {  	s7 =	sand.u32 $0x1, s2;
	s2 =	simm.s32 $0x0;
	s4 =	sshll.u32 s1, $0xE  }
0x7: {  	s10 =	sshll.u32 s1, $0x5;
	s11 =	sshll.u32 s1, $0x4;
	s5 =	sshll.u32 s7, $0x12  }
0x8: {  	[smem:$0x7FF] =	sst s2;
	s8 =	ssub.s32 $0x2, s7;
	s7 =	sshll.u32 s7, $0x9  }
0x9: {  	s10 =	sand.u32 $0x100, s10;
	s31 =	sand.u32 $0x70, s11;
	s11 =	simm.s32 $0x1  }
0xa: {  	s4 =	sor.u32 s5, s4;
	_ =	strace $0x80000047;
	s30 =	sshrl.u32 s8, $0x1  }
0xb: {  	s7 =	sadd.s32 s6, s7;
	s9 =	sadd.s32 s4, s3;
	s8 =	ssub.s32 s8, s30  }
0xc: {  	s7 =	sadd.s32 s10, s7;
	s10 =	simm.s32 $0x10000;
	s3 =	sadd.s32 $0x780000, s9  }
0xd: {  	s4 =	sadd.s32 $0x781000, s9;
	s5 =	sadd.s32 $0x782000, s9;
	s6 =	sadd.s32 $0x783000, s9  }
0xe: {  	s7 =	sadd.s32 s31, s7;
	s8 =	smax.u32 s8, $0x1;
	s9 =	simm.s32 $0x8000  }
.LBB2_1:
0xf: {  	[tilespmem:s2], [sflag:$0x1] =	stream.linear.gather [hbm4b:s3+s2], $0x8000, $0x38;
	[tilespmem:$0x18100] =	vst v63  }
0x10: {  	_ = 	snop  }
0x11: {  	[tilespmem:s9], [sflag:$0x2] =	stream.linear.gather [hbm4b:s4+s2], $0x8000, $0x38;
	[tilespmem:$0x18100] =	vst v63  }
0x12: {  	_ = 	snop  }
0x13: {  	[tilespmem:s10], [sflag:$0x3] =	stream.linear.gather [hbm4b:s5+s2], $0x8000, $0x38;
	[tilespmem:$0x18100] =	vst v63  }
0x14: {  	_ =	swait.ge [sflag:s11], $0x8000  }
0x15: {  	[sflag:s11] =	ssyncset.done $0x0  }
0x16: {  	s19 =	simm.s32 $0x0;
	[sflag:s11] =	ssyncadd.s32 $0xFFFF8000  }
0x17: {  	v21 =	vld [tilespmem:s19+$0x380]  }
0x18: {  	v25 =	vld [tilespmem:s19+$0x390]  }
0x19: {  	v27 =	vld [tilespmem:s19+$0x3A0]  }
0x1a: {  	v28 =	vld [tilespmem:s19+$0x3B0]  }
0x1b: {  	v14 =	vld [tilespmem:s19+$0x3C0]  }
0x1c: {  	v19 =	vld [tilespmem:s19+$0x3D0]  }
0x1d: {  	v15 =	vld [tilespmem:s19+$0x3E0]  }
0x1e: {  	v17 =	vld [tilespmem:s19+$0x3F0]  }
0x1f: {  	v0 =	vld [tilespmem:s19+$0x780]  }
0x20: {  	v9 =	vld [tilespmem:s19+$0x790]  }
0x21: {  	v10 =	vld [tilespmem:s19+$0x7A0]  }
0x22: {  	v11 =	vld [tilespmem:s19+$0x7B0]  }
0x23: {  	v12 =	vld [tilespmem:s19+$0x7C0]  }
0x24: {  	v13 =	vld [tilespmem:s19+$0x7D0]  }
0x25: {  	v30 =	vld [tilespmem:s19+$0x300]  }
0x26: {  	v31 =	vld [tilespmem:s19+$0x310]  }
0x27: {  	v38 =	vld [tilespmem:s19+$0x320]  }
0x28: {  	v39 =	vld [tilespmem:s19+$0x330]  }
0x29: {  	v26 =	vld [tilespmem:s19+$0x340]  }
0x2a: {  	v29 =	vld [tilespmem:s19+$0x350]  }
0x2b: {  	v23 =	vld [tilespmem:s19+$0x360]  }
0x2c: {  	v24 =	vld [tilespmem:s19+$0x370]  }
0x2d: {  	v16 =	vld [tilespmem:s19+$0x700]  }
0x2e: {  	v18 =	vld [tilespmem:s19+$0x710]  }
0x2f: {  	v35 =	vld [tilespmem:s19+$0x720]  }
0x30: {  	v20 =	vld [tilespmem:s19+$0x730]  }
0x31: {  	v7 =	vld [tilespmem:s19+$0x740]  }
0x32: {  	v22 =	vld [tilespmem:s19+$0x750]  }
0x33: {  	v40 =	vld [tilespmem:s19+$0x280]  }
0x34: {  	v41 =	vld [tilespmem:s19+$0x290]  }
0x35: {  	v42 =	vld [tilespmem:s19+$0x2A0]  }
0x36: {  	v43 =	vld [tilespmem:s19+$0x2B0]  }
0x37: {  	v44 =	vld [tilespmem:s19+$0x2C0]  }
0x38: {  	v45 =	vld [tilespmem:s19+$0x2D0]  }
0x39: {  	v46 =	vld [tilespmem:s19+$0x2E0]  }
0x3a: {  	v47 =	vld [tilespmem:s19+$0x2F0]  }
0x3b: {  	v5 =	vld [tilespmem:s19+$0x6A0]  }
0x3c: {  	v32 =	vld [tilespmem:s19+$0x6C0]  }
0x3d: {  	v33 =	vld [tilespmem:s19+$0x6D0]  }
0x3e: {  	v48 =	vld [tilespmem:s19+$0x200]  }
0x3f: {  	v49 =	vld [tilespmem:s19+$0x210]  }
0x40: {  	v50 =	vld [tilespmem:s19+$0x220]  }
0x41: {  	v51 =	vld [tilespmem:s19+$0x230]  }
0x42: {  	v52 =	vld [tilespmem:s19+$0x240]  }
0x43: {  	v53 =	vld [tilespmem:s19+$0x250]  }
0x44: {  	v54 =	vld [tilespmem:s19+$0x260]  }
0x45: {  	v55 =	vld [tilespmem:s19+$0x270]  }
0x46: {  	v37 =	vld [tilespmem:s19+$0x640]  }
0x47: {  	v56 =	vld [tilespmem:s19+$0x180]  }
0x48: {  	v57 =	vld [tilespmem:s19+$0x190]  }
0x49: {  	v58 =	vld [tilespmem:s19+$0x100]  }
0x4a: {  	v59 =	vld [tilespmem:s19+$0x110]  }
0x4b: {  	v60 =	vld [tilespmem:s19+$0x80]  }
0x4c: {  	v61 =	vld [tilespmem:s19+$0x90]  }
0x4d: {  	v62 =	vld [tilespmem:s19+$0x0]  }
0x4e: {  	v63 =	vld [tilespmem:s19+$0x10]  }
0x4f: {  	v34 =	vld [tilespmem:s19+$0x20]  }
0x50: {  	v2 =	vld [tilespmem:s19+$0x30]  }
0x51: {  	v1 =	vld [tilespmem:s19+$0xA0]  }
0x52: {  	v6 =	vld [tilespmem:s19+$0xB0]  }
0x53: {  	v8 =	vld [tilespmem:s19+$0x130]  }
0x54: {  	v36 =	vld [tilespmem:s19+$0x1B0];
	[tilespmem:$0x1FED0] =	vst v0  }
0x55: {  	[tilespmem:$0x1FF10] =	vst v12;
	v12 =	vld [tilespmem:s19+$0x680]  }
0x56: {  	[tilespmem:$0x1FF20] =	vst v13;
	v13 =	vld [tilespmem:s19+$0x690]  }
0x57: {  	[tilespmem:$0x1FEE0] =	vst v9;
	v9 =	vld [tilespmem:s19+$0x6B0]  }
0x58: {  	[tilespmem:$0x1FF60] =	vst v22;
	v22 =	vld [tilespmem:s19+$0x600]  }
0x59: {  	[tilespmem:$0x1FF50] =	vst v20;
	v20 =	vld [tilespmem:s19+$0x610]  }
0x5a: {  	v4 =	vimm.f32 $0.0e+00;
	[tilespmem:$0x1FF30] =	vst v16;
	v16 =	vld [tilespmem:s19+$0x620]  }
0x5b: {  	[tilespmem:$0x1FF40] =	vst v18;
	v18 =	vld [tilespmem:s19+$0x630];
	v62 =	vadd.f32 v62, v4  }
0x5c: {  	[tilespmem:$0x1FEF0] =	vst v10;
	v10 =	vld [tilespmem:s19+$0x120];
	v63 =	vadd.f32 v63, v4;
	v2 =	vadd.f32 v2, v4  }
0x5d: {  	[tilespmem:$0x1FF00] =	vst v11;
	v0 =	vadd.f32 v34, v4;
	v11 =	vld [tilespmem:s19+$0x1A0];
	v60 =	vadd.f32 v60, v62  }
0x5e: {  	[tilespmem:$0x1FF70] =	vst v32;
	v32 =	vld [tilespmem:s19+$0x500];
	v61 =	vadd.f32 v61, v63;
	v2 =	vadd.f32 v6, v2  }
0x5f: {  	[tilespmem:$0x1FF80] =	vst v33;
	v33 =	vld [tilespmem:s19+$0x510];
	v0 =	vadd.f32 v1, v0;
	v6 =	vadd.f32 v58, v60  }
0x60: {  	v63 =	vld [tilespmem:s19+$0x40];
	v60 =	vadd.f32 v59, v61;
	v2 =	vadd.f32 v8, v2  }
0x61: {  	v59 =	vld [tilespmem:s19+$0x1D0];
	v0 =	vadd.f32 v10, v0;
	v6 =	vadd.f32 v56, v6  }
0x62: {  	v8 =	vld [tilespmem:s19+$0x140];
	v61 =	vadd.f32 v57, v60;
	v2 =	vadd.f32 v36, v2  }
0x63: {  	v36 =	vld [tilespmem:s19+$0x50];
	v0 =	vadd.f32 v11, v0;
	v6 =	vadd.f32 v48, v6  }
0x64: {  	v58 =	vld [tilespmem:s19+$0x160];
	v10 =	vadd.f32 v49, v61;
	v2 =	vadd.f32 v51, v2  }
0x65: {  	v51 =	vld [tilespmem:s19+$0x70];
	v61 =	vadd.f32 v63, v4;
	v0 =	vadd.f32 v50, v0  }
0x66: {  	v48 =	vld [tilespmem:s19+$0xD0];
	v6 =	vadd.f32 v40, v6;
	v10 =	vadd.f32 v41, v10  }
0x67: {  	v50 =	vld [tilespmem:s19+$0x60];
	v2 =	vadd.f32 v43, v2;
	v0 =	vadd.f32 v42, v0  }
0x68: {  	v56 =	vld [tilespmem:s19+$0x150];
	v62 =	vadd.f32 v36, v4;
	v6 =	vadd.f32 v30, v6  }
0x69: {  	v57 =	vld [tilespmem:s19+$0xE0];
	v10 =	vadd.f32 v31, v10;
	v2 =	vadd.f32 v39, v2  }
0x6a: {  	v11 =	vld [tilespmem:s19+$0xC0];
	v0 =	vadd.f32 v38, v0;
	v30 =	vadd.f32 v51, v4  }
0x6b: {  	v51 =	vld [tilespmem:s19+$0x410];
	v34 =	vadd.f32 v21, v6;
	v60 =	vadd.f32 v28, v2  }
0x6c: {  	v6 =	vld [tilespmem:s19+$0xF0];
	v21 =	vadd.f32 v50, v4;
	v2 =	vadd.f32 v48, v62  }
0x6d: {  	v3 =	vadd.f32 v25, v10;
	v25 =	vld [tilespmem:s19+$0x1E0];
	v0 =	vadd.f32 v27, v0  }
0x6e: {  	v63 =	vld [tilespmem:s19+$0x170];
	v31 =	vadd.f32 v57, v21;
	v2 =	vadd.f32 v56, v2  }
0x6f: {  	v1 =	vld [tilespmem:s19+$0x1C0];
	[tilespmem:$0x1FFA0] =	vst v0;
	v0 =	vadd.f32 v11, v61  }
0x70: {  	v27 =	vld [tilespmem:s19+$0x1F0];
	v10 =	vadd.f32 v58, v31;
	v2 =	vadd.f32 v59, v2  }
0x71: {  	v49 =	vld [tilespmem:s19+$0x490];
	v59 =	vadd.f32 v51, v4;
	v6 =	vadd.f32 v6, v30  }
0x72: {  	v41 =	vld [tilespmem:s19+$0x650];
	v0 =	vadd.f32 v8, v0;
	v10 =	vadd.f32 v25, v10  }
0x73: {  	v48 =	vld [tilespmem:s19+$0x480];
	v2 =	vadd.f32 v53, v2;
	v6 =	vadd.f32 v63, v6  }
0x74: {  	v50 =	vld [tilespmem:s19+$0x400];
	v0 =	vadd.f32 v1, v0;
	v10 =	vadd.f32 v54, v10  }
0x75: {  	v53 =	vld [tilespmem:s19+$0x430];
	v2 =	vadd.f32 v45, v2;
	v6 =	vadd.f32 v27, v6  }
0x76: {  	v62 =	vld [tilespmem:s19+$0x5A0];
	v0 =	vadd.f32 v52, v0;
	v10 =	vadd.f32 v46, v10  }
0x77: {  	v52 =	vld [tilespmem:s19+$0x420];
	v2 =	vadd.f32 v29, v2;
	v6 =	vadd.f32 v55, v6  }
0x78: {  	v56 =	vld [tilespmem:s19+$0x520];
	v0 =	vadd.f32 v44, v0;
	v10 =	vadd.f32 v23, v10  }
0x79: {  	v54 =	vld [tilespmem:s19+$0x4A0];
	v2 =	vadd.f32 v19, v2;
	v6 =	vadd.f32 v47, v6  }
0x7a: {  	v55 =	vld [tilespmem:s19+$0x4B0];
	v0 =	vadd.f32 v26, v0;
	v26 =	vadd.f32 v53, v4  }
0x7b: {  	[tilespmem:$0x1FFB0] =	vst v60;
	v60 =	vld [tilespmem:s19+$0x530];
	v57 =	vadd.f32 v15, v10;
	v6 =	vadd.f32 v24, v6  }
0x7c: {  	v30 =	vld [tilespmem:s19+$0x580];
	v61 =	vadd.f32 v52, v4;
	v0 =	vadd.f32 v14, v0  }
0x7d: {  	v8 =	vld [tilespmem:s19+$0x590];
	v58 =	vadd.f32 v17, v6;
	v6 =	vadd.f32 v50, v4  }
0x7e: {  	v63 =	vld [tilespmem:s19+$0x5B0];
	v10 =	vadd.f32 v49, v59;
	v23 =	vadd.f32 v54, v61  }
0x7f: {  	v43 =	vld [tilespmem:s19+$0x5C0];
	[tilespmem:$0x1FFC0] =	vst v0;
	v0 =	vadd.f32 v55, v26;
	v6 =	vadd.f32 v48, v6  }
0x80: {  	v42 =	vld [tilespmem:s19+$0x4C0];
	[tilespmem:$0x1FFD0] =	vst v2;
	v1 =	vadd.f32 v33, v10;
	v2 =	vadd.f32 v56, v23  }
0x81: {  	v44 =	vld [tilespmem:s19+$0x5D0];
	v0 =	vadd.f32 v60, v0;
	v6 =	vadd.f32 v32, v6  }
0x82: {  	v53 =	vld [tilespmem:s19+$0x540];
	v1 =	vadd.f32 v8, v1;
	v2 =	vadd.f32 v62, v2  }
0x83: {  	v54 =	vld [tilespmem:s19+$0x4D0];
	v0 =	vadd.f32 v63, v0;
	v6 =	vadd.f32 v30, v6  }
0x84: {  	v40 =	vimm.f32 $0.0e+00;
	v61 =	vld [tilespmem:s19+$0x450];
	v1 =	vadd.f32 v20, v1;
	v2 =	vadd.f32 v16, v2  }
0x85: {  	v36 =	vimm.f32 $0.0e+00;
	[tilespmem:$0x1FF90] =	vst v3;
	v56 =	vld [tilespmem:s19+$0x550];
	v0 =	vadd.f32 v18, v0;
	v6 =	vadd.f32 v22, v6  }
0x86: {  	v39 =	vimm.f32 $0.0e+00;
	[tilespmem:$0x1FFF0] =	vst v58;
	v60 =	vld [tilespmem:s19+$0x440];
	v63 =	vadd.f32 v13, v1;
	v58 =	vadd.f32 v5, v2  }
0x87: {  	s20 =	simm.s32 $0x2000;
	v38 =	vimm.f32 $0.0e+00;
	[tilespmem:$0x1FFE0] =	vst v57;
	v62 =	vld [tilespmem:s19+$0x460];
	v59 =	vadd.f32 v9, v0;
	v49 =	vadd.f32 v12, v6  }
.LBB2_2:
0x88: {  	v8 =	vld [tilespmem:s19+$0x470]  }
0x89: {  	v0 =	vld [tilespmem:$0x1FF30]  }
0x8a: {  	v1 =	vld [tilespmem:$0x1FF40]  }
0x8b: {  	v10 =	vld [tilespmem:s19+$0x4E0]  }
0x8c: {  	v48 =	vld [tilespmem:$0x1FF50]  }
0x8d: {  	v11 =	vld [tilespmem:s19+$0x4F0]  }
0x8e: {  	v50 =	vld [tilespmem:$0x1FEE0]  }
0x8f: {  	v12 =	vld [tilespmem:s19+$0x560]  }
0x90: {  	v51 =	vld [tilespmem:$0x1FEF0]  }
0x91: {  	v52 =	vld [tilespmem:$0x1FF00]  }
0x92: {  	v14 =	vld [tilespmem:s19+$0x570]  }
0x93: {  	v16 =	vld [tilespmem:s19+$0x5E0]  }
0x94: {  	v18 =	vld [tilespmem:s19+$0x5F0]  }
0x95: {  	v55 =	vld [tilespmem:s19+$0x670]  }
0x96: {  	v57 =	vld [tilespmem:s19+$0x6F0]  }
0x97: {  	v17 =	vld [tilespmem:$0x1FF60]  }
0x98: {  	v21 =	vld [tilespmem:$0x1FF10]  }
0x99: {  	v22 =	vld [tilespmem:$0x1FF20]  }
0x9a: {  	v4 =	vadd.f32 v35, v58;
	v58 =	vld [tilespmem:s19+$0x760]  }
0x9b: {  	v9 =	vadd.f32 v60, v36;
	v60 =	vld [tilespmem:s19+$0x7E0]  }
0x9c: {  	v13 =	vadd.f32 v61, v40;
	v61 =	vld [tilespmem:$0x1FF70]  }
0x9d: {  	v15 =	vadd.f32 v62, v38;
	v62 =	vld [tilespmem:$0x1FF80]  }
0x9e: {  	v0 =	vadd.f32 v0, v49;
	v49 =	vld [tilespmem:$0x1FED0]  }
0x9f: {  	v6 =	vadd.f32 v48, v59;
	v59 =	vld [tilespmem:s19+$0x770]  }
0xa0: {  	v2 =	vadd.f32 v1, v63;
	v63 =	vld [tilespmem:s19+$0x7F0];
	v13 =	vadd.f32 v54, v13  }
0xa1: {  	v8 =	vadd.f32 v8, v39;
	v54 =	vld [tilespmem:s19+$0x660]  }
0xa2: {  	v13 =	vadd.f32 v56, v13;
	v56 =	vld [tilespmem:s19+$0x6E0];
	s19 =	sshra.s32 s20, $0x2  }
0xa3: {  	v8 =	vadd.f32 v11, v8;
	v45 =	vld [tilespmem:s19+$0x390]  }
0xa4: {  	v46 =	vld [tilespmem:s19+$0x3A0]  }
0xa5: {  	v8 =	vadd.f32 v14, v8;
	v14 =	vld [tilespmem:s19+$0x3F0]  }
0xa6: {  	v23 =	vld [tilespmem:s19+$0x780]  }
0xa7: {  	v24 =	vld [tilespmem:s19+$0x790]  }
0xa8: {  	v25 =	vld [tilespmem:s19+$0x7A0]  }
0xa9: {  	v26 =	vld [tilespmem:s19+$0x7B0]  }
0xaa: {  	v27 =	vld [tilespmem:s19+$0x7C0]  }
0xab: {  	v28 =	vld [tilespmem:s19+$0x7D0]  }
0xac: {  	v9 =	vadd.f32 v42, v9;
	v42 =	vld [tilespmem:s19+$0x350]  }
0xad: {  	v29 =	vld [tilespmem:s19+$0x700]  }
0xae: {  	v30 =	vld [tilespmem:s19+$0x710]  }
0xaf: {  	v11 =	vld [tilespmem:s19+$0x720]  }
0xb0: {  	v31 =	vld [tilespmem:s19+$0x730]  }
0xb1: {  	v35 =	vld [tilespmem:s19+$0x740]  }
0xb2: {  	v32 =	vld [tilespmem:s19+$0x750]  }
0xb3: {  	v1 =	vld [tilespmem:s19+$0x280]  }
0xb4: {  	v3 =	vld [tilespmem:s19+$0x290]  }
0xb5: {  	v10 =	vadd.f32 v10, v15;
	v6 =	vadd.f32 v52, v6;
	v52 =	vld [tilespmem:s19+$0x2C0]  }
0xb6: {  	v9 =	vadd.f32 v53, v9;
	v53 =	vld [tilespmem:s19+$0x2E0]  }
0xb7: {  	v10 =	vadd.f32 v12, v10;
	v12 =	vld [tilespmem:s19+$0x220]  }
0xb8: {  	v47 =	vld [tilespmem:s19+$0x600]  }
0xb9: {  	v48 =	vld [tilespmem:s19+$0x620]  }
0xba: {  	v15 =	vld [tilespmem:s19+$0x180]  }
0xbb: {  	v33 =	vld [tilespmem:s19+$0x120]  }
0xbc: {  	v13 =	vadd.f32 v44, v13;
	v44 =	vld [tilespmem:s19+$0x380]  }
0xbd: {  	v9 =	vadd.f32 v43, v9;
	v43 =	vld [tilespmem:s19+$0x370]  }
0xbe: {  	v10 =	vadd.f32 v16, v10;
	v16 =	vld [tilespmem:s19+$0x680]  }
0xbf: {  	v0 =	vadd.f32 v49, v0;
	v49 =	vld [tilespmem:s19+$0x610]  }
0xc0: {  	v8 =	vadd.f32 v18, v8;
	v18 =	vld [tilespmem:s19+$0x6A0]  }
0xc1: {  	[tilespmem:$0x1FEA0] =	vst v0;
	v0 =	vadd.f32 v50, v2;
	v2 =	vld [tilespmem:s19+$0x3D0]  }
0xc2: {  	v10 =	vadd.f32 v54, v10;
	v54 =	vld [tilespmem:s19+$0x2D0]  }
0xc3: {  	v50 =	vld [tilespmem:s19+$0x630]  }
0xc4: {  	v9 =	vadd.f32 v37, v9;
	v37 =	vld [tilespmem:s19+$0x640]  }
0xc5: {  	v13 =	vadd.f32 v41, v13;
	v41 =	vld [tilespmem:s19+$0x650]  }
0xc6: {  	v8 =	vadd.f32 v55, v8;
	v55 =	vld [tilespmem:s19+$0x2F0]  }
0xc7: {  	[tilespmem:$0x1FEB0] =	vst v0;
	v0 =	vadd.f32 v51, v4;
	v51 =	vld [tilespmem:s19+$0x3B0]  }
0xc8: {  	v10 =	vadd.f32 v56, v10;
	v56 =	vld [tilespmem:s19+$0x300]  }
0xc9: {  	[tilespmem:$0x1FED0] =	vst v23;
	v23 =	vld [tilespmem:s19+$0x340]  }
0xca: {  	[tilespmem:$0x1FF00] =	vst v26;
	v26 =	vld [tilespmem:s19+$0x360]  }
0xcb: {  	v4 =	vld [tilespmem:s19+$0x6C0]  }
0xcc: {  	v13 =	vadd.f32 v62, v13;
	v62 =	vld [tilespmem:s19+$0x250]  }
0xcd: {  	v9 =	vadd.f32 v61, v9;
	v61 =	vld [tilespmem:s19+$0x260]  }
0xce: {  	[tilespmem:$0x1FEE0] =	vst v24;
	v24 =	vld [tilespmem:s19+$0x80]  }
0xcf: {  	[tilespmem:$0x1FEF0] =	vst v25;
	v25 =	vld [tilespmem:s19+$0x90]  }
0xd0: {  	[tilespmem:$0x1FF10] =	vst v27;
	v27 =	vld [tilespmem:s19+$0x0]  }
0xd1: {  	[tilespmem:$0x1FF20] =	vst v28;
	v28 =	vld [tilespmem:s19+$0x10]  }
0xd2: {  	[tilespmem:$0x1FF30] =	vst v29;
	v29 =	vld [tilespmem:s19+$0x20]  }
0xd3: {  	[tilespmem:$0x1FF40] =	vst v30;
	v30 =	vld [tilespmem:s19+$0x30]  }
0xd4: {  	[tilespmem:$0x1FF50] =	vst v31;
	v31 =	vld [tilespmem:s19+$0xA0]  }
0xd5: {  	[tilespmem:$0x1FF60] =	vst v32;
	v32 =	vld [tilespmem:s19+$0xB0]  }
0xd6: {  	v8 =	vadd.f32 v57, v8;
	v57 =	vld [tilespmem:s19+$0x320]  }
0xd7: {  	v19 =	vadd.f32 v58, v10;
	v10 =	vld [tilespmem:s19+$0x3E0]  }
0xd8: {  	v58 =	vld [tilespmem:s19+$0x310]  }
0xd9: {  	[tilespmem:$0x1FEC0] =	vst v0;
	v0 =	vld [tilespmem:s19+$0x2A0]  }
0xda: {  	v5 =	vadd.f32 v7, v9;
	v9 =	vld [tilespmem:s19+$0x210]  }
0xdb: {  	v7 =	vadd.f32 v17, v13;
	v13 =	vld [tilespmem:s19+$0x230]  }
0xdc: {  	v17 =	vld [tilespmem:s19+$0x190]  }
0xdd: {  	v20 =	vadd.f32 v59, v8;
	v8 =	vld [tilespmem:s19+$0x3C0]  }
0xde: {  	v59 =	vld [tilespmem:s19+$0x330]  }
0xdf: {  	v36 =	vadd.f32 v21, v5;
	v5 =	vld [tilespmem:s19+$0x2B0]  }
0xe0: {  	v40 =	vadd.f32 v22, v7;
	v22 =	vld [tilespmem:s19+$0x6B0]  }
0xe1: {  	v7 =	vld [tilespmem:s19+$0x200]  }
0xe2: {  	v38 =	vadd.f32 v60, v19;
	v60 =	vld [tilespmem:s19+$0x240]  }
0xe3: {  	v19 =	vld [tilespmem:s19+$0x100]  }
0xe4: {  	v21 =	vld [tilespmem:s19+$0x110]  }
0xe5: {  	[tilespmem:$0x1FF70] =	vst v4;
	v4 =	vld [tilespmem:s19+$0x6D0]  }
0xe6: {  	v27 =	vadd.f32 v27, v34;
	v34 =	vld [tilespmem:$0x1FFA0]  }
0xe7: {  	v39 =	vadd.f32 v63, v20;
	v20 =	vld [tilespmem:s19+$0x690]  }
0xe8: {  	v63 =	vld [tilespmem:s19+$0x270];
	v24 =	vadd.f32 v24, v27  }
0xe9: {  	v27 =	vld [tilespmem:s19+$0x1B0]  }
0xea: {  	v19 =	vadd.f32 v19, v24;
	[tilespmem:$0x1FF80] =	vst v4;
	v4 =	vld [tilespmem:$0x1FF90]  }
0xeb: {  	v29 =	vadd.f32 v29, v34;
	v34 =	vld [tilespmem:$0x1FFB0]  }
0xec: {  	v24 =	vld [tilespmem:s19+$0x1D0];
	v15 =	vadd.f32 v15, v19  }
0xed: {  	v19 =	vld [tilespmem:s19+$0xC0]  }
0xee: {  	v7 =	vadd.f32 v7, v15;
	v15 =	vld [tilespmem:s19+$0x40]  }
0xef: {  	v28 =	vadd.f32 v28, v4;
	v4 =	vld [tilespmem:s19+$0x130]  }
0xf0: {  	v30 =	vadd.f32 v30, v34;
	v34 =	vld [tilespmem:s19+$0x1A0]  }
0xf1: {  	v1 =	vadd.f32 v1, v7;
	v7 =	vld [tilespmem:s19+$0x60];
	v25 =	vadd.f32 v25, v28  }
0xf2: {  	v28 =	vadd.f32 v31, v29;
	v29 =	vadd.f32 v32, v30;
	v30 =	vld [tilespmem:s19+$0x1C0]  }
0xf3: {  	v31 =	vld [tilespmem:s19+$0xF0]  }
0xf4: {  	v21 =	vadd.f32 v21, v25;
	v33 =	vadd.f32 v33, v28;
	v28 =	vld [tilespmem:s19+$0x140]  }
0xf5: {  	v25 =	vld [tilespmem:s19+$0xD0];
	v4 =	vadd.f32 v4, v29  }
0xf6: {  	v29 =	vld [tilespmem:s19+$0x150];
	v17 =	vadd.f32 v17, v21  }
0xf7: {  	v34 =	vadd.f32 v34, v33;
	v21 =	vld [tilespmem:s19+$0x1E0];
	v4 =	vadd.f32 v27, v4  }
0xf8: {  	v27 =	vld [tilespmem:s19+$0x50];
	v9 =	vadd.f32 v9, v17  }
0xf9: {  	v12 =	vadd.f32 v12, v34;
	v17 =	vld [tilespmem:$0x1FFF0];
	v4 =	vadd.f32 v13, v4  }
0xfa: {  	v3 =	vadd.f32 v3, v9;
	v9 =	vld [tilespmem:s19+$0xE0]  }
0xfb: {  	v0 =	vadd.f32 v0, v12;
	v4 =	vadd.f32 v5, v4;
	v5 =	vld [tilespmem:s19+$0x70]  }
0xfc: {  	v1 =	vadd.f32 v56, v1;
	v3 =	vadd.f32 v58, v3;
	v58 =	vld [tilespmem:$0x1FFD0]  }
0xfd: {  	v0 =	vadd.f32 v57, v0;
	v57 =	vld [tilespmem:$0x1FFC0];
	v4 =	vadd.f32 v59, v4  }
0xfe: {  	v34 =	vadd.f32 v44, v1;
	v59 =	vld [tilespmem:$0x1FFE0]  }
0xff: {  	v44 =	vadd.f32 v45, v3;
	v56 =	vadd.f32 v51, v4;
	v4 =	vld [tilespmem:s19+$0x170]  }
0x100: {  	v45 =	vld [tilespmem:s19+$0x160];
	v0 =	vadd.f32 v46, v0;
	v5 =	vadd.f32 v5, v17  }
0x101: {  	v3 =	vadd.f32 v27, v58;
	v27 =	vld [tilespmem:s19+$0x1F0]  }
0x102: {  	v46 =	vld [tilespmem:s19+$0x400];
	[tilespmem:$0x1FFA0] =	vst v0;
	v0 =	vadd.f32 v15, v57;
	v5 =	vadd.f32 v31, v5  }
0x103: {  	v51 =	vld [tilespmem:s19+$0x410];
	v7 =	vadd.f32 v7, v59  }
0x104: {  	[tilespmem:$0x1FF90] =	vst v44;
	v44 =	vld [tilespmem:s19+$0x480];
	v0 =	vadd.f32 v19, v0;
	v4 =	vadd.f32 v4, v5  }
0x105: {  	[tilespmem:$0x1FFB0] =	vst v56;
	v56 =	vld [tilespmem:s19+$0x4B0];
	v3 =	vadd.f32 v25, v3;
	v7 =	vadd.f32 v9, v7  }
0x106: {  	v58 =	vld [tilespmem:s19+$0x520];
	v0 =	vadd.f32 v28, v0;
	v4 =	vadd.f32 v27, v4  }
0x107: {  	v31 =	vld [tilespmem:s19+$0x590];
	v3 =	vadd.f32 v29, v3;
	v1 =	vadd.f32 v45, v7  }
0x108: {  	v9 =	vld [tilespmem:s19+$0x580];
	v0 =	vadd.f32 v30, v0;
	v4 =	vadd.f32 v63, v4  }
0x109: {  	v7 =	vld [tilespmem:s19+$0x510];
	v3 =	vadd.f32 v24, v3;
	v1 =	vadd.f32 v21, v1  }
0x10a: {  	v0 =	vadd.f32 v60, v0;
	v60 =	vld [tilespmem:$0x1FEA0];
	v4 =	vadd.f32 v55, v4  }
0x10b: {  	v3 =	vadd.f32 v62, v3;
	v1 =	vadd.f32 v61, v1;
	v61 =	vld [tilespmem:$0x1FEB0]  }
0x10c: {  	v0 =	vadd.f32 v52, v0;
	v52 =	vld [tilespmem:s19+$0x420];
	v4 =	vadd.f32 v43, v4  }
0x10d: {  	v3 =	vadd.f32 v54, v3;
	v54 =	vld [tilespmem:s19+$0x430];
	v1 =	vadd.f32 v53, v1  }
0x10e: {  	v0 =	vadd.f32 v23, v0;
	v59 =	vadd.f32 v14, v4;
	v4 =	vld [tilespmem:$0x1FEC0]  }
0x10f: {  	v45 =	vld [tilespmem:s19+$0x490];
	v3 =	vadd.f32 v42, v3;
	v1 =	vadd.f32 v26, v1  }
0x110: {  	v55 =	vld [tilespmem:s19+$0x4A0];
	v0 =	vadd.f32 v8, v0  }
0x111: {  	v62 =	vld [tilespmem:s19+$0x530];
	v57 =	vadd.f32 v2, v3;
	v1 =	vadd.f32 v10, v1  }
0x112: {  	v5 =	vld [tilespmem:s19+$0x500];
	v2 =	vadd.f32 v51, v61;
	v6 =	vadd.f32 v54, v6  }
0x113: {  	v63 =	vld [tilespmem:s19+$0x5B0];
	[tilespmem:$0x1FFE0] =	vst v1;
	v1 =	vadd.f32 v46, v60;
	v4 =	vadd.f32 v52, v4  }
0x114: {  	v8 =	vld [tilespmem:s19+$0x5A0];
	v2 =	vadd.f32 v45, v2;
	v6 =	vadd.f32 v56, v6  }
0x115: {  	v43 =	vld [tilespmem:s19+$0x5C0];
	v1 =	vadd.f32 v44, v1;
	v4 =	vadd.f32 v55, v4  }
0x116: {  	v53 =	vld [tilespmem:s19+$0x540];
	v2 =	vadd.f32 v7, v2;
	v3 =	vadd.f32 v62, v6  }
0x117: {  	v42 =	vld [tilespmem:s19+$0x4C0];
	[tilespmem:$0x1FFC0] =	vst v0;
	v1 =	vadd.f32 v5, v1;
	v0 =	vadd.f32 v58, v4  }
0x118: {  	p0 =	sne.s32 s20, $0x1E000;
	v61 =	vld [tilespmem:s19+$0x450];
	v2 =	vadd.f32 v31, v2;
	v3 =	vadd.f32 v63, v3  }
.Ltmp0:
0x119: {  	v54 =	vld [tilespmem:s19+$0x4D0];
	v1 =	vadd.f32 v9, v1;
	v0 =	vadd.f32 v8, v0;
	(pc) =	sbr.rel @p0 .LBB2_2-.Ltmp0, $4  }
0x11a: {  	v56 =	vld [tilespmem:s19+$0x550];
	v2 =	vadd.f32 v49, v2;
	v3 =	vadd.f32 v50, v3  }
0x11b: {  	v60 =	vld [tilespmem:s19+$0x440];
	v1 =	vadd.f32 v47, v1;
	v0 =	vadd.f32 v48, v0  }
0x11c: {  	[tilespmem:$0x1FFF0] =	vst v59;
	v44 =	vld [tilespmem:s19+$0x5D0];
	v63 =	vadd.f32 v20, v2;
	v59 =	vadd.f32 v22, v3  }
0x11d: {  	s20 =	sadd.s32 $0x2000, s20;
	[tilespmem:$0x1FFD0] =	vst v57;
	v7 =	vmovc v35;
	v35 =	vmov v11;
	v62 =	vld [tilespmem:s19+$0x460];
	v49 =	vadd.f32 v16, v1;
	v58 =	vadd.f32 v18, v0  }
0x11e: {  	v1 =	vld [tilespmem:s19+$0x470]  }
0x11f: {  	v3 =	vld [tilespmem:s19+$0x4E0]  }
0x120: {  	v4 =	vld [tilespmem:s19+$0x4F0]  }
0x121: {  	v9 =	vld [tilespmem:s19+$0x560]  }
0x122: {  	v15 =	vld [tilespmem:s19+$0x570]  }
0x123: {  	v17 =	vld [tilespmem:s19+$0x5E0]  }
0x124: {  	v19 =	vld [tilespmem:s19+$0x5F0]  }
0x125: {  	v21 =	vld [tilespmem:s19+$0x660]  }
0x126: {  	v24 =	vld [tilespmem:s19+$0x670]  }
0x127: {  	v25 =	vld [tilespmem:s19+$0x6E0]  }
0x128: {  	v27 =	vld [tilespmem:s19+$0x6F0]  }
0x129: {  	v28 =	vld [tilespmem:s19+$0x760]  }
0x12a: {  	v29 =	vld [tilespmem:s19+$0x770]  }
0x12b: {  	v45 =	vld [tilespmem:s19+$0x7E0];
	s31 =	simm.s32 $0x0  }
0x12c: {  	v31 =	vld [tilespmem:s19+$0x7F0];
	[tilespmem:s31], [sflag:$0x1] =	stream.linear.gather [hbm4b:s6+s31], $0x8000, $0x38  }
0x12d: {  	_ =	swait.ge [sflag:s12], $0x8000  }
0x12e: {  	[sflag:s12] =	ssyncset.done $0x0;
	v2 =	vld [tilespmem:$0x1FF30]  }
0x12f: {  	s19 =	simm.s32 $0x0;
	v58 =	vadd.f32 v35, v58;
	v35 =	vld [tilespmem:$0x1FF50];
	[sflag:s12] =	ssyncadd.s32 $0xFFFF8000  }
0x130: {  	v0 =	vld [tilespmem:s19+$0x8380]  }
0x131: {  	v32 =	vld [tilespmem:s19+$0x8390]  }
0x132: {  	v33 =	vld [tilespmem:s19+$0x83A0]  }
0x133: {  	v46 =	vld [tilespmem:s19+$0x83B0]  }
0x134: {  	v22 =	vld [tilespmem:s19+$0x83C0]  }
0x135: {  	v23 =	vld [tilespmem:s19+$0x83D0]  }
0x136: {  	v18 =	vld [tilespmem:s19+$0x83E0]  }
0x137: {  	v20 =	vld [tilespmem:s19+$0x83F0]  }
0x138: {  	v47 =	vld [tilespmem:s19+$0x8780]  }
0x139: {  	v48 =	vld [tilespmem:s19+$0x8790]  }
0x13a: {  	v50 =	vld [tilespmem:s19+$0x87A0]  }
0x13b: {  	v51 =	vld [tilespmem:s19+$0x87B0]  }
0x13c: {  	v52 =	vld [tilespmem:s19+$0x87C0]  }
0x13d: {  	v55 =	vld [tilespmem:s19+$0x87D0]  }
0x13e: {  	v57 =	vld [tilespmem:s19+$0x8340]  }
0x13f: {  	v5 =	vld [tilespmem:s19+$0x8350]  }
0x140: {  	v26 =	vld [tilespmem:s19+$0x8360]  }
0x141: {  	v6 =	vld [tilespmem:s19+$0x8370]  }
0x142: {  	v8 =	vld [tilespmem:s19+$0x8700]  }
0x143: {  	v10 =	vld [tilespmem:s19+$0x8710]  }
0x144: {  	v11 =	vld [tilespmem:s19+$0x8720]  }
0x145: {  	v12 =	vld [tilespmem:s19+$0x8730]  }
0x146: {  	v13 =	vld [tilespmem:s19+$0x8740]  }
0x147: {  	v14 =	vld [tilespmem:s19+$0x8750]  }
0x148: {  	v30 =	vld [tilespmem:s19+$0x82B0]  }
0x149: {  	v16 =	vld [tilespmem:s19+$0x82C0]  }
0x14a: {  	v38 =	vadd.f32 v62, v38;
	v1 =	vadd.f32 v1, v39;
	v62 =	vld [tilespmem:s19+$0x8000]  }
0x14b: {  	v39 =	vld [tilespmem:$0x1FF70]  }
0x14c: {  	v3 =	vadd.f32 v3, v38;
	v1 =	vadd.f32 v4, v1;
	v4 =	vld [tilespmem:s19+$0x8180]  }
0x14d: {  	v35 =	vadd.f32 v35, v59;
	v59 =	vld [tilespmem:s19+$0x8600]  }
0x14e: {  	v3 =	vadd.f32 v9, v3;
	v9 =	vld [tilespmem:s19+$0x8100]  }
0x14f: {  	[tilespmem:$0x1FC90] =	vst v47;
	v47 =	vld [tilespmem:s19+$0x8300]  }
0x150: {  	[tilespmem:$0x1FDB0] =	vst v46;
	v46 =	vld [tilespmem:s19+$0x8310]  }
0x151: {  	[tilespmem:$0x1FCB0] =	vst v50;
	v50 =	vld [tilespmem:s19+$0x8320]  }
0x152: {  	[tilespmem:$0x1FCA0] =	vst v48;
	v48 =	vld [tilespmem:s19+$0x8330]  }
0x153: {  	[tilespmem:$0x1FD80] =	vst v32;
	v32 =	vld [tilespmem:s19+$0x8280]  }
0x154: {  	[tilespmem:$0x1FD90] =	vst v33;
	v33 =	vld [tilespmem:s19+$0x8290]  }
0x155: {  	[tilespmem:$0x1FE30] =	vst v6;
	v6 =	vmov v34;
	v34 =	vld [tilespmem:s19+$0x82A0]  }
0x156: {  	[tilespmem:$0x1FCC0] =	vst v51;
	v51 =	vld [tilespmem:s19+$0x82D0]  }
0x157: {  	[tilespmem:$0x1FCD0] =	vst v52;
	v52 =	vld [tilespmem:s19+$0x82E0]  }
0x158: {  	[tilespmem:$0x1FCE0] =	vst v55;
	v55 =	vld [tilespmem:s19+$0x82F0]  }
0x159: {  	[tilespmem:$0x1FD40] =	vst v14;
	v14 =	vld [tilespmem:s19+$0x8680]  }
0x15a: {  	[tilespmem:$0x1FDD0] =	vst v16;
	v16 =	vld [tilespmem:s19+$0x8690]  }
0x15b: {  	[tilespmem:$0x1FD00] =	vst v10;
	v10 =	vld [tilespmem:s19+$0x86A0]  }
0x15c: {  	[tilespmem:$0x1FD10] =	vst v11;
	v11 =	vld [tilespmem:s19+$0x86B0]  }
0x15d: {  	[tilespmem:$0x1FE10] =	vst v57;
	v57 =	vld [tilespmem:s19+$0x86C0]  }
0x15e: {  	[tilespmem:$0x1FE20] =	vst v5;
	v5 =	vld [tilespmem:s19+$0x86D0]  }
0x15f: {  	[tilespmem:$0x1FCF0] =	vst v8;
	v8 =	vld [tilespmem:$0x1FF40]  }
0x160: {  	[tilespmem:$0x1FD20] =	vst v12;
	v12 =	vld [tilespmem:s19+$0x8200]  }
0x161: {  	[tilespmem:$0x1FD30] =	vst v13;
	v13 =	vld [tilespmem:s19+$0x8210]  }
0x162: {  	[tilespmem:$0x1FD70] =	vst v0;
	v0 =	vld [tilespmem:s19+$0x8230]  }
0x163: {  	v1 =	vadd.f32 v15, v1;
	v3 =	vadd.f32 v17, v3;
	v17 =	vld [tilespmem:s19+$0x8080]  }
0x164: {  	v8 =	vadd.f32 v8, v63;
	v63 =	vld [tilespmem:$0x1FED0]  }
0x165: {  	v1 =	vadd.f32 v19, v1;
	v62 =	vadd.f32 v62, v6;
	v6 =	vld [tilespmem:$0x1FF90]  }
0x166: {  	v3 =	vadd.f32 v21, v3;
	v21 =	vld [tilespmem:s19+$0x8140]  }
0x167: {  	v1 =	vadd.f32 v24, v1;
	v24 =	vld [tilespmem:s19+$0x8010];
	[tilespmem:$0x1FD50] =	vst v57;
	v57 =	vadd.f32 v2, v49  }
0x168: {  	v3 =	vadd.f32 v25, v3;
	v25 =	vld [tilespmem:s19+$0x8020]  }
0x169: {  	[tilespmem:$0x1FE80] =	vst v59;
	v59 =	vadd.f32 v63, v57;
	v63 =	vld [tilespmem:$0x1FEF0]  }
0x16a: {  	[tilespmem:$0x1FD60] =	vst v5;
	v5 =	vld [tilespmem:s19+$0x8220]  }
0x16b: {  	[tilespmem:$0x1FDE0] =	vst v51;
	v51 =	vld [tilespmem:s19+$0x8240]  }
0x16c: {  	[tilespmem:$0x1FDF0] =	vst v52;
	v52 =	vld [tilespmem:s19+$0x8250]  }
0x16d: {  	[tilespmem:$0x1FE00] =	vst v55;
	v55 =	vld [tilespmem:s19+$0x8260];
	v3 =	vadd.f32 v28, v3  }
0x16e: {  	v58 =	vadd.f32 v63, v58;
	v63 =	vld [tilespmem:$0x1FF00]  }
0x16f: {  	v49 =	vld [tilespmem:s19+$0x8270];
	v38 =	vadd.f32 v45, v3;
	v3 =	vadd.f32 v17, v62  }
0x170: {  	v28 =	vld [tilespmem:s19+$0x80A0]  }
0x171: {  	v45 =	vld [tilespmem:$0x1FFB0];
	v3 =	vadd.f32 v9, v3  }
0x172: {  	v57 =	vld [tilespmem:$0x1FEE0]  }
0x173: {  	v3 =	vadd.f32 v4, v3;
	v63 =	vadd.f32 v63, v35;
	v35 =	vld [tilespmem:s19+$0x8620]  }
0x174: {  	v62 =	vld [tilespmem:s19+$0x81B0]  }
0x175: {  	v17 =	vld [tilespmem:s19+$0x81D0];
	v3 =	vadd.f32 v12, v3  }
0x176: {  	v9 =	vld [tilespmem:s19+$0x8150]  }
0x177: {  	v12 =	vld [tilespmem:s19+$0x80D0];
	v3 =	vadd.f32 v32, v3  }
0x178: {  	v57 =	vadd.f32 v57, v8;
	v8 =	vld [tilespmem:s19+$0x8610];
	[tilespmem:$0x1FE90] =	vst v35;
	v35 =	vadd.f32 v60, v36  }
0x179: {  	v3 =	vadd.f32 v47, v3;
	v47 =	vld [tilespmem:$0x1FD70];
	v36 =	vadd.f32 v61, v40  }
0x17a: {  	v61 =	vld [tilespmem:s19+$0x8630];
	v35 =	vadd.f32 v42, v35  }
0x17b: {  	v40 =	vld [tilespmem:s19+$0x8640];
	v36 =	vadd.f32 v54, v36  }
0x17c: {  	v42 =	vld [tilespmem:s19+$0x8650];
	v35 =	vadd.f32 v53, v35  }
0x17d: {  	v36 =	vadd.f32 v56, v36;
	v53 =	vld [tilespmem:s19+$0x8190]  }
0x17e: {  	v54 =	vadd.f32 v43, v35;
	v43 =	vld [tilespmem:s19+$0x8110]  }
0x17f: {  	v56 =	vadd.f32 v44, v36;
	v35 =	vld [tilespmem:s19+$0x8090]  }
0x180: {  	v1 =	vadd.f32 v27, v1;
	v44 =	vld [tilespmem:$0x1FF60]  }
0x181: {  	v60 =	vadd.f32 v41, v56;
	v41 =	vld [tilespmem:$0x1FF80]  }
0x182: {  	v1 =	vadd.f32 v29, v1;
	v15 =	vadd.f32 v37, v54;
	v54 =	vld [tilespmem:s19+$0x8030]  }
0x183: {  	v56 =	vld [tilespmem:$0x1FF10]  }
0x184: {  	v15 =	vadd.f32 v39, v15;
	v39 =	vadd.f32 v31, v1;
	v1 =	vld [tilespmem:s19+$0x8120]  }
0x185: {  	v31 =	vld [tilespmem:s19+$0x8130]  }
0x186: {  	v19 =	vadd.f32 v41, v60;
	v41 =	vld [tilespmem:$0x1FFA0]  }
0x187: {  	v15 =	vadd.f32 v7, v15;
	v60 =	vld [tilespmem:$0x1FF20]  }
0x188: {  	v54 =	vadd.f32 v54, v45;
	v45 =	vld [tilespmem:s19+$0x8070]  }
0x189: {  	v36 =	vadd.f32 v56, v15;
	v15 =	vld [tilespmem:s19+$0x80B0]  }
0x18a: {  	v56 =	vld [tilespmem:s19+$0x81A0];
	v19 =	vadd.f32 v44, v19  }
0x18b: {  	v7 =	vadd.f32 v24, v6;
	v44 =	vadd.f32 v25, v41;
	v25 =	vld [tilespmem:s19+$0x81C0]  }
0x18c: {  	v37 =	vadd.f32 v60, v19;
	v19 =	vld [tilespmem:s19+$0x80C0]  }
0x18d: {  	v60 =	vadd.f32 v35, v7;
	v41 =	vld [tilespmem:s19+$0x8040]  }
0x18e: {  	v15 =	vadd.f32 v15, v54;
	v54 =	vld [tilespmem:$0x1FDB0]  }
0x18f: {  	v29 =	vadd.f32 v43, v60;
	v43 =	vld [tilespmem:s19+$0x8050]  }
0x190: {  	v24 =	vadd.f32 v28, v44;
	v44 =	vld [tilespmem:s19+$0x8060]  }
0x191: {  	v28 =	vld [tilespmem:$0x1FFD0]  }
0x192: {  	v60 =	vld [tilespmem:$0x1FFC0];
	v1 =	vadd.f32 v1, v24  }
0x193: {  	v15 =	vadd.f32 v31, v15;
	v31 =	vadd.f32 v53, v29;
	v53 =	vld [tilespmem:$0x1FD90]  }
0x194: {  	v1 =	vadd.f32 v56, v1;
	v56 =	vld [tilespmem:s19+$0x8160]  }
0x195: {  	v15 =	vadd.f32 v62, v15;
	v4 =	vadd.f32 v13, v31;
	v31 =	vld [tilespmem:$0x1FFE0]  }
0x196: {  	v29 =	vadd.f32 v43, v28;
	v43 =	vld [tilespmem:s19+$0x81E0]  }
0x197: {  	v35 =	vadd.f32 v0, v15;
	v15 =	vld [tilespmem:s19+$0x8580]  }
0x198: {  	v0 =	vld [tilespmem:s19+$0x8500]  }
0x199: {  	v62 =	vadd.f32 v41, v60;
	v60 =	vld [tilespmem:$0x1FE30]  }
0x19a: {  	v4 =	vadd.f32 v33, v4;
	v33 =	vld [tilespmem:$0x1FFF0]  }
0x19b: {  	v1 =	vadd.f32 v5, v1;
	v5 =	vadd.f32 v30, v35;
	v30 =	vld [tilespmem:s19+$0x8170]  }
0x19c: {  	v4 =	vadd.f32 v46, v4;
	v46 =	vld [tilespmem:s19+$0x80E0]  }
0x19d: {  	v1 =	vadd.f32 v34, v1;
	v34 =	vadd.f32 v47, v3;
	v47 =	vld [tilespmem:s19+$0x8400]  }
0x19e: {  	v5 =	vadd.f32 v48, v5;
	v48 =	vld [tilespmem:$0x1FD80]  }
0x19f: {  	v32 =	vadd.f32 v44, v31;
	v44 =	vld [tilespmem:s19+$0x81F0]  }
0x1a0: {  	v31 =	vld [tilespmem:s19+$0x8520]  }
0x1a1: {  	v1 =	vadd.f32 v50, v1;
	v50 =	vld [tilespmem:s19+$0x80F0]  }
0x1a2: {  	v41 =	vadd.f32 v45, v33;
	v45 =	vld [tilespmem:s19+$0x8480]  }
0x1a3: {  	v1 =	vadd.f32 v53, v1;
	v53 =	vld [tilespmem:s19+$0x8420];
	v13 =	vadd.f32 v46, v32  }
0x1a4: {  	v46 =	vld [tilespmem:s19+$0x8490];
	v35 =	vadd.f32 v48, v4;
	v4 =	vadd.f32 v19, v62  }
0x1a5: {  	[tilespmem:$0x1FDA0] =	vst v1;
	v1 =	vadd.f32 v54, v5;
	v5 =	vadd.f32 v12, v29;
	v48 =	vld [tilespmem:$0x1FDD0]  }
0x1a6: {  	v54 =	vld [tilespmem:$0x1FE10];
	v3 =	vadd.f32 v50, v41;
	v4 =	vadd.f32 v21, v4  }
0x1a7: {  	v62 =	vld [tilespmem:s19+$0x84A0];
	v5 =	vadd.f32 v9, v5  }
0x1a8: {  	v50 =	vld [tilespmem:s19+$0x8410];
	v3 =	vadd.f32 v30, v3;
	v4 =	vadd.f32 v25, v4  }
0x1a9: {  	[tilespmem:$0x1FDC0] =	vst v1;
	v1 =	vadd.f32 v56, v13;
	v56 =	vld [tilespmem:s19+$0x8430];
	v5 =	vadd.f32 v17, v5  }
0x1aa: {  	v3 =	vadd.f32 v44, v3;
	v4 =	vadd.f32 v51, v4;
	v51 =	vld [tilespmem:$0x1FDF0]  }
0x1ab: {  	v1 =	vadd.f32 v43, v1;
	v5 =	vadd.f32 v52, v5;
	v52 =	vld [tilespmem:$0x1FE00]  }
0x1ac: {  	v32 =	vadd.f32 v47, v59;
	v3 =	vadd.f32 v49, v3;
	v49 =	vld [tilespmem:$0x1FDE0]  }
0x1ad: {  	v29 =	vld [tilespmem:s19+$0x84B0];
	v1 =	vadd.f32 v55, v1;
	v4 =	vadd.f32 v48, v4  }
0x1ae: {  	v41 =	vld [tilespmem:s19+$0x8530];
	v33 =	vadd.f32 v50, v57;
	v50 =	vadd.f32 v53, v58  }
0x1af: {  	v55 =	vld [tilespmem:$0x1FE20];
	v4 =	vadd.f32 v54, v4;
	v1 =	vadd.f32 v51, v1  }
0x1b0: {  	v9 =	vld [tilespmem:s19+$0x8590];
	v3 =	vadd.f32 v52, v3;
	v51 =	vadd.f32 v56, v63  }
0x1b1: {  	v13 =	vld [tilespmem:s19+$0x8510];
	v5 =	vadd.f32 v49, v5;
	v1 =	vadd.f32 v26, v1  }
0x1b2: {  	v43 =	vld [tilespmem:s19+$0x84C0];
	v3 =	vadd.f32 v60, v3;
	v26 =	vadd.f32 v22, v4  }
0x1b3: {  	v44 =	vld [tilespmem:s19+$0x85C0];
	v60 =	vadd.f32 v62, v50;
	v4 =	vadd.f32 v29, v51  }
0x1b4: {  	v53 =	vld [tilespmem:s19+$0x85B0];
	v5 =	vadd.f32 v55, v5;
	v1 =	vadd.f32 v18, v1  }
0x1b5: {  	v52 =	vld [tilespmem:s19+$0x85A0];
	v30 =	vadd.f32 v20, v3;
	v3 =	vadd.f32 v45, v32  }
0x1b6: {  	v62 =	vld [tilespmem:$0x1FE80];
	v28 =	vadd.f32 v23, v5;
	v5 =	vadd.f32 v46, v33  }
0x1b7: {  	v63 =	vld [tilespmem:$0x1FE90];
	v4 =	vadd.f32 v41, v4;
	v3 =	vadd.f32 v0, v3  }
0x1b8: {  	v54 =	vld [tilespmem:s19+$0x84D0];
	[tilespmem:$0x1FE60] =	vst v1;
	v1 =	vadd.f32 v31, v60;
	v5 =	vadd.f32 v13, v5  }
0x1b9: {  	v56 =	vld [tilespmem:s19+$0x8540];
	v4 =	vadd.f32 v53, v4;
	v3 =	vadd.f32 v15, v3  }
0x1ba: {  	v49 =	vld [tilespmem:s19+$0x85D0];
	v1 =	vadd.f32 v52, v1;
	v5 =	vadd.f32 v9, v5  }
0x1bb: {  	v41 =	vld [tilespmem:s19+$0x8440];
	v4 =	vadd.f32 v61, v4;
	v3 =	vadd.f32 v62, v3  }
0x1bc: {  	[tilespmem:$0x1FE40] =	vst v26;
	v60 =	vld [tilespmem:s19+$0x8550];
	v1 =	vadd.f32 v63, v1;
	v5 =	vadd.f32 v8, v5  }
0x1bd: {  	[tilespmem:$0x1FE70] =	vst v30;
	v61 =	vld [tilespmem:s19+$0x8450];
	v58 =	vadd.f32 v11, v4;
	v59 =	vadd.f32 v14, v3  }
0x1be: {  	s20 =	simm.s32 $0x2000;
	[tilespmem:$0x1FE50] =	vst v28;
	v62 =	vld [tilespmem:s19+$0x8460];
	v57 =	vadd.f32 v10, v1;
	v63 =	vadd.f32 v16, v5  }
.LBB2_4:
0x1bf: {  	v4 =	vld [tilespmem:s19+$0x8470]  }
0x1c0: {  	v0 =	vld [tilespmem:$0x1FCF0]  }
0x1c1: {  	v46 =	vld [tilespmem:$0x1FD00]  }
0x1c2: {  	v9 =	vld [tilespmem:s19+$0x84E0]  }
0x1c3: {  	v47 =	vld [tilespmem:$0x1FD10]  }
0x1c4: {  	v48 =	vld [tilespmem:$0x1FD20]  }
0x1c5: {  	v12 =	vld [tilespmem:s19+$0x84F0]  }
0x1c6: {  	v50 =	vld [tilespmem:$0x1FC90]  }
0x1c7: {  	v51 =	vld [tilespmem:$0x1FCA0]  }
0x1c8: {  	v10 =	vld [tilespmem:s19+$0x8560]  }
0x1c9: {  	v52 =	vld [tilespmem:$0x1FCB0]  }
0x1ca: {  	v53 =	vld [tilespmem:$0x1FCC0]  }
0x1cb: {  	v13 =	vld [tilespmem:s19+$0x8570]  }
0x1cc: {  	v15 =	vld [tilespmem:s19+$0x85E0]  }
0x1cd: {  	v17 =	vld [tilespmem:s19+$0x85F0]  }
0x1ce: {  	v55 =	vld [tilespmem:s19+$0x8670]  }
0x1cf: {  	v2 =	vld [tilespmem:$0x1FD40]  }
0x1d0: {  	v16 =	vld [tilespmem:$0x1FCE0]  }
0x1d1: {  	v11 =	vadd.f32 v61, v37;
	v61 =	vld [tilespmem:$0x1FD50]  }
0x1d2: {  	v14 =	vadd.f32 v62, v38;
	v62 =	vld [tilespmem:$0x1FD60]  }
0x1d3: {  	v5 =	vadd.f32 v47, v57;
	v57 =	vld [tilespmem:s19+$0x86F0]  }
0x1d4: {  	v8 =	vadd.f32 v41, v36;
	v7 =	vadd.f32 v48, v58;
	v58 =	vld [tilespmem:s19+$0x8760]  }
0x1d5: {  	v1 =	vadd.f32 v0, v59;
	v59 =	vld [tilespmem:s19+$0x8770]  }
0x1d6: {  	v3 =	vadd.f32 v46, v63;
	v63 =	vld [tilespmem:s19+$0x87F0];
	v8 =	vadd.f32 v43, v8  }
0x1d7: {  	v11 =	vadd.f32 v54, v11;
	v54 =	vld [tilespmem:s19+$0x8660]  }
0x1d8: {  	v9 =	vadd.f32 v9, v14;
	v8 =	vadd.f32 v56, v8;
	v56 =	vld [tilespmem:s19+$0x86E0]  }
0x1d9: {  	v11 =	vadd.f32 v60, v11;
	v60 =	vld [tilespmem:s19+$0x87E0]  }
0x1da: {  	v9 =	vadd.f32 v10, v9;
	s19 =	sshra.s32 s20, $0x2;
	v10 =	vld [tilespmem:$0x1FD30]  }
0x1db: {  	v4 =	vadd.f32 v4, v39;
	v45 =	vld [tilespmem:s19+$0x8390]  }
0x1dc: {  	v46 =	vld [tilespmem:s19+$0x83A0]  }
0x1dd: {  	v4 =	vadd.f32 v12, v4;
	v12 =	vld [tilespmem:s19+$0x83E0]  }
0x1de: {  	v18 =	vld [tilespmem:s19+$0x8790]  }
0x1df: {  	v19 =	vld [tilespmem:s19+$0x87A0]  }
0x1e0: {  	v20 =	vld [tilespmem:s19+$0x87B0]  }
0x1e1: {  	v21 =	vld [tilespmem:s19+$0x87C0]  }
0x1e2: {  	v22 =	vld [tilespmem:s19+$0x87D0]  }
0x1e3: {  	v25 =	vld [tilespmem:s19+$0x8340]  }
0x1e4: {  	v41 =	vld [tilespmem:s19+$0x8350]  }
0x1e5: {  	v27 =	vld [tilespmem:s19+$0x8360]  }
0x1e6: {  	v43 =	vld [tilespmem:s19+$0x8370]  }
0x1e7: {  	v23 =	vld [tilespmem:s19+$0x8700]  }
0x1e8: {  	v24 =	vld [tilespmem:s19+$0x8710]  }
0x1e9: {  	v26 =	vld [tilespmem:s19+$0x8720]  }
0x1ea: {  	v28 =	vld [tilespmem:s19+$0x8730]  }
0x1eb: {  	v29 =	vld [tilespmem:s19+$0x8740]  }
0x1ec: {  	v30 =	vld [tilespmem:s19+$0x8750]  }
0x1ed: {  	v5 =	vadd.f32 v52, v5;
	v52 =	vld [tilespmem:s19+$0x82C0]  }
0x1ee: {  	v0 =	vadd.f32 v53, v7;
	v53 =	vld [tilespmem:s19+$0x82E0]  }
0x1ef: {  	v31 =	vld [tilespmem:s19+$0x86C0]  }
0x1f0: {  	v32 =	vld [tilespmem:s19+$0x86D0]  }
0x1f1: {  	v14 =	vld [tilespmem:s19+$0x8230]  }
0x1f2: {  	v47 =	vld [tilespmem:s19+$0x8600]  }
0x1f3: {  	v1 =	vadd.f32 v50, v1;
	v50 =	vld [tilespmem:s19+$0x8610]  }
0x1f4: {  	v48 =	vld [tilespmem:s19+$0x8620]  }
0x1f5: {  	v3 =	vadd.f32 v51, v3;
	v51 =	vld [tilespmem:s19+$0x8630]  }
0x1f6: {  	v7 =	vld [tilespmem:s19+$0x8110]  }
0x1f7: {  	v33 =	vld [tilespmem:s19+$0x8120]  }
0x1f8: {  	v8 =	vadd.f32 v44, v8;
	v44 =	vld [tilespmem:s19+$0x8380]  }
0x1f9: {  	v4 =	vadd.f32 v13, v4;
	v11 =	vadd.f32 v49, v11;
	v49 =	vld [tilespmem:s19+$0x83B0]  }
0x1fa: {  	v9 =	vadd.f32 v15, v9;
	v15 =	vld [tilespmem:$0x1FCD0]  }
0x1fb: {  	v4 =	vadd.f32 v17, v4;
	v17 =	vld [tilespmem:s19+$0x8780]  }
0x1fc: {  	v9 =	vadd.f32 v54, v9;
	v54 =	vld [tilespmem:s19+$0x82D0]  }
0x1fd: {  	v8 =	vadd.f32 v40, v8;
	v40 =	vld [tilespmem:s19+$0x8640]  }
0x1fe: {  	v11 =	vadd.f32 v42, v11;
	v42 =	vld [tilespmem:s19+$0x8650]  }
0x1ff: {  	v4 =	vadd.f32 v55, v4;
	v55 =	vld [tilespmem:s19+$0x82F0]  }
0x200: {  	v9 =	vadd.f32 v56, v9;
	v56 =	vld [tilespmem:s19+$0x8300]  }
0x201: {  	[tilespmem:$0x1FCD0] =	vst v21;
	v21 =	vld [tilespmem:s19+$0x8690]  }
0x202: {  	[tilespmem:$0x1FCB0] =	vst v19;
	v19 =	vld [tilespmem:s19+$0x86A0]  }
0x203: {  	[tilespmem:$0x1FD00] =	vst v24;
	v24 =	vld [tilespmem:s19+$0x86B0]  }
0x204: {  	v11 =	vadd.f32 v62, v11;
	v62 =	vld [tilespmem:s19+$0x8250]  }
0x205: {  	v8 =	vadd.f32 v61, v8;
	v61 =	vld [tilespmem:s19+$0x8260]  }
0x206: {  	[tilespmem:$0x1FCA0] =	vst v18;
	v18 =	vld [tilespmem:s19+$0x8190]  }
0x207: {  	[tilespmem:$0x1FCC0] =	vst v20;
	v20 =	vld [tilespmem:s19+$0x8100]  }
0x208: {  	[tilespmem:$0x1FCE0] =	vst v22;
	v22 =	vld [tilespmem:s19+$0x8080]  }
0x209: {  	[tilespmem:$0x1FCF0] =	vst v23;
	v23 =	vld [tilespmem:s19+$0x8090]  }
0x20a: {  	[tilespmem:$0x1FD10] =	vst v26;
	v26 =	vld [tilespmem:s19+$0x8000]  }
0x20b: {  	[tilespmem:$0x1FD20] =	vst v28;
	v28 =	vld [tilespmem:s19+$0x8010]  }
0x20c: {  	[tilespmem:$0x1FD30] =	vst v29;
	v29 =	vld [tilespmem:s19+$0x8020]  }
0x20d: {  	[tilespmem:$0x1FD40] =	vst v30;
	v30 =	vld [tilespmem:s19+$0x8030]  }
0x20e: {  	[tilespmem:$0x1FD50] =	vst v31;
	v31 =	vld [tilespmem:s19+$0x80A0]  }
0x20f: {  	[tilespmem:$0x1FD60] =	vst v32;
	v32 =	vld [tilespmem:s19+$0x80B0]  }
0x210: {  	v4 =	vadd.f32 v57, v4;
	v57 =	vld [tilespmem:s19+$0x8320]  }
0x211: {  	v13 =	vadd.f32 v58, v9;
	v9 =	vld [tilespmem:s19+$0x83C0]  }
0x212: {  	v58 =	vld [tilespmem:s19+$0x8310]  }
0x213: {  	v6 =	vadd.f32 v2, v11;
	v2 =	vld [tilespmem:s19+$0x8290]  }
0x214: {  	[tilespmem:$0x1FC90] =	vst v17;
	v17 =	vld [tilespmem:s19+$0x8680]  }
0x215: {  	[tilespmem:$0x1FC80] =	vst v0;
	v0 =	vadd.f32 v10, v8;
	v8 =	vld [tilespmem:s19+$0x8200]  }
0x216: {  	v10 =	vld [tilespmem:s19+$0x8210]  }
0x217: {  	v11 =	vld [tilespmem:s19+$0x8220]  }
0x218: {  	v4 =	vadd.f32 v59, v4;
	v59 =	vld [tilespmem:s19+$0x8330]  }
0x219: {  	v38 =	vadd.f32 v60, v13;
	v13 =	vld [tilespmem:s19+$0x83D0]  }
0x21a: {  	v36 =	vadd.f32 v15, v0;
	v15 =	vld [tilespmem:s19+$0x83F0]  }
0x21b: {  	v0 =	vld [tilespmem:s19+$0x82A0]  }
0x21c: {  	v37 =	vadd.f32 v16, v6;
	v6 =	vld [tilespmem:s19+$0x82B0]  }
0x21d: {  	v60 =	vld [tilespmem:s19+$0x8240]  }
0x21e: {  	v16 =	vld [tilespmem:s19+$0x8180]  }
0x21f: {  	v39 =	vadd.f32 v63, v4;
	v4 =	vld [tilespmem:s19+$0x8280]  }
0x220: {  	v26 =	vadd.f32 v26, v34;
	v28 =	vadd.f32 v28, v35;
	v35 =	vld [tilespmem:$0x1FDA0]  }
0x221: {  	v63 =	vld [tilespmem:s19+$0x8270]  }
0x222: {  	v34 =	vld [tilespmem:s19+$0x8130];
	v22 =	vadd.f32 v22, v26;
	v23 =	vadd.f32 v23, v28  }
0x223: {  	v26 =	vld [tilespmem:s19+$0x81B0]  }
0x224: {  	v20 =	vadd.f32 v20, v22;
	v7 =	vadd.f32 v7, v23;
	v22 =	vld [tilespmem:s19+$0x81D0]  }
0x225: {  	v29 =	vadd.f32 v29, v35;
	v35 =	vld [tilespmem:$0x1FDC0]  }
0x226: {  	v7 =	vadd.f32 v18, v7;
	v18 =	vld [tilespmem:s19+$0x80C0]  }
0x227: {  	v16 =	vadd.f32 v16, v20;
	v20 =	vld [tilespmem:s19+$0x8160]  }
0x228: {  	v28 =	vadd.f32 v31, v29;
	v31 =	vld [tilespmem:s19+$0x8150]  }
0x229: {  	v7 =	vadd.f32 v10, v7;
	v10 =	vld [tilespmem:s19+$0x8040]  }
0x22a: {  	v8 =	vadd.f32 v8, v16;
	v16 =	vld [tilespmem:s19+$0x8050]  }
0x22b: {  	v30 =	vadd.f32 v30, v35;
	v35 =	vld [tilespmem:s19+$0x81A0]  }
0x22c: {  	v23 =	vadd.f32 v33, v28;
	v28 =	vld [tilespmem:$0x1FE40]  }
0x22d: {  	v2 =	vadd.f32 v2, v7;
	v7 =	vld [tilespmem:s19+$0x8060];
	v29 =	vadd.f32 v32, v30  }
0x22e: {  	v4 =	vadd.f32 v4, v8;
	v8 =	vld [tilespmem:s19+$0x8070]  }
0x22f: {  	v30 =	vld [tilespmem:s19+$0x81C0];
	v33 =	vadd.f32 v34, v29  }
0x230: {  	v4 =	vadd.f32 v56, v4;
	v32 =	vld [tilespmem:$0x1FE50];
	v34 =	vadd.f32 v35, v23  }
0x231: {  	v2 =	vadd.f32 v58, v2;
	v58 =	vld [tilespmem:s19+$0x80E0];
	v35 =	vadd.f32 v26, v33  }
0x232: {  	v26 =	vld [tilespmem:s19+$0x80D0];
	v11 =	vadd.f32 v11, v34  }
0x233: {  	v34 =	vadd.f32 v44, v4;
	v44 =	vld [tilespmem:$0x1FE60];
	v14 =	vadd.f32 v14, v35  }
0x234: {  	v35 =	vadd.f32 v45, v2;
	v45 =	vld [tilespmem:$0x1FE70];
	v0 =	vadd.f32 v0, v11  }
0x235: {  	v56 =	vld [tilespmem:s19+$0x8500];
	v4 =	vadd.f32 v16, v32;
	v6 =	vadd.f32 v6, v14  }
0x236: {  	v29 =	vld [tilespmem:s19+$0x8140];
	v0 =	vadd.f32 v57, v0  }
0x237: {  	v33 =	vld [tilespmem:s19+$0x8170];
	v4 =	vadd.f32 v26, v4;
	v6 =	vadd.f32 v59, v6  }
0x238: {  	v59 =	vld [tilespmem:s19+$0x80F0];
	v7 =	vadd.f32 v7, v44;
	v0 =	vadd.f32 v46, v0  }
0x239: {  	v8 =	vadd.f32 v8, v45;
	v46 =	vld [tilespmem:s19+$0x81E0];
	v4 =	vadd.f32 v31, v4  }
0x23a: {  	v11 =	vld [tilespmem:s19+$0x8580];
	v7 =	vadd.f32 v58, v7;
	[tilespmem:$0x1FDA0] =	vst v0;
	v0 =	vadd.f32 v10, v28  }
0x23b: {  	v14 =	vld [tilespmem:s19+$0x8590];
	v23 =	vadd.f32 v49, v6;
	v4 =	vadd.f32 v22, v4  }
0x23c: {  	v49 =	vld [tilespmem:s19+$0x81F0];
	v2 =	vadd.f32 v20, v7;
	v0 =	vadd.f32 v18, v0  }
0x23d: {  	v8 =	vadd.f32 v59, v8;
	v4 =	vadd.f32 v62, v4;
	v62 =	vld [tilespmem:s19+$0x8420]  }
0x23e: {  	v57 =	vld [tilespmem:s19+$0x8510];
	v2 =	vadd.f32 v46, v2;
	v0 =	vadd.f32 v29, v0  }
0x23f: {  	v28 =	vld [tilespmem:s19+$0x84A0];
	v6 =	vadd.f32 v33, v8;
	v4 =	vadd.f32 v54, v4  }
0x240: {  	v59 =	vld [tilespmem:s19+$0x8490];
	v2 =	vadd.f32 v61, v2;
	v0 =	vadd.f32 v30, v0  }
0x241: {  	v61 =	vld [tilespmem:s19+$0x8410];
	v6 =	vadd.f32 v49, v6;
	v4 =	vadd.f32 v41, v4  }
0x242: {  	v49 =	vld [tilespmem:$0x1FC80];
	v2 =	vadd.f32 v53, v2;
	v46 =	vadd.f32 v62, v5  }
0x243: {  	v0 =	vadd.f32 v60, v0;
	v60 =	vld [tilespmem:s19+$0x8400];
	v6 =	vadd.f32 v63, v6  }
0x244: {  	v63 =	vld [tilespmem:s19+$0x8430];
	v30 =	vadd.f32 v13, v4;
	v2 =	vadd.f32 v27, v2  }
0x245: {  	v58 =	vld [tilespmem:s19+$0x8480];
	v4 =	vadd.f32 v28, v46;
	v0 =	vadd.f32 v52, v0  }
0x246: {  	v29 =	vld [tilespmem:s19+$0x84B0];
	v6 =	vadd.f32 v55, v6;
	v33 =	vadd.f32 v61, v3  }
0x247: {  	v31 =	vld [tilespmem:s19+$0x8520];
	v2 =	vadd.f32 v12, v2;
	v0 =	vadd.f32 v25, v0  }
0x248: {  	v41 =	vld [tilespmem:s19+$0x8530];
	v6 =	vadd.f32 v43, v6;
	v1 =	vadd.f32 v60, v1  }
0x249: {  	v52 =	vld [tilespmem:s19+$0x85A0];
	[tilespmem:$0x1FE60] =	vst v2;
	v5 =	vadd.f32 v63, v49;
	v2 =	vadd.f32 v59, v33  }
0x24a: {  	v53 =	vld [tilespmem:s19+$0x85B0];
	v0 =	vadd.f32 v9, v0;
	v32 =	vadd.f32 v15, v6  }
0x24b: {  	v44 =	vld [tilespmem:s19+$0x85C0];
	v1 =	vadd.f32 v58, v1;
	v5 =	vadd.f32 v29, v5  }
0x24c: {  	v54 =	vld [tilespmem:s19+$0x84D0];
	v2 =	vadd.f32 v57, v2;
	[tilespmem:$0x1FE40] =	vst v0;
	v0 =	vadd.f32 v31, v4  }
0x24d: {  	v62 =	vld [tilespmem:s19+$0x8460];
	v1 =	vadd.f32 v56, v1;
	v3 =	vadd.f32 v41, v5  }
0x24e: {  	p0 =	sne.s32 s20, $0x1E000;
	v61 =	vld [tilespmem:s19+$0x8450];
	v2 =	vadd.f32 v14, v2;
	v0 =	vadd.f32 v52, v0  }
.Ltmp1:
0x24f: {  	v43 =	vld [tilespmem:s19+$0x84C0];
	v1 =	vadd.f32 v11, v1;
	v3 =	vadd.f32 v53, v3;
	(pc) =	sbr.rel @p0 .LBB2_4-.Ltmp1, $4  }
0x250: {  	v49 =	vld [tilespmem:s19+$0x85D0];
	v2 =	vadd.f32 v50, v2;
	v0 =	vadd.f32 v48, v0  }
0x251: {  	[tilespmem:$0x1FDC0] =	vst v23;
	v60 =	vld [tilespmem:s19+$0x8550];
	v1 =	vadd.f32 v47, v1;
	v3 =	vadd.f32 v51, v3  }
0x252: {  	[tilespmem:$0x1FE50] =	vst v30;
	v56 =	vld [tilespmem:s19+$0x8540];
	v63 =	vadd.f32 v21, v2;
	v57 =	vadd.f32 v19, v0  }
0x253: {  	s20 =	sadd.s32 $0x2000, s20;
	[tilespmem:$0x1FE70] =	vst v32;
	v41 =	vld [tilespmem:s19+$0x8440];
	v59 =	vadd.f32 v17, v1;
	v58 =	vadd.f32 v24, v3  }
0x254: {  	v2 =	vld [tilespmem:s19+$0x8470]  }
0x255: {  	v6 =	vld [tilespmem:s19+$0x84E0]  }
0x256: {  	v4 =	vld [tilespmem:s19+$0x84F0]  }
0x257: {  	v16 =	vld [tilespmem:s19+$0x8560]  }
0x258: {  	v7 =	vld [tilespmem:s19+$0x8570]  }
0x259: {  	v20 =	vld [tilespmem:s19+$0x85E0]  }
0x25a: {  	v18 =	vld [tilespmem:s19+$0x85F0]  }
0x25b: {  	v23 =	vld [tilespmem:s19+$0x8660]  }
0x25c: {  	v22 =	vld [tilespmem:s19+$0x8670]  }
0x25d: {  	v26 =	vld [tilespmem:s19+$0x86E0]  }
0x25e: {  	v28 =	vld [tilespmem:s19+$0x86F0]  }
0x25f: {  	v29 =	vld [tilespmem:s19+$0x8760]  }
0x260: {  	v30 =	vld [tilespmem:s19+$0x8770]  }
0x261: {  	v31 =	vld [tilespmem:s19+$0x87E0]  }
0x262: {  	v32 =	vld [tilespmem:s19+$0x87F0];
	_ =	swait.ge [sflag:s13], $0x8000  }
0x263: {  	[sflag:s13] =	ssyncset.done $0x0  }
0x264: {  	s19 =	simm.s32 $0x0;
	[sflag:s13] =	ssyncadd.s32 $0xFFFF8000  }
0x265: {  	v0 =	vld [tilespmem:s19+$0x10380];
	_ =	sdelay $0x4  }
0x266: {  	[tilespmem:$0x1FB20] =	vst v0;
	v0 =	vld [tilespmem:s19+$0x10390];
	_ =	sdelay $0x4  }
0x267: {  	[tilespmem:$0x1FB30] =	vst v0;
	v0 =	vld [tilespmem:s19+$0x103A0];
	_ =	sdelay $0x4  }
0x268: {  	[tilespmem:$0x1FB40] =	vst v0;
	v0 =	vld [tilespmem:s19+$0x103B0];
	_ =	sdelay $0x4  }
0x269: {  	[tilespmem:$0x1FB60] =	vst v0;
	v0 =	vld [tilespmem:s19+$0x103D0];
	_ =	sdelay $0x4  }
0x26a: {  	[tilespmem:$0x1FC10] =	vst v0;
	v0 =	vld [tilespmem:s19+$0x10780];
	_ =	sdelay $0x4  }
0x26b: {  	[tilespmem:$0x1FA60] =	vst v0;
	v0 =	vld [tilespmem:s19+$0x10790];
	_ =	sdelay $0x4  }
0x26c: {  	[tilespmem:$0x1FA70] =	vst v0;
	v0 =	vld [tilespmem:s19+$0x107A0];
	_ =	sdelay $0x4  }
0x26d: {  	[tilespmem:$0x1FA80] =	vst v0;
	v0 =	vld [tilespmem:s19+$0x107B0];
	_ =	sdelay $0x4  }
0x26e: {  	[tilespmem:$0x1FA90] =	vst v0;
	v0 =	vld [tilespmem:s19+$0x107C0];
	_ =	sdelay $0x4  }
0x26f: {  	[tilespmem:$0x1FAA0] =	vst v0;
	v0 =	vld [tilespmem:s19+$0x107D0];
	_ =	sdelay $0x4  }
0x270: {  	[tilespmem:$0x1FAB0] =	vst v0;
	v0 =	vld [tilespmem:s19+$0x10340];
	_ =	sdelay $0x4  }
0x271: {  	[tilespmem:$0x1FBC0] =	vst v0;
	v0 =	vld [tilespmem:s19+$0x10350];
	_ =	sdelay $0x4  }
0x272: {  	[tilespmem:$0x1FBD0] =	vst v0;
	v0 =	vld [tilespmem:s19+$0x10360];
	_ =	sdelay $0x4  }
0x273: {  	[tilespmem:$0x1FBE0] =	vst v0;
	v0 =	vld [tilespmem:s19+$0x10370];
	_ =	sdelay $0x4  }
0x274: {  	[tilespmem:$0x1FBF0] =	vst v0;
	v0 =	vld [tilespmem:s19+$0x10730];
	_ =	sdelay $0x4  }
0x275: {  	[tilespmem:$0x1FAC0] =	vst v0;
	v0 =	vld [tilespmem:s19+$0x10740];
	_ =	sdelay $0x4  }
0x276: {  	[tilespmem:$0x1FAD0] =	vst v0;
	v0 =	vld [tilespmem:s19+$0x10750];
	_ =	sdelay $0x4  }
0x277: {  	[tilespmem:$0x1FAE0] =	vst v0;
	v0 =	vld [tilespmem:s19+$0x102C0];
	_ =	sdelay $0x4  }
0x278: {  	[tilespmem:$0x1FB80] =	vst v0;
	v0 =	vld [tilespmem:s19+$0x102D0];
	_ =	sdelay $0x4  }
0x279: {  	[tilespmem:$0x1FB90] =	vst v0;
	v0 =	vld [tilespmem:s19+$0x102E0];
	_ =	sdelay $0x4  }
0x27a: {  	[tilespmem:$0x1FBA0] =	vst v0;
	v0 =	vld [tilespmem:s19+$0x102F0];
	_ =	sdelay $0x4  }
0x27b: {  	[tilespmem:$0x1FBB0] =	vst v0;
	v0 =	vld [tilespmem:s19+$0x106C0];
	_ =	sdelay $0x4  }
0x27c: {  	[tilespmem:$0x1FAF0] =	vst v0;
	v0 =	vld [tilespmem:s19+$0x106D0];
	_ =	sdelay $0x4  }
0x27d: {  	[tilespmem:$0x1FB00] =	vst v0;
	v0 =	vld [tilespmem:$0x1FCF0];
	_ =	sdelay $0x4  }
0x27e: {  	v59 =	vadd.f32 v0, v59;
	v0 =	vld [tilespmem:$0x1FD00];
	_ =	sdelay $0x3  }
0x27f: {  	v1 =	vld [tilespmem:s19+$0x10600]  }
0x280: {  	v63 =	vadd.f32 v0, v63;
	v0 =	vld [tilespmem:$0x1FD10];
	_ =	sdelay $0x3  }
0x281: {  	[tilespmem:$0x1FC50] =	vst v1;
	v1 =	vld [tilespmem:$0x1FC90]  }
0x282: {  	v57 =	vadd.f32 v0, v57;
	v0 =	vld [tilespmem:$0x1FD20];
	_ =	sdelay $0x4  }
0x283: {  	v0 =	vadd.f32 v0, v58;
	v58 =	vadd.f32 v1, v59;
	v1 =	vld [tilespmem:$0x1FCA0];
	_ =	sdelay $0x4  }
0x284: {  	v63 =	vadd.f32 v1, v63;
	v1 =	vld [tilespmem:s19+$0x10610];
	_ =	sdelay $0x4  }
0x285: {  	[tilespmem:$0x1FC60] =	vst v1;
	v1 =	vld [tilespmem:$0x1FCB0];
	_ =	sdelay $0x4  }
0x286: {  	v57 =	vadd.f32 v1, v57;
	v1 =	vld [tilespmem:$0x1FCC0];
	_ =	sdelay $0x4  }
0x287: {  	v59 =	vadd.f32 v1, v0;
	v0 =	vld [tilespmem:s19+$0x10620];
	_ =	sdelay $0x4  }
0x288: {  	[tilespmem:$0x1FC70] =	vst v0;
	v0 =	vadd.f32 v41, v36;
	_ =	sdelay $0x1  }
0x289: {  	v0 =	vadd.f32 v43, v0;
	_ =	sdelay $0x1  }
0x28a: {  	v0 =	vadd.f32 v56, v0  }
0x28b: {  	v1 =	vld [tilespmem:$0x1FD50];
	v36 =	vadd.f32 v61, v37  }
0x28c: {  	v0 =	vadd.f32 v44, v0  }
0x28d: {  	v36 =	vadd.f32 v54, v36  }
0x28e: {  	v0 =	vadd.f32 v40, v0  }
0x28f: {  	v62 =	vadd.f32 v62, v38;
	v36 =	vadd.f32 v60, v36  }
0x290: {  	v2 =	vadd.f32 v2, v39;
	v0 =	vadd.f32 v1, v0;
	v1 =	vld [tilespmem:$0x1FD60]  }
0x291: {  	v6 =	vadd.f32 v6, v62;
	v39 =	vadd.f32 v49, v36;
	_ =	sdelay $0x1  }
0x292: {  	v6 =	vadd.f32 v16, v6;
	v16 =	vadd.f32 v42, v39;
	_ =	sdelay $0x1  }
0x293: {  	v16 =	vadd.f32 v1, v16;
	v1 =	vld [tilespmem:$0x1FD30];
	_ =	sdelay $0x4  }
0x294: {  	v0 =	vadd.f32 v1, v0;
	v1 =	vld [tilespmem:$0x1FD40]  }
0x295: {  	v47 =	vld [tilespmem:s19+$0x10300]  }
0x296: {  	v46 =	vld [tilespmem:s19+$0x10310];
	v6 =	vadd.f32 v20, v6  }
0x297: {  	v33 =	vld [tilespmem:s19+$0x10280]  }
0x298: {  	v10 =	vld [tilespmem:s19+$0x10200];
	v6 =	vadd.f32 v23, v6  }
0x299: {  	v2 =	vadd.f32 v4, v2;
	v16 =	vadd.f32 v1, v16;
	v1 =	vld [tilespmem:$0x1FCD0]  }
0x29a: {  	v4 =	vld [tilespmem:s19+$0x10180];
	v6 =	vadd.f32 v26, v6  }
0x29b: {  	v2 =	vadd.f32 v7, v2;
	v7 =	vld [tilespmem:s19+$0x10100]  }
0x29c: {  	v6 =	vadd.f32 v29, v6;
	v42 =	vld [tilespmem:s19+$0x10000]  }
0x29d: {  	v20 =	vld [tilespmem:s19+$0x10090];
	v2 =	vadd.f32 v18, v2  }
0x29e: {  	v18 =	vld [tilespmem:s19+$0x10080];
	v36 =	vadd.f32 v1, v0;
	v1 =	vadd.f32 v31, v6  }
0x29f: {  	v56 =	vld [tilespmem:s19+$0x10020]  }
0x2a0: {  	v5 =	vmov v34;
	v2 =	vadd.f32 v22, v2;
	[tilespmem:$0x1FB10] =	vst v1;
	v1 =	vld [tilespmem:$0x1FDA0]  }
0x2a1: {  	v49 =	vld [tilespmem:s19+$0x10010];
	v60 =	vadd.f32 v42, v5  }
0x2a2: {  	v2 =	vadd.f32 v28, v2;
	v28 =	vld [tilespmem:s19+$0x10030]  }
0x2a3: {  	v0 =	vld [tilespmem:$0x1FCE0];
	v6 =	vadd.f32 v18, v60  }
0x2a4: {  	v44 =	vld [tilespmem:s19+$0x10110]  }
0x2a5: {  	v13 =	vmov v35;
	v6 =	vadd.f32 v7, v6;
	v42 =	vadd.f32 v56, v1;
	v1 =	vld [tilespmem:$0x1FDC0]  }
0x2a6: {  	v29 =	vld [tilespmem:s19+$0x100A0];
	v62 =	vadd.f32 v49, v13  }
0x2a7: {  	v2 =	vadd.f32 v30, v2;
	v54 =	vld [tilespmem:s19+$0x10190];
	v4 =	vadd.f32 v4, v6  }
0x2a8: {  	v11 =	vld [tilespmem:s19+$0x10210];
	v37 =	vadd.f32 v0, v16;
	v16 =	vadd.f32 v20, v62  }
0x2a9: {  	v39 =	vadd.f32 v32, v2;
	v2 =	vld [tilespmem:s19+$0x10120];
	v4 =	vadd.f32 v10, v4  }
0x2aa: {  	v38 =	vadd.f32 v44, v16;
	v49 =	vadd.f32 v28, v1;
	v1 =	vld [tilespmem:$0x1FB20]  }
0x2ab: {  	v34 =	vld [tilespmem:s19+$0x10290];
	v4 =	vadd.f32 v33, v4  }
0x2ac: {  	v60 =	vadd.f32 v29, v42;
	v42 =	vadd.f32 v54, v38;
	v28 =	vld [tilespmem:s19+$0x101A0]  }
0x2ad: {  	v14 =	vld [tilespmem:s19+$0x10220];
	v4 =	vadd.f32 v47, v4  }
0x2ae: {  	v0 =	vld [tilespmem:s19+$0x100B0];
	v6 =	vadd.f32 v11, v42  }
0x2af: {  	v2 =	vadd.f32 v2, v60;
	v5 =	vadd.f32 v1, v4;
	v1 =	vld [tilespmem:$0x1FB30]  }
0x2b0: {  	v35 =	vld [tilespmem:s19+$0x102A0];
	v6 =	vadd.f32 v34, v6  }
0x2b1: {  	v32 =	vld [tilespmem:s19+$0x10130];
	v2 =	vadd.f32 v28, v2  }
0x2b2: {  	v50 =	vld [tilespmem:s19+$0x10320];
	v6 =	vadd.f32 v46, v6  }
0x2b3: {  	v56 =	vld [tilespmem:s19+$0x101B0];
	v2 =	vadd.f32 v14, v2  }
0x2b4: {  	v0 =	vadd.f32 v0, v49;
	v13 =	vadd.f32 v1, v6;
	v1 =	vld [tilespmem:$0x1FB40]  }
0x2b5: {  	v8 =	vld [tilespmem:s19+$0x10230];
	v2 =	vadd.f32 v35, v2  }
0x2b6: {  	v0 =	vadd.f32 v32, v0  }
0x2b7: {  	v45 =	vld [tilespmem:s19+$0x102B0];
	v2 =	vadd.f32 v50, v2  }
0x2b8: {  	v0 =	vadd.f32 v56, v0  }
0x2b9: {  	v48 =	vld [tilespmem:s19+$0x10330];
	v1 =	vadd.f32 v1, v2  }
0x2ba: {  	v0 =	vadd.f32 v8, v0  }
0x2bb: {  	[tilespmem:$0x1FB50] =	vst v1;
	v1 =	vld [tilespmem:$0x1FB60]  }
0x2bc: {  	v0 =	vadd.f32 v45, v0;
	_ =	sdelay $0x1  }
0x2bd: {  	v0 =	vadd.f32 v48, v0  }
0x2be: {  	v8 =	vld [tilespmem:s19+$0x10040]  }
0x2bf: {  	v0 =	vadd.f32 v1, v0;
	v1 =	vld [tilespmem:$0x1FE40];
	_ =	sdelay $0x3  }
0x2c0: {  	v11 =	vld [tilespmem:s19+$0x10050]  }
0x2c1: {  	v2 =	vadd.f32 v8, v1;
	v1 =	vld [tilespmem:$0x1FE50];
	_ =	sdelay $0x3  }
0x2c2: {  	v14 =	vld [tilespmem:s19+$0x10060]  }
0x2c3: {  	v46 =	vadd.f32 v11, v1;
	v1 =	vld [tilespmem:$0x1FE60];
	_ =	sdelay $0x1  }
0x2c4: {  	v28 =	vld [tilespmem:s19+$0x100C0]  }
0x2c5: {  	v30 =	vld [tilespmem:s19+$0x10070]  }
0x2c6: {  	v29 =	vld [tilespmem:s19+$0x10140]  }
0x2c7: {  	v11 =	vadd.f32 v14, v1;
	v1 =	vld [tilespmem:$0x1FE70]  }
0x2c8: {  	v62 =	vld [tilespmem:s19+$0x101C0]  }
0x2c9: {  	v10 =	vld [tilespmem:s19+$0x100D0];
	v2 =	vadd.f32 v28, v2  }
0x2ca: {  	v52 =	vld [tilespmem:s19+$0x10240]  }
0x2cb: {  	v44 =	vld [tilespmem:s19+$0x10150];
	v2 =	vadd.f32 v29, v2  }
0x2cc: {  	v14 =	vadd.f32 v30, v1;
	v1 =	vld [tilespmem:$0x1FB80]  }
0x2cd: {  	v40 =	vld [tilespmem:s19+$0x101D0];
	v2 =	vadd.f32 v62, v2  }
0x2ce: {  	v31 =	vld [tilespmem:s19+$0x100E0];
	v6 =	vadd.f32 v10, v46  }
0x2cf: {  	v53 =	vld [tilespmem:s19+$0x10250];
	v2 =	vadd.f32 v52, v2  }
0x2d0: {  	[tilespmem:$0x1FB70] =	vst v0;
	v0 =	vld [tilespmem:s19+$0x10160];
	v6 =	vadd.f32 v44, v6  }
0x2d1: {  	v2 =	vadd.f32 v1, v2;
	v1 =	vld [tilespmem:$0x1FB90]  }
0x2d2: {  	v6 =	vadd.f32 v40, v6;
	v30 =	vld [tilespmem:s19+$0x101E0]  }
0x2d3: {  	v4 =	vld [tilespmem:s19+$0x100F0];
	v11 =	vadd.f32 v31, v11  }
0x2d4: {  	v55 =	vld [tilespmem:s19+$0x10260];
	v6 =	vadd.f32 v53, v6  }
0x2d5: {  	v8 =	vld [tilespmem:s19+$0x10170];
	v0 =	vadd.f32 v0, v11  }
0x2d6: {  	v6 =	vadd.f32 v1, v6;
	v1 =	vld [tilespmem:$0x1FBA0]  }
0x2d7: {  	v10 =	vld [tilespmem:s19+$0x101F0];
	v0 =	vadd.f32 v30, v0  }
0x2d8: {  	v4 =	vadd.f32 v4, v14  }
0x2d9: {  	v51 =	vld [tilespmem:s19+$0x10270];
	v0 =	vadd.f32 v55, v0  }
0x2da: {  	v4 =	vadd.f32 v8, v4  }
0x2db: {  	v0 =	vadd.f32 v1, v0;
	v1 =	vld [tilespmem:$0x1FBB0]  }
0x2dc: {  	v4 =	vadd.f32 v10, v4;
	_ =	sdelay $0x1  }
0x2dd: {  	v4 =	vadd.f32 v51, v4;
	_ =	sdelay $0x1  }
0x2de: {  	v4 =	vadd.f32 v1, v4;
	v1 =	vld [tilespmem:$0x1FBC0];
	_ =	sdelay $0x1  }
0x2df: {  	v27 =	vld [tilespmem:s19+$0x103C0]  }
0x2e0: {  	v24 =	vld [tilespmem:s19+$0x103E0]  }
0x2e1: {  	v25 =	vld [tilespmem:s19+$0x103F0]  }
0x2e2: {  	v2 =	vadd.f32 v1, v2;
	v1 =	vld [tilespmem:$0x1FBD0]  }
0x2e3: {  	v9 =	vld [tilespmem:s19+$0x10700]  }
0x2e4: {  	v12 =	vld [tilespmem:s19+$0x10710]  }
0x2e5: {  	v3 =	vld [tilespmem:s19+$0x10720]  }
0x2e6: {  	v19 =	vld [tilespmem:s19+$0x10680]  }
0x2e7: {  	v6 =	vadd.f32 v1, v6;
	v1 =	vld [tilespmem:$0x1FBE0]  }
0x2e8: {  	v21 =	vld [tilespmem:s19+$0x10690]  }
0x2e9: {  	v15 =	vld [tilespmem:s19+$0x106A0]  }
0x2ea: {  	v17 =	vld [tilespmem:s19+$0x106B0]  }
0x2eb: {  	v61 =	vld [tilespmem:s19+$0x10630]  }
0x2ec: {  	v0 =	vadd.f32 v1, v0;
	v1 =	vld [tilespmem:$0x1FBF0]  }
0x2ed: {  	v41 =	vld [tilespmem:s19+$0x10640]  }
0x2ee: {  	v43 =	vld [tilespmem:s19+$0x10650]  }
0x2ef: {  	v54 =	vld [tilespmem:s19+$0x10420]  }
0x2f0: {  	v47 =	vld [tilespmem:s19+$0x10590]  }
0x2f1: {  	v49 =	vld [tilespmem:s19+$0x105D0];
	v4 =	vadd.f32 v1, v4;
	v1 =	vadd.f32 v27, v2  }
0x2f2: {  	v31 =	vld [tilespmem:s19+$0x10400]  }
0x2f3: {  	[tilespmem:$0x1FC00] =	vst v1;
	v1 =	vld [tilespmem:$0x1FC10]  }
0x2f4: {  	v10 =	vld [tilespmem:s19+$0x10480]  }
0x2f5: {  	v53 =	vld [tilespmem:s19+$0x10410];
	v0 =	vadd.f32 v24, v0  }
0x2f6: {  	v8 =	vld [tilespmem:s19+$0x10500]  }
0x2f7: {  	v11 =	vld [tilespmem:s19+$0x10510];
	[tilespmem:$0x1FC30] =	vst v0;
	v0 =	vadd.f32 v25, v4;
	v4 =	vadd.f32 v31, v58  }
0x2f8: {  	v14 =	vld [tilespmem:s19+$0x10580];
	v1 =	vadd.f32 v1, v6  }
0x2f9: {  	v30 =	vld [tilespmem:s19+$0x10490];
	v4 =	vadd.f32 v10, v4  }
0x2fa: {  	[tilespmem:$0x1FC20] =	vst v1;
	v1 =	vld [tilespmem:$0x1FC50]  }
0x2fb: {  	v55 =	vld [tilespmem:s19+$0x10430];
	v4 =	vadd.f32 v8, v4  }
0x2fc: {  	v56 =	vld [tilespmem:s19+$0x104A0];
	v58 =	vadd.f32 v53, v63  }
0x2fd: {  	v2 =	vld [tilespmem:s19+$0x104B0];
	v4 =	vadd.f32 v14, v4  }
0x2fe: {  	v31 =	vld [tilespmem:s19+$0x10530];
	v6 =	vadd.f32 v30, v58  }
0x2ff: {  	v4 =	vadd.f32 v1, v4;
	v1 =	vld [tilespmem:$0x1FC60]  }
0x300: {  	v62 =	vadd.f32 v55, v59;
	[tilespmem:$0x1FC40] =	vst v0;
	v0 =	vld [tilespmem:s19+$0x10520];
	v6 =	vadd.f32 v11, v6  }
0x301: {  	v60 =	vadd.f32 v54, v57;
	v10 =	vld [tilespmem:s19+$0x105B0]  }
0x302: {  	v63 =	vld [tilespmem:s19+$0x105A0];
	v2 =	vadd.f32 v2, v62;
	v6 =	vadd.f32 v47, v6  }
0x303: {  	v54 =	vld [tilespmem:s19+$0x10540];
	v30 =	vadd.f32 v56, v60  }
0x304: {  	v2 =	vadd.f32 v31, v2;
	v6 =	vadd.f32 v1, v6;
	v1 =	vld [tilespmem:$0x1FC70]  }
0x305: {  	v57 =	vld [tilespmem:s19+$0x10550];
	v0 =	vadd.f32 v0, v30  }
0x306: {  	v40 =	vld [tilespmem:s19+$0x105C0];
	v2 =	vadd.f32 v10, v2  }
0x307: {  	v55 =	vld [tilespmem:s19+$0x104C0];
	v0 =	vadd.f32 v63, v0  }
0x308: {  	v59 =	vld [tilespmem:s19+$0x10440];
	v2 =	vadd.f32 v61, v2  }
0x309: {  	v53 =	vld [tilespmem:s19+$0x104D0];
	v0 =	vadd.f32 v1, v0  }
0x30a: {  	v60 =	vld [tilespmem:s19+$0x10450];
	v63 =	vadd.f32 v17, v2;
	v51 =	vadd.f32 v19, v4  }
0x30b: {  	s20 =	simm.s32 $0x2000;
	v28 =	vmovc v5;
	v29 =	vmov v13;
	v61 =	vld [tilespmem:s19+$0x10460];
	v52 =	vadd.f32 v21, v6;
	v62 =	vadd.f32 v15, v0  }
.LBB2_6:
0x30c: {  	v1 =	vld [tilespmem:$0x1FAC0];
	_ =	sdelay $0x4  }
0x30d: {  	v6 =	vadd.f32 v1, v63;
	v1 =	vld [tilespmem:$0x1FA60];
	_ =	sdelay $0x2  }
0x30e: {  	v0 =	vadd.f32 v9, v51;
	_ =	sdelay $0x1  }
0x30f: {  	v0 =	vadd.f32 v1, v0;
	_ =	sdelay $0x1  }
0x310: {  	[tilespmem:$0x1FA30] =	vst v0;
	v0 =	vld [tilespmem:$0x1FA70];
	_ =	sdelay $0x2  }
0x311: {  	v2 =	vadd.f32 v12, v52;
	_ =	sdelay $0x1  }
0x312: {  	v2 =	vadd.f32 v0, v2;
	v0 =	vld [tilespmem:$0x1FA80];
	_ =	sdelay $0x2  }
0x313: {  	v4 =	vadd.f32 v3, v62;
	_ =	sdelay $0x1  }
0x314: {  	v4 =	vadd.f32 v0, v4;
	v0 =	vld [tilespmem:$0x1FA90];
	_ =	sdelay $0x4  }
0x315: {  	v9 =	vadd.f32 v59, v36;
	v6 =	vadd.f32 v0, v6;
	v0 =	vld [tilespmem:$0x1FB10];
	_ =	sdelay $0x1  }
0x316: {  	v9 =	vadd.f32 v55, v9;
	_ =	sdelay $0x1  }
0x317: {  	v7 =	vld [tilespmem:s19+$0x10470];
	v9 =	vadd.f32 v54, v9  }
0x318: {  	v12 =	vadd.f32 v60, v37;
	v14 =	vadd.f32 v61, v0;
	v0 =	vld [tilespmem:$0x1FAF0]  }
0x319: {  	v8 =	vld [tilespmem:s19+$0x104E0];
	v9 =	vadd.f32 v40, v9  }
0x31a: {  	v10 =	vld [tilespmem:s19+$0x104F0];
	v12 =	vadd.f32 v53, v12  }
0x31b: {  	v11 =	vld [tilespmem:s19+$0x10560];
	v9 =	vadd.f32 v41, v9  }
0x31c: {  	v13 =	vld [tilespmem:s19+$0x10570];
	v12 =	vadd.f32 v57, v12  }
0x31d: {  	v9 =	vadd.f32 v0, v9;
	v0 =	vld [tilespmem:$0x1FB00]  }
0x31e: {  	v15 =	vld [tilespmem:s19+$0x105E0];
	v12 =	vadd.f32 v49, v12  }
0x31f: {  	v21 =	vld [tilespmem:s19+$0x105F0];
	v7 =	vadd.f32 v7, v39  }
0x320: {  	v25 =	vld [tilespmem:s19+$0x10770];
	v12 =	vadd.f32 v43, v12  }
0x321: {  	v7 =	vadd.f32 v10, v7;
	v10 =	vld [tilespmem:s19+$0x10660]  }
0x322: {  	v8 =	vadd.f32 v8, v14;
	v12 =	vadd.f32 v0, v12;
	v0 =	vld [tilespmem:$0x1FAD0]  }
0x323: {  	v14 =	vld [tilespmem:s19+$0x10670]  }
0x324: {  	v7 =	vadd.f32 v13, v7;
	v13 =	vld [tilespmem:s19+$0x106F0];
	v8 =	vadd.f32 v11, v8  }
0x325: {  	v11 =	vld [tilespmem:s19+$0x106E0]  }
0x326: {  	v7 =	vadd.f32 v21, v7;
	v8 =	vadd.f32 v15, v8;
	v15 =	vld [tilespmem:s19+$0x10760]  }
0x327: {  	v5 =	vadd.f32 v0, v9;
	v0 =	vld [tilespmem:$0x1FAE0]  }
0x328: {  	v7 =	vadd.f32 v14, v7;
	v14 =	vld [tilespmem:s19+$0x107F0]  }
0x329: {  	v8 =	vadd.f32 v10, v8;
	v10 =	vld [tilespmem:s19+$0x107E0];
	s19 =	sshra.s32 s20, $0x2  }
0x32a: {  	v44 =	vld [tilespmem:s19+$0x10380]  }
0x32b: {  	v45 =	vld [tilespmem:s19+$0x10390]  }
0x32c: {  	v1 =	vadd.f32 v0, v12;
	v0 =	vld [tilespmem:$0x1FAA0]  }
0x32d: {  	v46 =	vld [tilespmem:s19+$0x103A0]  }
0x32e: {  	v49 =	vld [tilespmem:s19+$0x103B0]  }
0x32f: {  	v56 =	vld [tilespmem:s19+$0x10300]  }
0x330: {  	v58 =	vld [tilespmem:s19+$0x10310]  }
0x331: {  	v57 =	vld [tilespmem:s19+$0x10320];
	v0 =	vadd.f32 v0, v5  }
0x332: {  	v59 =	vld [tilespmem:s19+$0x10330]  }
0x333: {  	[tilespmem:$0x1FA50] =	vst v0;
	v0 =	vld [tilespmem:$0x1FAB0]  }
0x334: {  	v34 =	vld [tilespmem:s19+$0x10340]  }
0x335: {  	v40 =	vld [tilespmem:s19+$0x10350]  }
0x336: {  	v35 =	vld [tilespmem:s19+$0x10360];
	v8 =	vadd.f32 v11, v8  }
0x337: {  	v42 =	vld [tilespmem:s19+$0x10370]  }
0x338: {  	v37 =	vld [tilespmem:s19+$0x10700];
	v9 =	vadd.f32 v15, v8;
	v0 =	vadd.f32 v0, v1  }
0x339: {  	v38 =	vld [tilespmem:s19+$0x10710]  }
0x33a: {  	v36 =	vld [tilespmem:s19+$0x10720];
	[tilespmem:$0x1FA40] =	vst v0;
	v0 =	vadd.f32 v10, v9  }
0x33b: {  	v3 =	vld [tilespmem:s19+$0x10290]  }
0x33c: {  	[tilespmem:$0x1FB10] =	vst v0;
	v0 =	vld [tilespmem:s19+$0x10780]  }
0x33d: {  	v52 =	vld [tilespmem:s19+$0x102C0]  }
0x33e: {  	v54 =	vld [tilespmem:s19+$0x102D0]  }
0x33f: {  	v53 =	vld [tilespmem:s19+$0x102E0]  }
0x340: {  	v55 =	vld [tilespmem:s19+$0x102F0]  }
0x341: {  	[tilespmem:$0x1FA60] =	vst v0;
	v0 =	vld [tilespmem:s19+$0x10790]  }
0x342: {  	v30 =	vld [tilespmem:s19+$0x10680]  }
0x343: {  	v32 =	vld [tilespmem:s19+$0x10690]  }
0x344: {  	v31 =	vld [tilespmem:s19+$0x106A0]  }
0x345: {  	v33 =	vld [tilespmem:s19+$0x106B0]  }
0x346: {  	[tilespmem:$0x1FA70] =	vst v0;
	v0 =	vld [tilespmem:s19+$0x107A0]  }
0x347: {  	v7 =	vadd.f32 v13, v7;
	v13 =	vld [tilespmem:s19+$0x10230]  }
0x348: {  	v60 =	vld [tilespmem:s19+$0x10240]  }
0x349: {  	v62 =	vld [tilespmem:s19+$0x10250]  }
0x34a: {  	v61 =	vld [tilespmem:s19+$0x10260]  }
0x34b: {  	[tilespmem:$0x1FA80] =	vst v0;
	v0 =	vld [tilespmem:s19+$0x107B0]  }
0x34c: {  	v63 =	vld [tilespmem:s19+$0x10270]  }
0x34d: {  	v47 =	vld [tilespmem:s19+$0x10600]  }
0x34e: {  	v50 =	vld [tilespmem:s19+$0x10610]  }
0x34f: {  	v48 =	vld [tilespmem:s19+$0x10620]  }
0x350: {  	[tilespmem:$0x1FA90] =	vst v0;
	v0 =	vld [tilespmem:s19+$0x107C0]  }
0x351: {  	v51 =	vld [tilespmem:s19+$0x10630]  }
0x352: {  	v41 =	vld [tilespmem:s19+$0x10640]  }
0x353: {  	v43 =	vld [tilespmem:s19+$0x10650]  }
0x354: {  	v17 =	vld [tilespmem:s19+$0x10190]  }
0x355: {  	[tilespmem:$0x1FAA0] =	vst v0;
	v0 =	vld [tilespmem:s19+$0x107D0]  }
0x356: {  	v16 =	vld [tilespmem:s19+$0x10010]  }
0x357: {  	v27 =	vld [tilespmem:s19+$0x10000]  }
0x358: {  	v18 =	vld [tilespmem:s19+$0x10020]  }
0x359: {  	v20 =	vld [tilespmem:s19+$0x10030]  }
0x35a: {  	[tilespmem:$0x1FAB0] =	vst v0;
	v0 =	vld [tilespmem:s19+$0x10730]  }
0x35b: {  	v16 =	vadd.f32 v16, v29;
	v29 =	vld [tilespmem:$0x1FB50]  }
0x35c: {  	v22 =	vld [tilespmem:s19+$0x100A0]  }
0x35d: {  	v23 =	vld [tilespmem:s19+$0x100B0]  }
0x35e: {  	v7 =	vadd.f32 v25, v7;
	v25 =	vld [tilespmem:s19+$0x10090]  }
0x35f: {  	[tilespmem:$0x1FAC0] =	vst v0;
	v0 =	vld [tilespmem:s19+$0x10740]  }
0x360: {  	v18 =	vadd.f32 v18, v29;
	v29 =	vld [tilespmem:$0x1FB70]  }
0x361: {  	v26 =	vld [tilespmem:s19+$0x10120]  }
0x362: {  	v27 =	vadd.f32 v27, v28;
	v28 =	vld [tilespmem:s19+$0x10130]  }
0x363: {  	v16 =	vadd.f32 v25, v16;
	v25 =	vld [tilespmem:s19+$0x101B0]  }
0x364: {  	[tilespmem:$0x1FAD0] =	vst v0;
	v0 =	vld [tilespmem:s19+$0x10750]  }
0x365: {  	v20 =	vadd.f32 v20, v29;
	v29 =	vld [tilespmem:s19+$0x101A0]  }
0x366: {  	v18 =	vadd.f32 v22, v18;
	v1 =	vld [tilespmem:s19+$0x106C0]  }
0x367: {  	v12 =	vld [tilespmem:s19+$0x10220]  }
0x368: {  	v24 =	vld [tilespmem:s19+$0x10080];
	v18 =	vadd.f32 v26, v18;
	v20 =	vadd.f32 v23, v20  }
0x369: {  	[tilespmem:$0x1FAE0] =	vst v0;
	v0 =	vld [tilespmem:s19+$0x102A0]  }
0x36a: {  	v5 =	vld [tilespmem:s19+$0x102B0];
	v20 =	vadd.f32 v28, v20;
	v18 =	vadd.f32 v29, v18  }
0x36b: {  	[tilespmem:$0x1FAF0] =	vst v1;
	v1 =	vld [tilespmem:s19+$0x106D0]  }
0x36c: {  	v19 =	vld [tilespmem:s19+$0x10100];
	v26 =	vadd.f32 v25, v20;
	v12 =	vadd.f32 v12, v18  }
0x36d: {  	v21 =	vld [tilespmem:s19+$0x10110]  }
0x36e: {  	v15 =	vld [tilespmem:s19+$0x10180];
	v13 =	vadd.f32 v13, v26;
	v0 =	vadd.f32 v0, v12  }
0x36f: {  	v11 =	vld [tilespmem:s19+$0x103D0];
	v24 =	vadd.f32 v24, v27  }
0x370: {  	v5 =	vadd.f32 v5, v13;
	[tilespmem:$0x1FB00] =	vst v1;
	v1 =	vld [tilespmem:s19+$0x10200];
	v0 =	vadd.f32 v57, v0  }
0x371: {  	v39 =	vadd.f32 v14, v7;
	v14 =	vld [tilespmem:s19+$0x103F0];
	v19 =	vadd.f32 v19, v24  }
0x372: {  	v7 =	vld [tilespmem:s19+$0x10280];
	v5 =	vadd.f32 v59, v5;
	v0 =	vadd.f32 v46, v0  }
0x373: {  	v16 =	vadd.f32 v21, v16;
	v21 =	vld [tilespmem:s19+$0x101D0];
	v15 =	vadd.f32 v15, v19  }
0x374: {  	v9 =	vld [tilespmem:s19+$0x10210];
	[tilespmem:$0x1FB50] =	vst v0;
	v0 =	vadd.f32 v49, v5  }
0x375: {  	v1 =	vadd.f32 v1, v15;
	v15 =	vld [tilespmem:s19+$0x10040]  }
0x376: {  	[tilespmem:$0x1FB70] =	vst v0;
	v0 =	vld [tilespmem:$0x1FC00]  }
0x377: {  	v24 =	vld [tilespmem:s19+$0x10150];
	v16 =	vadd.f32 v17, v16  }
0x378: {  	v17 =	vld [tilespmem:s19+$0x100C0]  }
0x379: {  	v20 =	vld [tilespmem:s19+$0x100D0];
	v9 =	vadd.f32 v9, v16  }
0x37a: {  	v26 =	vld [tilespmem:s19+$0x10060]  }
0x37b: {  	v3 =	vadd.f32 v3, v9;
	v0 =	vadd.f32 v15, v0;
	v15 =	vld [tilespmem:$0x1FC30]  }
0x37c: {  	v25 =	vld [tilespmem:s19+$0x10050]  }
0x37d: {  	v13 =	vld [tilespmem:s19+$0x100F0];
	v3 =	vadd.f32 v58, v3  }
0x37e: {  	v9 =	vld [tilespmem:s19+$0x10070]  }
0x37f: {  	v29 =	vadd.f32 v45, v3;
	v3 =	vld [tilespmem:$0x1FC20];
	v1 =	vadd.f32 v7, v1  }
0x380: {  	v7 =	vadd.f32 v26, v15;
	v15 =	vld [tilespmem:$0x1FC40]  }
0x381: {  	v1 =	vadd.f32 v56, v1;
	v12 =	vld [tilespmem:s19+$0x100E0]  }
0x382: {  	v59 =	vld [tilespmem:s19+$0x10420]  }
0x383: {  	v28 =	vadd.f32 v44, v1;
	v1 =	vld [tilespmem:s19+$0x10160]  }
0x384: {  	v5 =	vld [tilespmem:s19+$0x10170]  }
0x385: {  	v3 =	vadd.f32 v25, v3;
	v9 =	vadd.f32 v9, v15;
	v15 =	vld [tilespmem:s19+$0x101E0]  }
0x386: {  	v23 =	vld [tilespmem:s19+$0x10140];
	v7 =	vadd.f32 v12, v7  }
0x387: {  	v4 =	vadd.f32 v59, v4;
	v3 =	vadd.f32 v20, v3;
	v46 =	vld [tilespmem:s19+$0x101F0]  }
0x388: {  	v22 =	vld [tilespmem:s19+$0x101C0];
	v1 =	vadd.f32 v1, v7;
	v9 =	vadd.f32 v13, v9  }
0x389: {  	v8 =	vld [tilespmem:s19+$0x103C0];
	v3 =	vadd.f32 v24, v3;
	v0 =	vadd.f32 v17, v0  }
0x38a: {  	v10 =	vld [tilespmem:s19+$0x103E0];
	v5 =	vadd.f32 v5, v9;
	v1 =	vadd.f32 v15, v1  }
0x38b: {  	v59 =	vld [tilespmem:s19+$0x10440];
	v3 =	vadd.f32 v21, v3;
	v0 =	vadd.f32 v23, v0  }
0x38c: {  	v58 =	vld [tilespmem:s19+$0x10410];
	v5 =	vadd.f32 v46, v5;
	v1 =	vadd.f32 v61, v1  }
0x38d: {  	v56 =	vld [tilespmem:s19+$0x10480];
	v3 =	vadd.f32 v62, v3;
	v0 =	vadd.f32 v22, v0  }
0x38e: {  	v62 =	vld [tilespmem:s19+$0x104B0];
	v5 =	vadd.f32 v63, v5;
	v1 =	vadd.f32 v53, v1  }
0x38f: {  	v3 =	vadd.f32 v54, v3;
	v54 =	vld [tilespmem:s19+$0x10540];
	v0 =	vadd.f32 v60, v0  }
0x390: {  	v57 =	vld [tilespmem:s19+$0x10400];
	v5 =	vadd.f32 v55, v5;
	v1 =	vadd.f32 v35, v1  }
0x391: {  	v49 =	vld [tilespmem:s19+$0x10500];
	v0 =	vadd.f32 v52, v0  }
0x392: {  	v60 =	vld [tilespmem:s19+$0x10430];
	v5 =	vadd.f32 v42, v5;
	v1 =	vadd.f32 v10, v1  }
0x393: {  	v13 =	vld [tilespmem:s19+$0x10590];
	v0 =	vadd.f32 v34, v0  }
0x394: {  	v9 =	vld [tilespmem:s19+$0x10510];
	[tilespmem:$0x1FC30] =	vst v1;
	v1 =	vadd.f32 v14, v5  }
0x395: {  	v3 =	vadd.f32 v40, v3;
	v0 =	vadd.f32 v8, v0;
	v15 =	vld [tilespmem:s19+$0x10490]  }
0x396: {  	[tilespmem:$0x1FC40] =	vst v1;
	v1 =	vld [tilespmem:$0x1FA30]  }
0x397: {  	[tilespmem:$0x1FC00] =	vst v0;
	v0 =	vadd.f32 v11, v3;
	v61 =	vld [tilespmem:s19+$0x104A0]  }
0x398: {  	v3 =	vld [tilespmem:s19+$0x10530]  }
0x399: {  	v2 =	vadd.f32 v58, v2;
	[tilespmem:$0x1FC20] =	vst v0;
	v0 =	vld [tilespmem:s19+$0x10520]  }
0x39a: {  	v8 =	vld [tilespmem:s19+$0x105B0];
	v5 =	vadd.f32 v60, v6  }
0x39b: {  	v63 =	vld [tilespmem:s19+$0x105A0];
	v2 =	vadd.f32 v15, v2;
	v1 =	vadd.f32 v57, v1  }
0x39c: {  	v12 =	vld [tilespmem:s19+$0x10580];
	v4 =	vadd.f32 v61, v4;
	v5 =	vadd.f32 v62, v5  }
0x39d: {  	v40 =	vld [tilespmem:s19+$0x105C0];
	v2 =	vadd.f32 v9, v2;
	v1 =	vadd.f32 v56, v1  }
0x39e: {  	v53 =	vld [tilespmem:s19+$0x104D0];
	v0 =	vadd.f32 v0, v4;
	v3 =	vadd.f32 v3, v5  }
0x39f: {  	v55 =	vld [tilespmem:s19+$0x104C0];
	v2 =	vadd.f32 v13, v2;
	v1 =	vadd.f32 v49, v1  }
0x3a0: {  	p0 =	sne.s32 s20, $0x1E000;
	v9 =	vmov v37;
	v37 =	vld [tilespmem:$0x1FA40];
	v0 =	vadd.f32 v63, v0;
	v3 =	vadd.f32 v8, v3  }
.Ltmp2:
0x3a1: {  	v61 =	vld [tilespmem:s19+$0x10460];
	v1 =	vadd.f32 v12, v1;
	(pc) =	sbr.rel @p0 .LBB2_6-.Ltmp2, $4  }
0x3a2: {  	v60 =	vld [tilespmem:s19+$0x10450];
	v2 =	vadd.f32 v50, v2;
	v0 =	vadd.f32 v48, v0  }
0x3a3: {  	v57 =	vld [tilespmem:s19+$0x10550];
	v4 =	vadd.f32 v51, v3;
	v1 =	vadd.f32 v47, v1  }
0x3a4: {  	v52 =	vadd.f32 v32, v2;
	v62 =	vadd.f32 v31, v0;
	v3 =	vmov v36;
	v36 =	vld [tilespmem:$0x1FA50]  }
0x3a5: {  	s20 =	sadd.s32 $0x2000, s20;
	v63 =	vadd.f32 v33, v4;
	v49 =	vld [tilespmem:s19+$0x105D0];
	v12 =	vmov v38;
	v51 =	vadd.f32 v30, v1  }
0x3a6: {  	v5 =	vld [tilespmem:s19+$0x10470]  }
0x3a7: {  	v7 =	vld [tilespmem:s19+$0x104E0]  }
0x3a8: {  	v13 =	vld [tilespmem:s19+$0x104F0]  }
0x3a9: {  	v19 =	vld [tilespmem:s19+$0x10560]  }
0x3aa: {  	v20 =	vld [tilespmem:s19+$0x10570]  }
0x3ab: {  	v21 =	vld [tilespmem:s19+$0x105E0]  }
0x3ac: {  	v22 =	vld [tilespmem:s19+$0x105F0]  }
0x3ad: {  	v23 =	vld [tilespmem:s19+$0x10660]  }
0x3ae: {  	v24 =	vld [tilespmem:s19+$0x10670]  }
0x3af: {  	v25 =	vld [tilespmem:s19+$0x106E0]  }
0x3b0: {  	v26 =	vld [tilespmem:s19+$0x106F0]  }
0x3b1: {  	v27 =	vld [tilespmem:s19+$0x10760]  }
0x3b2: {  	v4 =	vmov v28;
	v28 =	vld [tilespmem:s19+$0x10770]  }
0x3b3: {  	v47 =	vld [tilespmem:s19+$0x107E0]  }
0x3b4: {  	v45 =	vld [tilespmem:s19+$0x107F0];
	_ =	swait.ge [sflag:s11], $0x8000  }
0x3b5: {  	v1 =	vadd.f32 v3, v62;
	v62 =	vld [tilespmem:$0x1FAC0]  }
0x3b6: {  	v12 =	vadd.f32 v12, v52;
	[sflag:s11] =	ssyncset.done $0x0;
	v52 =	vld [tilespmem:$0x1FA60]  }
0x3b7: {  	s19 =	simm.s32 $0x0;
	v2 =	vld [tilespmem:$0x1FAA0];
	[sflag:s11] =	ssyncadd.s32 $0xFFFF8000  }
0x3b8: {  	v0 =	vld [tilespmem:s19+$0x380]  }
0x3b9: {  	v58 =	vld [tilespmem:s19+$0x390]  }
0x3ba: {  	v32 =	vld [tilespmem:s19+$0x3A0]  }
0x3bb: {  	v33 =	vld [tilespmem:s19+$0x3B0]  }
0x3bc: {  	v34 =	vld [tilespmem:s19+$0x3C0]  }
0x3bd: {  	v35 =	vld [tilespmem:s19+$0x3D0]  }
0x3be: {  	v38 =	vld [tilespmem:s19+$0x3E0]  }
0x3bf: {  	v42 =	vld [tilespmem:s19+$0x3F0]  }
0x3c0: {  	v31 =	vld [tilespmem:s19+$0x7A0]  }
0x3c1: {  	v30 =	vld [tilespmem:s19+$0x7B0]  }
0x3c2: {  	v44 =	vld [tilespmem:s19+$0x7C0]  }
0x3c3: {  	v50 =	vld [tilespmem:s19+$0x300]  }
0x3c4: {  	v48 =	vld [tilespmem:s19+$0x310]  }
0x3c5: {  	v56 =	vld [tilespmem:s19+$0x330]  }
0x3c6: {  	v46 =	vld [tilespmem:s19+$0x340]  }
0x3c7: {  	v8 =	vld [tilespmem:s19+$0x700]  }
0x3c8: {  	v10 =	vld [tilespmem:s19+$0x710]  }
0x3c9: {  	v11 =	vld [tilespmem:s19+$0x720]  }
0x3ca: {  	v14 =	vld [tilespmem:s19+$0x730]  }
0x3cb: {  	v6 =	vmov v29;
	v29 =	vld [tilespmem:s19+$0x290]  }
0x3cc: {  	v16 =	vld [tilespmem:s19+$0x200]  }
0x3cd: {  	v15 =	vld [tilespmem:s19+$0x210]  }
0x3ce: {  	v17 =	vld [tilespmem:s19+$0x220]  }
0x3cf: {  	v18 =	vld [tilespmem:s19+$0x230]  }
0x3d0: {  	v9 =	vadd.f32 v9, v51;
	v51 =	vld [tilespmem:s19+$0x270]  }
0x3d1: {  	v3 =	vadd.f32 v62, v63;
	v63 =	vld [tilespmem:s19+$0x600]  }
0x3d2: {  	v5 =	vadd.f32 v5, v39;
	v62 =	vld [tilespmem:$0x1FA70]  }
0x3d3: {  	v52 =	vadd.f32 v52, v9;
	v9 =	vld [tilespmem:s19+$0x610]  }
0x3d4: {  	v5 =	vadd.f32 v13, v5;
	v13 =	vld [tilespmem:s19+$0x180]  }
0x3d5: {  	[tilespmem:$0x1F9A0] =	vst v34;
	v34 =	vld [tilespmem:s19+$0x780]  }
0x3d6: {  	[tilespmem:$0x1F9C0] =	vst v38;
	v38 =	vld [tilespmem:s19+$0x790]  }
0x3d7: {  	[tilespmem:$0x1F9B0] =	vst v35;
	v35 =	vld [tilespmem:s19+$0x7D0]  }
0x3d8: {  	[tilespmem:$0x1F8C0] =	vst v58;
	v58 =	vld [tilespmem:s19+$0x320]  }
0x3d9: {  	[tilespmem:$0x1F8D0] =	vst v32;
	v32 =	vld [tilespmem:s19+$0x350]  }
0x3da: {  	[tilespmem:$0x1F8E0] =	vst v33;
	v33 =	vld [tilespmem:s19+$0x360]  }
0x3db: {  	[tilespmem:$0x1F9D0] =	vst v42;
	v42 =	vld [tilespmem:s19+$0x370]  }
0x3dc: {  	[tilespmem:$0x1F860] =	vst v44;
	v44 =	vld [tilespmem:s19+$0x740]  }
0x3dd: {  	[tilespmem:$0x1F960] =	vst v46;
	v46 =	vld [tilespmem:s19+$0x750]  }
0x3de: {  	[tilespmem:$0x1F8B0] =	vst v0;
	v0 =	vld [tilespmem:s19+$0x6C0]  }
0x3df: {  	v5 =	vadd.f32 v20, v5;
	v20 =	vld [tilespmem:s19+$0x110]  }
0x3e0: {  	[tilespmem:$0x1F9F0] =	vst v63;
	v63 =	vld [tilespmem:$0x1FA80]  }
0x3e1: {  	v5 =	vadd.f32 v22, v5;
	v22 =	vld [tilespmem:s19+$0x90]  }
0x3e2: {  	[tilespmem:$0x1F990] =	vst v42;
	v42 =	vld [tilespmem:s19+$0x280]  }
0x3e3: {  	[tilespmem:$0x1F870] =	vst v44;
	v44 =	vld [tilespmem:s19+$0x2A0]  }
0x3e4: {  	[tilespmem:$0x1F890] =	vst v0;
	v0 =	vld [tilespmem:s19+$0x6D0]  }
0x3e5: {  	[tilespmem:$0x1F880] =	vst v46;
	v46 =	vld [tilespmem:s19+$0x2B0]  }
0x3e6: {  	[tilespmem:$0x1F970] =	vst v32;
	v32 =	vld [tilespmem:s19+$0x2C0]  }
0x3e7: {  	[tilespmem:$0x1F980] =	vst v33;
	v33 =	vld [tilespmem:s19+$0x2D0]  }
0x3e8: {  	v5 =	vadd.f32 v24, v5;
	v24 =	vld [tilespmem:s19+$0x10]  }
0x3e9: {  	[tilespmem:$0x1F8A0] =	vst v0;
	v0 =	vld [tilespmem:s19+$0x240]  }
0x3ea: {  	v5 =	vadd.f32 v26, v5;
	v26 =	vld [tilespmem:s19+$0x30]  }
0x3eb: {  	v63 =	vadd.f32 v63, v1;
	v1 =	vadd.f32 v59, v36;
	v36 =	vld [tilespmem:s19+$0x630]  }
0x3ec: {  	v59 =	vld [tilespmem:s19+$0x640]  }
0x3ed: {  	v28 =	vadd.f32 v28, v5;
	v5 =	vld [tilespmem:s19+$0xB0]  }
0x3ee: {  	[tilespmem:$0x1F8F0] =	vst v0;
	v0 =	vld [tilespmem:s19+$0x250]  }
0x3ef: {  	[tilespmem:$0x1F920] =	vst v32;
	v32 =	vld [tilespmem:s19+$0x2E0]  }
0x3f0: {  	[tilespmem:$0x1F930] =	vst v33;
	v33 =	vld [tilespmem:s19+$0x2F0]  }
0x3f1: {  	v1 =	vadd.f32 v55, v1;
	v55 =	vld [tilespmem:$0x1FAD0]  }
0x3f2: {  	v62 =	vadd.f32 v62, v12;
	v12 =	vadd.f32 v45, v28;
	v28 =	vld [tilespmem:s19+$0x130]  }
0x3f3: {  	[tilespmem:$0x1F900] =	vst v0;
	v0 =	vld [tilespmem:s19+$0x260]  }
0x3f4: {  	v45 =	vld [tilespmem:$0x1FB50]  }
0x3f5: {  	v1 =	vadd.f32 v54, v1;
	v54 =	vld [tilespmem:$0x1FB00]  }
0x3f6: {  	[tilespmem:$0x1F940] =	vst v32;
	v32 =	vld [tilespmem:s19+$0x680]  }
0x3f7: {  	[tilespmem:$0x1F950] =	vst v33;
	v33 =	vld [tilespmem:s19+$0x690]  }
0x3f8: {  	v1 =	vadd.f32 v40, v1;
	[tilespmem:$0x1F910] =	vst v0;
	v0 =	vld [tilespmem:$0x1FA90]  }
0x3f9: {  	v40 =	vld [tilespmem:$0x1FC20]  }
0x3fa: {  	v1 =	vadd.f32 v41, v1;
	v41 =	vld [tilespmem:$0x1FC30]  }
0x3fb: {  	[tilespmem:$0x1FA10] =	vst v32;
	v32 =	vld [tilespmem:s19+$0x6A0]  }
0x3fc: {  	[tilespmem:$0x1FA20] =	vst v33;
	v33 =	vld [tilespmem:s19+$0x6B0]  }
0x3fd: {  	v0 =	vadd.f32 v0, v3;
	v3 =	vadd.f32 v60, v37;
	v60 =	vld [tilespmem:$0x1FB10]  }
0x3fe: {  	v37 =	vld [tilespmem:s19+$0x190]  }
0x3ff: {  	[tilespmem:$0x1F9E0] =	vst v0;
	v0 =	vld [tilespmem:s19+$0x620];
	v3 =	vadd.f32 v53, v3  }
0x400: {  	v53 =	vld [tilespmem:s19+$0x650]  }
0x401: {  	v3 =	vadd.f32 v57, v3;
	v57 =	vld [tilespmem:$0x1FAE0]  }
0x402: {  	v61 =	vadd.f32 v61, v60;
	v60 =	vld [tilespmem:s19+$0xA0]  }
0x403: {  	v3 =	vadd.f32 v49, v3;
	v49 =	vld [tilespmem:$0x1FAF0]  }
0x404: {  	v7 =	vadd.f32 v7, v61;
	v61 =	vld [tilespmem:$0x1FAB0]  }
0x405: {  	v3 =	vadd.f32 v43, v3;
	v43 =	vld [tilespmem:s19+$0x1E0]  }
0x406: {  	v7 =	vadd.f32 v19, v7;
	v19 =	vld [tilespmem:s19+$0x100]  }
0x407: {  	v3 =	vadd.f32 v54, v3;
	v54 =	vld [tilespmem:$0x1FB70]  }
0x408: {  	v7 =	vadd.f32 v21, v7;
	v21 =	vld [tilespmem:s19+$0x80]  }
0x409: {  	v1 =	vadd.f32 v49, v1;
	v3 =	vadd.f32 v57, v3;
	v57 =	vld [tilespmem:$0x1F8B0]  }
0x40a: {  	v7 =	vadd.f32 v23, v7;
	v23 =	vld [tilespmem:s19+$0x0]  }
0x40b: {  	v1 =	vadd.f32 v55, v1;
	v55 =	vld [tilespmem:s19+$0x1A0]  }
0x40c: {  	v7 =	vadd.f32 v25, v7;
	v25 =	vld [tilespmem:s19+$0x20]  }
0x40d: {  	v39 =	vadd.f32 v61, v3;
	v61 =	vld [tilespmem:$0x1F8D0]  }
0x40e: {  	v26 =	vadd.f32 v26, v54;
	v54 =	vld [tilespmem:$0x1F940];
	v27 =	vadd.f32 v27, v7  }
0x40f: {  	v23 =	vadd.f32 v23, v4;
	v4 =	vld [tilespmem:$0x1F8E0]  }
0x410: {  	v24 =	vadd.f32 v24, v6;
	v47 =	vadd.f32 v47, v27;
	v27 =	vld [tilespmem:s19+$0x120]  }
0x411: {  	v25 =	vadd.f32 v25, v45;
	v21 =	vadd.f32 v21, v23;
	v23 =	vld [tilespmem:s19+$0x1B0]  }
0x412: {  	v22 =	vadd.f32 v22, v24;
	v45 =	vld [tilespmem:$0x1F900]  }
0x413: {  	v24 =	vadd.f32 v60, v25;
	v25 =	vadd.f32 v5, v26;
	v26 =	vld [tilespmem:s19+$0x1C0]  }
0x414: {  	v19 =	vadd.f32 v19, v21;
	v21 =	vld [tilespmem:s19+$0x1D0]  }
0x415: {  	v60 =	vld [tilespmem:s19+$0xF0]  }
0x416: {  	v20 =	vadd.f32 v20, v22;
	v5 =	vld [tilespmem:$0x1FC00]  }
0x417: {  	v22 =	vadd.f32 v27, v24;
	v24 =	vadd.f32 v28, v25;
	v25 =	vld [tilespmem:s19+$0x140]  }
0x418: {  	v13 =	vadd.f32 v13, v19;
	v19 =	vadd.f32 v37, v20;
	v20 =	vld [tilespmem:s19+$0x150]  }
0x419: {  	v27 =	vld [tilespmem:s19+$0x70]  }
0x41a: {  	v37 =	vld [tilespmem:s19+$0x580]  }
0x41b: {  	v23 =	vadd.f32 v23, v24;
	v24 =	vld [tilespmem:s19+$0xC0]  }
0x41c: {  	v22 =	vadd.f32 v55, v22;
	v15 =	vadd.f32 v15, v19;
	v19 =	vld [tilespmem:s19+$0xD0]  }
0x41d: {  	v13 =	vadd.f32 v16, v13;
	v55 =	vld [tilespmem:$0x1F950]  }
0x41e: {  	v16 =	vadd.f32 v17, v22;
	v17 =	vadd.f32 v18, v23;
	v18 =	vld [tilespmem:s19+$0x40]  }
0x41f: {  	v22 =	vld [tilespmem:s19+$0x50]  }
0x420: {  	v23 =	vld [tilespmem:s19+$0x60]  }
0x421: {  	v13 =	vadd.f32 v42, v13;
	v15 =	vadd.f32 v29, v15;
	v42 =	vld [tilespmem:$0x1FC40]  }
0x422: {  	v16 =	vadd.f32 v44, v16;
	v44 =	vld [tilespmem:$0x1F8F0]  }
0x423: {  	v17 =	vadd.f32 v46, v17;
	v15 =	vadd.f32 v48, v15;
	v48 =	vld [tilespmem:$0x1F910]  }
0x424: {  	v13 =	vadd.f32 v50, v13;
	v50 =	vld [tilespmem:$0x1F920]  }
0x425: {  	v29 =	vadd.f32 v56, v17;
	v56 =	vld [tilespmem:s19+$0xE0]  }
0x426: {  	v28 =	vadd.f32 v58, v16;
	v58 =	vld [tilespmem:$0x1F8C0]  }
0x427: {  	v16 =	vadd.f32 v57, v13;
	v57 =	vld [tilespmem:$0x1F970]  }
0x428: {  	v18 =	vadd.f32 v18, v5;
	v5 =	vld [tilespmem:s19+$0x4A0]  }
0x429: {  	v22 =	vadd.f32 v22, v40;
	v40 =	vld [tilespmem:s19+$0x4C0]  }
0x42a: {  	v23 =	vadd.f32 v23, v41;
	v41 =	vld [tilespmem:s19+$0x4D0]  }
0x42b: {  	v27 =	vadd.f32 v27, v42;
	v42 =	vld [tilespmem:s19+$0x440]  }
0x42c: {  	v13 =	vadd.f32 v61, v28;
	v28 =	vld [tilespmem:s19+$0x160]  }
0x42d: {  	v46 =	vadd.f32 v4, v29;
	v29 =	vld [tilespmem:s19+$0x170]  }
0x42e: {  	v61 =	vld [tilespmem:$0x1F990]  }
0x42f: {  	v19 =	vadd.f32 v19, v22;
	v22 =	vld [tilespmem:s19+$0x1F0]  }
0x430: {  	v18 =	vadd.f32 v24, v18;
	v24 =	vadd.f32 v60, v27;
	v27 =	vld [tilespmem:s19+$0x510]  }
0x431: {  	v60 =	vld [tilespmem:$0x1F980]  }
0x432: {  	v18 =	vadd.f32 v25, v18;
	v25 =	vld [tilespmem:s19+$0x590]  }
0x433: {  	v23 =	vadd.f32 v56, v23;
	v56 =	vld [tilespmem:$0x1F960]  }
0x434: {  	v17 =	vadd.f32 v58, v15;
	v19 =	vadd.f32 v20, v19;
	v58 =	vld [tilespmem:s19+$0x430]  }
0x435: {  	v20 =	vadd.f32 v28, v23;
	v23 =	vadd.f32 v29, v24;
	v24 =	vld [tilespmem:s19+$0x500]  }
0x436: {  	v18 =	vadd.f32 v26, v18;
	v26 =	vld [tilespmem:s19+$0x400]  }
0x437: {  	v28 =	vld [tilespmem:s19+$0x410]  }
0x438: {  	v29 =	vld [tilespmem:s19+$0x420]  }
0x439: {  	v19 =	vadd.f32 v21, v19;
	v21 =	vadd.f32 v22, v23;
	v22 =	vld [tilespmem:s19+$0x480]  }
0x43a: {  	v23 =	vld [tilespmem:s19+$0x490]  }
0x43b: {  	v49 =	vadd.f32 v2, v1;
	v20 =	vadd.f32 v43, v20;
	v43 =	vld [tilespmem:$0x1F9A0]  }
0x43c: {  	v18 =	vadd.f32 v44, v18;
	v19 =	vadd.f32 v45, v19;
	v44 =	vld [tilespmem:$0x1F9B0]  }
0x43d: {  	v45 =	vld [tilespmem:s19+$0x4B0];
	v20 =	vadd.f32 v48, v20;
	v21 =	vadd.f32 v51, v21  }
0x43e: {  	v18 =	vadd.f32 v50, v18;
	v51 =	vld [tilespmem:$0x1F930];
	v26 =	vadd.f32 v26, v52  }
0x43f: {  	v50 =	vld [tilespmem:$0x1F9C0];
	v28 =	vadd.f32 v28, v62;
	v29 =	vadd.f32 v29, v63  }
0x440: {  	v20 =	vadd.f32 v54, v20;
	v18 =	vadd.f32 v56, v18;
	v56 =	vld [tilespmem:$0x1F9E0]  }
0x441: {  	v62 =	vld [tilespmem:$0x1FA10];
	v21 =	vadd.f32 v55, v21;
	v22 =	vadd.f32 v22, v26  }
0x442: {  	v54 =	vld [tilespmem:s19+$0x520];
	v23 =	vadd.f32 v23, v28;
	v28 =	vadd.f32 v5, v29  }
0x443: {  	v55 =	vld [tilespmem:s19+$0x530];
	v1 =	vadd.f32 v60, v20;
	v19 =	vadd.f32 v51, v19  }
0x444: {  	v4 =	vadd.f32 v61, v21;
	v21 =	vadd.f32 v43, v18;
	v60 =	vld [tilespmem:$0x1F9F0]  }
0x445: {  	[tilespmem:$0x1FA00] =	vst v0;
	v19 =	vadd.f32 v57, v19;
	v0 =	vadd.f32 v58, v56;
	v57 =	vld [tilespmem:s19+$0x5A0]  }
0x446: {  	v22 =	vadd.f32 v24, v22;
	v23 =	vadd.f32 v27, v23;
	v58 =	vld [tilespmem:s19+$0x5B0]  }
0x447: {  	v51 =	vld [tilespmem:$0x1F9D0];
	v48 =	vadd.f32 v50, v1;
	v29 =	vadd.f32 v45, v0  }
0x448: {  	v61 =	vld [tilespmem:$0x1FA00];
	v24 =	vadd.f32 v54, v28;
	v22 =	vadd.f32 v37, v22  }
0x449: {  	v63 =	vld [tilespmem:$0x1FA20];
	v23 =	vadd.f32 v25, v23;
	v0 =	vadd.f32 v55, v29  }
0x44a: {  	v26 =	vld [tilespmem:s19+$0x5C0];
	v20 =	vadd.f32 v44, v19;
	v22 =	vadd.f32 v60, v22  }
0x44b: {  	v43 =	vld [tilespmem:s19+$0x450];
	v24 =	vadd.f32 v57, v24;
	v25 =	vadd.f32 v58, v0  }
0x44c: {  	v27 =	vld [tilespmem:s19+$0x5D0];
	v23 =	vadd.f32 v9, v23;
	v18 =	vadd.f32 v51, v4  }
0x44d: {  	v28 =	vld [tilespmem:s19+$0x540];
	v24 =	vadd.f32 v61, v24;
	v25 =	vadd.f32 v36, v25  }
0x44e: {  	v29 =	vld [tilespmem:s19+$0x550];
	v22 =	vadd.f32 v62, v22;
	v23 =	vadd.f32 v63, v23  }
0x44f: {  	s20 =	simm.s32 $0x2000;
	v36 =	vld [tilespmem:s19+$0x460];
	v24 =	vadd.f32 v32, v24;
	v25 =	vadd.f32 v33, v25  }
.LBB2_8:
0x450: {  	v37 =	vld [tilespmem:s19+$0x470]  }
0x451: {  	v33 =	vld [tilespmem:s19+$0x4E0]  }
0x452: {  	v32 =	vld [tilespmem:s19+$0x4F0]  }
0x453: {  	v52 =	vld [tilespmem:s19+$0x660]  }
0x454: {  	v9 =	vld [tilespmem:s19+$0x770]  }
0x455: {  	v54 =	vld [tilespmem:$0x1F8A0]  }
0x456: {  	v55 =	vld [tilespmem:$0x1F870]  }
0x457: {  	v56 =	vld [tilespmem:$0x1F880]  }
0x458: {  	v57 =	vld [tilespmem:$0x1F860];
	v23 =	vadd.f32 v10, v23  }
0x459: {  	v24 =	vadd.f32 v11, v24;
	v11 =	vld [tilespmem:s19+$0x560];
	v22 =	vadd.f32 v8, v22  }
0x45a: {  	v10 =	vld [tilespmem:s19+$0x5E0];
	v25 =	vadd.f32 v14, v25;
	v7 =	vadd.f32 v42, v49  }
0x45b: {  	v3 =	vadd.f32 v43, v39;
	v8 =	vld [tilespmem:s19+$0x570];
	v5 =	vadd.f32 v36, v47  }
0x45c: {  	v14 =	vld [tilespmem:s19+$0x5F0];
	v1 =	vadd.f32 v37, v12;
	v7 =	vadd.f32 v40, v7  }
0x45d: {  	v12 =	vld [tilespmem:s19+$0x7E0];
	v3 =	vadd.f32 v41, v3;
	v5 =	vadd.f32 v33, v5  }
0x45e: {  	v1 =	vadd.f32 v32, v1;
	v7 =	vadd.f32 v28, v7;
	v28 =	vld [tilespmem:s19+$0x670]  }
0x45f: {  	v3 =	vadd.f32 v29, v3;
	v5 =	vadd.f32 v11, v5;
	v11 =	vld [tilespmem:s19+$0x6F0]  }
0x460: {  	v1 =	vadd.f32 v8, v1;
	v8 =	vld [tilespmem:s19+$0x6E0]  }
0x461: {  	v3 =	vadd.f32 v27, v3;
	v5 =	vadd.f32 v10, v5;
	v10 =	vld [tilespmem:s19+$0x760]  }
0x462: {  	v1 =	vadd.f32 v14, v1;
	v14 =	vld [tilespmem:s19+$0x7F0]  }
0x463: {  	s19 =	sshra.s32 s20, $0x2;
	v3 =	vadd.f32 v53, v3;
	v53 =	vld [tilespmem:$0x1F890]  }
0x464: {  	v7 =	vadd.f32 v26, v7;
	v26 =	vld [tilespmem:s19+$0x380]  }
0x465: {  	v51 =	vadd.f32 v30, v25;
	v25 =	vld [tilespmem:s19+$0x390]  }
0x466: {  	v45 =	vadd.f32 v38, v23;
	v23 =	vld [tilespmem:s19+$0x3A0]  }
0x467: {  	[tilespmem:$0x1F7D0] =	vst v51;
	v51 =	vld [tilespmem:s19+$0x3B0]  }
0x468: {  	v58 =	vld [tilespmem:s19+$0x3C0]  }
0x469: {  	v60 =	vld [tilespmem:s19+$0x3D0]  }
0x46a: {  	v61 =	vld [tilespmem:s19+$0x3E0]  }
0x46b: {  	v62 =	vld [tilespmem:s19+$0x3F0]  }
0x46c: {  	v27 =	vld [tilespmem:s19+$0x780]  }
0x46d: {  	v15 =	vld [tilespmem:s19+$0x790]  }
0x46e: {  	v63 =	vld [tilespmem:s19+$0x7A0]  }
0x46f: {  	v44 =	vld [tilespmem:s19+$0x330]  }
0x470: {  	v40 =	vld [tilespmem:s19+$0x340]  }
0x471: {  	v42 =	vld [tilespmem:s19+$0x350]  }
0x472: {  	v41 =	vld [tilespmem:s19+$0x360]  }
0x473: {  	v43 =	vld [tilespmem:s19+$0x370]  }
0x474: {  	v32 =	vld [tilespmem:s19+$0x700]  }
0x475: {  	v29 =	vld [tilespmem:s19+$0x710]  }
0x476: {  	v33 =	vld [tilespmem:s19+$0x730]  }
0x477: {  	v0 =	vadd.f32 v34, v22;
	v34 =	vld [tilespmem:s19+$0x740]  }
0x478: {  	v2 =	vld [tilespmem:s19+$0x290]  }
0x479: {  	v5 =	vadd.f32 v52, v5;
	v52 =	vld [tilespmem:s19+$0x2C0]  }
0x47a: {  	[tilespmem:$0x1F7B0] =	vst v45;
	v45 =	vld [tilespmem:s19+$0x2E0]  }
0x47b: {  	v36 =	vld [tilespmem:s19+$0x680]  }
0x47c: {  	v37 =	vld [tilespmem:s19+$0x6A0]  }
0x47d: {  	v38 =	vld [tilespmem:s19+$0x6C0]  }
0x47e: {  	v39 =	vld [tilespmem:s19+$0x6D0]  }
0x47f: {  	v47 =	vld [tilespmem:s19+$0x600]  }
0x480: {  	v50 =	vadd.f32 v31, v24;
	v49 =	vld [tilespmem:s19+$0x610]  }
0x481: {  	v22 =	vld [tilespmem:s19+$0x620]  }
0x482: {  	[tilespmem:$0x1F7C0] =	vst v50;
	v50 =	vld [tilespmem:s19+$0x630]  }
0x483: {  	v30 =	vld [tilespmem:s19+$0x180]  }
0x484: {  	v31 =	vld [tilespmem:s19+$0x190]  }
0x485: {  	v1 =	vadd.f32 v28, v1;
	v28 =	vld [tilespmem:s19+$0x720]  }
0x486: {  	v3 =	vadd.f32 v54, v3;
	v54 =	vld [tilespmem:s19+$0x2D0]  }
0x487: {  	v5 =	vadd.f32 v8, v5;
	v8 =	vld [tilespmem:s19+$0x200]  }
0x488: {  	v1 =	vadd.f32 v11, v1;
	v11 =	vld [tilespmem:s19+$0x220]  }
0x489: {  	v4 =	vadd.f32 v10, v5;
	v5 =	vld [tilespmem:s19+$0x7C0]  }
0x48a: {  	v3 =	vadd.f32 v56, v3;
	v56 =	vld [tilespmem:s19+$0x300]  }
0x48b: {  	v10 =	vld [tilespmem:s19+$0x210]  }
0x48c: {  	[tilespmem:$0x1F760] =	vst v58;
	v58 =	vld [tilespmem:s19+$0x310]  }
0x48d: {  	[tilespmem:$0x1F840] =	vst v36;
	v36 =	vld [tilespmem:s19+$0x690]  }
0x48e: {  	[tilespmem:$0x1F850] =	vst v37;
	v37 =	vld [tilespmem:s19+$0x6B0]  }
0x48f: {  	[tilespmem:$0x1F770] =	vst v60;
	v60 =	vld [tilespmem:s19+$0x240]  }
0x490: {  	[tilespmem:$0x1F790] =	vst v62;
	v62 =	vld [tilespmem:s19+$0x250]  }
0x491: {  	v7 =	vadd.f32 v59, v7;
	[tilespmem:$0x1F780] =	vst v61;
	v61 =	vld [tilespmem:s19+$0x260]  }
0x492: {  	[tilespmem:$0x1F7F0] =	vst v63;
	v63 =	vld [tilespmem:s19+$0x270]  }
0x493: {  	v7 =	vadd.f32 v53, v7;
	v53 =	vld [tilespmem:s19+$0x650]  }
0x494: {  	[tilespmem:$0x1F810] =	vst v32;
	v32 =	vld [tilespmem:s19+$0x100]  }
0x495: {  	[tilespmem:$0x1F800] =	vst v33;
	v33 =	vld [tilespmem:s19+$0x110]  }
0x496: {  	[tilespmem:$0x1F870] =	vst v34;
	v34 =	vld [tilespmem:s19+$0x80]  }
0x497: {  	[tilespmem:$0x1F890] =	vst v38;
	v38 =	vld [tilespmem:s19+$0x30]  }
0x498: {  	[tilespmem:$0x1F8A0] =	vst v39;
	v39 =	vld [tilespmem:s19+$0xA0]  }
0x499: {  	v1 =	vadd.f32 v9, v1;
	v9 =	vld [tilespmem:s19+$0x120]  }
0x49a: {  	v59 =	vadd.f32 v12, v4;
	v4 =	vld [tilespmem:s19+$0x7B0]  }
0x49b: {  	v12 =	vld [tilespmem:s19+$0x7D0]  }
0x49c: {  	v24 =	vmov v18;
	v18 =	vadd.f32 v35, v3;
	v35 =	vld [tilespmem:s19+$0x750]  }
0x49d: {  	v3 =	vld [tilespmem:s19+$0x10]  }
0x49e: {  	v6 =	vadd.f32 v55, v7;
	v55 =	vld [tilespmem:s19+$0x2F0]  }
0x49f: {  	v19 =	vadd.f32 v14, v1;
	v14 =	vld [tilespmem:s19+$0x230]  }
0x4a0: {  	v1 =	vld [tilespmem:s19+$0x0]  }
0x4a1: {  	v7 =	vld [tilespmem:s19+$0xB0]  }
0x4a2: {  	[tilespmem:$0x1F820] =	vst v59;
	v59 =	vld [tilespmem:s19+$0x640]  }
0x4a3: {  	[tilespmem:$0x1F7A0] =	vst v0;
	v0 =	vadd.f32 v57, v6;
	v57 =	vld [tilespmem:s19+$0x320]  }
0x4a4: {  	v6 =	vld [tilespmem:s19+$0x2B0]  }
0x4a5: {  	[tilespmem:$0x1F860] =	vst v5;
	v5 =	vld [tilespmem:s19+$0x20]  }
0x4a6: {  	[tilespmem:$0x1F830] =	vst v0;
	v0 =	vld [tilespmem:s19+$0x280]  }
0x4a7: {  	[tilespmem:$0x1F7E0] =	vst v4;
	v4 =	vld [tilespmem:s19+$0x2A0]  }
0x4a8: {  	[tilespmem:$0x1F880] =	vst v35;
	v35 =	vld [tilespmem:s19+$0x90]  }
0x4a9: {  	v3 =	vadd.f32 v3, v17;
	v17 =	vld [tilespmem:s19+$0x1B0];
	v1 =	vadd.f32 v1, v16  }
0x4aa: {  	v16 =	vld [tilespmem:s19+$0x130];
	v5 =	vadd.f32 v5, v13  }
0x4ab: {  	v13 =	vadd.f32 v38, v46;
	v38 =	vmov v15;
	v15 =	vld [tilespmem:s19+$0x1A0];
	v1 =	vadd.f32 v34, v1  }
0x4ac: {  	v34 =	vld [tilespmem:s19+$0x1C0]  }
0x4ad: {  	v5 =	vadd.f32 v39, v5;
	v1 =	vadd.f32 v32, v1;
	v32 =	vld [tilespmem:s19+$0x1D0]  }
0x4ae: {  	v3 =	vadd.f32 v35, v3;
	v39 =	vmov v18;
	v18 =	vld [tilespmem:$0x1F760]  }
0x4af: {  	v5 =	vadd.f32 v9, v5;
	v9 =	vld [tilespmem:s19+$0x140]  }
0x4b0: {  	v7 =	vadd.f32 v7, v13;
	v3 =	vadd.f32 v33, v3;
	v33 =	vld [tilespmem:s19+$0x150]  }
0x4b1: {  	v1 =	vadd.f32 v30, v1;
	v30 =	vld [tilespmem:s19+$0xC0]  }
0x4b2: {  	v7 =	vadd.f32 v16, v7;
	v3 =	vadd.f32 v31, v3;
	v31 =	vld [tilespmem:s19+$0xD0]  }
0x4b3: {  	v5 =	vadd.f32 v15, v5;
	v1 =	vadd.f32 v8, v1;
	v8 =	vld [tilespmem:s19+$0x40]  }
0x4b4: {  	v7 =	vadd.f32 v17, v7;
	v3 =	vadd.f32 v10, v3;
	v10 =	vld [tilespmem:s19+$0x50]  }
0x4b5: {  	v5 =	vadd.f32 v11, v5;
	v11 =	vld [tilespmem:s19+$0x410]  }
0x4b6: {  	v7 =	vadd.f32 v14, v7;
	v14 =	vld [tilespmem:s19+$0x420]  }
0x4b7: {  	v0 =	vadd.f32 v0, v1;
	v1 =	vadd.f32 v2, v3;
	v2 =	vld [tilespmem:s19+$0x60]  }
0x4b8: {  	v3 =	vadd.f32 v4, v5;
	v5 =	vld [tilespmem:s19+$0x70]  }
0x4b9: {  	v46 =	vadd.f32 v6, v7;
	v6 =	vld [tilespmem:s19+$0xE0]  }
0x4ba: {  	v7 =	vld [tilespmem:s19+$0xF0]  }
0x4bb: {  	v1 =	vadd.f32 v58, v1;
	v58 =	vld [tilespmem:s19+$0x160]  }
0x4bc: {  	v0 =	vadd.f32 v56, v0;
	v3 =	vadd.f32 v57, v3;
	v57 =	vld [tilespmem:s19+$0x170]  }
0x4bd: {  	v4 =	vadd.f32 v44, v46;
	v44 =	vld [tilespmem:s19+$0x510]  }
0x4be: {  	v16 =	vadd.f32 v26, v0;
	v26 =	vld [tilespmem:s19+$0x5C0]  }
0x4bf: {  	v56 =	vadd.f32 v10, v20;
	v10 =	vld [tilespmem:s19+$0x1F0]  }
0x4c0: {  	v46 =	vadd.f32 v51, v4;
	v51 =	vadd.f32 v8, v21;
	v8 =	vld [tilespmem:s19+$0x1E0]  }
0x4c1: {  	v4 =	vld [tilespmem:s19+$0x500]  }
0x4c2: {  	v13 =	vadd.f32 v23, v3;
	v3 =	vadd.f32 v31, v56;
	v31 =	vld [tilespmem:s19+$0x4A0]  }
0x4c3: {  	v17 =	vadd.f32 v25, v1;
	v2 =	vadd.f32 v2, v48;
	v56 =	vld [tilespmem:$0x1F780]  }
0x4c4: {  	v5 =	vadd.f32 v5, v24;
	v1 =	vadd.f32 v30, v51;
	v30 =	vld [tilespmem:s19+$0x430]  }
0x4c5: {  	v2 =	vadd.f32 v6, v2;
	v6 =	vld [tilespmem:s19+$0x580]  }
0x4c6: {  	v5 =	vadd.f32 v7, v5;
	v7 =	vld [tilespmem:s19+$0x590]  }
0x4c7: {  	v1 =	vadd.f32 v9, v1;
	v9 =	vld [tilespmem:s19+$0x480]  }
0x4c8: {  	v0 =	vadd.f32 v58, v2;
	v58 =	vadd.f32 v57, v5;
	v57 =	vld [tilespmem:$0x1F790]  }
0x4c9: {  	v3 =	vadd.f32 v33, v3;
	v1 =	vadd.f32 v34, v1;
	v34 =	vmov v27;
	v27 =	vld [tilespmem:s19+$0x5D0]  }
0x4ca: {  	v0 =	vadd.f32 v8, v0;
	v8 =	vld [tilespmem:s19+$0x490]  }
0x4cb: {  	v3 =	vadd.f32 v32, v3;
	v2 =	vadd.f32 v10, v58;
	v10 =	vld [tilespmem:s19+$0x400]  }
0x4cc: {  	v58 =	vld [tilespmem:$0x1F7A0]  }
0x4cd: {  	v3 =	vadd.f32 v62, v3;
	v62 =	vld [tilespmem:$0x1F840];
	v1 =	vadd.f32 v60, v1  }
0x4ce: {  	v60 =	vld [tilespmem:$0x1F7B0];
	v0 =	vadd.f32 v61, v0;
	v2 =	vadd.f32 v63, v2  }
0x4cf: {  	v3 =	vadd.f32 v54, v3;
	v54 =	vld [tilespmem:$0x1F770];
	v1 =	vadd.f32 v52, v1  }
0x4d0: {  	v61 =	vld [tilespmem:s19+$0x530];
	v0 =	vadd.f32 v45, v0  }
0x4d1: {  	v63 =	vld [tilespmem:$0x1F850];
	v2 =	vadd.f32 v55, v2;
	v1 =	vadd.f32 v40, v1  }
0x4d2: {  	v52 =	vld [tilespmem:s19+$0x4B0];
	v0 =	vadd.f32 v41, v0  }
0x4d3: {  	v55 =	vld [tilespmem:s19+$0x520];
	v2 =	vadd.f32 v43, v2;
	v21 =	vadd.f32 v18, v1  }
0x4d4: {  	v48 =	vadd.f32 v56, v0;
	v0 =	vadd.f32 v10, v58;
	v10 =	vld [tilespmem:$0x1F7C0]  }
0x4d5: {  	v18 =	vadd.f32 v57, v2;
	v2 =	vadd.f32 v11, v60;
	v11 =	vld [tilespmem:$0x1F7D0]  }
0x4d6: {  	v3 =	vadd.f32 v42, v3;
	v42 =	vld [tilespmem:s19+$0x440]  }
0x4d7: {  	v40 =	vld [tilespmem:s19+$0x4C0]  }
0x4d8: {  	v41 =	vld [tilespmem:s19+$0x4D0];
	v20 =	vadd.f32 v54, v3  }
0x4d9: {  	v43 =	vld [tilespmem:s19+$0x450];
	v0 =	vadd.f32 v9, v0;
	v2 =	vadd.f32 v8, v2  }
0x4da: {  	v8 =	vld [tilespmem:s19+$0x5B0];
	v10 =	vadd.f32 v14, v10;
	v15 =	vadd.f32 v30, v11  }
0x4db: {  	v0 =	vadd.f32 v4, v0;
	v2 =	vadd.f32 v44, v2;
	v14 =	vld [tilespmem:s19+$0x5A0]  }
0x4dc: {  	v30 =	vld [tilespmem:$0x1F7E0];
	v9 =	vadd.f32 v31, v10;
	v15 =	vadd.f32 v52, v15  }
0x4dd: {  	v11 =	vmov v28;
	v28 =	vld [tilespmem:s19+$0x540];
	v0 =	vadd.f32 v6, v0;
	v2 =	vadd.f32 v7, v2  }
0x4de: {  	v31 =	vld [tilespmem:$0x1F7F0];
	v1 =	vadd.f32 v55, v9;
	v3 =	vadd.f32 v61, v15  }
0x4df: {  	p0 =	sne.s32 s20, $0x1E000;
	v0 =	vadd.f32 v47, v0;
	v47 =	vld [tilespmem:$0x1F820];
	v2 =	vadd.f32 v49, v2  }
.Ltmp3:
0x4e0: {  	v49 =	vld [tilespmem:$0x1F830];
	v1 =	vadd.f32 v14, v1;
	v3 =	vadd.f32 v8, v3;
	(pc) =	sbr.rel @p0 .LBB2_8-.Ltmp3, $4  }
0x4e1: {  	v10 =	vmov v29;
	v29 =	vld [tilespmem:s19+$0x550];
	v23 =	vadd.f32 v36, v2  }
0x4e2: {  	v36 =	vld [tilespmem:s19+$0x460];
	v1 =	vadd.f32 v22, v1;
	v3 =	vadd.f32 v50, v3  }
0x4e3: {  	v14 =	vld [tilespmem:$0x1F800];
	v22 =	vadd.f32 v62, v0  }
0x4e4: {  	s20 =	sadd.s32 $0x2000, s20;
	v35 =	vmovc v12;
	v12 =	vmov v19;
	v8 =	vld [tilespmem:$0x1F810];
	v24 =	vadd.f32 v63, v1;
	v25 =	vadd.f32 v37, v3  }
0x4e5: {  	v0 =	vld [tilespmem:s19+$0x470]  }
0x4e6: {  	v1 =	vld [tilespmem:s19+$0x4E0]  }
0x4e7: {  	v2 =	vld [tilespmem:s19+$0x4F0]  }
0x4e8: {  	v3 =	vld [tilespmem:s19+$0x560]  }
0x4e9: {  	v4 =	vld [tilespmem:s19+$0x570]  }
0x4ea: {  	v5 =	vld [tilespmem:s19+$0x5E0]  }
0x4eb: {  	v6 =	vld [tilespmem:s19+$0x5F0]  }
0x4ec: {  	v7 =	vld [tilespmem:s19+$0x660];
	v9 =	vadd.f32 v10, v23;
	v51 =	vadd.f32 v42, v49  }
0x4ed: {  	v44 =	vld [tilespmem:s19+$0x670];
	v54 =	vadd.f32 v43, v39;
	v11 =	vadd.f32 v11, v24  }
0x4ee: {  	v45 =	vld [tilespmem:s19+$0x6E0];
	v24 =	vadd.f32 v40, v51;
	v14 =	vadd.f32 v14, v25  }
0x4ef: {  	v50 =	vld [tilespmem:s19+$0x6F0];
	v9 =	vadd.f32 v38, v9;
	v32 =	vadd.f32 v36, v47  }
0x4f0: {  	v52 =	vld [tilespmem:s19+$0x760];
	v24 =	vadd.f32 v28, v24;
	v14 =	vadd.f32 v30, v14  }
0x4f1: {  	v55 =	vld [tilespmem:s19+$0x770];
	v0 =	vadd.f32 v0, v12;
	v30 =	vadd.f32 v41, v54  }
0x4f2: {  	v33 =	vld [tilespmem:s19+$0x7E0];
	v1 =	vadd.f32 v1, v32;
	v58 =	vadd.f32 v26, v24  }
0x4f3: {  	v56 =	vld [tilespmem:s19+$0x7F0];
	[tilespmem:$0x18000] =	vst v16;
	v0 =	vadd.f32 v2, v0;
	v57 =	vadd.f32 v29, v30  }
0x4f4: {  	[tilespmem:$0x18010] =	vst v17;
	v1 =	vadd.f32 v3, v1;
	v3 =	vadd.f32 v59, v58;
	v59 =	vld [tilespmem:$0x1F890]  }
0x4f5: {  	[tilespmem:$0x18020] =	vst v13;
	v60 =	vld [tilespmem:$0x1F8A0];
	v11 =	vadd.f32 v31, v11;
	v8 =	vadd.f32 v8, v22  }
0x4f6: {  	[tilespmem:$0x18030] =	vst v46;
	v61 =	vld [tilespmem:$0x1F870];
	v0 =	vadd.f32 v4, v0;
	v2 =	vadd.f32 v27, v57  }
0x4f7: {  	[tilespmem:$0x18040] =	vst v21;
	v62 =	vld [tilespmem:$0x1F880];
	v8 =	vadd.f32 v34, v8;
	v1 =	vadd.f32 v5, v1  }
0x4f8: {  	[tilespmem:$0x18050] =	vst v20;
	v63 =	vld [tilespmem:$0x1F860];
	v0 =	vadd.f32 v6, v0;
	v2 =	vadd.f32 v53, v2  }
0x4f9: {  	[tilespmem:$0x18060] =	vst v48;
	v1 =	vadd.f32 v7, v1;
	v3 =	vadd.f32 v59, v3  }
0x4fa: {  	[tilespmem:$0x18070] =	vst v18;
	v0 =	vadd.f32 v44, v0;
	v2 =	vadd.f32 v60, v2  }
0x4fb: {  	[tilespmem:$0x18090] =	vst v9;
	v1 =	vadd.f32 v45, v1;
	v3 =	vadd.f32 v61, v3  }
0x4fc: {  	[tilespmem:$0x180A0] =	vst v11;
	v0 =	vadd.f32 v50, v0;
	v2 =	vadd.f32 v62, v2  }
0x4fd: {  	[tilespmem:$0x180B0] =	vst v14;
	v1 =	vadd.f32 v52, v1;
	v3 =	vadd.f32 v63, v3  }
0x4fe: {  	[tilespmem:$0x18080] =	vst v8;
	v0 =	vadd.f32 v55, v0;
	v2 =	vadd.f32 v35, v2  }
0x4ff: {  	v1 =	vadd.f32 v33, v1;
	[tilespmem:$0x180C0] =	vst v3  }
0x500: {  	s18 =	sadd.s32 $0x1, s18;
	v0 =	vadd.f32 v56, v0;
	[tilespmem:$0x180D0] =	vst v2  }
0x501: {  	p0 =	sne.s32 s18, s8;
	[tilespmem:$0x180E0] =	vst v1  }
.Ltmp4:
0x502: {  	[tilespmem:$0x180F0] =	vst v0;
	(pc) =	sbr.rel @p0 .LBB2_1-.Ltmp4, $4  }
0x503: {  	[hbm4b:s7+s14] =	stream.strided.scatter [tilespmem:s16], [sflag:$0x4], $0x100, s15, s14, $0x38;
	[tilespmem:$0x18100] =	vst v63  }
0x504: {  	_ =	swait.ge [sflag:s17], $0x100  }
0x505: {  	[sflag:s17] =	ssyncset.done $0x0  }
0x506: {  	[sflag:s17] =	ssyncadd.s32 $0xFFFFFF00  }
0x507: {  	_ =	sfence.sel $0x180000  }
0x508: {  	[bflag:$0x0] =	sbarrier.arrive $0xFFFF  }
0x509: {  	p0 =	sne.s32 s1, $0x0;
	_ =	strace $0x90000047  }
0x50a: {  	s0 =	sadd.s32 @!p0 $0x100000, s0;
	[bflag:$0x2] =	sbarrier.arrive $0xFFFF  }
0x50b: {  	[sflag:s0] =	ssyncadd.tile.s32 @!p0 $0x1;
	_ =	shalt  }
.Lfunc_end2:
_tile_overlayer_lowered:
.L_overlay_start_2:
0x50c: {  	(tag) =	ssettag $0x2  }
0x50d: {  	s0 =	rddreg [dreg:$0x0];
	s2 =	stileid.u32  }
0x50e: {  	s1 =	rddreg [dreg:$0x1];
	p0 =	sne.s32 s2, $0x0  }
0x50f: {  	s3 =	rddreg [dreg:$0x2];
	[bflag:$0x3] =	sbarrier.arrive $0xFFFF;
	s2 =	simm.s32 @!p0 $0x1C04  }
0x510: {  	[timem:s3], [sflag:s2] =	dma.local @!p0 [hbm:s0], s1  }
0x511: {  	s0 =	simm.s32 @!p0 $0x4  }
0x512: {  	_ =	swait.ge @!p0 [sflag:s0], s1  }
0x513: {  	s1 =	ssub.s32 @!p0 $0x0, s1;
	[sflag:s0] =	ssyncset.done @!p0 $0x0  }
0x514: {  	[sflag:s0] =	ssyncadd.s32 @!p0 s1  }
0x515: {  	[bflag:$0x3] =	sbarrier.arrive $0xFFFF  }
0x516: {  	_ =	shalt  }

</sc_bundles>
